<compile_context>
chip_gen: v7x
topology: tpu7x:2x2x1
jax: 0.10.2.dev20260603
libtpu: 0.0.44.dev20260713+nightly
codegen_flags: <defaults>
</compile_context>

<pallas_src>
import jax
import jax.numpy as jnp
from jax import lax
from jax.experimental import pallas as pl
from jax.experimental.pallas import tpu as pltpu
from jax.experimental.pallas import tpu_sc as plsc

N = 10000
E = 320000
NP = 10240
PAD_ROW = NP - 1
NSUB = 16
NCORE = 2
PER_SUB = E // NSUB
WIN = 128
NW = -(-PER_SUB // WIN)
PADDED = NW * WIN
SPS = NP // NSUB
LOOK = 3
NBUF = 2 * LOOK
RB = 512
GRID = NP // RB
BN_EPS = 1e-5

SW1, SW2, SW3 = 64, 64, 32
NS1, NS2, NS3 = 128 // SW1, 256 // SW2, 128 // SW3

_MESH = plsc.VectorSubcoreMesh(core_axis_name="c", subcore_axis_name="s")


def _sc_scatter_layer(nslab: int, sw: int):
    spc = nslab // NCORE

    def body(src_hbm, dst_hbm, zer_hbm, *rest):
        hs_refs = rest[:nslab]
        acc_refs = rest[nslab:2 * nslab]
        src_v, dst_v, gbuf, acc_sp, gsem, ssem = rest[2 * nslab:]
        c = lax.axis_index("c")
        s = lax.axis_index("s")
        pltpu.sync_copy(src_hbm.at[s], src_v)
        pltpu.sync_copy(dst_hbm.at[s], dst_v)
        for cc in range(NCORE):
            for k in range(spc):
                slab = cc * spc + k

                @pl.when(c == cc)
                def _():
                    hs_ref = hs_refs[slab]
                    pltpu.sync_copy(zer_hbm.at[pl.ds(s * SPS, SPS)],
                                    acc_sp.at[pl.ds(s * SPS, SPS)])
                    plsc.subcore_barrier()

                    def gather(w, b):
                        pltpu.async_copy(hs_ref.at[src_v.at[w]],
                                         gbuf.at[b], gsem.at[b])

                    def gather_wait(w, b):
                        pltpu.make_async_copy(hs_ref.at[src_v.at[w]],
                                              gbuf.at[b], gsem.at[b]).wait()

                    def scatter(w, b):
                        pltpu.async_copy(gbuf.at[b],
                                         acc_sp.at[dst_v.at[w]],
                                         ssem.at[b], add=True)

                    def scatter_wait(w, b):
                        pltpu.make_async_copy(gbuf.at[b],
                                              acc_sp.at[dst_v.at[w]],
                                              ssem.at[b]).wait()

                    for i in range(LOOK):
                        gather(i, i)

                    def wbody(w, carry):
                        cb = lax.rem(w, NBUF)
                        nb = lax.rem(w + LOOK, NBUF)

                        @pl.when(w + LOOK < NW)
                        def _():
                            @pl.when(w >= LOOK)
                            def _():
                                scatter_wait(w - LOOK, nb)

                            gather(w + LOOK, nb)

                        gather_wait(w, cb)
                        scatter(w, cb)
                        return carry

                    lax.fori_loop(0, NW, wbody, 0)
                    for wlast in range(NW - 2 * LOOK, NW):
                        scatter_wait(wlast, wlast % NBUF)
                    plsc.subcore_barrier()
                    pltpu.sync_copy(acc_sp.at[pl.ds(s * SPS, SPS)],
                                    acc_refs[slab].at[pl.ds(s * SPS, SPS)])
                    plsc.subcore_barrier()

    out_type = [jax.ShapeDtypeStruct((NP, sw), jnp.float32)] * nslab
    scratch = [
        pltpu.VMEM((NW, WIN), jnp.int32),
        pltpu.VMEM((NW, WIN), jnp.int32),
        pltpu.VMEM((NBUF, WIN, sw), jnp.float32),
        pltpu.VMEM_SHARED((NP, sw), jnp.float32),
        pltpu.SemaphoreType.DMA((NBUF,)),
        pltpu.SemaphoreType.DMA((NBUF,)),
    ]
    return pl.kernel(body, out_type=out_type, mesh=_MESH,
                     scratch_types=scratch,
                     compiler_params=pltpu.CompilerParams(
                         use_tc_tiling_on_sc=False))


def _sc_degree():

    def body(dst_hbm, deg0_hbm, deg_out, dst_v, ones_v, deg_sp):
        c = lax.axis_index("c")
        s = lax.axis_index("s")

        @pl.when(c == 0)
        def _():
            pltpu.sync_copy(dst_hbm.at[s], dst_v)
            for j in range(8):
                ones_v[pl.ds(16 * j, 16)] = jnp.full((16,), 1.0, jnp.float32)
            pltpu.sync_copy(deg0_hbm.at[pl.ds(s * SPS, SPS)],
                            deg_sp.at[pl.ds(s * SPS, SPS)])
            plsc.subcore_barrier()

            def wbody(w, carry):
                pltpu.sync_copy(ones_v, deg_sp.at[dst_v.at[w]], add=True)
                return carry

            lax.fori_loop(0, NW, wbody, 0)
            plsc.subcore_barrier()
            pltpu.sync_copy(deg_sp.at[pl.ds(s * SPS, SPS)],
                            deg_out.at[pl.ds(s * SPS, SPS)])

    out_type = jax.ShapeDtypeStruct((NP,), jnp.float32)
    scratch = [
        pltpu.VMEM((NW, WIN), jnp.int32),
        pltpu.VMEM((WIN,), jnp.float32),
        pltpu.VMEM_SHARED((NP,), jnp.float32),
    ]
    return pl.kernel(body, out_type=out_type, mesh=_MESH,
                     scratch_types=scratch)


def _scale_body(nout, dout):

    def body(*refs):
        x_ref, deg_ref = refs[:2]
        outs = refs[2:]
        dis = lax.rsqrt(deg_ref[...])
        xs = x_ref[...] * dis
        for j in range(nout):
            outs[j][...] = xs[:, j * dout:(j + 1) * dout]

    return body


def _combine_mm2_body(nin, nout, dout):

    def body(*refs):
        a = refs[:nin]
        h = refs[nin:2 * nin]
        deg_ref, s_ref, c_ref, w1_ref, w2_ref = refs[2 * nin:2 * nin + 5]
        outs = refs[-nout:]
        dis = lax.rsqrt(deg_ref[...])
        m = jnp.concatenate([a[i][...] + h[i][...] for i in range(nin)],
                            axis=1)
        m = m * dis
        h1 = lax.dot_general(m, w1_ref[...], (((1,), (1,)), ((), ())),
                             preferred_element_type=jnp.float32)
        y = h1 * s_ref[...] + c_ref[...]
        x2 = jnp.where(y > 0, y, jnp.exp(y) - 1.0)
        hh = lax.dot_general(x2, w2_ref[...], (((1,), (1,)), ((), ())),
                             preferred_element_type=jnp.float32)
        hh = hh * dis
        for j in range(nout):
            outs[j][...] = hh[:, j * dout:(j + 1) * dout]

    return body


def _combine_matmul_body(nin, nout, dout, act):

    def body(*refs):
        a = refs[:nin]
        h = refs[nin:2 * nin]
        deg_ref = refs[2 * nin]
        if act:
            s_ref, c_ref, w_ref = refs[2 * nin + 1:2 * nin + 4]
        else:
            w_ref = refs[2 * nin + 1]
        outs = refs[-nout:]
        dis = lax.rsqrt(deg_ref[...])
        m = jnp.concatenate([a[i][...] + h[i][...] for i in range(nin)],
                            axis=1)
        z = m * dis
        if act:
            y = z * s_ref[...] + c_ref[...]
            z = jnp.where(y > 0, y, jnp.exp(y) - 1.0)
        hh = lax.dot_general(z, w_ref[...], (((1,), (1,)), ((), ())),
                             preferred_element_type=jnp.float32)
        hh = hh * dis
        for j in range(nout):
            outs[j][...] = hh[:, j * dout:(j + 1) * dout]

    return body


def _final_body(nin):
    def body(*refs):
        a = refs[:nin]
        h = refs[nin:2 * nin]
        deg_ref, b_ref, out_ref = refs[2 * nin:]
        dis = lax.rsqrt(deg_ref[...])
        m = jnp.concatenate([a[i][...] + h[i][...] for i in range(nin)],
                            axis=1)
        out_ref[...] = m * dis + b_ref[...]

    return body


def _row_spec(sw):
    return pl.BlockSpec((RB, sw), lambda r: (r, 0))


def _full_spec(shape):
    return pl.BlockSpec(shape, lambda r: tuple(0 for _ in shape))


def kernel(x, edge_index, W1, b1, W2, b2, W3, b3, g1, be1, m1, v1, g2, be2,
           m2, v2):
    f32 = jnp.float32
    src = edge_index[0]
    dst = edge_index[1]

    x_p = jnp.concatenate([x, jnp.zeros((NP - N, x.shape[1]), f32)], axis=0)
    deg0 = jnp.concatenate([jnp.ones((N,), f32),
                            jnp.full((NP - N,), jnp.inf, f32)])
    pad = jnp.full((NSUB, PADDED - PER_SUB), PAD_ROW, jnp.int32)
    srcw = jnp.concatenate([src.reshape(NSUB, PER_SUB), pad], axis=1)
    srcw = srcw.reshape(NSUB, NW, WIN)
    dstw = jnp.concatenate([dst.reshape(NSUB, PER_SUB), pad], axis=1)
    dstw = dstw.reshape(NSUB, NW, WIN)
    zer1 = jnp.zeros((NP, SW1), f32)
    zer3 = jnp.zeros((NP, SW3), f32)

    rs1 = lax.rsqrt(v1 + BN_EPS)
    s1 = (g1 * rs1).reshape(1, -1)
    c1 = (be1 - m1 * g1 * rs1 + b1 * g1 * rs1).reshape(1, -1)
    rs2 = lax.rsqrt(v2 + BN_EPS)
    s2 = (g2 * rs2).reshape(1, -1)
    c2 = (be2 - m2 * g2 * rs2 + b2 * g2 * rs2).reshape(1, -1)
    b3r = b3.reshape(1, -1)

    deg = _sc_degree()(dstw, deg0)
    deg_col = deg.reshape(NP, 1)

    t0 = pl.pallas_call(
        _scale_body(NS1, SW1),
        grid=(GRID,),
        in_specs=[_row_spec(128), _row_spec(1)],
        out_specs=[_row_spec(SW1)] * NS1,
        out_shape=[jax.ShapeDtypeStruct((NP, SW1), f32)] * NS1,
    )
    xs = t0(x_p, deg_col)

    agg1 = _sc_scatter_layer(NS1, SW1)(srcw, dstw, zer1, *xs)

    t1 = pl.pallas_call(
        _combine_mm2_body(NS1, NS2, SW2),
        grid=(GRID,),
        in_specs=[_row_spec(SW1)] * (2 * NS1) + [
            _row_spec(1), _full_spec((1, 512)), _full_spec((1, 512)),
            _full_spec((512, 128)), _full_spec((256, 512))],
        out_specs=[_row_spec(SW2)] * NS2,
        out_shape=[jax.ShapeDtypeStruct((NP, SW2), f32)] * NS2,
    )
    hs2 = t1(*agg1, *xs, deg_col, s1, c1, W1, W2)

    acc2 = _sc_scatter_layer(NS2, SW2)(srcw, dstw, zer1, *hs2)

    t3 = pl.pallas_call(
        _combine_matmul_body(NS2, NS3, SW3, True),
        grid=(GRID,),
        in_specs=[_row_spec(SW2)] * (2 * NS2) + [
            _row_spec(1), _full_spec((1, 256)), _full_spec((1, 256)),
            _full_spec((128, 256))],
        out_specs=[_row_spec(SW3)] * NS3,
        out_shape=[jax.ShapeDtypeStruct((NP, SW3), f32)] * NS3,
    )
    hs3 = t3(*acc2, *hs2, deg_col, s2, c2, W3)

    acc3 = _sc_scatter_layer(NS3, SW3)(srcw, dstw, zer3, *hs3)

    t4 = pl.pallas_call(
        _final_body(NS3),
        grid=(GRID,),
        in_specs=[_row_spec(SW3)] * (2 * NS3) + [
            _row_spec(1), _full_spec((1, 128))],
        out_specs=_row_spec(128),
        out_shape=jax.ShapeDtypeStruct((NP, 128), f32),
    )
    out = t4(*acc3, *hs3, deg_col, b3r)
    return out[:N]

# --- scband reference (transcript-rebuilt; emitter-appended) ---
"""Pipeline reference for scband-spatial-gnnencoder-35235911696487 (READ-ONLY COPY).

The authoritative reference and input builder live on the scoring server;
editing this copy changes nothing except your own understanding.
"""

import jax, jax.numpy as jnp
import numpy as np

N = 10000
E = 320000
D_IN = 128
DIMS = [512, 256, 128]
BN_EPS = 1e-5


def setup_inputs(seed: int = 0) -> dict:
    key = jax.random.key(seed)
    ks = jax.random.split(key, 16)
    x = jax.random.normal(ks[0], (N, D_IN), dtype=jnp.float32)
    edge_index = jax.random.randint(ks[1], (2, E), 0, N, dtype=jnp.int32)
    # GCN layer weights, torch Linear convention: W has shape [out, in]
    W1 = jax.random.normal(ks[2], (DIMS[0], D_IN), dtype=jnp.float32) * 0.05
    b1 = jnp.zeros((DIMS[0],), dtype=jnp.float32)
    W2 = jax.random.normal(ks[3], (DIMS[1], DIMS[0]), dtype=jnp.float32) * 0.05
    b2 = jnp.zeros((DIMS[1],), dtype=jnp.float32)
    W3 = jax.random.normal(ks[4], (DIMS[2], DIMS[1]), dtype=jnp.float32) * 0.05
    b3 = jnp.zeros((DIMS[2],), dtype=jnp.float32)
    # BatchNorm params (eval mode: running stats)
    g1 = jnp.ones((DIMS[0],), dtype=jnp.float32)
    be1 = jnp.zeros((DIMS[0],), dtype=jnp.float32)
    m1 = jnp.zeros((DIMS[0],), dtype=jnp.float32)
    v1 = jnp.ones((DIMS[0],), dtype=jnp.float32)
    g2 = jnp.ones((DIMS[1],), dtype=jnp.float32)
    be2 = jnp.zeros((DIMS[1],), dtype=jnp.float32)
    m2 = jnp.zeros((DIMS[1],), dtype=jnp.float32)
    v2 = jnp.ones((DIMS[1],), dtype=jnp.float32)
    return {"x": x, "edge_index": edge_index, "W1": W1, "b1": b1, "W2": W2, "b2": b2,
            "W3": W3, "b3": b3, "g1": g1, "be1": be1, "m1": m1, "v1": v1,
            "g2": g2, "be2": be2, "m2": m2, "v2": v2}


def _gcn_layer(x, src, dst, W, b, n):
    # GCNConv: h = x @ W^T; symmetric norm with self-loops; scatter-add to dst; + bias
    h = x @ W.T
    deg = jnp.zeros((n,), x.dtype).at[dst].add(1.0)
    dis = jnp.where(deg > 0, jax.lax.rsqrt(jnp.maximum(deg, 1e-12)), 0.0)
    norm = dis[src] * dis[dst]
    msg = h[src] * norm[:, None]
    out = jnp.zeros((n, h.shape[1]), x.dtype).at[dst].add(msg)
    return out + b


def _bn_eval(x, gamma, beta, mean, var):
    return (x - mean) * jax.lax.rsqrt(var + BN_EPS) * gamma + beta


def reference(x, edge_index, W1, b1, W2, b2, W3, b3, g1, be1, m1, v1, g2, be2, m2, v2):
    n = x.shape[0]
    loop = jnp.arange(n, dtype=edge_index.dtype)
    src = jnp.concatenate([edge_index[0], loop])
    dst = jnp.concatenate([edge_index[1], loop])
    # layer 0 + BN + ELU (dropout is identity in eval)
    h = _gcn_layer(x, src, dst, W1, b1, n)
    h = _bn_eval(h, g1, be1, m1, v1)
    h = jax.nn.elu(h)
    # layer 1 + BN + ELU
    h = _gcn_layer(h, src, dst, W2, b2, n)
    h = _bn_eval(h, g2, be2, m2, v2)
    h = jax.nn.elu(h)
    # final layer
    h = _gcn_layer(h, src, dst, W3, b3, n)
    return h

if __name__ == "__main__":
    import jax
    _d = setup_inputs()
    print(jax.jit(kernel)(*tuple(_d.values())))

</pallas_src>

<mosaic_0001>
#map = affine_map<(d0, d1) -> (0, 0, 0)>
#map1 = affine_map<(d0, d1) -> (0, 0)>
module attributes {stable_mosaic.version = 14 : i64} {
  func.func @body(%arg0: i32, %arg1: i32, %arg2: memref<16x157x128xi32, #tpu.memory_space<hbm>>, %arg3: memref<16x157x128xi32, #tpu.memory_space<hbm>>, %arg4: memref<10240x64xf32, #tpu.memory_space<hbm>>, %arg5: memref<10240x64xf32, #tpu.memory_space<hbm>>, %arg6: memref<10240x64xf32, #tpu.memory_space<hbm>>, %arg7: memref<10240x64xf32, #tpu.memory_space<hbm>>, %arg8: memref<10240x64xf32, #tpu.memory_space<hbm>>, %arg9: memref<10240x64xf32, #tpu.memory_space<hbm>>, %arg10: memref<10240x64xf32, #tpu.memory_space<hbm>>, %arg11: memref<10240x64xf32, #tpu.memory_space<hbm>>, %arg12: memref<10240x64xf32, #tpu.memory_space<hbm>>, %arg13: memref<157x128xi32, #tpu.memory_space<vmem>>, %arg14: memref<157x128xi32, #tpu.memory_space<vmem>>, %arg15: memref<6x128x64xf32, #tpu.memory_space<vmem>>, %arg16: memref<10240x64xf32, #tpu.memory_space<vmem_shared>>, %arg17: memref<6x!tpu.dma_semaphore, #tpu.memory_space<semaphore_mem>>, %arg18: memref<6x!tpu.dma_semaphore, #tpu.memory_space<semaphore_mem>>) attributes {dimension_semantics = [#tpu.dimension_semantics<core_parallel>, #tpu.dimension_semantics<subcore_parallel>], iteration_bounds = array<i64: 2, 16>, scalar_prefetch = 0 : i64, scratch_operands = 6 : i64, tpu.core_type = #tpu.core_type<sc_vector_subcore>, window_params = [{transform_indices = #map}, {transform_indices = #map}, {transform_indices = #map1}, {transform_indices = #map1}, {transform_indices = #map1}, {transform_indices = #map1}, {transform_indices = #map1}, {transform_indices = #map1}, {transform_indices = #map1}, {transform_indices = #map1}, {transform_indices = #map1}]} {
    "tpu.region"() ({
      %run_scoped3A = tpu.sem_alloc : memref<!tpu.dma_semaphore, #tpu.memory_space<semaphore_mem>>
      %dma_start3A = arith.constant 0 : i32
      %dma_start3A_17 = arith.constant 0 : i32
      %dma_start3A_18 = tpu.memref_slice %arg2[%arg1, %dma_start3A, %dma_start3A_17] : memref<16x157x128xi32, #tpu.memory_space<hbm>> -> memref<1x157x128xi32, #tpu.memory_space<hbm>>
      %dma_start3A_19 = tpu.memref_squeeze %dma_start3A_18 : memref<1x157x128xi32, #tpu.memory_space<hbm>> -> memref<157x128xi32, #tpu.memory_space<hbm>>
      %dma_start3A_20 = arith.constant 0 : i32
      %dma_start3A_21 = arith.constant 0 : i32
      %dma_start3A_22 = tpu.memref_slice %arg2[%arg1, %dma_start3A_20, %dma_start3A_21] : memref<16x157x128xi32, #tpu.memory_space<hbm>> -> memref<1x157x128xi32, #tpu.memory_space<hbm>>
      %dma_start3A_23 = tpu.memref_squeeze %dma_start3A_22 : memref<1x157x128xi32, #tpu.memory_space<hbm>> -> memref<157x128xi32, #tpu.memory_space<hbm>>
      tpu.enqueue_dma source(%dma_start3A_23 : memref<157x128xi32, #tpu.memory_space<hbm>>) target(%arg13 : memref<157x128xi32, #tpu.memory_space<vmem>>) target_semaphore(%run_scoped3A : memref<!tpu.dma_semaphore, #tpu.memory_space<semaphore_mem>>)
      %dma_wait3A = arith.constant 0 : i32
      %dma_wait3A_24 = arith.constant 0 : i32
      %dma_wait3A_25 = tpu.memref_slice %arg2[%arg1, %dma_wait3A, %dma_wait3A_24] : memref<16x157x128xi32, #tpu.memory_space<hbm>> -> memref<1x157x128xi32, #tpu.memory_space<hbm>>
      %dma_wait3A_26 = tpu.memref_squeeze %dma_wait3A_25 : memref<1x157x128xi32, #tpu.memory_space<hbm>> -> memref<157x128xi32, #tpu.memory_space<hbm>>
      %dma_wait3A_27 = arith.constant 0 : i32
      %dma_wait3A_28 = arith.constant 0 : i32
      %dma_wait3A_29 = tpu.memref_slice %arg2[%arg1, %dma_wait3A_27, %dma_wait3A_28] : memref<16x157x128xi32, #tpu.memory_space<hbm>> -> memref<1x157x128xi32, #tpu.memory_space<hbm>>
      %dma_wait3A_30 = tpu.memref_squeeze %dma_wait3A_29 : memref<1x157x128xi32, #tpu.memory_space<hbm>> -> memref<157x128xi32, #tpu.memory_space<hbm>>
      tpu.wait_dma2 semaphore(%run_scoped3A : memref<!tpu.dma_semaphore, #tpu.memory_space<semaphore_mem>>) src(%dma_wait3A_30 : memref<157x128xi32, #tpu.memory_space<hbm>>) dst(%arg13 : memref<157x128xi32, #tpu.memory_space<vmem>>)
      tpu.yield
    }) : () -> ()
    "tpu.region"() ({
      %run_scoped3A = tpu.sem_alloc : memref<!tpu.dma_semaphore, #tpu.memory_space<semaphore_mem>>
      %dma_start3A = arith.constant 0 : i32
      %dma_start3A_17 = arith.constant 0 : i32
      %dma_start3A_18 = tpu.memref_slice %arg3[%arg1, %dma_start3A, %dma_start3A_17] : memref<16x157x128xi32, #tpu.memory_space<hbm>> -> memref<1x157x128xi32, #tpu.memory_space<hbm>>
      %dma_start3A_19 = tpu.memref_squeeze %dma_start3A_18 : memref<1x157x128xi32, #tpu.memory_space<hbm>> -> memref<157x128xi32, #tpu.memory_space<hbm>>
      %dma_start3A_20 = arith.constant 0 : i32
      %dma_start3A_21 = arith.constant 0 : i32
      %dma_start3A_22 = tpu.memref_slice %arg3[%arg1, %dma_start3A_20, %dma_start3A_21] : memref<16x157x128xi32, #tpu.memory_space<hbm>> -> memref<1x157x128xi32, #tpu.memory_space<hbm>>
      %dma_start3A_23 = tpu.memref_squeeze %dma_start3A_22 : memref<1x157x128xi32, #tpu.memory_space<hbm>> -> memref<157x128xi32, #tpu.memory_space<hbm>>
      tpu.enqueue_dma source(%dma_start3A_23 : memref<157x128xi32, #tpu.memory_space<hbm>>) target(%arg14 : memref<157x128xi32, #tpu.memory_space<vmem>>) target_semaphore(%run_scoped3A : memref<!tpu.dma_semaphore, #tpu.memory_space<semaphore_mem>>)
      %dma_wait3A = arith.constant 0 : i32
      %dma_wait3A_24 = arith.constant 0 : i32
      %dma_wait3A_25 = tpu.memref_slice %arg3[%arg1, %dma_wait3A, %dma_wait3A_24] : memref<16x157x128xi32, #tpu.memory_space<hbm>> -> memref<1x157x128xi32, #tpu.memory_space<hbm>>
      %dma_wait3A_26 = tpu.memref_squeeze %dma_wait3A_25 : memref<1x157x128xi32, #tpu.memory_space<hbm>> -> memref<157x128xi32, #tpu.memory_space<hbm>>
      %dma_wait3A_27 = arith.constant 0 : i32
      %dma_wait3A_28 = arith.constant 0 : i32
      %dma_wait3A_29 = tpu.memref_slice %arg3[%arg1, %dma_wait3A_27, %dma_wait3A_28] : memref<16x157x128xi32, #tpu.memory_space<hbm>> -> memref<1x157x128xi32, #tpu.memory_space<hbm>>
      %dma_wait3A_30 = tpu.memref_squeeze %dma_wait3A_29 : memref<1x157x128xi32, #tpu.memory_space<hbm>> -> memref<157x128xi32, #tpu.memory_space<hbm>>
      tpu.wait_dma2 semaphore(%run_scoped3A : memref<!tpu.dma_semaphore, #tpu.memory_space<semaphore_mem>>) src(%dma_wait3A_30 : memref<157x128xi32, #tpu.memory_space<hbm>>) dst(%arg14 : memref<157x128xi32, #tpu.memory_space<vmem>>)
      tpu.yield
    }) : () -> ()
    %eq3A = arith.constant 0 : i32
    %eq3A_0 = arith.cmpi eq, %arg0, %eq3A : i32
    %convert_element_type3A = arith.extui %eq3A_0 : i1 to i32
    %cond3A = arith.constant 0 : i32
    %cond3A_1 = arith.cmpi ne, %convert_element_type3A, %cond3A : i32
    scf.if %cond3A_1 {
      %mul3A = arith.constant 640 : i32
      %mul3A_17 = arith.muli %arg1, %mul3A : i32
      %mul3A_18 = arith.constant 640 : i32
      %mul3A_19 = arith.muli %arg1, %mul3A_18 : i32
      "tpu.region"() ({
        %run_scoped3A = tpu.sem_alloc : memref<!tpu.dma_semaphore, #tpu.memory_space<semaphore_mem>>
        %dma_start3A_164 = arith.constant 0 : i32
        %dma_start3A_165 = tpu.memref_slice %arg16[%mul3A_19, %dma_start3A_164] : memref<10240x64xf32, #tpu.memory_space<vmem_shared>> -> memref<640x64xf32, #tpu.memory_space<vmem_shared>>
        %dma_start3A_166 = arith.constant 0 : i32
        %dma_start3A_167 = tpu.memref_slice %arg4[%mul3A_17, %dma_start3A_166] : memref<10240x64xf32, #tpu.memory_space<hbm>> -> memref<640x64xf32, #tpu.memory_space<hbm>>
        tpu.enqueue_dma source(%dma_start3A_167 : memref<640x64xf32, #tpu.memory_space<hbm>>) target(%dma_start3A_165 : memref<640x64xf32, #tpu.memory_space<vmem_shared>>) target_semaphore(%run_scoped3A : memref<!tpu.dma_semaphore, #tpu.memory_space<semaphore_mem>>)
        %dma_wait3A_168 = arith.constant 0 : i32
        %dma_wait3A_169 = tpu.memref_slice %arg16[%mul3A_19, %dma_wait3A_168] : memref<10240x64xf32, #tpu.memory_space<vmem_shared>> -> memref<640x64xf32, #tpu.memory_space<vmem_shared>>
        %dma_wait3A_170 = arith.constant 0 : i32
        %dma_wait3A_171 = tpu.memref_slice %arg4[%mul3A_17, %dma_wait3A_170] : memref<10240x64xf32, #tpu.memory_space<hbm>> -> memref<640x64xf32, #tpu.memory_space<hbm>>
        tpu.wait_dma2 semaphore(%run_scoped3A : memref<!tpu.dma_semaphore, #tpu.memory_space<semaphore_mem>>) src(%dma_wait3A_171 : memref<640x64xf32, #tpu.memory_space<hbm>>) dst(%dma_wait3A_169 : memref<640x64xf32, #tpu.memory_space<vmem_shared>>)
        tpu.yield
      }) : () -> ()
      %barrier3A = arith.constant 0 : index
      tpu.barrier barrier_id(%barrier3A)
      %dma_start3A = arith.constant 0 : i32
      %dma_start3A_20 = arith.constant 0 : i32
      %dma_start3A_21 = arith.constant 0 : i32
      %dma_start3A_22 = arith.constant 0 : i32
      %dma_start3A_23 = arith.constant 0 : i32
      %dma_start3A_24 = tpu.memref_slice %arg15[%dma_start3A_20, %dma_start3A_22, %dma_start3A_23] : memref<6x128x64xf32, #tpu.memory_space<vmem>> -> memref<1x128x64xf32, #tpu.memory_space<vmem>>
      %dma_start3A_25 = tpu.memref_squeeze %dma_start3A_24 : memref<1x128x64xf32, #tpu.memory_space<vmem>> -> memref<128x64xf32, #tpu.memory_space<vmem>>
      %dma_start3A_26 = arith.constant 0 : i32
      %dma_start3A_27 = tpu.memref_slice %arg13[%dma_start3A, %dma_start3A_26] : memref<157x128xi32, #tpu.memory_space<vmem>> -> memref<1x128xi32, #tpu.memory_space<vmem>>
      %dma_start3A_28 = tpu.memref_squeeze %dma_start3A_27 : memref<1x128xi32, #tpu.memory_space<vmem>> -> memref<128xi32, #tpu.memory_space<vmem>>
      %dma_start3A_29 = arith.constant 0 : i32
      %dma_start3A_30 = arith.constant 0 : i32
      %dma_start3A_31 = tpu.memref_slice %arg5[%dma_start3A_29, %dma_start3A_30] : memref<10240x64xf32, #tpu.memory_space<hbm>> -> memref<10240x64xf32, #tpu.memory_space<hbm>>
      %dma_start3A_32 = tpu.memref_slice %arg17[%dma_start3A_21] : memref<6x!tpu.dma_semaphore, #tpu.memory_space<semaphore_mem>> -> memref<1x!tpu.dma_semaphore, #tpu.memory_space<semaphore_mem>>
      %dma_start3A_33 = tpu.memref_squeeze %dma_start3A_32 : memref<1x!tpu.dma_semaphore, #tpu.memory_space<semaphore_mem>> -> memref<!tpu.dma_semaphore, #tpu.memory_space<semaphore_mem>>
      tpu.enqueue_indirect_dma source(%dma_start3A_31 : memref<10240x64xf32, #tpu.memory_space<hbm>>) target(%dma_start3A_25 : memref<128x64xf32, #tpu.memory_space<vmem>>) offsets(%dma_start3A_28 : memref<128xi32, #tpu.memory_space<vmem>>) semaphore(%dma_start3A_33 : memref<!tpu.dma_semaphore, #tpu.memory_space<semaphore_mem>>)
      %dma_start3A_34 = arith.constant 1 : i32
      %dma_start3A_35 = arith.constant 1 : i32
      %dma_start3A_36 = arith.constant 1 : i32
      %dma_start3A_37 = arith.constant 0 : i32
      %dma_start3A_38 = arith.constant 0 : i32
      %dma_start3A_39 = tpu.memref_slice %arg15[%dma_start3A_35, %dma_start3A_37, %dma_start3A_38] : memref<6x128x64xf32, #tpu.memory_space<vmem>> -> memref<1x128x64xf32, #tpu.memory_space<vmem>>
      %dma_start3A_40 = tpu.memref_squeeze %dma_start3A_39 : memref<1x128x64xf32, #tpu.memory_space<vmem>> -> memref<128x64xf32, #tpu.memory_space<vmem>>
      %dma_start3A_41 = arith.constant 0 : i32
      %dma_start3A_42 = tpu.memref_slice %arg13[%dma_start3A_34, %dma_start3A_41] : memref<157x128xi32, #tpu.memory_space<vmem>> -> memref<1x128xi32, #tpu.memory_space<vmem>>
      %dma_start3A_43 = tpu.memref_squeeze %dma_start3A_42 : memref<1x128xi32, #tpu.memory_space<vmem>> -> memref<128xi32, #tpu.memory_space<vmem>>
      %dma_start3A_44 = arith.constant 0 : i32
      %dma_start3A_45 = arith.constant 0 : i32
      %dma_start3A_46 = tpu.memref_slice %arg5[%dma_start3A_44, %dma_start3A_45] : memref<10240x64xf32, #tpu.memory_space<hbm>> -> memref<10240x64xf32, #tpu.memory_space<hbm>>
      %dma_start3A_47 = tpu.memref_slice %arg17[%dma_start3A_36] : memref<6x!tpu.dma_semaphore, #tpu.memory_space<semaphore_mem>> -> memref<1x!tpu.dma_semaphore, #tpu.memory_space<semaphore_mem>>
      %dma_start3A_48 = tpu.memref_squeeze %dma_start3A_47 : memref<1x!tpu.dma_semaphore, #tpu.memory_space<semaphore_mem>> -> memref<!tpu.dma_semaphore, #tpu.memory_space<semaphore_mem>>
      tpu.enqueue_indirect_dma source(%dma_start3A_46 : memref<10240x64xf32, #tpu.memory_space<hbm>>) target(%dma_start3A_40 : memref<128x64xf32, #tpu.memory_space<vmem>>) offsets(%dma_start3A_43 : memref<128xi32, #tpu.memory_space<vmem>>) semaphore(%dma_start3A_48 : memref<!tpu.dma_semaphore, #tpu.memory_space<semaphore_mem>>)
      %dma_start3A_49 = arith.constant 2 : i32
      %dma_start3A_50 = arith.constant 2 : i32
      %dma_start3A_51 = arith.constant 2 : i32
      %dma_start3A_52 = arith.constant 0 : i32
      %dma_start3A_53 = arith.constant 0 : i32
      %dma_start3A_54 = tpu.memref_slice %arg15[%dma_start3A_50, %dma_start3A_52, %dma_start3A_53] : memref<6x128x64xf32, #tpu.memory_space<vmem>> -> memref<1x128x64xf32, #tpu.memory_space<vmem>>
      %dma_start3A_55 = tpu.memref_squeeze %dma_start3A_54 : memref<1x128x64xf32, #tpu.memory_space<vmem>> -> memref<128x64xf32, #tpu.memory_space<vmem>>
      %dma_start3A_56 = arith.constant 0 : i32
      %dma_start3A_57 = tpu.memref_slice %arg13[%dma_start3A_49, %dma_start3A_56] : memref<157x128xi32, #tpu.memory_space<vmem>> -> memref<1x128xi32, #tpu.memory_space<vmem>>
      %dma_start3A_58 = tpu.memref_squeeze %dma_start3A_57 : memref<1x128xi32, #tpu.memory_space<vmem>> -> memref<128xi32, #tpu.memory_space<vmem>>
      %dma_start3A_59 = arith.constant 0 : i32
      %dma_start3A_60 = arith.constant 0 : i32
      %dma_start3A_61 = tpu.memref_slice %arg5[%dma_start3A_59, %dma_start3A_60] : memref<10240x64xf32, #tpu.memory_space<hbm>> -> memref<10240x64xf32, #tpu.memory_space<hbm>>
      %dma_start3A_62 = tpu.memref_slice %arg17[%dma_start3A_51] : memref<6x!tpu.dma_semaphore, #tpu.memory_space<semaphore_mem>> -> memref<1x!tpu.dma_semaphore, #tpu.memory_space<semaphore_mem>>
      %dma_start3A_63 = tpu.memref_squeeze %dma_start3A_62 : memref<1x!tpu.dma_semaphore, #tpu.memory_space<semaphore_mem>> -> memref<!tpu.dma_semaphore, #tpu.memory_space<semaphore_mem>>
      tpu.enqueue_indirect_dma source(%dma_start3A_61 : memref<10240x64xf32, #tpu.memory_space<hbm>>) target(%dma_start3A_55 : memref<128x64xf32, #tpu.memory_space<vmem>>) offsets(%dma_start3A_58 : memref<128xi32, #tpu.memory_space<vmem>>) semaphore(%dma_start3A_63 : memref<!tpu.dma_semaphore, #tpu.memory_space<semaphore_mem>>)
      %scan3A = arith.constant 0 : i32
      %scan3A_64 = arith.constant 0 : i32
      %scan3A_65 = arith.constant 157 : i32
      %scan3A_66 = arith.addi %scan3A_64, %scan3A_65 : i32
      %scan3A_67 = arith.constant 1 : i32
      scf.for %scan3A_164 = %scan3A_64 to %scan3A_66 step %scan3A_67  : i32 {
        %rem3A = arith.constant 6 : i32
        %rem3A_165 = arith.remsi %scan3A_164, %rem3A : i32
        %add3A = arith.constant 3 : i32
        %add3A_166 = arith.addi %scan3A_164, %add3A : i32
        %rem3A_167 = arith.constant 6 : i32
        %rem3A_168 = arith.remsi %add3A_166, %rem3A_167 : i32
        %add3A_169 = arith.constant 3 : i32
        %add3A_170 = arith.addi %scan3A_164, %add3A_169 : i32
        %lt3A = arith.constant 157 : i32
        %lt3A_171 = arith.cmpi slt, %add3A_170, %lt3A : i32
        %convert_element_type3A_172 = arith.extui %lt3A_171 : i1 to i32
        %cond3A_173 = arith.constant 0 : i32
        %cond3A_174 = arith.cmpi ne, %convert_element_type3A_172, %cond3A_173 : i32
        scf.if %cond3A_174 {
          %ge3A = arith.constant 3 : i32
          %ge3A_199 = arith.cmpi sge, %scan3A_164, %ge3A : i32
          %convert_element_type3A_200 = arith.extui %ge3A_199 : i1 to i32
          %cond3A_201 = arith.constant 0 : i32
          %cond3A_202 = arith.cmpi ne, %convert_element_type3A_200, %cond3A_201 : i32
          scf.if %cond3A_202 {
            %sub3A = arith.constant 3 : i32
            %sub3A_217 = arith.subi %scan3A_164, %sub3A : i32
            %dma_wait3A_218 = arith.constant 0 : i32
            %dma_wait3A_219 = arith.constant 0 : i32
            %dma_wait3A_220 = tpu.memref_slice %arg15[%rem3A_168, %dma_wait3A_218, %dma_wait3A_219] : memref<6x128x64xf32, #tpu.memory_space<vmem>> -> memref<1x128x64xf32, #tpu.memory_space<vmem>>
            %dma_wait3A_221 = tpu.memref_squeeze %dma_wait3A_220 : memref<1x128x64xf32, #tpu.memory_space<vmem>> -> memref<128x64xf32, #tpu.memory_space<vmem>>
            %dma_wait3A_222 = arith.constant 0 : i32
            %dma_wait3A_223 = tpu.memref_slice %arg14[%sub3A_217, %dma_wait3A_222] : memref<157x128xi32, #tpu.memory_space<vmem>> -> memref<1x128xi32, #tpu.memory_space<vmem>>
            %dma_wait3A_224 = tpu.memref_squeeze %dma_wait3A_223 : memref<1x128xi32, #tpu.memory_space<vmem>> -> memref<128xi32, #tpu.memory_space<vmem>>
            %dma_wait3A_225 = arith.constant 0 : i32
            %dma_wait3A_226 = arith.constant 0 : i32
            %dma_wait3A_227 = tpu.memref_slice %arg16[%dma_wait3A_225, %dma_wait3A_226] : memref<10240x64xf32, #tpu.memory_space<vmem_shared>> -> memref<10240x64xf32, #tpu.memory_space<vmem_shared>>
            %dma_wait3A_228 = tpu.memref_slice %arg18[%rem3A_168] : memref<6x!tpu.dma_semaphore, #tpu.memory_space<semaphore_mem>> -> memref<1x!tpu.dma_semaphore, #tpu.memory_space<semaphore_mem>>
            %dma_wait3A_229 = tpu.memref_squeeze %dma_wait3A_228 : memref<1x!tpu.dma_semaphore, #tpu.memory_space<semaphore_mem>> -> memref<!tpu.dma_semaphore, #tpu.memory_space<semaphore_mem>>
            tpu.wait_indirect_dma semaphore(%dma_wait3A_229 : memref<!tpu.dma_semaphore, #tpu.memory_space<semaphore_mem>>) src(%dma_wait3A_221 : memref<128x64xf32, #tpu.memory_space<vmem>>) dst(%dma_wait3A_227 : memref<10240x64xf32, #tpu.memory_space<vmem_shared>>)
          } else {
          }
          %add3A_203 = arith.constant 3 : i32
          %add3A_204 = arith.addi %scan3A_164, %add3A_203 : i32
          %dma_start3A_205 = arith.constant 0 : i32
          %dma_start3A_206 = arith.constant 0 : i32
          %dma_start3A_207 = tpu.memref_slice %arg15[%rem3A_168, %dma_start3A_205, %dma_start3A_206] : memref<6x128x64xf32, #tpu.memory_space<vmem>> -> memref<1x128x64xf32, #tpu.memory_space<vmem>>
          %dma_start3A_208 = tpu.memref_squeeze %dma_start3A_207 : memref<1x128x64xf32, #tpu.memory_space<vmem>> -> memref<128x64xf32, #tpu.memory_space<vmem>>
          %dma_start3A_209 = arith.constant 0 : i32
          %dma_start3A_210 = tpu.memref_slice %arg13[%add3A_204, %dma_start3A_209] : memref<157x128xi32, #tpu.memory_space<vmem>> -> memref<1x128xi32, #tpu.memory_space<vmem>>
          %dma_start3A_211 = tpu.memref_squeeze %dma_start3A_210 : memref<1x128xi32, #tpu.memory_space<vmem>> -> memref<128xi32, #tpu.memory_space<vmem>>
          %dma_start3A_212 = arith.constant 0 : i32
          %dma_start3A_213 = arith.constant 0 : i32
          %dma_start3A_214 = tpu.memref_slice %arg5[%dma_start3A_212, %dma_start3A_213] : memref<10240x64xf32, #tpu.memory_space<hbm>> -> memref<10240x64xf32, #tpu.memory_space<hbm>>
          %dma_start3A_215 = tpu.memref_slice %arg17[%rem3A_168] : memref<6x!tpu.dma_semaphore, #tpu.memory_space<semaphore_mem>> -> memref<1x!tpu.dma_semaphore, #tpu.memory_space<semaphore_mem>>
          %dma_start3A_216 = tpu.memref_squeeze %dma_start3A_215 : memref<1x!tpu.dma_semaphore, #tpu.memory_space<semaphore_mem>> -> memref<!tpu.dma_semaphore, #tpu.memory_space<semaphore_mem>>
          tpu.enqueue_indirect_dma source(%dma_start3A_214 : memref<10240x64xf32, #tpu.memory_space<hbm>>) target(%dma_start3A_208 : memref<128x64xf32, #tpu.memory_space<vmem>>) offsets(%dma_start3A_211 : memref<128xi32, #tpu.memory_space<vmem>>) semaphore(%dma_start3A_216 : memref<!tpu.dma_semaphore, #tpu.memory_space<semaphore_mem>>)
        } else {
        }
        %dma_wait3A_175 = arith.constant 0 : i32
        %dma_wait3A_176 = arith.constant 0 : i32
        %dma_wait3A_177 = tpu.memref_slice %arg15[%rem3A_165, %dma_wait3A_175, %dma_wait3A_176] : memref<6x128x64xf32, #tpu.memory_space<vmem>> -> memref<1x128x64xf32, #tpu.memory_space<vmem>>
        %dma_wait3A_178 = tpu.memref_squeeze %dma_wait3A_177 : memref<1x128x64xf32, #tpu.memory_space<vmem>> -> memref<128x64xf32, #tpu.memory_space<vmem>>
        %dma_wait3A_179 = arith.constant 0 : i32
        %dma_wait3A_180 = tpu.memref_slice %arg13[%scan3A_164, %dma_wait3A_179] : memref<157x128xi32, #tpu.memory_space<vmem>> -> memref<1x128xi32, #tpu.memory_space<vmem>>
        %dma_wait3A_181 = tpu.memref_squeeze %dma_wait3A_180 : memref<1x128xi32, #tpu.memory_space<vmem>> -> memref<128xi32, #tpu.memory_space<vmem>>
        %dma_wait3A_182 = arith.constant 0 : i32
        %dma_wait3A_183 = arith.constant 0 : i32
        %dma_wait3A_184 = tpu.memref_slice %arg5[%dma_wait3A_182, %dma_wait3A_183] : memref<10240x64xf32, #tpu.memory_space<hbm>> -> memref<10240x64xf32, #tpu.memory_space<hbm>>
        %dma_wait3A_185 = tpu.memref_slice %arg17[%rem3A_165] : memref<6x!tpu.dma_semaphore, #tpu.memory_space<semaphore_mem>> -> memref<1x!tpu.dma_semaphore, #tpu.memory_space<semaphore_mem>>
        %dma_wait3A_186 = tpu.memref_squeeze %dma_wait3A_185 : memref<1x!tpu.dma_semaphore, #tpu.memory_space<semaphore_mem>> -> memref<!tpu.dma_semaphore, #tpu.memory_space<semaphore_mem>>
        tpu.wait_indirect_dma semaphore(%dma_wait3A_186 : memref<!tpu.dma_semaphore, #tpu.memory_space<semaphore_mem>>) src(%dma_wait3A_184 : memref<10240x64xf32, #tpu.memory_space<hbm>>) dst(%dma_wait3A_178 : memref<128x64xf32, #tpu.memory_space<vmem>>)
        %dma_start3A_187 = arith.constant 0 : i32
        %dma_start3A_188 = arith.constant 0 : i32
        %dma_start3A_189 = tpu.memref_slice %arg15[%rem3A_165, %dma_start3A_187, %dma_start3A_188] : memref<6x128x64xf32, #tpu.memory_space<vmem>> -> memref<1x128x64xf32, #tpu.memory_space<vmem>>
        %dma_start3A_190 = tpu.memref_squeeze %dma_start3A_189 : memref<1x128x64xf32, #tpu.memory_space<vmem>> -> memref<128x64xf32, #tpu.memory_space<vmem>>
        %dma_start3A_191 = arith.constant 0 : i32
        %dma_start3A_192 = tpu.memref_slice %arg14[%scan3A_164, %dma_start3A_191] : memref<157x128xi32, #tpu.memory_space<vmem>> -> memref<1x128xi32, #tpu.memory_space<vmem>>
        %dma_start3A_193 = tpu.memref_squeeze %dma_start3A_192 : memref<1x128xi32, #tpu.memory_space<vmem>> -> memref<128xi32, #tpu.memory_space<vmem>>
        %dma_start3A_194 = arith.constant 0 : i32
        %dma_start3A_195 = arith.constant 0 : i32
        %dma_start3A_196 = tpu.memref_slice %arg16[%dma_start3A_194, %dma_start3A_195] : memref<10240x64xf32, #tpu.memory_space<vmem_shared>> -> memref<10240x64xf32, #tpu.memory_space<vmem_shared>>
        %dma_start3A_197 = tpu.memref_slice %arg18[%rem3A_165] : memref<6x!tpu.dma_semaphore, #tpu.memory_space<semaphore_mem>> -> memref<1x!tpu.dma_semaphore, #tpu.memory_space<semaphore_mem>>
        %dma_start3A_198 = tpu.memref_squeeze %dma_start3A_197 : memref<1x!tpu.dma_semaphore, #tpu.memory_space<semaphore_mem>> -> memref<!tpu.dma_semaphore, #tpu.memory_space<semaphore_mem>>
        tpu.enqueue_indirect_dma source(%dma_start3A_190 : memref<128x64xf32, #tpu.memory_space<vmem>>) target(%dma_start3A_196 : memref<10240x64xf32, #tpu.memory_space<vmem_shared>>) offsets(%dma_start3A_193 : memref<128xi32, #tpu.memory_space<vmem>>) semaphore(%dma_start3A_198 : memref<!tpu.dma_semaphore, #tpu.memory_space<semaphore_mem>>) {add = true}
      }
      %scan3A_68 = arith.constant 157 : i32
      %dma_wait3A = arith.constant 1 : i32
      %dma_wait3A_69 = arith.constant 151 : i32
      %dma_wait3A_70 = arith.constant 1 : i32
      %dma_wait3A_71 = arith.constant 0 : i32
      %dma_wait3A_72 = arith.constant 0 : i32
      %dma_wait3A_73 = tpu.memref_slice %arg15[%dma_wait3A, %dma_wait3A_71, %dma_wait3A_72] : memref<6x128x64xf32, #tpu.memory_space<vmem>> -> memref<1x128x64xf32, #tpu.memory_space<vmem>>
      %dma_wait3A_74 = tpu.memref_squeeze %dma_wait3A_73 : memref<1x128x64xf32, #tpu.memory_space<vmem>> -> memref<128x64xf32, #tpu.memory_space<vmem>>
      %dma_wait3A_75 = arith.constant 0 : i32
      %dma_wait3A_76 = tpu.memref_slice %arg14[%dma_wait3A_69, %dma_wait3A_75] : memref<157x128xi32, #tpu.memory_space<vmem>> -> memref<1x128xi32, #tpu.memory_space<vmem>>
      %dma_wait3A_77 = tpu.memref_squeeze %dma_wait3A_76 : memref<1x128xi32, #tpu.memory_space<vmem>> -> memref<128xi32, #tpu.memory_space<vmem>>
      %dma_wait3A_78 = arith.constant 0 : i32
      %dma_wait3A_79 = arith.constant 0 : i32
      %dma_wait3A_80 = tpu.memref_slice %arg16[%dma_wait3A_78, %dma_wait3A_79] : memref<10240x64xf32, #tpu.memory_space<vmem_shared>> -> memref<10240x64xf32, #tpu.memory_space<vmem_shared>>
      %dma_wait3A_81 = tpu.memref_slice %arg18[%dma_wait3A_70] : memref<6x!tpu.dma_semaphore, #tpu.memory_space<semaphore_mem>> -> memref<1x!tpu.dma_semaphore, #tpu.memory_space<semaphore_mem>>
      %dma_wait3A_82 = tpu.memref_squeeze %dma_wait3A_81 : memref<1x!tpu.dma_semaphore, #tpu.memory_space<semaphore_mem>> -> memref<!tpu.dma_semaphore, #tpu.memory_space<semaphore_mem>>
      tpu.wait_indirect_dma semaphore(%dma_wait3A_82 : memref<!tpu.dma_semaphore, #tpu.memory_space<semaphore_mem>>) src(%dma_wait3A_74 : memref<128x64xf32, #tpu.memory_space<vmem>>) dst(%dma_wait3A_80 : memref<10240x64xf32, #tpu.memory_space<vmem_shared>>)
      %dma_wait3A_83 = arith.constant 2 : i32
      %dma_wait3A_84 = arith.constant 152 : i32
      %dma_wait3A_85 = arith.constant 2 : i32
      %dma_wait3A_86 = arith.constant 0 : i32
      %dma_wait3A_87 = arith.constant 0 : i32
      %dma_wait3A_88 = tpu.memref_slice %arg15[%dma_wait3A_83, %dma_wait3A_86, %dma_wait3A_87] : memref<6x128x64xf32, #tpu.memory_space<vmem>> -> memref<1x128x64xf32, #tpu.memory_space<vmem>>
      %dma_wait3A_89 = tpu.memref_squeeze %dma_wait3A_88 : memref<1x128x64xf32, #tpu.memory_space<vmem>> -> memref<128x64xf32, #tpu.memory_space<vmem>>
      %dma_wait3A_90 = arith.constant 0 : i32
      %dma_wait3A_91 = tpu.memref_slice %arg14[%dma_wait3A_84, %dma_wait3A_90] : memref<157x128xi32, #tpu.memory_space<vmem>> -> memref<1x128xi32, #tpu.memory_space<vmem>>
      %dma_wait3A_92 = tpu.memref_squeeze %dma_wait3A_91 : memref<1x128xi32, #tpu.memory_space<vmem>> -> memref<128xi32, #tpu.memory_space<vmem>>
      %dma_wait3A_93 = arith.constant 0 : i32
      %dma_wait3A_94 = arith.constant 0 : i32
      %dma_wait3A_95 = tpu.memref_slice %arg16[%dma_wait3A_93, %dma_wait3A_94] : memref<10240x64xf32, #tpu.memory_space<vmem_shared>> -> memref<10240x64xf32, #tpu.memory_space<vmem_shared>>
      %dma_wait3A_96 = tpu.memref_slice %arg18[%dma_wait3A_85] : memref<6x!tpu.dma_semaphore, #tpu.memory_space<semaphore_mem>> -> memref<1x!tpu.dma_semaphore, #tpu.memory_space<semaphore_mem>>
      %dma_wait3A_97 = tpu.memref_squeeze %dma_wait3A_96 : memref<1x!tpu.dma_semaphore, #tpu.memory_space<semaphore_mem>> -> memref<!tpu.dma_semaphore, #tpu.memory_space<semaphore_mem>>
      tpu.wait_indirect_dma semaphore(%dma_wait3A_97 : memref<!tpu.dma_semaphore, #tpu.memory_space<semaphore_mem>>) src(%dma_wait3A_89 : memref<128x64xf32, #tpu.memory_space<vmem>>) dst(%dma_wait3A_95 : memref<10240x64xf32, #tpu.memory_space<vmem_shared>>)
      %dma_wait3A_98 = arith.constant 3 : i32
      %dma_wait3A_99 = arith.constant 153 : i32
      %dma_wait3A_100 = arith.constant 3 : i32
      %dma_wait3A_101 = arith.constant 0 : i32
      %dma_wait3A_102 = arith.constant 0 : i32
      %dma_wait3A_103 = tpu.memref_slice %arg15[%dma_wait3A_98, %dma_wait3A_101, %dma_wait3A_102] : memref<6x128x64xf32, #tpu.memory_space<vmem>> -> memref<1x128x64xf32, #tpu.memory_space<vmem>>
      %dma_wait3A_104 = tpu.memref_squeeze %dma_wait3A_103 : memref<1x128x64xf32, #tpu.memory_space<vmem>> -> memref<128x64xf32, #tpu.memory_space<vmem>>
      %dma_wait3A_105 = arith.constant 0 : i32
      %dma_wait3A_106 = tpu.memref_slice %arg14[%dma_wait3A_99, %dma_wait3A_105] : memref<157x128xi32, #tpu.memory_space<vmem>> -> memref<1x128xi32, #tpu.memory_space<vmem>>
      %dma_wait3A_107 = tpu.memref_squeeze %dma_wait3A_106 : memref<1x128xi32, #tpu.memory_space<vmem>> -> memref<128xi32, #tpu.memory_space<vmem>>
      %dma_wait3A_108 = arith.constant 0 : i32
      %dma_wait3A_109 = arith.constant 0 : i32
      %dma_wait3A_110 = tpu.memref_slice %arg16[%dma_wait3A_108, %dma_wait3A_109] : memref<10240x64xf32, #tpu.memory_space<vmem_shared>> -> memref<10240x64xf32, #tpu.memory_space<vmem_shared>>
      %dma_wait3A_111 = tpu.memref_slice %arg18[%dma_wait3A_100] : memref<6x!tpu.dma_semaphore, #tpu.memory_space<semaphore_mem>> -> memref<1x!tpu.dma_semaphore, #tpu.memory_space<semaphore_mem>>
      %dma_wait3A_112 = tpu.memref_squeeze %dma_wait3A_111 : memref<1x!tpu.dma_semaphore, #tpu.memory_space<semaphore_mem>> -> memref<!tpu.dma_semaphore, #tpu.memory_space<semaphore_mem>>
      tpu.wait_indirect_dma semaphore(%dma_wait3A_112 : memref<!tpu.dma_semaphore, #tpu.memory_space<semaphore_mem>>) src(%dma_wait3A_104 : memref<128x64xf32, #tpu.memory_space<vmem>>) dst(%dma_wait3A_110 : memref<10240x64xf32, #tpu.memory_space<vmem_shared>>)
      %dma_wait3A_113 = arith.constant 4 : i32
      %dma_wait3A_114 = arith.constant 154 : i32
      %dma_wait3A_115 = arith.constant 4 : i32
      %dma_wait3A_116 = arith.constant 0 : i32
      %dma_wait3A_117 = arith.constant 0 : i32
      %dma_wait3A_118 = tpu.memref_slice %arg15[%dma_wait3A_113, %dma_wait3A_116, %dma_wait3A_117] : memref<6x128x64xf32, #tpu.memory_space<vmem>> -> memref<1x128x64xf32, #tpu.memory_space<vmem>>
      %dma_wait3A_119 = tpu.memref_squeeze %dma_wait3A_118 : memref<1x128x64xf32, #tpu.memory_space<vmem>> -> memref<128x64xf32, #tpu.memory_space<vmem>>
      %dma_wait3A_120 = arith.constant 0 : i32
      %dma_wait3A_121 = tpu.memref_slice %arg14[%dma_wait3A_114, %dma_wait3A_120] : memref<157x128xi32, #tpu.memory_space<vmem>> -> memref<1x128xi32, #tpu.memory_space<vmem>>
      %dma_wait3A_122 = tpu.memref_squeeze %dma_wait3A_121 : memref<1x128xi32, #tpu.memory_space<vmem>> -> memref<128xi32, #tpu.memory_space<vmem>>
      %dma_wait3A_123 = arith.constant 0 : i32
      %dma_wait3A_124 = arith.constant 0 : i32
      %dma_wait3A_125 = tpu.memref_slice %arg16[%dma_wait3A_123, %dma_wait3A_124] : memref<10240x64xf32, #tpu.memory_space<vmem_shared>> -> memref<10240x64xf32, #tpu.memory_space<vmem_shared>>
      %dma_wait3A_126 = tpu.memref_slice %arg18[%dma_wait3A_115] : memref<6x!tpu.dma_semaphore, #tpu.memory_space<semaphore_mem>> -> memref<1x!tpu.dma_semaphore, #tpu.memory_space<semaphore_mem>>
      %dma_wait3A_127 = tpu.memref_squeeze %dma_wait3A_126 : memref<1x!tpu.dma_semaphore, #tpu.memory_space<semaphore_mem>> -> memref<!tpu.dma_semaphore, #tpu.memory_space<semaphore_mem>>
      tpu.wait_indirect_dma semaphore(%dma_wait3A_127 : memref<!tpu.dma_semaphore, #tpu.memory_space<semaphore_mem>>) src(%dma_wait3A_119 : memref<128x64xf32, #tpu.memory_space<vmem>>) dst(%dma_wait3A_125 : memref<10240x64xf32, #tpu.memory_space<vmem_shared>>)
      %dma_wait3A_128 = arith.constant 5 : i32
      %dma_wait3A_129 = arith.constant 155 : i32
      %dma_wait3A_130 = arith.constant 5 : i32
      %dma_wait3A_131 = arith.constant 0 : i32
      %dma_wait3A_132 = arith.constant 0 : i32
      %dma_wait3A_133 = tpu.memref_slice %arg15[%dma_wait3A_128, %dma_wait3A_131, %dma_wait3A_132] : memref<6x128x64xf32, #tpu.memory_space<vmem>> -> memref<1x128x64xf32, #tpu.memory_space<vmem>>
      %dma_wait3A_134 = tpu.memref_squeeze %dma_wait3A_133 : memref<1x128x64xf32, #tpu.memory_space<vmem>> -> memref<128x64xf32, #tpu.memory_space<vmem>>
      %dma_wait3A_135 = arith.constant 0 : i32
      %dma_wait3A_136 = tpu.memref_slice %arg14[%dma_wait3A_129, %dma_wait3A_135] : memref<157x128xi32, #tpu.memory_space<vmem>> -> memref<1x128xi32, #tpu.memory_space<vmem>>
      %dma_wait3A_137 = tpu.memref_squeeze %dma_wait3A_136 : memref<1x128xi32, #tpu.memory_space<vmem>> -> memref<128xi32, #tpu.memory_space<vmem>>
      %dma_wait3A_138 = arith.constant 0 : i32
      %dma_wait3A_139 = arith.constant 0 : i32
      %dma_wait3A_140 = tpu.memref_slice %arg16[%dma_wait3A_138, %dma_wait3A_139] : memref<10240x64xf32, #tpu.memory_space<vmem_shared>> -> memref<10240x64xf32, #tpu.memory_space<vmem_shared>>
      %dma_wait3A_141 = tpu.memref_slice %arg18[%dma_wait3A_130] : memref<6x!tpu.dma_semaphore, #tpu.memory_space<semaphore_mem>> -> memref<1x!tpu.dma_semaphore, #tpu.memory_space<semaphore_mem>>
      %dma_wait3A_142 = tpu.memref_squeeze %dma_wait3A_141 : memref<1x!tpu.dma_semaphore, #tpu.memory_space<semaphore_mem>> -> memref<!tpu.dma_semaphore, #tpu.memory_space<semaphore_mem>>
      tpu.wait_indirect_dma semaphore(%dma_wait3A_142 : memref<!tpu.dma_semaphore, #tpu.memory_space<semaphore_mem>>) src(%dma_wait3A_134 : memref<128x64xf32, #tpu.memory_space<vmem>>) dst(%dma_wait3A_140 : memref<10240x64xf32, #tpu.memory_space<vmem_shared>>)
      %dma_wait3A_143 = arith.constant 0 : i32
      %dma_wait3A_144 = arith.constant 156 : i32
      %dma_wait3A_145 = arith.constant 0 : i32
      %dma_wait3A_146 = arith.constant 0 : i32
      %dma_wait3A_147 = arith.constant 0 : i32
      %dma_wait3A_148 = tpu.memref_slice %arg15[%dma_wait3A_143, %dma_wait3A_146, %dma_wait3A_147] : memref<6x128x64xf32, #tpu.memory_space<vmem>> -> memref<1x128x64xf32, #tpu.memory_space<vmem>>
      %dma_wait3A_149 = tpu.memref_squeeze %dma_wait3A_148 : memref<1x128x64xf32, #tpu.memory_space<vmem>> -> memref<128x64xf32, #tpu.memory_space<vmem>>
      %dma_wait3A_150 = arith.constant 0 : i32
      %dma_wait3A_151 = tpu.memref_slice %arg14[%dma_wait3A_144, %dma_wait3A_150] : memref<157x128xi32, #tpu.memory_space<vmem>> -> memref<1x128xi32, #tpu.memory_space<vmem>>
      %dma_wait3A_152 = tpu.memref_squeeze %dma_wait3A_151 : memref<1x128xi32, #tpu.memory_space<vmem>> -> memref<128xi32, #tpu.memory_space<vmem>>
      %dma_wait3A_153 = arith.constant 0 : i32
      %dma_wait3A_154 = arith.constant 0 : i32
      %dma_wait3A_155 = tpu.memref_slice %arg16[%dma_wait3A_153, %dma_wait3A_154] : memref<10240x64xf32, #tpu.memory_space<vmem_shared>> -> memref<10240x64xf32, #tpu.memory_space<vmem_shared>>
      %dma_wait3A_156 = tpu.memref_slice %arg18[%dma_wait3A_145] : memref<6x!tpu.dma_semaphore, #tpu.memory_space<semaphore_mem>> -> memref<1x!tpu.dma_semaphore, #tpu.memory_space<semaphore_mem>>
      %dma_wait3A_157 = tpu.memref_squeeze %dma_wait3A_156 : memref<1x!tpu.dma_semaphore, #tpu.memory_space<semaphore_mem>> -> memref<!tpu.dma_semaphore, #tpu.memory_space<semaphore_mem>>
      tpu.wait_indirect_dma semaphore(%dma_wait3A_157 : memref<!tpu.dma_semaphore, #tpu.memory_space<semaphore_mem>>) src(%dma_wait3A_149 : memref<128x64xf32, #tpu.memory_space<vmem>>) dst(%dma_wait3A_155 : memref<10240x64xf32, #tpu.memory_space<vmem_shared>>)
      %barrier3A_158 = arith.constant 0 : index
      tpu.barrier barrier_id(%barrier3A_158)
      %mul3A_159 = arith.constant 640 : i32
      %mul3A_160 = arith.muli %arg1, %mul3A_159 : i32
      %mul3A_161 = arith.constant 640 : i32
      %mul3A_162 = arith.muli %arg1, %mul3A_161 : i32
      "tpu.region"() ({
        %run_scoped3A = tpu.sem_alloc : memref<!tpu.dma_semaphore, #tpu.memory_space<semaphore_mem>>
        %dma_start3A_164 = arith.constant 0 : i32
        %dma_start3A_165 = tpu.memref_slice %arg9[%mul3A_162, %dma_start3A_164] : memref<10240x64xf32, #tpu.memory_space<hbm>> -> memref<640x64xf32, #tpu.memory_space<hbm>>
        %dma_start3A_166 = arith.constant 0 : i32
        %dma_start3A_167 = tpu.memref_slice %arg16[%mul3A_160, %dma_start3A_166] : memref<10240x64xf32, #tpu.memory_space<vmem_shared>> -> memref<640x64xf32, #tpu.memory_space<vmem_shared>>
        tpu.enqueue_dma source(%dma_start3A_167 : memref<640x64xf32, #tpu.memory_space<vmem_shared>>) target(%dma_start3A_165 : memref<640x64xf32, #tpu.memory_space<hbm>>) target_semaphore(%run_scoped3A : memref<!tpu.dma_semaphore, #tpu.memory_space<semaphore_mem>>)
        %dma_wait3A_168 = arith.constant 0 : i32
        %dma_wait3A_169 = tpu.memref_slice %arg9[%mul3A_162, %dma_wait3A_168] : memref<10240x64xf32, #tpu.memory_space<hbm>> -> memref<640x64xf32, #tpu.memory_space<hbm>>
        %dma_wait3A_170 = arith.constant 0 : i32
        %dma_wait3A_171 = tpu.memref_slice %arg16[%mul3A_160, %dma_wait3A_170] : memref<10240x64xf32, #tpu.memory_space<vmem_shared>> -> memref<640x64xf32, #tpu.memory_space<vmem_shared>>
        tpu.wait_dma2 semaphore(%run_scoped3A : memref<!tpu.dma_semaphore, #tpu.memory_space<semaphore_mem>>) src(%dma_wait3A_171 : memref<640x64xf32, #tpu.memory_space<vmem_shared>>) dst(%dma_wait3A_169 : memref<640x64xf32, #tpu.memory_space<hbm>>)
        tpu.yield
      }) : () -> ()
      %barrier3A_163 = arith.constant 0 : index
      tpu.barrier barrier_id(%barrier3A_163)
    } else {
    }
    %eq3A_2 = arith.constant 0 : i32
    %eq3A_3 = arith.cmpi eq, %arg0, %eq3A_2 : i32
    %convert_element_type3A_4 = arith.extui %eq3A_3 : i1 to i32
    %cond3A_5 = arith.constant 0 : i32
    %cond3A_6 = arith.cmpi ne, %convert_element_type3A_4, %cond3A_5 : i32
    scf.if %cond3A_6 {
      %mul3A = arith.constant 640 : i32
      %mul3A_17 = arith.muli %arg1, %mul3A : i32
      %mul3A_18 = arith.constant 640 : i32
      %mul3A_19 = arith.muli %arg1, %mul3A_18 : i32
      "tpu.region"() ({
        %run_scoped3A = tpu.sem_alloc : memref<!tpu.dma_semaphore, #tpu.memory_space<semaphore_mem>>
        %dma_start3A_164 = arith.constant 0 : i32
        %dma_start3A_165 = tpu.memref_slice %arg16[%mul3A_19, %dma_start3A_164] : memref<10240x64xf32, #tpu.memory_space<vmem_shared>> -> memref<640x64xf32, #tpu.memory_space<vmem_shared>>
        %dma_start3A_166 = arith.constant 0 : i32
        %dma_start3A_167 = tpu.memref_slice %arg4[%mul3A_17, %dma_start3A_166] : memref<10240x64xf32, #tpu.memory_space<hbm>> -> memref<640x64xf32, #tpu.memory_space<hbm>>
        tpu.enqueue_dma source(%dma_start3A_167 : memref<640x64xf32, #tpu.memory_space<hbm>>) target(%dma_start3A_165 : memref<640x64xf32, #tpu.memory_space<vmem_shared>>) target_semaphore(%run_scoped3A : memref<!tpu.dma_semaphore, #tpu.memory_space<semaphore_mem>>)
        %dma_wait3A_168 = arith.constant 0 : i32
        %dma_wait3A_169 = tpu.memref_slice %arg16[%mul3A_19, %dma_wait3A_168] : memref<10240x64xf32, #tpu.memory_space<vmem_shared>> -> memref<640x64xf32, #tpu.memory_space<vmem_shared>>
        %dma_wait3A_170 = arith.constant 0 : i32
        %dma_wait3A_171 = tpu.memref_slice %arg4[%mul3A_17, %dma_wait3A_170] : memref<10240x64xf32, #tpu.memory_space<hbm>> -> memref<640x64xf32, #tpu.memory_space<hbm>>
        tpu.wait_dma2 semaphore(%run_scoped3A : memref<!tpu.dma_semaphore, #tpu.memory_space<semaphore_mem>>) src(%dma_wait3A_171 : memref<640x64xf32, #tpu.memory_space<hbm>>) dst(%dma_wait3A_169 : memref<640x64xf32, #tpu.memory_space<vmem_shared>>)
        tpu.yield
      }) : () -> ()
      %barrier3A = arith.constant 0 : index
      tpu.barrier barrier_id(%barrier3A)
      %dma_start3A = arith.constant 0 : i32
      %dma_start3A_20 = arith.constant 0 : i32
      %dma_start3A_21 = arith.constant 0 : i32
      %dma_start3A_22 = arith.constant 0 : i32
      %dma_start3A_23 = arith.constant 0 : i32
      %dma_start3A_24 = tpu.memref_slice %arg15[%dma_start3A_20, %dma_start3A_22, %dma_start3A_23] : memref<6x128x64xf32, #tpu.memory_space<vmem>> -> memref<1x128x64xf32, #tpu.memory_space<vmem>>
      %dma_start3A_25 = tpu.memref_squeeze %dma_start3A_24 : memref<1x128x64xf32, #tpu.memory_space<vmem>> -> memref<128x64xf32, #tpu.memory_space<vmem>>
      %dma_start3A_26 = arith.constant 0 : i32
      %dma_start3A_27 = tpu.memref_slice %arg13[%dma_start3A, %dma_start3A_26] : memref<157x128xi32, #tpu.memory_space<vmem>> -> memref<1x128xi32, #tpu.memory_space<vmem>>
      %dma_start3A_28 = tpu.memref_squeeze %dma_start3A_27 : memref<1x128xi32, #tpu.memory_space<vmem>> -> memref<128xi32, #tpu.memory_space<vmem>>
      %dma_start3A_29 = arith.constant 0 : i32
      %dma_start3A_30 = arith.constant 0 : i32
      %dma_start3A_31 = tpu.memref_slice %arg6[%dma_start3A_29, %dma_start3A_30] : memref<10240x64xf32, #tpu.memory_space<hbm>> -> memref<10240x64xf32, #tpu.memory_space<hbm>>
      %dma_start3A_32 = tpu.memref_slice %arg17[%dma_start3A_21] : memref<6x!tpu.dma_semaphore, #tpu.memory_space<semaphore_mem>> -> memref<1x!tpu.dma_semaphore, #tpu.memory_space<semaphore_mem>>
      %dma_start3A_33 = tpu.memref_squeeze %dma_start3A_32 : memref<1x!tpu.dma_semaphore, #tpu.memory_space<semaphore_mem>> -> memref<!tpu.dma_semaphore, #tpu.memory_space<semaphore_mem>>
      tpu.enqueue_indirect_dma source(%dma_start3A_31 : memref<10240x64xf32, #tpu.memory_space<hbm>>) target(%dma_start3A_25 : memref<128x64xf32, #tpu.memory_space<vmem>>) offsets(%dma_start3A_28 : memref<128xi32, #tpu.memory_space<vmem>>) semaphore(%dma_start3A_33 : memref<!tpu.dma_semaphore, #tpu.memory_space<semaphore_mem>>)
      %dma_start3A_34 = arith.constant 1 : i32
      %dma_start3A_35 = arith.constant 1 : i32
      %dma_start3A_36 = arith.constant 1 : i32
      %dma_start3A_37 = arith.constant 0 : i32
      %dma_start3A_38 = arith.constant 0 : i32
      %dma_start3A_39 = tpu.memref_slice %arg15[%dma_start3A_35, %dma_start3A_37, %dma_start3A_38] : memref<6x128x64xf32, #tpu.memory_space<vmem>> -> memref<1x128x64xf32, #tpu.memory_space<vmem>>
      %dma_start3A_40 = tpu.memref_squeeze %dma_start3A_39 : memref<1x128x64xf32, #tpu.memory_space<vmem>> -> memref<128x64xf32, #tpu.memory_space<vmem>>
      %dma_start3A_41 = arith.constant 0 : i32
      %dma_start3A_42 = tpu.memref_slice %arg13[%dma_start3A_34, %dma_start3A_41] : memref<157x128xi32, #tpu.memory_space<vmem>> -> memref<1x128xi32, #tpu.memory_space<vmem>>
      %dma_start3A_43 = tpu.memref_squeeze %dma_start3A_42 : memref<1x128xi32, #tpu.memory_space<vmem>> -> memref<128xi32, #tpu.memory_space<vmem>>
      %dma_start3A_44 = arith.constant 0 : i32
      %dma_start3A_45 = arith.constant 0 : i32
      %dma_start3A_46 = tpu.memref_slice %arg6[%dma_start3A_44, %dma_start3A_45] : memref<10240x64xf32, #tpu.memory_space<hbm>> -> memref<10240x64xf32, #tpu.memory_space<hbm>>
      %dma_start3A_47 = tpu.memref_slice %arg17[%dma_start3A_36] : memref<6x!tpu.dma_semaphore, #tpu.memory_space<semaphore_mem>> -> memref<1x!tpu.dma_semaphore, #tpu.memory_space<semaphore_mem>>
      %dma_start3A_48 = tpu.memref_squeeze %dma_start3A_47 : memref<1x!tpu.dma_semaphore, #tpu.memory_space<semaphore_mem>> -> memref<!tpu.dma_semaphore, #tpu.memory_space<semaphore_mem>>
      tpu.enqueue_indirect_dma source(%dma_start3A_46 : memref<10240x64xf32, #tpu.memory_space<hbm>>) target(%dma_start3A_40 : memref<128x64xf32, #tpu.memory_space<vmem>>) offsets(%dma_start3A_43 : memref<128xi32, #tpu.memory_space<vmem>>) semaphore(%dma_start3A_48 : memref<!tpu.dma_semaphore, #tpu.memory_space<semaphore_mem>>)
      %dma_start3A_49 = arith.constant 2 : i32
      %dma_start3A_50 = arith.constant 2 : i32
      %dma_start3A_51 = arith.constant 2 : i32
      %dma_start3A_52 = arith.constant 0 : i32
      %dma_start3A_53 = arith.constant 0 : i32
      %dma_start3A_54 = tpu.memref_slice %arg15[%dma_start3A_50, %dma_start3A_52, %dma_start3A_53] : memref<6x128x64xf32, #tpu.memory_space<vmem>> -> memref<1x128x64xf32, #tpu.memory_space<vmem>>
      %dma_start3A_55 = tpu.memref_squeeze %dma_start3A_54 : memref<1x128x64xf32, #tpu.memory_space<vmem>> -> memref<128x64xf32, #tpu.memory_space<vmem>>
      %dma_start3A_56 = arith.constant 0 : i32
      %dma_start3A_57 = tpu.memref_slice %arg13[%dma_start3A_49, %dma_start3A_56] : memref<157x128xi32, #tpu.memory_space<vmem>> -> memref<1x128xi32, #tpu.memory_space<vmem>>
      %dma_start3A_58 = tpu.memref_squeeze %dma_start3A_57 : memref<1x128xi32, #tpu.memory_space<vmem>> -> memref<128xi32, #tpu.memory_space<vmem>>
      %dma_start3A_59 = arith.constant 0 : i32
      %dma_start3A_60 = arith.constant 0 : i32
      %dma_start3A_61 = tpu.memref_slice %arg6[%dma_start3A_59, %dma_start3A_60] : memref<10240x64xf32, #tpu.memory_space<hbm>> -> memref<10240x64xf32, #tpu.memory_space<hbm>>
      %dma_start3A_62 = tpu.memref_slice %arg17[%dma_start3A_51] : memref<6x!tpu.dma_semaphore, #tpu.memory_space<semaphore_mem>> -> memref<1x!tpu.dma_semaphore, #tpu.memory_space<semaphore_mem>>
      %dma_start3A_63 = tpu.memref_squeeze %dma_start3A_62 : memref<1x!tpu.dma_semaphore, #tpu.memory_space<semaphore_mem>> -> memref<!tpu.dma_semaphore, #tpu.memory_space<semaphore_mem>>
      tpu.enqueue_indirect_dma source(%dma_start3A_61 : memref<10240x64xf32, #tpu.memory_space<hbm>>) target(%dma_start3A_55 : memref<128x64xf32, #tpu.memory_space<vmem>>) offsets(%dma_start3A_58 : memref<128xi32, #tpu.memory_space<vmem>>) semaphore(%dma_start3A_63 : memref<!tpu.dma_semaphore, #tpu.memory_space<semaphore_mem>>)
      %scan3A = arith.constant 0 : i32
      %scan3A_64 = arith.constant 0 : i32
      %scan3A_65 = arith.constant 157 : i32
      %scan3A_66 = arith.addi %scan3A_64, %scan3A_65 : i32
      %scan3A_67 = arith.constant 1 : i32
      scf.for %scan3A_164 = %scan3A_64 to %scan3A_66 step %scan3A_67  : i32 {
        %rem3A = arith.constant 6 : i32
        %rem3A_165 = arith.remsi %scan3A_164, %rem3A : i32
        %add3A = arith.constant 3 : i32
        %add3A_166 = arith.addi %scan3A_164, %add3A : i32
        %rem3A_167 = arith.constant 6 : i32
        %rem3A_168 = arith.remsi %add3A_166, %rem3A_167 : i32
        %add3A_169 = arith.constant 3 : i32
        %add3A_170 = arith.addi %scan3A_164, %add3A_169 : i32
        %lt3A = arith.constant 157 : i32
        %lt3A_171 = arith.cmpi slt, %add3A_170, %lt3A : i32
        %convert_element_type3A_172 = arith.extui %lt3A_171 : i1 to i32
        %cond3A_173 = arith.constant 0 : i32
        %cond3A_174 = arith.cmpi ne, %convert_element_type3A_172, %cond3A_173 : i32
        scf.if %cond3A_174 {
          %ge3A = arith.constant 3 : i32
          %ge3A_199 = arith.cmpi sge, %scan3A_164, %ge3A : i32
          %convert_element_type3A_200 = arith.extui %ge3A_199 : i1 to i32
          %cond3A_201 = arith.constant 0 : i32
          %cond3A_202 = arith.cmpi ne, %convert_element_type3A_200, %cond3A_201 : i32
          scf.if %cond3A_202 {
            %sub3A = arith.constant 3 : i32
            %sub3A_217 = arith.subi %scan3A_164, %sub3A : i32
            %dma_wait3A_218 = arith.constant 0 : i32
            %dma_wait3A_219 = arith.constant 0 : i32
            %dma_wait3A_220 = tpu.memref_slice %arg15[%rem3A_168, %dma_wait3A_218, %dma_wait3A_219] : memref<6x128x64xf32, #tpu.memory_space<vmem>> -> memref<1x128x64xf32, #tpu.memory_space<vmem>>
            %dma_wait3A_221 = tpu.memref_squeeze %dma_wait3A_220 : memref<1x128x64xf32, #tpu.memory_space<vmem>> -> memref<128x64xf32, #tpu.memory_space<vmem>>
            %dma_wait3A_222 = arith.constant 0 : i32
            %dma_wait3A_223 = tpu.memref_slice %arg14[%sub3A_217, %dma_wait3A_222] : memref<157x128xi32, #tpu.memory_space<vmem>> -> memref<1x128xi32, #tpu.memory_space<vmem>>
            %dma_wait3A_224 = tpu.memref_squeeze %dma_wait3A_223 : memref<1x128xi32, #tpu.memory_space<vmem>> -> memref<128xi32, #tpu.memory_space<vmem>>
            %dma_wait3A_225 = arith.constant 0 : i32
            %dma_wait3A_226 = arith.constant 0 : i32
            %dma_wait3A_227 = tpu.memref_slice %arg16[%dma_wait3A_225, %dma_wait3A_226] : memref<10240x64xf32, #tpu.memory_space<vmem_shared>> -> memref<10240x64xf32, #tpu.memory_space<vmem_shared>>
            %dma_wait3A_228 = tpu.memref_slice %arg18[%rem3A_168] : memref<6x!tpu.dma_semaphore, #tpu.memory_space<semaphore_mem>> -> memref<1x!tpu.dma_semaphore, #tpu.memory_space<semaphore_mem>>
            %dma_wait3A_229 = tpu.memref_squeeze %dma_wait3A_228 : memref<1x!tpu.dma_semaphore, #tpu.memory_space<semaphore_mem>> -> memref<!tpu.dma_semaphore, #tpu.memory_space<semaphore_mem>>
            tpu.wait_indirect_dma semaphore(%dma_wait3A_229 : memref<!tpu.dma_semaphore, #tpu.memory_space<semaphore_mem>>) src(%dma_wait3A_221 : memref<128x64xf32, #tpu.memory_space<vmem>>) dst(%dma_wait3A_227 : memref<10240x64xf32, #tpu.memory_space<vmem_shared>>)
          } else {
          }
          %add3A_203 = arith.constant 3 : i32
          %add3A_204 = arith.addi %scan3A_164, %add3A_203 : i32
          %dma_start3A_205 = arith.constant 0 : i32
          %dma_start3A_206 = arith.constant 0 : i32
          %dma_start3A_207 = tpu.memref_slice %arg15[%rem3A_168, %dma_start3A_205, %dma_start3A_206] : memref<6x128x64xf32, #tpu.memory_space<vmem>> -> memref<1x128x64xf32, #tpu.memory_space<vmem>>
          %dma_start3A_208 = tpu.memref_squeeze %dma_start3A_207 : memref<1x128x64xf32, #tpu.memory_space<vmem>> -> memref<128x64xf32, #tpu.memory_space<vmem>>
          %dma_start3A_209 = arith.constant 0 : i32
          %dma_start3A_210 = tpu.memref_slice %arg13[%add3A_204, %dma_start3A_209] : memref<157x128xi32, #tpu.memory_space<vmem>> -> memref<1x128xi32, #tpu.memory_space<vmem>>
          %dma_start3A_211 = tpu.memref_squeeze %dma_start3A_210 : memref<1x128xi32, #tpu.memory_space<vmem>> -> memref<128xi32, #tpu.memory_space<vmem>>
          %dma_start3A_212 = arith.constant 0 : i32
          %dma_start3A_213 = arith.constant 0 : i32
          %dma_start3A_214 = tpu.memref_slice %arg6[%dma_start3A_212, %dma_start3A_213] : memref<10240x64xf32, #tpu.memory_space<hbm>> -> memref<10240x64xf32, #tpu.memory_space<hbm>>
          %dma_start3A_215 = tpu.memref_slice %arg17[%rem3A_168] : memref<6x!tpu.dma_semaphore, #tpu.memory_space<semaphore_mem>> -> memref<1x!tpu.dma_semaphore, #tpu.memory_space<semaphore_mem>>
          %dma_start3A_216 = tpu.memref_squeeze %dma_start3A_215 : memref<1x!tpu.dma_semaphore, #tpu.memory_space<semaphore_mem>> -> memref<!tpu.dma_semaphore, #tpu.memory_space<semaphore_mem>>
          tpu.enqueue_indirect_dma source(%dma_start3A_214 : memref<10240x64xf32, #tpu.memory_space<hbm>>) target(%dma_start3A_208 : memref<128x64xf32, #tpu.memory_space<vmem>>) offsets(%dma_start3A_211 : memref<128xi32, #tpu.memory_space<vmem>>) semaphore(%dma_start3A_216 : memref<!tpu.dma_semaphore, #tpu.memory_space<semaphore_mem>>)
        } else {
        }
        %dma_wait3A_175 = arith.constant 0 : i32
        %dma_wait3A_176 = arith.constant 0 : i32
        %dma_wait3A_177 = tpu.memref_slice %arg15[%rem3A_165, %dma_wait3A_175, %dma_wait3A_176] : memref<6x128x64xf32, #tpu.memory_space<vmem>> -> memref<1x128x64xf32, #tpu.memory_space<vmem>>
        %dma_wait3A_178 = tpu.memref_squeeze %dma_wait3A_177 : memref<1x128x64xf32, #tpu.memory_space<vmem>> -> memref<128x64xf32, #tpu.memory_space<vmem>>
        %dma_wait3A_179 = arith.constant 0 : i32
        %dma_wait3A_180 = tpu.memref_slice %arg13[%scan3A_164, %dma_wait3A_179] : memref<157x128xi32, #tpu.memory_space<vmem>> -> memref<1x128xi32, #tpu.memory_space<vmem>>
        %dma_wait3A_181 = tpu.memref_squeeze %dma_wait3A_180 : memref<1x128xi32, #tpu.memory_space<vmem>> -> memref<128xi32, #tpu.memory_space<vmem>>
        %dma_wait3A_182 = arith.constant 0 : i32
        %dma_wait3A_183 = arith.constant 0 : i32
        %dma_wait3A_184 = tpu.memref_slice %arg6[%dma_wait3A_182, %dma_wait3A_183] : memref<10240x64xf32, #tpu.memory_space<hbm>> -> memref<10240x64xf32, #tpu.memory_space<hbm>>
        %dma_wait3A_185 = tpu.memref_slice %arg17[%rem3A_165] : memref<6x!tpu.dma_semaphore, #tpu.memory_space<semaphore_mem>> -> memref<1x!tpu.dma_semaphore, #tpu.memory_space<semaphore_mem>>
        %dma_wait3A_186 = tpu.memref_squeeze %dma_wait3A_185 : memref<1x!tpu.dma_semaphore, #tpu.memory_space<semaphore_mem>> -> memref<!tpu.dma_semaphore, #tpu.memory_space<semaphore_mem>>
        tpu.wait_indirect_dma semaphore(%dma_wait3A_186 : memref<!tpu.dma_semaphore, #tpu.memory_space<semaphore_mem>>) src(%dma_wait3A_184 : memref<10240x64xf32, #tpu.memory_space<hbm>>) dst(%dma_wait3A_178 : memref<128x64xf32, #tpu.memory_space<vmem>>)
        %dma_start3A_187 = arith.constant 0 : i32
        %dma_start3A_188 = arith.constant 0 : i32
        %dma_start3A_189 = tpu.memref_slice %arg15[%rem3A_165, %dma_start3A_187, %dma_start3A_188] : memref<6x128x64xf32, #tpu.memory_space<vmem>> -> memref<1x128x64xf32, #tpu.memory_space<vmem>>
        %dma_start3A_190 = tpu.memref_squeeze %dma_start3A_189 : memref<1x128x64xf32, #tpu.memory_space<vmem>> -> memref<128x64xf32, #tpu.memory_space<vmem>>
        %dma_start3A_191 = arith.constant 0 : i32
        %dma_start3A_192 = tpu.memref_slice %arg14[%scan3A_164, %dma_start3A_191] : memref<157x128xi32, #tpu.memory_space<vmem>> -> memref<1x128xi32, #tpu.memory_space<vmem>>
        %dma_start3A_193 = tpu.memref_squeeze %dma_start3A_192 : memref<1x128xi32, #tpu.memory_space<vmem>> -> memref<128xi32, #tpu.memory_space<vmem>>
        %dma_start3A_194 = arith.constant 0 : i32
        %dma_start3A_195 = arith.constant 0 : i32
        %dma_start3A_196 = tpu.memref_slice %arg16[%dma_start3A_194, %dma_start3A_195] : memref<10240x64xf32, #tpu.memory_space<vmem_shared>> -> memref<10240x64xf32, #tpu.memory_space<vmem_shared>>
        %dma_start3A_197 = tpu.memref_slice %arg18[%rem3A_165] : memref<6x!tpu.dma_semaphore, #tpu.memory_space<semaphore_mem>> -> memref<1x!tpu.dma_semaphore, #tpu.memory_space<semaphore_mem>>
        %dma_start3A_198 = tpu.memref_squeeze %dma_start3A_197 : memref<1x!tpu.dma_semaphore, #tpu.memory_space<semaphore_mem>> -> memref<!tpu.dma_semaphore, #tpu.memory_space<semaphore_mem>>
        tpu.enqueue_indirect_dma source(%dma_start3A_190 : memref<128x64xf32, #tpu.memory_space<vmem>>) target(%dma_start3A_196 : memref<10240x64xf32, #tpu.memory_space<vmem_shared>>) offsets(%dma_start3A_193 : memref<128xi32, #tpu.memory_space<vmem>>) semaphore(%dma_start3A_198 : memref<!tpu.dma_semaphore, #tpu.memory_space<semaphore_mem>>) {add = true}
      }
      %scan3A_68 = arith.constant 157 : i32
      %dma_wait3A = arith.constant 1 : i32
      %dma_wait3A_69 = arith.constant 151 : i32
      %dma_wait3A_70 = arith.constant 1 : i32
      %dma_wait3A_71 = arith.constant 0 : i32
      %dma_wait3A_72 = arith.constant 0 : i32
      %dma_wait3A_73 = tpu.memref_slice %arg15[%dma_wait3A, %dma_wait3A_71, %dma_wait3A_72] : memref<6x128x64xf32, #tpu.memory_space<vmem>> -> memref<1x128x64xf32, #tpu.memory_space<vmem>>
      %dma_wait3A_74 = tpu.memref_squeeze %dma_wait3A_73 : memref<1x128x64xf32, #tpu.memory_space<vmem>> -> memref<128x64xf32, #tpu.memory_space<vmem>>
      %dma_wait3A_75 = arith.constant 0 : i32
      %dma_wait3A_76 = tpu.memref_slice %arg14[%dma_wait3A_69, %dma_wait3A_75] : memref<157x128xi32, #tpu.memory_space<vmem>> -> memref<1x128xi32, #tpu.memory_space<vmem>>
      %dma_wait3A_77 = tpu.memref_squeeze %dma_wait3A_76 : memref<1x128xi32, #tpu.memory_space<vmem>> -> memref<128xi32, #tpu.memory_space<vmem>>
      %dma_wait3A_78 = arith.constant 0 : i32
      %dma_wait3A_79 = arith.constant 0 : i32
      %dma_wait3A_80 = tpu.memref_slice %arg16[%dma_wait3A_78, %dma_wait3A_79] : memref<10240x64xf32, #tpu.memory_space<vmem_shared>> -> memref<10240x64xf32, #tpu.memory_space<vmem_shared>>
      %dma_wait3A_81 = tpu.memref_slice %arg18[%dma_wait3A_70] : memref<6x!tpu.dma_semaphore, #tpu.memory_space<semaphore_mem>> -> memref<1x!tpu.dma_semaphore, #tpu.memory_space<semaphore_mem>>
      %dma_wait3A_82 = tpu.memref_squeeze %dma_wait3A_81 : memref<1x!tpu.dma_semaphore, #tpu.memory_space<semaphore_mem>> -> memref<!tpu.dma_semaphore, #tpu.memory_space<semaphore_mem>>
      tpu.wait_indirect_dma semaphore(%dma_wait3A_82 : memref<!tpu.dma_semaphore, #tpu.memory_space<semaphore_mem>>) src(%dma_wait3A_74 : memref<128x64xf32, #tpu.memory_space<vmem>>) dst(%dma_wait3A_80 : memref<10240x64xf32, #tpu.memory_space<vmem_shared>>)
      %dma_wait3A_83 = arith.constant 2 : i32
      %dma_wait3A_84 = arith.constant 152 : i32
      %dma_wait3A_85 = arith.constant 2 : i32
      %dma_wait3A_86 = arith.constant 0 : i32
      %dma_wait3A_87 = arith.constant 0 : i32
      %dma_wait3A_88 = tpu.memref_slice %arg15[%dma_wait3A_83, %dma_wait3A_86, %dma_wait3A_87] : memref<6x128x64xf32, #tpu.memory_space<vmem>> -> memref<1x128x64xf32, #tpu.memory_space<vmem>>
      %dma_wait3A_89 = tpu.memref_squeeze %dma_wait3A_88 : memref<1x128x64xf32, #tpu.memory_space<vmem>> -> memref<128x64xf32, #tpu.memory_space<vmem>>
      %dma_wait3A_90 = arith.constant 0 : i32
      %dma_wait3A_91 = tpu.memref_slice %arg14[%dma_wait3A_84, %dma_wait3A_90] : memref<157x128xi32, #tpu.memory_space<vmem>> -> memref<1x128xi32, #tpu.memory_space<vmem>>
      %dma_wait3A_92 = tpu.memref_squeeze %dma_wait3A_91 : memref<1x128xi32, #tpu.memory_space<vmem>> -> memref<128xi32, #tpu.memory_space<vmem>>
      %dma_wait3A_93 = arith.constant 0 : i32
      %dma_wait3A_94 = arith.constant 0 : i32
      %dma_wait3A_95 = tpu.memref_slice %arg16[%dma_wait3A_93, %dma_wait3A_94] : memref<10240x64xf32, #tpu.memory_space<vmem_shared>> -> memref<10240x64xf32, #tpu.memory_space<vmem_shared>>
      %dma_wait3A_96 = tpu.memref_slice %arg18[%dma_wait3A_85] : memref<6x!tpu.dma_semaphore, #tpu.memory_space<semaphore_mem>> -> memref<1x!tpu.dma_semaphore, #tpu.memory_space<semaphore_mem>>
      %dma_wait3A_97 = tpu.memref_squeeze %dma_wait3A_96 : memref<1x!tpu.dma_semaphore, #tpu.memory_space<semaphore_mem>> -> memref<!tpu.dma_semaphore, #tpu.memory_space<semaphore_mem>>
      tpu.wait_indirect_dma semaphore(%dma_wait3A_97 : memref<!tpu.dma_semaphore, #tpu.memory_space<semaphore_mem>>) src(%dma_wait3A_89 : memref<128x64xf32, #tpu.memory_space<vmem>>) dst(%dma_wait3A_95 : memref<10240x64xf32, #tpu.memory_space<vmem_shared>>)
      %dma_wait3A_98 = arith.constant 3 : i32
      %dma_wait3A_99 = arith.constant 153 : i32
      %dma_wait3A_100 = arith.constant 3 : i32
      %dma_wait3A_101 = arith.constant 0 : i32
      %dma_wait3A_102 = arith.constant 0 : i32
      %dma_wait3A_103 = tpu.memref_slice %arg15[%dma_wait3A_98, %dma_wait3A_101, %dma_wait3A_102] : memref<6x128x64xf32, #tpu.memory_space<vmem>> -> memref<1x128x64xf32, #tpu.memory_space<vmem>>
      %dma_wait3A_104 = tpu.memref_squeeze %dma_wait3A_103 : memref<1x128x64xf32, #tpu.memory_space<vmem>> -> memref<128x64xf32, #tpu.memory_space<vmem>>
      %dma_wait3A_105 = arith.constant 0 : i32
      %dma_wait3A_106 = tpu.memref_slice %arg14[%dma_wait3A_99, %dma_wait3A_105] : memref<157x128xi32, #tpu.memory_space<vmem>> -> memref<1x128xi32, #tpu.memory_space<vmem>>
      %dma_wait3A_107 = tpu.memref_squeeze %dma_wait3A_106 : memref<1x128xi32, #tpu.memory_space<vmem>> -> memref<128xi32, #tpu.memory_space<vmem>>
      %dma_wait3A_108 = arith.constant 0 : i32
      %dma_wait3A_109 = arith.constant 0 : i32
      %dma_wait3A_110 = tpu.memref_slice %arg16[%dma_wait3A_108, %dma_wait3A_109] : memref<10240x64xf32, #tpu.memory_space<vmem_shared>> -> memref<10240x64xf32, #tpu.memory_space<vmem_shared>>
      %dma_wait3A_111 = tpu.memref_slice %arg18[%dma_wait3A_100] : memref<6x!tpu.dma_semaphore, #tpu.memory_space<semaphore_mem>> -> memref<1x!tpu.dma_semaphore, #tpu.memory_space<semaphore_mem>>
      %dma_wait3A_112 = tpu.memref_squeeze %dma_wait3A_111 : memref<1x!tpu.dma_semaphore, #tpu.memory_space<semaphore_mem>> -> memref<!tpu.dma_semaphore, #tpu.memory_space<semaphore_mem>>
      tpu.wait_indirect_dma semaphore(%dma_wait3A_112 : memref<!tpu.dma_semaphore, #tpu.memory_space<semaphore_mem>>) src(%dma_wait3A_104 : memref<128x64xf32, #tpu.memory_space<vmem>>) dst(%dma_wait3A_110 : memref<10240x64xf32, #tpu.memory_space<vmem_shared>>)
      %dma_wait3A_113 = arith.constant 4 : i32
      %dma_wait3A_114 = arith.constant 154 : i32
      %dma_wait3A_115 = arith.constant 4 : i32
      %dma_wait3A_116 = arith.constant 0 : i32
      %dma_wait3A_117 = arith.constant 0 : i32
      %dma_wait3A_118 = tpu.memref_slice %arg15[%dma_wait3A_113, %dma_wait3A_116, %dma_wait3A_117] : memref<6x128x64xf32, #tpu.memory_space<vmem>> -> memref<1x128x64xf32, #tpu.memory_space<vmem>>
      %dma_wait3A_119 = tpu.memref_squeeze %dma_wait3A_118 : memref<1x128x64xf32, #tpu.memory_space<vmem>> -> memref<128x64xf32, #tpu.memory_space<vmem>>
      %dma_wait3A_120 = arith.constant 0 : i32
      %dma_wait3A_121 = tpu.memref_slice %arg14[%dma_wait3A_114, %dma_wait3A_120] : memref<157x128xi32, #tpu.memory_space<vmem>> -> memref<1x128xi32, #tpu.memory_space<vmem>>
      %dma_wait3A_122 = tpu.memref_squeeze %dma_wait3A_121 : memref<1x128xi32, #tpu.memory_space<vmem>> -> memref<128xi32, #tpu.memory_space<vmem>>
      %dma_wait3A_123 = arith.constant 0 : i32
      %dma_wait3A_124 = arith.constant 0 : i32
      %dma_wait3A_125 = tpu.memref_slice %arg16[%dma_wait3A_123, %dma_wait3A_124] : memref<10240x64xf32, #tpu.memory_space<vmem_shared>> -> memref<10240x64xf32, #tpu.memory_space<vmem_shared>>
      %dma_wait3A_126 = tpu.memref_slice %arg18[%dma_wait3A_115] : memref<6x!tpu.dma_semaphore, #tpu.memory_space<semaphore_mem>> -> memref<1x!tpu.dma_semaphore, #tpu.memory_space<semaphore_mem>>
      %dma_wait3A_127 = tpu.memref_squeeze %dma_wait3A_126 : memref<1x!tpu.dma_semaphore, #tpu.memory_space<semaphore_mem>> -> memref<!tpu.dma_semaphore, #tpu.memory_space<semaphore_mem>>
      tpu.wait_indirect_dma semaphore(%dma_wait3A_127 : memref<!tpu.dma_semaphore, #tpu.memory_space<semaphore_mem>>) src(%dma_wait3A_119 : memref<128x64xf32, #tpu.memory_space<vmem>>) dst(%dma_wait3A_125 : memref<10240x64xf32, #tpu.memory_space<vmem_shared>>)
      %dma_wait3A_128 = arith.constant 5 : i32
      %dma_wait3A_129 = arith.constant 155 : i32
      %dma_wait3A_130 = arith.constant 5 : i32
      %dma_wait3A_131 = arith.constant 0 : i32
      %dma_wait3A_132 = arith.constant 0 : i32
      %dma_wait3A_133 = tpu.memref_slice %arg15[%dma_wait3A_128, %dma_wait3A_131, %dma_wait3A_132] : memref<6x128x64xf32, #tpu.memory_space<vmem>> -> memref<1x128x64xf32, #tpu.memory_space<vmem>>
      %dma_wait3A_134 = tpu.memref_squeeze %dma_wait3A_133 : memref<1x128x64xf32, #tpu.memory_space<vmem>> -> memref<128x64xf32, #tpu.memory_space<vmem>>
      %dma_wait3A_135 = arith.constant 0 : i32
      %dma_wait3A_136 = tpu.memref_slice %arg14[%dma_wait3A_129, %dma_wait3A_135] : memref<157x128xi32, #tpu.memory_space<vmem>> -> memref<1x128xi32, #tpu.memory_space<vmem>>
      %dma_wait3A_137 = tpu.memref_squeeze %dma_wait3A_136 : memref<1x128xi32, #tpu.memory_space<vmem>> -> memref<128xi32, #tpu.memory_space<vmem>>
      %dma_wait3A_138 = arith.constant 0 : i32
      %dma_wait3A_139 = arith.constant 0 : i32
      %dma_wait3A_140 = tpu.memref_slice %arg16[%dma_wait3A_138, %dma_wait3A_139] : memref<10240x64xf32, #tpu.memory_space<vmem_shared>> -> memref<10240x64xf32, #tpu.memory_space<vmem_shared>>
      %dma_wait3A_141 = tpu.memref_slice %arg18[%dma_wait3A_130] : memref<6x!tpu.dma_semaphore, #tpu.memory_space<semaphore_mem>> -> memref<1x!tpu.dma_semaphore, #tpu.memory_space<semaphore_mem>>
      %dma_wait3A_142 = tpu.memref_squeeze %dma_wait3A_141 : memref<1x!tpu.dma_semaphore, #tpu.memory_space<semaphore_mem>> -> memref<!tpu.dma_semaphore, #tpu.memory_space<semaphore_mem>>
      tpu.wait_indirect_dma semaphore(%dma_wait3A_142 : memref<!tpu.dma_semaphore, #tpu.memory_space<semaphore_mem>>) src(%dma_wait3A_134 : memref<128x64xf32, #tpu.memory_space<vmem>>) dst(%dma_wait3A_140 : memref<10240x64xf32, #tpu.memory_space<vmem_shared>>)
      %dma_wait3A_143 = arith.constant 0 : i32
      %dma_wait3A_144 = arith.constant 156 : i32
      %dma_wait3A_145 = arith.constant 0 : i32
      %dma_wait3A_146 = arith.constant 0 : i32
      %dma_wait3A_147 = arith.constant 0 : i32
      %dma_wait3A_148 = tpu.memref_slice %arg15[%dma_wait3A_143, %dma_wait3A_146, %dma_wait3A_147] : memref<6x128x64xf32, #tpu.memory_space<vmem>> -> memref<1x128x64xf32, #tpu.memory_space<vmem>>
      %dma_wait3A_149 = tpu.memref_squeeze %dma_wait3A_148 : memref<1x128x64xf32, #tpu.memory_space<vmem>> -> memref<128x64xf32, #tpu.memory_space<vmem>>
      %dma_wait3A_150 = arith.constant 0 : i32
      %dma_wait3A_151 = tpu.memref_slice %arg14[%dma_wait3A_144, %dma_wait3A_150] : memref<157x128xi32, #tpu.memory_space<vmem>> -> memref<1x128xi32, #tpu.memory_space<vmem>>
      %dma_wait3A_152 = tpu.memref_squeeze %dma_wait3A_151 : memref<1x128xi32, #tpu.memory_space<vmem>> -> memref<128xi32, #tpu.memory_space<vmem>>
      %dma_wait3A_153 = arith.constant 0 : i32
      %dma_wait3A_154 = arith.constant 0 : i32
      %dma_wait3A_155 = tpu.memref_slice %arg16[%dma_wait3A_153, %dma_wait3A_154] : memref<10240x64xf32, #tpu.memory_space<vmem_shared>> -> memref<10240x64xf32, #tpu.memory_space<vmem_shared>>
      %dma_wait3A_156 = tpu.memref_slice %arg18[%dma_wait3A_145] : memref<6x!tpu.dma_semaphore, #tpu.memory_space<semaphore_mem>> -> memref<1x!tpu.dma_semaphore, #tpu.memory_space<semaphore_mem>>
      %dma_wait3A_157 = tpu.memref_squeeze %dma_wait3A_156 : memref<1x!tpu.dma_semaphore, #tpu.memory_space<semaphore_mem>> -> memref<!tpu.dma_semaphore, #tpu.memory_space<semaphore_mem>>
      tpu.wait_indirect_dma semaphore(%dma_wait3A_157 : memref<!tpu.dma_semaphore, #tpu.memory_space<semaphore_mem>>) src(%dma_wait3A_149 : memref<128x64xf32, #tpu.memory_space<vmem>>) dst(%dma_wait3A_155 : memref<10240x64xf32, #tpu.memory_space<vmem_shared>>)
      %barrier3A_158 = arith.constant 0 : index
      tpu.barrier barrier_id(%barrier3A_158)
      %mul3A_159 = arith.constant 640 : i32
      %mul3A_160 = arith.muli %arg1, %mul3A_159 : i32
      %mul3A_161 = arith.constant 640 : i32
      %mul3A_162 = arith.muli %arg1, %mul3A_161 : i32
      "tpu.region"() ({
        %run_scoped3A = tpu.sem_alloc : memref<!tpu.dma_semaphore, #tpu.memory_space<semaphore_mem>>
        %dma_start3A_164 = arith.constant 0 : i32
        %dma_start3A_165 = tpu.memref_slice %arg10[%mul3A_162, %dma_start3A_164] : memref<10240x64xf32, #tpu.memory_space<hbm>> -> memref<640x64xf32, #tpu.memory_space<hbm>>
        %dma_start3A_166 = arith.constant 0 : i32
        %dma_start3A_167 = tpu.memref_slice %arg16[%mul3A_160, %dma_start3A_166] : memref<10240x64xf32, #tpu.memory_space<vmem_shared>> -> memref<640x64xf32, #tpu.memory_space<vmem_shared>>
        tpu.enqueue_dma source(%dma_start3A_167 : memref<640x64xf32, #tpu.memory_space<vmem_shared>>) target(%dma_start3A_165 : memref<640x64xf32, #tpu.memory_space<hbm>>) target_semaphore(%run_scoped3A : memref<!tpu.dma_semaphore, #tpu.memory_space<semaphore_mem>>)
        %dma_wait3A_168 = arith.constant 0 : i32
        %dma_wait3A_169 = tpu.memref_slice %arg10[%mul3A_162, %dma_wait3A_168] : memref<10240x64xf32, #tpu.memory_space<hbm>> -> memref<640x64xf32, #tpu.memory_space<hbm>>
        %dma_wait3A_170 = arith.constant 0 : i32
        %dma_wait3A_171 = tpu.memref_slice %arg16[%mul3A_160, %dma_wait3A_170] : memref<10240x64xf32, #tpu.memory_space<vmem_shared>> -> memref<640x64xf32, #tpu.memory_space<vmem_shared>>
        tpu.wait_dma2 semaphore(%run_scoped3A : memref<!tpu.dma_semaphore, #tpu.memory_space<semaphore_mem>>) src(%dma_wait3A_171 : memref<640x64xf32, #tpu.memory_space<vmem_shared>>) dst(%dma_wait3A_169 : memref<640x64xf32, #tpu.memory_space<hbm>>)
        tpu.yield
      }) : () -> ()
      %barrier3A_163 = arith.constant 0 : index
      tpu.barrier barrier_id(%barrier3A_163)
    } else {
    }
    %eq3A_7 = arith.constant 1 : i32
    %eq3A_8 = arith.cmpi eq, %arg0, %eq3A_7 : i32
    %convert_element_type3A_9 = arith.extui %eq3A_8 : i1 to i32
    %cond3A_10 = arith.constant 0 : i32
    %cond3A_11 = arith.cmpi ne, %convert_element_type3A_9, %cond3A_10 : i32
    scf.if %cond3A_11 {
      %mul3A = arith.constant 640 : i32
      %mul3A_17 = arith.muli %arg1, %mul3A : i32
      %mul3A_18 = arith.constant 640 : i32
      %mul3A_19 = arith.muli %arg1, %mul3A_18 : i32
      "tpu.region"() ({
        %run_scoped3A = tpu.sem_alloc : memref<!tpu.dma_semaphore, #tpu.memory_space<semaphore_mem>>
        %dma_start3A_164 = arith.constant 0 : i32
        %dma_start3A_165 = tpu.memref_slice %arg16[%mul3A_19, %dma_start3A_164] : memref<10240x64xf32, #tpu.memory_space<vmem_shared>> -> memref<640x64xf32, #tpu.memory_space<vmem_shared>>
        %dma_start3A_166 = arith.constant 0 : i32
        %dma_start3A_167 = tpu.memref_slice %arg4[%mul3A_17, %dma_start3A_166] : memref<10240x64xf32, #tpu.memory_space<hbm>> -> memref<640x64xf32, #tpu.memory_space<hbm>>
        tpu.enqueue_dma source(%dma_start3A_167 : memref<640x64xf32, #tpu.memory_space<hbm>>) target(%dma_start3A_165 : memref<640x64xf32, #tpu.memory_space<vmem_shared>>) target_semaphore(%run_scoped3A : memref<!tpu.dma_semaphore, #tpu.memory_space<semaphore_mem>>)
        %dma_wait3A_168 = arith.constant 0 : i32
        %dma_wait3A_169 = tpu.memref_slice %arg16[%mul3A_19, %dma_wait3A_168] : memref<10240x64xf32, #tpu.memory_space<vmem_shared>> -> memref<640x64xf32, #tpu.memory_space<vmem_shared>>
        %dma_wait3A_170 = arith.constant 0 : i32
        %dma_wait3A_171 = tpu.memref_slice %arg4[%mul3A_17, %dma_wait3A_170] : memref<10240x64xf32, #tpu.memory_space<hbm>> -> memref<640x64xf32, #tpu.memory_space<hbm>>
        tpu.wait_dma2 semaphore(%run_scoped3A : memref<!tpu.dma_semaphore, #tpu.memory_space<semaphore_mem>>) src(%dma_wait3A_171 : memref<640x64xf32, #tpu.memory_space<hbm>>) dst(%dma_wait3A_169 : memref<640x64xf32, #tpu.memory_space<vmem_shared>>)
        tpu.yield
      }) : () -> ()
      %barrier3A = arith.constant 0 : index
      tpu.barrier barrier_id(%barrier3A)
      %dma_start3A = arith.constant 0 : i32
      %dma_start3A_20 = arith.constant 0 : i32
      %dma_start3A_21 = arith.constant 0 : i32
      %dma_start3A_22 = arith.constant 0 : i32
      %dma_start3A_23 = arith.constant 0 : i32
      %dma_start3A_24 = tpu.memref_slice %arg15[%dma_start3A_20, %dma_start3A_22, %dma_start3A_23] : memref<6x128x64xf32, #tpu.memory_space<vmem>> -> memref<1x128x64xf32, #tpu.memory_space<vmem>>
      %dma_start3A_25 = tpu.memref_squeeze %dma_start3A_24 : memref<1x128x64xf32, #tpu.memory_space<vmem>> -> memref<128x64xf32, #tpu.memory_space<vmem>>
      %dma_start3A_26 = arith.constant 0 : i32
      %dma_start3A_27 = tpu.memref_slice %arg13[%dma_start3A, %dma_start3A_26] : memref<157x128xi32, #tpu.memory_space<vmem>> -> memref<1x128xi32, #tpu.memory_space<vmem>>
      %dma_start3A_28 = tpu.memref_squeeze %dma_start3A_27 : memref<1x128xi32, #tpu.memory_space<vmem>> -> memref<128xi32, #tpu.memory_space<vmem>>
      %dma_start3A_29 = arith.constant 0 : i32
      %dma_start3A_30 = arith.constant 0 : i32
      %dma_start3A_31 = tpu.memref_slice %arg7[%dma_start3A_29, %dma_start3A_30] : memref<10240x64xf32, #tpu.memory_space<hbm>> -> memref<10240x64xf32, #tpu.memory_space<hbm>>
      %dma_start3A_32 = tpu.memref_slice %arg17[%dma_start3A_21] : memref<6x!tpu.dma_semaphore, #tpu.memory_space<semaphore_mem>> -> memref<1x!tpu.dma_semaphore, #tpu.memory_space<semaphore_mem>>
      %dma_start3A_33 = tpu.memref_squeeze %dma_start3A_32 : memref<1x!tpu.dma_semaphore, #tpu.memory_space<semaphore_mem>> -> memref<!tpu.dma_semaphore, #tpu.memory_space<semaphore_mem>>
      tpu.enqueue_indirect_dma source(%dma_start3A_31 : memref<10240x64xf32, #tpu.memory_space<hbm>>) target(%dma_start3A_25 : memref<128x64xf32, #tpu.memory_space<vmem>>) offsets(%dma_start3A_28 : memref<128xi32, #tpu.memory_space<vmem>>) semaphore(%dma_start3A_33 : memref<!tpu.dma_semaphore, #tpu.memory_space<semaphore_mem>>)
      %dma_start3A_34 = arith.constant 1 : i32
      %dma_start3A_35 = arith.constant 1 : i32
      %dma_start3A_36 = arith.constant 1 : i32
      %dma_start3A_37 = arith.constant 0 : i32
      %dma_start3A_38 = arith.constant 0 : i32
      %dma_start3A_39 = tpu.memref_slice %arg15[%dma_start3A_35, %dma_start3A_37, %dma_start3A_38] : memref<6x128x64xf32, #tpu.memory_space<vmem>> -> memref<1x128x64xf32, #tpu.memory_space<vmem>>
      %dma_start3A_40 = tpu.memref_squeeze %dma_start3A_39 : memref<1x128x64xf32, #tpu.memory_space<vmem>> -> memref<128x64xf32, #tpu.memory_space<vmem>>
      %dma_start3A_41 = arith.constant 0 : i32
      %dma_start3A_42 = tpu.memref_slice %arg13[%dma_start3A_34, %dma_start3A_41] : memref<157x128xi32, #tpu.memory_space<vmem>> -> memref<1x128xi32, #tpu.memory_space<vmem>>
      %dma_start3A_43 = tpu.memref_squeeze %dma_start3A_42 : memref<1x128xi32, #tpu.memory_space<vmem>> -> memref<128xi32, #tpu.memory_space<vmem>>
      %dma_start3A_44 = arith.constant 0 : i32
      %dma_start3A_45 = arith.constant 0 : i32
      %dma_start3A_46 = tpu.memref_slice %arg7[%dma_start3A_44, %dma_start3A_45] : memref<10240x64xf32, #tpu.memory_space<hbm>> -> memref<10240x64xf32, #tpu.memory_space<hbm>>
      %dma_start3A_47 = tpu.memref_slice %arg17[%dma_start3A_36] : memref<6x!tpu.dma_semaphore, #tpu.memory_space<semaphore_mem>> -> memref<1x!tpu.dma_semaphore, #tpu.memory_space<semaphore_mem>>
      %dma_start3A_48 = tpu.memref_squeeze %dma_start3A_47 : memref<1x!tpu.dma_semaphore, #tpu.memory_space<semaphore_mem>> -> memref<!tpu.dma_semaphore, #tpu.memory_space<semaphore_mem>>
      tpu.enqueue_indirect_dma source(%dma_start3A_46 : memref<10240x64xf32, #tpu.memory_space<hbm>>) target(%dma_start3A_40 : memref<128x64xf32, #tpu.memory_space<vmem>>) offsets(%dma_start3A_43 : memref<128xi32, #tpu.memory_space<vmem>>) semaphore(%dma_start3A_48 : memref<!tpu.dma_semaphore, #tpu.memory_space<semaphore_mem>>)
      %dma_start3A_49 = arith.constant 2 : i32
      %dma_start3A_50 = arith.constant 2 : i32
      %dma_start3A_51 = arith.constant 2 : i32
      %dma_start3A_52 = arith.constant 0 : i32
      %dma_start3A_53 = arith.constant 0 : i32
      %dma_start3A_54 = tpu.memref_slice %arg15[%dma_start3A_50, %dma_start3A_52, %dma_start3A_53] : memref<6x128x64xf32, #tpu.memory_space<vmem>> -> memref<1x128x64xf32, #tpu.memory_space<vmem>>
      %dma_start3A_55 = tpu.memref_squeeze %dma_start3A_54 : memref<1x128x64xf32, #tpu.memory_space<vmem>> -> memref<128x64xf32, #tpu.memory_space<vmem>>
      %dma_start3A_56 = arith.constant 0 : i32
      %dma_start3A_57 = tpu.memref_slice %arg13[%dma_start3A_49, %dma_start3A_56] : memref<157x128xi32, #tpu.memory_space<vmem>> -> memref<1x128xi32, #tpu.memory_space<vmem>>
      %dma_start3A_58 = tpu.memref_squeeze %dma_start3A_57 : memref<1x128xi32, #tpu.memory_space<vmem>> -> memref<128xi32, #tpu.memory_space<vmem>>
      %dma_start3A_59 = arith.constant 0 : i32
      %dma_start3A_60 = arith.constant 0 : i32
      %dma_start3A_61 = tpu.memref_slice %arg7[%dma_start3A_59, %dma_start3A_60] : memref<10240x64xf32, #tpu.memory_space<hbm>> -> memref<10240x64xf32, #tpu.memory_space<hbm>>
      %dma_start3A_62 = tpu.memref_slice %arg17[%dma_start3A_51] : memref<6x!tpu.dma_semaphore, #tpu.memory_space<semaphore_mem>> -> memref<1x!tpu.dma_semaphore, #tpu.memory_space<semaphore_mem>>
      %dma_start3A_63 = tpu.memref_squeeze %dma_start3A_62 : memref<1x!tpu.dma_semaphore, #tpu.memory_space<semaphore_mem>> -> memref<!tpu.dma_semaphore, #tpu.memory_space<semaphore_mem>>
      tpu.enqueue_indirect_dma source(%dma_start3A_61 : memref<10240x64xf32, #tpu.memory_space<hbm>>) target(%dma_start3A_55 : memref<128x64xf32, #tpu.memory_space<vmem>>) offsets(%dma_start3A_58 : memref<128xi32, #tpu.memory_space<vmem>>) semaphore(%dma_start3A_63 : memref<!tpu.dma_semaphore, #tpu.memory_space<semaphore_mem>>)
      %scan3A = arith.constant 0 : i32
      %scan3A_64 = arith.constant 0 : i32
      %scan3A_65 = arith.constant 157 : i32
      %scan3A_66 = arith.addi %scan3A_64, %scan3A_65 : i32
      %scan3A_67 = arith.constant 1 : i32
      scf.for %scan3A_164 = %scan3A_64 to %scan3A_66 step %scan3A_67  : i32 {
        %rem3A = arith.constant 6 : i32
        %rem3A_165 = arith.remsi %scan3A_164, %rem3A : i32
        %add3A = arith.constant 3 : i32
        %add3A_166 = arith.addi %scan3A_164, %add3A : i32
        %rem3A_167 = arith.constant 6 : i32
        %rem3A_168 = arith.remsi %add3A_166, %rem3A_167 : i32
        %add3A_169 = arith.constant 3 : i32
        %add3A_170 = arith.addi %scan3A_164, %add3A_169 : i32
        %lt3A = arith.constant 157 : i32
        %lt3A_171 = arith.cmpi slt, %add3A_170, %lt3A : i32
        %convert_element_type3A_172 = arith.extui %lt3A_171 : i1 to i32
        %cond3A_173 = arith.constant 0 : i32
        %cond3A_174 = arith.cmpi ne, %convert_element_type3A_172, %cond3A_173 : i32
        scf.if %cond3A_174 {
          %ge3A = arith.constant 3 : i32
          %ge3A_199 = arith.cmpi sge, %scan3A_164, %ge3A : i32
          %convert_element_type3A_200 = arith.extui %ge3A_199 : i1 to i32
          %cond3A_201 = arith.constant 0 : i32
          %cond3A_202 = arith.cmpi ne, %convert_element_type3A_200, %cond3A_201 : i32
          scf.if %cond3A_202 {
            %sub3A = arith.constant 3 : i32
            %sub3A_217 = arith.subi %scan3A_164, %sub3A : i32
            %dma_wait3A_218 = arith.constant 0 : i32
            %dma_wait3A_219 = arith.constant 0 : i32
            %dma_wait3A_220 = tpu.memref_slice %arg15[%rem3A_168, %dma_wait3A_218, %dma_wait3A_219] : memref<6x128x64xf32, #tpu.memory_space<vmem>> -> memref<1x128x64xf32, #tpu.memory_space<vmem>>
            %dma_wait3A_221 = tpu.memref_squeeze %dma_wait3A_220 : memref<1x128x64xf32, #tpu.memory_space<vmem>> -> memref<128x64xf32, #tpu.memory_space<vmem>>
            %dma_wait3A_222 = arith.constant 0 : i32
            %dma_wait3A_223 = tpu.memref_slice %arg14[%sub3A_217, %dma_wait3A_222] : memref<157x128xi32, #tpu.memory_space<vmem>> -> memref<1x128xi32, #tpu.memory_space<vmem>>
            %dma_wait3A_224 = tpu.memref_squeeze %dma_wait3A_223 : memref<1x128xi32, #tpu.memory_space<vmem>> -> memref<128xi32, #tpu.memory_space<vmem>>
            %dma_wait3A_225 = arith.constant 0 : i32
            %dma_wait3A_226 = arith.constant 0 : i32
            %dma_wait3A_227 = tpu.memref_slice %arg16[%dma_wait3A_225, %dma_wait3A_226] : memref<10240x64xf32, #tpu.memory_space<vmem_shared>> -> memref<10240x64xf32, #tpu.memory_space<vmem_shared>>
            %dma_wait3A_228 = tpu.memref_slice %arg18[%rem3A_168] : memref<6x!tpu.dma_semaphore, #tpu.memory_space<semaphore_mem>> -> memref<1x!tpu.dma_semaphore, #tpu.memory_space<semaphore_mem>>
            %dma_wait3A_229 = tpu.memref_squeeze %dma_wait3A_228 : memref<1x!tpu.dma_semaphore, #tpu.memory_space<semaphore_mem>> -> memref<!tpu.dma_semaphore, #tpu.memory_space<semaphore_mem>>
            tpu.wait_indirect_dma semaphore(%dma_wait3A_229 : memref<!tpu.dma_semaphore, #tpu.memory_space<semaphore_mem>>) src(%dma_wait3A_221 : memref<128x64xf32, #tpu.memory_space<vmem>>) dst(%dma_wait3A_227 : memref<10240x64xf32, #tpu.memory_space<vmem_shared>>)
          } else {
          }
          %add3A_203 = arith.constant 3 : i32
          %add3A_204 = arith.addi %scan3A_164, %add3A_203 : i32
          %dma_start3A_205 = arith.constant 0 : i32
          %dma_start3A_206 = arith.constant 0 : i32
          %dma_start3A_207 = tpu.memref_slice %arg15[%rem3A_168, %dma_start3A_205, %dma_start3A_206] : memref<6x128x64xf32, #tpu.memory_space<vmem>> -> memref<1x128x64xf32, #tpu.memory_space<vmem>>
          %dma_start3A_208 = tpu.memref_squeeze %dma_start3A_207 : memref<1x128x64xf32, #tpu.memory_space<vmem>> -> memref<128x64xf32, #tpu.memory_space<vmem>>
          %dma_start3A_209 = arith.constant 0 : i32
          %dma_start3A_210 = tpu.memref_slice %arg13[%add3A_204, %dma_start3A_209] : memref<157x128xi32, #tpu.memory_space<vmem>> -> memref<1x128xi32, #tpu.memory_space<vmem>>
          %dma_start3A_211 = tpu.memref_squeeze %dma_start3A_210 : memref<1x128xi32, #tpu.memory_space<vmem>> -> memref<128xi32, #tpu.memory_space<vmem>>
          %dma_start3A_212 = arith.constant 0 : i32
          %dma_start3A_213 = arith.constant 0 : i32
          %dma_start3A_214 = tpu.memref_slice %arg7[%dma_start3A_212, %dma_start3A_213] : memref<10240x64xf32, #tpu.memory_space<hbm>> -> memref<10240x64xf32, #tpu.memory_space<hbm>>
          %dma_start3A_215 = tpu.memref_slice %arg17[%rem3A_168] : memref<6x!tpu.dma_semaphore, #tpu.memory_space<semaphore_mem>> -> memref<1x!tpu.dma_semaphore, #tpu.memory_space<semaphore_mem>>
          %dma_start3A_216 = tpu.memref_squeeze %dma_start3A_215 : memref<1x!tpu.dma_semaphore, #tpu.memory_space<semaphore_mem>> -> memref<!tpu.dma_semaphore, #tpu.memory_space<semaphore_mem>>
          tpu.enqueue_indirect_dma source(%dma_start3A_214 : memref<10240x64xf32, #tpu.memory_space<hbm>>) target(%dma_start3A_208 : memref<128x64xf32, #tpu.memory_space<vmem>>) offsets(%dma_start3A_211 : memref<128xi32, #tpu.memory_space<vmem>>) semaphore(%dma_start3A_216 : memref<!tpu.dma_semaphore, #tpu.memory_space<semaphore_mem>>)
        } else {
        }
        %dma_wait3A_175 = arith.constant 0 : i32
        %dma_wait3A_176 = arith.constant 0 : i32
        %dma_wait3A_177 = tpu.memref_slice %arg15[%rem3A_165, %dma_wait3A_175, %dma_wait3A_176] : memref<6x128x64xf32, #tpu.memory_space<vmem>> -> memref<1x128x64xf32, #tpu.memory_space<vmem>>
        %dma_wait3A_178 = tpu.memref_squeeze %dma_wait3A_177 : memref<1x128x64xf32, #tpu.memory_space<vmem>> -> memref<128x64xf32, #tpu.memory_space<vmem>>
        %dma_wait3A_179 = arith.constant 0 : i32
        %dma_wait3A_180 = tpu.memref_slice %arg13[%scan3A_164, %dma_wait3A_179] : memref<157x128xi32, #tpu.memory_space<vmem>> -> memref<1x128xi32, #tpu.memory_space<vmem>>
        %dma_wait3A_181 = tpu.memref_squeeze %dma_wait3A_180 : memref<1x128xi32, #tpu.memory_space<vmem>> -> memref<128xi32, #tpu.memory_space<vmem>>
        %dma_wait3A_182 = arith.constant 0 : i32
        %dma_wait3A_183 = arith.constant 0 : i32
        %dma_wait3A_184 = tpu.memref_slice %arg7[%dma_wait3A_182, %dma_wait3A_183] : memref<10240x64xf32, #tpu.memory_space<hbm>> -> memref<10240x64xf32, #tpu.memory_space<hbm>>
        %dma_wait3A_185 = tpu.memref_slice %arg17[%rem3A_165] : memref<6x!tpu.dma_semaphore, #tpu.memory_space<semaphore_mem>> -> memref<1x!tpu.dma_semaphore, #tpu.memory_space<semaphore_mem>>
        %dma_wait3A_186 = tpu.memref_squeeze %dma_wait3A_185 : memref<1x!tpu.dma_semaphore, #tpu.memory_space<semaphore_mem>> -> memref<!tpu.dma_semaphore, #tpu.memory_space<semaphore_mem>>
        tpu.wait_indirect_dma semaphore(%dma_wait3A_186 : memref<!tpu.dma_semaphore, #tpu.memory_space<semaphore_mem>>) src(%dma_wait3A_184 : memref<10240x64xf32, #tpu.memory_space<hbm>>) dst(%dma_wait3A_178 : memref<128x64xf32, #tpu.memory_space<vmem>>)
        %dma_start3A_187 = arith.constant 0 : i32
        %dma_start3A_188 = arith.constant 0 : i32
        %dma_start3A_189 = tpu.memref_slice %arg15[%rem3A_165, %dma_start3A_187, %dma_start3A_188] : memref<6x128x64xf32, #tpu.memory_space<vmem>> -> memref<1x128x64xf32, #tpu.memory_space<vmem>>
        %dma_start3A_190 = tpu.memref_squeeze %dma_start3A_189 : memref<1x128x64xf32, #tpu.memory_space<vmem>> -> memref<128x64xf32, #tpu.memory_space<vmem>>
        %dma_start3A_191 = arith.constant 0 : i32
        %dma_start3A_192 = tpu.memref_slice %arg14[%scan3A_164, %dma_start3A_191] : memref<157x128xi32, #tpu.memory_space<vmem>> -> memref<1x128xi32, #tpu.memory_space<vmem>>
        %dma_start3A_193 = tpu.memref_squeeze %dma_start3A_192 : memref<1x128xi32, #tpu.memory_space<vmem>> -> memref<128xi32, #tpu.memory_space<vmem>>
        %dma_start3A_194 = arith.constant 0 : i32
        %dma_start3A_195 = arith.constant 0 : i32
        %dma_start3A_196 = tpu.memref_slice %arg16[%dma_start3A_194, %dma_start3A_195] : memref<10240x64xf32, #tpu.memory_space<vmem_shared>> -> memref<10240x64xf32, #tpu.memory_space<vmem_shared>>
        %dma_start3A_197 = tpu.memref_slice %arg18[%rem3A_165] : memref<6x!tpu.dma_semaphore, #tpu.memory_space<semaphore_mem>> -> memref<1x!tpu.dma_semaphore, #tpu.memory_space<semaphore_mem>>
        %dma_start3A_198 = tpu.memref_squeeze %dma_start3A_197 : memref<1x!tpu.dma_semaphore, #tpu.memory_space<semaphore_mem>> -> memref<!tpu.dma_semaphore, #tpu.memory_space<semaphore_mem>>
        tpu.enqueue_indirect_dma source(%dma_start3A_190 : memref<128x64xf32, #tpu.memory_space<vmem>>) target(%dma_start3A_196 : memref<10240x64xf32, #tpu.memory_space<vmem_shared>>) offsets(%dma_start3A_193 : memref<128xi32, #tpu.memory_space<vmem>>) semaphore(%dma_start3A_198 : memref<!tpu.dma_semaphore, #tpu.memory_space<semaphore_mem>>) {add = true}
      }
      %scan3A_68 = arith.constant 157 : i32
      %dma_wait3A = arith.constant 1 : i32
      %dma_wait3A_69 = arith.constant 151 : i32
      %dma_wait3A_70 = arith.constant 1 : i32
      %dma_wait3A_71 = arith.constant 0 : i32
      %dma_wait3A_72 = arith.constant 0 : i32
      %dma_wait3A_73 = tpu.memref_slice %arg15[%dma_wait3A, %dma_wait3A_71, %dma_wait3A_72] : memref<6x128x64xf32, #tpu.memory_space<vmem>> -> memref<1x128x64xf32, #tpu.memory_space<vmem>>
      %dma_wait3A_74 = tpu.memref_squeeze %dma_wait3A_73 : memref<1x128x64xf32, #tpu.memory_space<vmem>> -> memref<128x64xf32, #tpu.memory_space<vmem>>
      %dma_wait3A_75 = arith.constant 0 : i32
      %dma_wait3A_76 = tpu.memref_slice %arg14[%dma_wait3A_69, %dma_wait3A_75] : memref<157x128xi32, #tpu.memory_space<vmem>> -> memref<1x128xi32, #tpu.memory_space<vmem>>
      %dma_wait3A_77 = tpu.memref_squeeze %dma_wait3A_76 : memref<1x128xi32, #tpu.memory_space<vmem>> -> memref<128xi32, #tpu.memory_space<vmem>>
      %dma_wait3A_78 = arith.constant 0 : i32
      %dma_wait3A_79 = arith.constant 0 : i32
      %dma_wait3A_80 = tpu.memref_slice %arg16[%dma_wait3A_78, %dma_wait3A_79] : memref<10240x64xf32, #tpu.memory_space<vmem_shared>> -> memref<10240x64xf32, #tpu.memory_space<vmem_shared>>
      %dma_wait3A_81 = tpu.memref_slice %arg18[%dma_wait3A_70] : memref<6x!tpu.dma_semaphore, #tpu.memory_space<semaphore_mem>> -> memref<1x!tpu.dma_semaphore, #tpu.memory_space<semaphore_mem>>
      %dma_wait3A_82 = tpu.memref_squeeze %dma_wait3A_81 : memref<1x!tpu.dma_semaphore, #tpu.memory_space<semaphore_mem>> -> memref<!tpu.dma_semaphore, #tpu.memory_space<semaphore_mem>>
      tpu.wait_indirect_dma semaphore(%dma_wait3A_82 : memref<!tpu.dma_semaphore, #tpu.memory_space<semaphore_mem>>) src(%dma_wait3A_74 : memref<128x64xf32, #tpu.memory_space<vmem>>) dst(%dma_wait3A_80 : memref<10240x64xf32, #tpu.memory_space<vmem_shared>>)
      %dma_wait3A_83 = arith.constant 2 : i32
      %dma_wait3A_84 = arith.constant 152 : i32
      %dma_wait3A_85 = arith.constant 2 : i32
      %dma_wait3A_86 = arith.constant 0 : i32
      %dma_wait3A_87 = arith.constant 0 : i32
      %dma_wait3A_88 = tpu.memref_slice %arg15[%dma_wait3A_83, %dma_wait3A_86, %dma_wait3A_87] : memref<6x128x64xf32, #tpu.memory_space<vmem>> -> memref<1x128x64xf32, #tpu.memory_space<vmem>>
      %dma_wait3A_89 = tpu.memref_squeeze %dma_wait3A_88 : memref<1x128x64xf32, #tpu.memory_space<vmem>> -> memref<128x64xf32, #tpu.memory_space<vmem>>
      %dma_wait3A_90 = arith.constant 0 : i32
      %dma_wait3A_91 = tpu.memref_slice %arg14[%dma_wait3A_84, %dma_wait3A_90] : memref<157x128xi32, #tpu.memory_space<vmem>> -> memref<1x128xi32, #tpu.memory_space<vmem>>
      %dma_wait3A_92 = tpu.memref_squeeze %dma_wait3A_91 : memref<1x128xi32, #tpu.memory_space<vmem>> -> memref<128xi32, #tpu.memory_space<vmem>>
      %dma_wait3A_93 = arith.constant 0 : i32
      %dma_wait3A_94 = arith.constant 0 : i32
      %dma_wait3A_95 = tpu.memref_slice %arg16[%dma_wait3A_93, %dma_wait3A_94] : memref<10240x64xf32, #tpu.memory_space<vmem_shared>> -> memref<10240x64xf32, #tpu.memory_space<vmem_shared>>
      %dma_wait3A_96 = tpu.memref_slice %arg18[%dma_wait3A_85] : memref<6x!tpu.dma_semaphore, #tpu.memory_space<semaphore_mem>> -> memref<1x!tpu.dma_semaphore, #tpu.memory_space<semaphore_mem>>
      %dma_wait3A_97 = tpu.memref_squeeze %dma_wait3A_96 : memref<1x!tpu.dma_semaphore, #tpu.memory_space<semaphore_mem>> -> memref<!tpu.dma_semaphore, #tpu.memory_space<semaphore_mem>>
      tpu.wait_indirect_dma semaphore(%dma_wait3A_97 : memref<!tpu.dma_semaphore, #tpu.memory_space<semaphore_mem>>) src(%dma_wait3A_89 : memref<128x64xf32, #tpu.memory_space<vmem>>) dst(%dma_wait3A_95 : memref<10240x64xf32, #tpu.memory_space<vmem_shared>>)
      %dma_wait3A_98 = arith.constant 3 : i32
      %dma_wait3A_99 = arith.constant 153 : i32
      %dma_wait3A_100 = arith.constant 3 : i32
      %dma_wait3A_101 = arith.constant 0 : i32
      %dma_wait3A_102 = arith.constant 0 : i32
      %dma_wait3A_103 = tpu.memref_slice %arg15[%dma_wait3A_98, %dma_wait3A_101, %dma_wait3A_102] : memref<6x128x64xf32, #tpu.memory_space<vmem>> -> memref<1x128x64xf32, #tpu.memory_space<vmem>>
      %dma_wait3A_104 = tpu.memref_squeeze %dma_wait3A_103 : memref<1x128x64xf32, #tpu.memory_space<vmem>> -> memref<128x64xf32, #tpu.memory_space<vmem>>
      %dma_wait3A_105 = arith.constant 0 : i32
      %dma_wait3A_106 = tpu.memref_slice %arg14[%dma_wait3A_99, %dma_wait3A_105] : memref<157x128xi32, #tpu.memory_space<vmem>> -> memref<1x128xi32, #tpu.memory_space<vmem>>
      %dma_wait3A_107 = tpu.memref_squeeze %dma_wait3A_106 : memref<1x128xi32, #tpu.memory_space<vmem>> -> memref<128xi32, #tpu.memory_space<vmem>>
      %dma_wait3A_108 = arith.constant 0 : i32
      %dma_wait3A_109 = arith.constant 0 : i32
      %dma_wait3A_110 = tpu.memref_slice %arg16[%dma_wait3A_108, %dma_wait3A_109] : memref<10240x64xf32, #tpu.memory_space<vmem_shared>> -> memref<10240x64xf32, #tpu.memory_space<vmem_shared>>
      %dma_wait3A_111 = tpu.memref_slice %arg18[%dma_wait3A_100] : memref<6x!tpu.dma_semaphore, #tpu.memory_space<semaphore_mem>> -> memref<1x!tpu.dma_semaphore, #tpu.memory_space<semaphore_mem>>
      %dma_wait3A_112 = tpu.memref_squeeze %dma_wait3A_111 : memref<1x!tpu.dma_semaphore, #tpu.memory_space<semaphore_mem>> -> memref<!tpu.dma_semaphore, #tpu.memory_space<semaphore_mem>>
      tpu.wait_indirect_dma semaphore(%dma_wait3A_112 : memref<!tpu.dma_semaphore, #tpu.memory_space<semaphore_mem>>) src(%dma_wait3A_104 : memref<128x64xf32, #tpu.memory_space<vmem>>) dst(%dma_wait3A_110 : memref<10240x64xf32, #tpu.memory_space<vmem_shared>>)
      %dma_wait3A_113 = arith.constant 4 : i32
      %dma_wait3A_114 = arith.constant 154 : i32
      %dma_wait3A_115 = arith.constant 4 : i32
      %dma_wait3A_116 = arith.constant 0 : i32
      %dma_wait3A_117 = arith.constant 0 : i32
      %dma_wait3A_118 = tpu.memref_slice %arg15[%dma_wait3A_113, %dma_wait3A_116, %dma_wait3A_117] : memref<6x128x64xf32, #tpu.memory_space<vmem>> -> memref<1x128x64xf32, #tpu.memory_space<vmem>>
      %dma_wait3A_119 = tpu.memref_squeeze %dma_wait3A_118 : memref<1x128x64xf32, #tpu.memory_space<vmem>> -> memref<128x64xf32, #tpu.memory_space<vmem>>
      %dma_wait3A_120 = arith.constant 0 : i32
      %dma_wait3A_121 = tpu.memref_slice %arg14[%dma_wait3A_114, %dma_wait3A_120] : memref<157x128xi32, #tpu.memory_space<vmem>> -> memref<1x128xi32, #tpu.memory_space<vmem>>
      %dma_wait3A_122 = tpu.memref_squeeze %dma_wait3A_121 : memref<1x128xi32, #tpu.memory_space<vmem>> -> memref<128xi32, #tpu.memory_space<vmem>>
      %dma_wait3A_123 = arith.constant 0 : i32
      %dma_wait3A_124 = arith.constant 0 : i32
      %dma_wait3A_125 = tpu.memref_slice %arg16[%dma_wait3A_123, %dma_wait3A_124] : memref<10240x64xf32, #tpu.memory_space<vmem_shared>> -> memref<10240x64xf32, #tpu.memory_space<vmem_shared>>
      %dma_wait3A_126 = tpu.memref_slice %arg18[%dma_wait3A_115] : memref<6x!tpu.dma_semaphore, #tpu.memory_space<semaphore_mem>> -> memref<1x!tpu.dma_semaphore, #tpu.memory_space<semaphore_mem>>
      %dma_wait3A_127 = tpu.memref_squeeze %dma_wait3A_126 : memref<1x!tpu.dma_semaphore, #tpu.memory_space<semaphore_mem>> -> memref<!tpu.dma_semaphore, #tpu.memory_space<semaphore_mem>>
      tpu.wait_indirect_dma semaphore(%dma_wait3A_127 : memref<!tpu.dma_semaphore, #tpu.memory_space<semaphore_mem>>) src(%dma_wait3A_119 : memref<128x64xf32, #tpu.memory_space<vmem>>) dst(%dma_wait3A_125 : memref<10240x64xf32, #tpu.memory_space<vmem_shared>>)
      %dma_wait3A_128 = arith.constant 5 : i32
      %dma_wait3A_129 = arith.constant 155 : i32
      %dma_wait3A_130 = arith.constant 5 : i32
      %dma_wait3A_131 = arith.constant 0 : i32
      %dma_wait3A_132 = arith.constant 0 : i32
      %dma_wait3A_133 = tpu.memref_slice %arg15[%dma_wait3A_128, %dma_wait3A_131, %dma_wait3A_132] : memref<6x128x64xf32, #tpu.memory_space<vmem>> -> memref<1x128x64xf32, #tpu.memory_space<vmem>>
      %dma_wait3A_134 = tpu.memref_squeeze %dma_wait3A_133 : memref<1x128x64xf32, #tpu.memory_space<vmem>> -> memref<128x64xf32, #tpu.memory_space<vmem>>
      %dma_wait3A_135 = arith.constant 0 : i32
      %dma_wait3A_136 = tpu.memref_slice %arg14[%dma_wait3A_129, %dma_wait3A_135] : memref<157x128xi32, #tpu.memory_space<vmem>> -> memref<1x128xi32, #tpu.memory_space<vmem>>
      %dma_wait3A_137 = tpu.memref_squeeze %dma_wait3A_136 : memref<1x128xi32, #tpu.memory_space<vmem>> -> memref<128xi32, #tpu.memory_space<vmem>>
      %dma_wait3A_138 = arith.constant 0 : i32
      %dma_wait3A_139 = arith.constant 0 : i32
      %dma_wait3A_140 = tpu.memref_slice %arg16[%dma_wait3A_138, %dma_wait3A_139] : memref<10240x64xf32, #tpu.memory_space<vmem_shared>> -> memref<10240x64xf32, #tpu.memory_space<vmem_shared>>
      %dma_wait3A_141 = tpu.memref_slice %arg18[%dma_wait3A_130] : memref<6x!tpu.dma_semaphore, #tpu.memory_space<semaphore_mem>> -> memref<1x!tpu.dma_semaphore, #tpu.memory_space<semaphore_mem>>
      %dma_wait3A_142 = tpu.memref_squeeze %dma_wait3A_141 : memref<1x!tpu.dma_semaphore, #tpu.memory_space<semaphore_mem>> -> memref<!tpu.dma_semaphore, #tpu.memory_space<semaphore_mem>>
      tpu.wait_indirect_dma semaphore(%dma_wait3A_142 : memref<!tpu.dma_semaphore, #tpu.memory_space<semaphore_mem>>) src(%dma_wait3A_134 : memref<128x64xf32, #tpu.memory_space<vmem>>) dst(%dma_wait3A_140 : memref<10240x64xf32, #tpu.memory_space<vmem_shared>>)
      %dma_wait3A_143 = arith.constant 0 : i32
      %dma_wait3A_144 = arith.constant 156 : i32
      %dma_wait3A_145 = arith.constant 0 : i32
      %dma_wait3A_146 = arith.constant 0 : i32
      %dma_wait3A_147 = arith.constant 0 : i32
      %dma_wait3A_148 = tpu.memref_slice %arg15[%dma_wait3A_143, %dma_wait3A_146, %dma_wait3A_147] : memref<6x128x64xf32, #tpu.memory_space<vmem>> -> memref<1x128x64xf32, #tpu.memory_space<vmem>>
      %dma_wait3A_149 = tpu.memref_squeeze %dma_wait3A_148 : memref<1x128x64xf32, #tpu.memory_space<vmem>> -> memref<128x64xf32, #tpu.memory_space<vmem>>
      %dma_wait3A_150 = arith.constant 0 : i32
      %dma_wait3A_151 = tpu.memref_slice %arg14[%dma_wait3A_144, %dma_wait3A_150] : memref<157x128xi32, #tpu.memory_space<vmem>> -> memref<1x128xi32, #tpu.memory_space<vmem>>
      %dma_wait3A_152 = tpu.memref_squeeze %dma_wait3A_151 : memref<1x128xi32, #tpu.memory_space<vmem>> -> memref<128xi32, #tpu.memory_space<vmem>>
      %dma_wait3A_153 = arith.constant 0 : i32
      %dma_wait3A_154 = arith.constant 0 : i32
      %dma_wait3A_155 = tpu.memref_slice %arg16[%dma_wait3A_153, %dma_wait3A_154] : memref<10240x64xf32, #tpu.memory_space<vmem_shared>> -> memref<10240x64xf32, #tpu.memory_space<vmem_shared>>
      %dma_wait3A_156 = tpu.memref_slice %arg18[%dma_wait3A_145] : memref<6x!tpu.dma_semaphore, #tpu.memory_space<semaphore_mem>> -> memref<1x!tpu.dma_semaphore, #tpu.memory_space<semaphore_mem>>
      %dma_wait3A_157 = tpu.memref_squeeze %dma_wait3A_156 : memref<1x!tpu.dma_semaphore, #tpu.memory_space<semaphore_mem>> -> memref<!tpu.dma_semaphore, #tpu.memory_space<semaphore_mem>>
      tpu.wait_indirect_dma semaphore(%dma_wait3A_157 : memref<!tpu.dma_semaphore, #tpu.memory_space<semaphore_mem>>) src(%dma_wait3A_149 : memref<128x64xf32, #tpu.memory_space<vmem>>) dst(%dma_wait3A_155 : memref<10240x64xf32, #tpu.memory_space<vmem_shared>>)
      %barrier3A_158 = arith.constant 0 : index
      tpu.barrier barrier_id(%barrier3A_158)
      %mul3A_159 = arith.constant 640 : i32
      %mul3A_160 = arith.muli %arg1, %mul3A_159 : i32
      %mul3A_161 = arith.constant 640 : i32
      %mul3A_162 = arith.muli %arg1, %mul3A_161 : i32
      "tpu.region"() ({
        %run_scoped3A = tpu.sem_alloc : memref<!tpu.dma_semaphore, #tpu.memory_space<semaphore_mem>>
        %dma_start3A_164 = arith.constant 0 : i32
        %dma_start3A_165 = tpu.memref_slice %arg11[%mul3A_162, %dma_start3A_164] : memref<10240x64xf32, #tpu.memory_space<hbm>> -> memref<640x64xf32, #tpu.memory_space<hbm>>
        %dma_start3A_166 = arith.constant 0 : i32
        %dma_start3A_167 = tpu.memref_slice %arg16[%mul3A_160, %dma_start3A_166] : memref<10240x64xf32, #tpu.memory_space<vmem_shared>> -> memref<640x64xf32, #tpu.memory_space<vmem_shared>>
        tpu.enqueue_dma source(%dma_start3A_167 : memref<640x64xf32, #tpu.memory_space<vmem_shared>>) target(%dma_start3A_165 : memref<640x64xf32, #tpu.memory_space<hbm>>) target_semaphore(%run_scoped3A : memref<!tpu.dma_semaphore, #tpu.memory_space<semaphore_mem>>)
        %dma_wait3A_168 = arith.constant 0 : i32
        %dma_wait3A_169 = tpu.memref_slice %arg11[%mul3A_162, %dma_wait3A_168] : memref<10240x64xf32, #tpu.memory_space<hbm>> -> memref<640x64xf32, #tpu.memory_space<hbm>>
        %dma_wait3A_170 = arith.constant 0 : i32
        %dma_wait3A_171 = tpu.memref_slice %arg16[%mul3A_160, %dma_wait3A_170] : memref<10240x64xf32, #tpu.memory_space<vmem_shared>> -> memref<640x64xf32, #tpu.memory_space<vmem_shared>>
        tpu.wait_dma2 semaphore(%run_scoped3A : memref<!tpu.dma_semaphore, #tpu.memory_space<semaphore_mem>>) src(%dma_wait3A_171 : memref<640x64xf32, #tpu.memory_space<vmem_shared>>) dst(%dma_wait3A_169 : memref<640x64xf32, #tpu.memory_space<hbm>>)
        tpu.yield
      }) : () -> ()
      %barrier3A_163 = arith.constant 0 : index
      tpu.barrier barrier_id(%barrier3A_163)
    } else {
    }
    %eq3A_12 = arith.constant 1 : i32
    %eq3A_13 = arith.cmpi eq, %arg0, %eq3A_12 : i32
    %convert_element_type3A_14 = arith.extui %eq3A_13 : i1 to i32
    %cond3A_15 = arith.constant 0 : i32
    %cond3A_16 = arith.cmpi ne, %convert_element_type3A_14, %cond3A_15 : i32
    scf.if %cond3A_16 {
      %mul3A = arith.constant 640 : i32
      %mul3A_17 = arith.muli %arg1, %mul3A : i32
      %mul3A_18 = arith.constant 640 : i32
      %mul3A_19 = arith.muli %arg1, %mul3A_18 : i32
      "tpu.region"() ({
        %run_scoped3A = tpu.sem_alloc : memref<!tpu.dma_semaphore, #tpu.memory_space<semaphore_mem>>
        %dma_start3A_164 = arith.constant 0 : i32
        %dma_start3A_165 = tpu.memref_slice %arg16[%mul3A_19, %dma_start3A_164] : memref<10240x64xf32, #tpu.memory_space<vmem_shared>> -> memref<640x64xf32, #tpu.memory_space<vmem_shared>>
        %dma_start3A_166 = arith.constant 0 : i32
        %dma_start3A_167 = tpu.memref_slice %arg4[%mul3A_17, %dma_start3A_166] : memref<10240x64xf32, #tpu.memory_space<hbm>> -> memref<640x64xf32, #tpu.memory_space<hbm>>
        tpu.enqueue_dma source(%dma_start3A_167 : memref<640x64xf32, #tpu.memory_space<hbm>>) target(%dma_start3A_165 : memref<640x64xf32, #tpu.memory_space<vmem_shared>>) target_semaphore(%run_scoped3A : memref<!tpu.dma_semaphore, #tpu.memory_space<semaphore_mem>>)
        %dma_wait3A_168 = arith.constant 0 : i32
        %dma_wait3A_169 = tpu.memref_slice %arg16[%mul3A_19, %dma_wait3A_168] : memref<10240x64xf32, #tpu.memory_space<vmem_shared>> -> memref<640x64xf32, #tpu.memory_space<vmem_shared>>
        %dma_wait3A_170 = arith.constant 0 : i32
        %dma_wait3A_171 = tpu.memref_slice %arg4[%mul3A_17, %dma_wait3A_170] : memref<10240x64xf32, #tpu.memory_space<hbm>> -> memref<640x64xf32, #tpu.memory_space<hbm>>
        tpu.wait_dma2 semaphore(%run_scoped3A : memref<!tpu.dma_semaphore, #tpu.memory_space<semaphore_mem>>) src(%dma_wait3A_171 : memref<640x64xf32, #tpu.memory_space<hbm>>) dst(%dma_wait3A_169 : memref<640x64xf32, #tpu.memory_space<vmem_shared>>)
        tpu.yield
      }) : () -> ()
      %barrier3A = arith.constant 0 : index
      tpu.barrier barrier_id(%barrier3A)
      %dma_start3A = arith.constant 0 : i32
      %dma_start3A_20 = arith.constant 0 : i32
      %dma_start3A_21 = arith.constant 0 : i32
      %dma_start3A_22 = arith.constant 0 : i32
      %dma_start3A_23 = arith.constant 0 : i32
      %dma_start3A_24 = tpu.memref_slice %arg15[%dma_start3A_20, %dma_start3A_22, %dma_start3A_23] : memref<6x128x64xf32, #tpu.memory_space<vmem>> -> memref<1x128x64xf32, #tpu.memory_space<vmem>>
      %dma_start3A_25 = tpu.memref_squeeze %dma_start3A_24 : memref<1x128x64xf32, #tpu.memory_space<vmem>> -> memref<128x64xf32, #tpu.memory_space<vmem>>
      %dma_start3A_26 = arith.constant 0 : i32
      %dma_start3A_27 = tpu.memref_slice %arg13[%dma_start3A, %dma_start3A_26] : memref<157x128xi32, #tpu.memory_space<vmem>> -> memref<1x128xi32, #tpu.memory_space<vmem>>
      %dma_start3A_28 = tpu.memref_squeeze %dma_start3A_27 : memref<1x128xi32, #tpu.memory_space<vmem>> -> memref<128xi32, #tpu.memory_space<vmem>>
      %dma_start3A_29 = arith.constant 0 : i32
      %dma_start3A_30 = arith.constant 0 : i32
      %dma_start3A_31 = tpu.memref_slice %arg8[%dma_start3A_29, %dma_start3A_30] : memref<10240x64xf32, #tpu.memory_space<hbm>> -> memref<10240x64xf32, #tpu.memory_space<hbm>>
      %dma_start3A_32 = tpu.memref_slice %arg17[%dma_start3A_21] : memref<6x!tpu.dma_semaphore, #tpu.memory_space<semaphore_mem>> -> memref<1x!tpu.dma_semaphore, #tpu.memory_space<semaphore_mem>>
      %dma_start3A_33 = tpu.memref_squeeze %dma_start3A_32 : memref<1x!tpu.dma_semaphore, #tpu.memory_space<semaphore_mem>> -> memref<!tpu.dma_semaphore, #tpu.memory_space<semaphore_mem>>
      tpu.enqueue_indirect_dma source(%dma_start3A_31 : memref<10240x64xf32, #tpu.memory_space<hbm>>) target(%dma_start3A_25 : memref<128x64xf32, #tpu.memory_space<vmem>>) offsets(%dma_start3A_28 : memref<128xi32, #tpu.memory_space<vmem>>) semaphore(%dma_start3A_33 : memref<!tpu.dma_semaphore, #tpu.memory_space<semaphore_mem>>)
      %dma_start3A_34 = arith.constant 1 : i32
      %dma_start3A_35 = arith.constant 1 : i32
      %dma_start3A_36 = arith.constant 1 : i32
      %dma_start3A_37 = arith.constant 0 : i32
      %dma_start3A_38 = arith.constant 0 : i32
      %dma_start3A_39 = tpu.memref_slice %arg15[%dma_start3A_35, %dma_start3A_37, %dma_start3A_38] : memref<6x128x64xf32, #tpu.memory_space<vmem>> -> memref<1x128x64xf32, #tpu.memory_space<vmem>>
      %dma_start3A_40 = tpu.memref_squeeze %dma_start3A_39 : memref<1x128x64xf32, #tpu.memory_space<vmem>> -> memref<128x64xf32, #tpu.memory_space<vmem>>
      %dma_start3A_41 = arith.constant 0 : i32
      %dma_start3A_42 = tpu.memref_slice %arg13[%dma_start3A_34, %dma_start3A_41] : memref<157x128xi32, #tpu.memory_space<vmem>> -> memref<1x128xi32, #tpu.memory_space<vmem>>
      %dma_start3A_43 = tpu.memref_squeeze %dma_start3A_42 : memref<1x128xi32, #tpu.memory_space<vmem>> -> memref<128xi32, #tpu.memory_space<vmem>>
      %dma_start3A_44 = arith.constant 0 : i32
      %dma_start3A_45 = arith.constant 0 : i32
      %dma_start3A_46 = tpu.memref_slice %arg8[%dma_start3A_44, %dma_start3A_45] : memref<10240x64xf32, #tpu.memory_space<hbm>> -> memref<10240x64xf32, #tpu.memory_space<hbm>>
      %dma_start3A_47 = tpu.memref_slice %arg17[%dma_start3A_36] : memref<6x!tpu.dma_semaphore, #tpu.memory_space<semaphore_mem>> -> memref<1x!tpu.dma_semaphore, #tpu.memory_space<semaphore_mem>>
      %dma_start3A_48 = tpu.memref_squeeze %dma_start3A_47 : memref<1x!tpu.dma_semaphore, #tpu.memory_space<semaphore_mem>> -> memref<!tpu.dma_semaphore, #tpu.memory_space<semaphore_mem>>
      tpu.enqueue_indirect_dma source(%dma_start3A_46 : memref<10240x64xf32, #tpu.memory_space<hbm>>) target(%dma_start3A_40 : memref<128x64xf32, #tpu.memory_space<vmem>>) offsets(%dma_start3A_43 : memref<128xi32, #tpu.memory_space<vmem>>) semaphore(%dma_start3A_48 : memref<!tpu.dma_semaphore, #tpu.memory_space<semaphore_mem>>)
      %dma_start3A_49 = arith.constant 2 : i32
      %dma_start3A_50 = arith.constant 2 : i32
      %dma_start3A_51 = arith.constant 2 : i32
      %dma_start3A_52 = arith.constant 0 : i32
      %dma_start3A_53 = arith.constant 0 : i32
      %dma_start3A_54 = tpu.memref_slice %arg15[%dma_start3A_50, %dma_start3A_52, %dma_start3A_53] : memref<6x128x64xf32, #tpu.memory_space<vmem>> -> memref<1x128x64xf32, #tpu.memory_space<vmem>>
      %dma_start3A_55 = tpu.memref_squeeze %dma_start3A_54 : memref<1x128x64xf32, #tpu.memory_space<vmem>> -> memref<128x64xf32, #tpu.memory_space<vmem>>
      %dma_start3A_56 = arith.constant 0 : i32
      %dma_start3A_57 = tpu.memref_slice %arg13[%dma_start3A_49, %dma_start3A_56] : memref<157x128xi32, #tpu.memory_space<vmem>> -> memref<1x128xi32, #tpu.memory_space<vmem>>
      %dma_start3A_58 = tpu.memref_squeeze %dma_start3A_57 : memref<1x128xi32, #tpu.memory_space<vmem>> -> memref<128xi32, #tpu.memory_space<vmem>>
      %dma_start3A_59 = arith.constant 0 : i32
      %dma_start3A_60 = arith.constant 0 : i32
      %dma_start3A_61 = tpu.memref_slice %arg8[%dma_start3A_59, %dma_start3A_60] : memref<10240x64xf32, #tpu.memory_space<hbm>> -> memref<10240x64xf32, #tpu.memory_space<hbm>>
      %dma_start3A_62 = tpu.memref_slice %arg17[%dma_start3A_51] : memref<6x!tpu.dma_semaphore, #tpu.memory_space<semaphore_mem>> -> memref<1x!tpu.dma_semaphore, #tpu.memory_space<semaphore_mem>>
      %dma_start3A_63 = tpu.memref_squeeze %dma_start3A_62 : memref<1x!tpu.dma_semaphore, #tpu.memory_space<semaphore_mem>> -> memref<!tpu.dma_semaphore, #tpu.memory_space<semaphore_mem>>
      tpu.enqueue_indirect_dma source(%dma_start3A_61 : memref<10240x64xf32, #tpu.memory_space<hbm>>) target(%dma_start3A_55 : memref<128x64xf32, #tpu.memory_space<vmem>>) offsets(%dma_start3A_58 : memref<128xi32, #tpu.memory_space<vmem>>) semaphore(%dma_start3A_63 : memref<!tpu.dma_semaphore, #tpu.memory_space<semaphore_mem>>)
      %scan3A = arith.constant 0 : i32
      %scan3A_64 = arith.constant 0 : i32
      %scan3A_65 = arith.constant 157 : i32
      %scan3A_66 = arith.addi %scan3A_64, %scan3A_65 : i32
      %scan3A_67 = arith.constant 1 : i32
      scf.for %scan3A_164 = %scan3A_64 to %scan3A_66 step %scan3A_67  : i32 {
        %rem3A = arith.constant 6 : i32
        %rem3A_165 = arith.remsi %scan3A_164, %rem3A : i32
        %add3A = arith.constant 3 : i32
        %add3A_166 = arith.addi %scan3A_164, %add3A : i32
        %rem3A_167 = arith.constant 6 : i32
        %rem3A_168 = arith.remsi %add3A_166, %rem3A_167 : i32
        %add3A_169 = arith.constant 3 : i32
        %add3A_170 = arith.addi %scan3A_164, %add3A_169 : i32
        %lt3A = arith.constant 157 : i32
        %lt3A_171 = arith.cmpi slt, %add3A_170, %lt3A : i32
        %convert_element_type3A_172 = arith.extui %lt3A_171 : i1 to i32
        %cond3A_173 = arith.constant 0 : i32
        %cond3A_174 = arith.cmpi ne, %convert_element_type3A_172, %cond3A_173 : i32
        scf.if %cond3A_174 {
          %ge3A = arith.constant 3 : i32
          %ge3A_199 = arith.cmpi sge, %scan3A_164, %ge3A : i32
          %convert_element_type3A_200 = arith.extui %ge3A_199 : i1 to i32
          %cond3A_201 = arith.constant 0 : i32
          %cond3A_202 = arith.cmpi ne, %convert_element_type3A_200, %cond3A_201 : i32
          scf.if %cond3A_202 {
            %sub3A = arith.constant 3 : i32
            %sub3A_217 = arith.subi %scan3A_164, %sub3A : i32
            %dma_wait3A_218 = arith.constant 0 : i32
            %dma_wait3A_219 = arith.constant 0 : i32
            %dma_wait3A_220 = tpu.memref_slice %arg15[%rem3A_168, %dma_wait3A_218, %dma_wait3A_219] : memref<6x128x64xf32, #tpu.memory_space<vmem>> -> memref<1x128x64xf32, #tpu.memory_space<vmem>>
            %dma_wait3A_221 = tpu.memref_squeeze %dma_wait3A_220 : memref<1x128x64xf32, #tpu.memory_space<vmem>> -> memref<128x64xf32, #tpu.memory_space<vmem>>
            %dma_wait3A_222 = arith.constant 0 : i32
            %dma_wait3A_223 = tpu.memref_slice %arg14[%sub3A_217, %dma_wait3A_222] : memref<157x128xi32, #tpu.memory_space<vmem>> -> memref<1x128xi32, #tpu.memory_space<vmem>>
            %dma_wait3A_224 = tpu.memref_squeeze %dma_wait3A_223 : memref<1x128xi32, #tpu.memory_space<vmem>> -> memref<128xi32, #tpu.memory_space<vmem>>
            %dma_wait3A_225 = arith.constant 0 : i32
            %dma_wait3A_226 = arith.constant 0 : i32
            %dma_wait3A_227 = tpu.memref_slice %arg16[%dma_wait3A_225, %dma_wait3A_226] : memref<10240x64xf32, #tpu.memory_space<vmem_shared>> -> memref<10240x64xf32, #tpu.memory_space<vmem_shared>>
            %dma_wait3A_228 = tpu.memref_slice %arg18[%rem3A_168] : memref<6x!tpu.dma_semaphore, #tpu.memory_space<semaphore_mem>> -> memref<1x!tpu.dma_semaphore, #tpu.memory_space<semaphore_mem>>
            %dma_wait3A_229 = tpu.memref_squeeze %dma_wait3A_228 : memref<1x!tpu.dma_semaphore, #tpu.memory_space<semaphore_mem>> -> memref<!tpu.dma_semaphore, #tpu.memory_space<semaphore_mem>>
            tpu.wait_indirect_dma semaphore(%dma_wait3A_229 : memref<!tpu.dma_semaphore, #tpu.memory_space<semaphore_mem>>) src(%dma_wait3A_221 : memref<128x64xf32, #tpu.memory_space<vmem>>) dst(%dma_wait3A_227 : memref<10240x64xf32, #tpu.memory_space<vmem_shared>>)
          } else {
          }
          %add3A_203 = arith.constant 3 : i32
          %add3A_204 = arith.addi %scan3A_164, %add3A_203 : i32
          %dma_start3A_205 = arith.constant 0 : i32
          %dma_start3A_206 = arith.constant 0 : i32
          %dma_start3A_207 = tpu.memref_slice %arg15[%rem3A_168, %dma_start3A_205, %dma_start3A_206] : memref<6x128x64xf32, #tpu.memory_space<vmem>> -> memref<1x128x64xf32, #tpu.memory_space<vmem>>
          %dma_start3A_208 = tpu.memref_squeeze %dma_start3A_207 : memref<1x128x64xf32, #tpu.memory_space<vmem>> -> memref<128x64xf32, #tpu.memory_space<vmem>>
          %dma_start3A_209 = arith.constant 0 : i32
          %dma_start3A_210 = tpu.memref_slice %arg13[%add3A_204, %dma_start3A_209] : memref<157x128xi32, #tpu.memory_space<vmem>> -> memref<1x128xi32, #tpu.memory_space<vmem>>
          %dma_start3A_211 = tpu.memref_squeeze %dma_start3A_210 : memref<1x128xi32, #tpu.memory_space<vmem>> -> memref<128xi32, #tpu.memory_space<vmem>>
          %dma_start3A_212 = arith.constant 0 : i32
          %dma_start3A_213 = arith.constant 0 : i32
          %dma_start3A_214 = tpu.memref_slice %arg8[%dma_start3A_212, %dma_start3A_213] : memref<10240x64xf32, #tpu.memory_space<hbm>> -> memref<10240x64xf32, #tpu.memory_space<hbm>>
          %dma_start3A_215 = tpu.memref_slice %arg17[%rem3A_168] : memref<6x!tpu.dma_semaphore, #tpu.memory_space<semaphore_mem>> -> memref<1x!tpu.dma_semaphore, #tpu.memory_space<semaphore_mem>>
          %dma_start3A_216 = tpu.memref_squeeze %dma_start3A_215 : memref<1x!tpu.dma_semaphore, #tpu.memory_space<semaphore_mem>> -> memref<!tpu.dma_semaphore, #tpu.memory_space<semaphore_mem>>
          tpu.enqueue_indirect_dma source(%dma_start3A_214 : memref<10240x64xf32, #tpu.memory_space<hbm>>) target(%dma_start3A_208 : memref<128x64xf32, #tpu.memory_space<vmem>>) offsets(%dma_start3A_211 : memref<128xi32, #tpu.memory_space<vmem>>) semaphore(%dma_start3A_216 : memref<!tpu.dma_semaphore, #tpu.memory_space<semaphore_mem>>)
        } else {
        }
        %dma_wait3A_175 = arith.constant 0 : i32
        %dma_wait3A_176 = arith.constant 0 : i32
        %dma_wait3A_177 = tpu.memref_slice %arg15[%rem3A_165, %dma_wait3A_175, %dma_wait3A_176] : memref<6x128x64xf32, #tpu.memory_space<vmem>> -> memref<1x128x64xf32, #tpu.memory_space<vmem>>
        %dma_wait3A_178 = tpu.memref_squeeze %dma_wait3A_177 : memref<1x128x64xf32, #tpu.memory_space<vmem>> -> memref<128x64xf32, #tpu.memory_space<vmem>>
        %dma_wait3A_179 = arith.constant 0 : i32
        %dma_wait3A_180 = tpu.memref_slice %arg13[%scan3A_164, %dma_wait3A_179] : memref<157x128xi32, #tpu.memory_space<vmem>> -> memref<1x128xi32, #tpu.memory_space<vmem>>
        %dma_wait3A_181 = tpu.memref_squeeze %dma_wait3A_180 : memref<1x128xi32, #tpu.memory_space<vmem>> -> memref<128xi32, #tpu.memory_space<vmem>>
        %dma_wait3A_182 = arith.constant 0 : i32
        %dma_wait3A_183 = arith.constant 0 : i32
        %dma_wait3A_184 = tpu.memref_slice %arg8[%dma_wait3A_182, %dma_wait3A_183] : memref<10240x64xf32, #tpu.memory_space<hbm>> -> memref<10240x64xf32, #tpu.memory_space<hbm>>
        %dma_wait3A_185 = tpu.memref_slice %arg17[%rem3A_165] : memref<6x!tpu.dma_semaphore, #tpu.memory_space<semaphore_mem>> -> memref<1x!tpu.dma_semaphore, #tpu.memory_space<semaphore_mem>>
        %dma_wait3A_186 = tpu.memref_squeeze %dma_wait3A_185 : memref<1x!tpu.dma_semaphore, #tpu.memory_space<semaphore_mem>> -> memref<!tpu.dma_semaphore, #tpu.memory_space<semaphore_mem>>
        tpu.wait_indirect_dma semaphore(%dma_wait3A_186 : memref<!tpu.dma_semaphore, #tpu.memory_space<semaphore_mem>>) src(%dma_wait3A_184 : memref<10240x64xf32, #tpu.memory_space<hbm>>) dst(%dma_wait3A_178 : memref<128x64xf32, #tpu.memory_space<vmem>>)
        %dma_start3A_187 = arith.constant 0 : i32
        %dma_start3A_188 = arith.constant 0 : i32
        %dma_start3A_189 = tpu.memref_slice %arg15[%rem3A_165, %dma_start3A_187, %dma_start3A_188] : memref<6x128x64xf32, #tpu.memory_space<vmem>> -> memref<1x128x64xf32, #tpu.memory_space<vmem>>
        %dma_start3A_190 = tpu.memref_squeeze %dma_start3A_189 : memref<1x128x64xf32, #tpu.memory_space<vmem>> -> memref<128x64xf32, #tpu.memory_space<vmem>>
        %dma_start3A_191 = arith.constant 0 : i32
        %dma_start3A_192 = tpu.memref_slice %arg14[%scan3A_164, %dma_start3A_191] : memref<157x128xi32, #tpu.memory_space<vmem>> -> memref<1x128xi32, #tpu.memory_space<vmem>>
        %dma_start3A_193 = tpu.memref_squeeze %dma_start3A_192 : memref<1x128xi32, #tpu.memory_space<vmem>> -> memref<128xi32, #tpu.memory_space<vmem>>
        %dma_start3A_194 = arith.constant 0 : i32
        %dma_start3A_195 = arith.constant 0 : i32
        %dma_start3A_196 = tpu.memref_slice %arg16[%dma_start3A_194, %dma_start3A_195] : memref<10240x64xf32, #tpu.memory_space<vmem_shared>> -> memref<10240x64xf32, #tpu.memory_space<vmem_shared>>
        %dma_start3A_197 = tpu.memref_slice %arg18[%rem3A_165] : memref<6x!tpu.dma_semaphore, #tpu.memory_space<semaphore_mem>> -> memref<1x!tpu.dma_semaphore, #tpu.memory_space<semaphore_mem>>
        %dma_start3A_198 = tpu.memref_squeeze %dma_start3A_197 : memref<1x!tpu.dma_semaphore, #tpu.memory_space<semaphore_mem>> -> memref<!tpu.dma_semaphore, #tpu.memory_space<semaphore_mem>>
        tpu.enqueue_indirect_dma source(%dma_start3A_190 : memref<128x64xf32, #tpu.memory_space<vmem>>) target(%dma_start3A_196 : memref<10240x64xf32, #tpu.memory_space<vmem_shared>>) offsets(%dma_start3A_193 : memref<128xi32, #tpu.memory_space<vmem>>) semaphore(%dma_start3A_198 : memref<!tpu.dma_semaphore, #tpu.memory_space<semaphore_mem>>) {add = true}
      }
      %scan3A_68 = arith.constant 157 : i32
      %dma_wait3A = arith.constant 1 : i32
      %dma_wait3A_69 = arith.constant 151 : i32
      %dma_wait3A_70 = arith.constant 1 : i32
      %dma_wait3A_71 = arith.constant 0 : i32
      %dma_wait3A_72 = arith.constant 0 : i32
      %dma_wait3A_73 = tpu.memref_slice %arg15[%dma_wait3A, %dma_wait3A_71, %dma_wait3A_72] : memref<6x128x64xf32, #tpu.memory_space<vmem>> -> memref<1x128x64xf32, #tpu.memory_space<vmem>>
      %dma_wait3A_74 = tpu.memref_squeeze %dma_wait3A_73 : memref<1x128x64xf32, #tpu.memory_space<vmem>> -> memref<128x64xf32, #tpu.memory_space<vmem>>
      %dma_wait3A_75 = arith.constant 0 : i32
      %dma_wait3A_76 = tpu.memref_slice %arg14[%dma_wait3A_69, %dma_wait3A_75] : memref<157x128xi32, #tpu.memory_space<vmem>> -> memref<1x128xi32, #tpu.memory_space<vmem>>
      %dma_wait3A_77 = tpu.memref_squeeze %dma_wait3A_76 : memref<1x128xi32, #tpu.memory_space<vmem>> -> memref<128xi32, #tpu.memory_space<vmem>>
      %dma_wait3A_78 = arith.constant 0 : i32
      %dma_wait3A_79 = arith.constant 0 : i32
      %dma_wait3A_80 = tpu.memref_slice %arg16[%dma_wait3A_78, %dma_wait3A_79] : memref<10240x64xf32, #tpu.memory_space<vmem_shared>> -> memref<10240x64xf32, #tpu.memory_space<vmem_shared>>
      %dma_wait3A_81 = tpu.memref_slice %arg18[%dma_wait3A_70] : memref<6x!tpu.dma_semaphore, #tpu.memory_space<semaphore_mem>> -> memref<1x!tpu.dma_semaphore, #tpu.memory_space<semaphore_mem>>
      %dma_wait3A_82 = tpu.memref_squeeze %dma_wait3A_81 : memref<1x!tpu.dma_semaphore, #tpu.memory_space<semaphore_mem>> -> memref<!tpu.dma_semaphore, #tpu.memory_space<semaphore_mem>>
      tpu.wait_indirect_dma semaphore(%dma_wait3A_82 : memref<!tpu.dma_semaphore, #tpu.memory_space<semaphore_mem>>) src(%dma_wait3A_74 : memref<128x64xf32, #tpu.memory_space<vmem>>) dst(%dma_wait3A_80 : memref<10240x64xf32, #tpu.memory_space<vmem_shared>>)
      %dma_wait3A_83 = arith.constant 2 : i32
      %dma_wait3A_84 = arith.constant 152 : i32
      %dma_wait3A_85 = arith.constant 2 : i32
      %dma_wait3A_86 = arith.constant 0 : i32
      %dma_wait3A_87 = arith.constant 0 : i32
      %dma_wait3A_88 = tpu.memref_slice %arg15[%dma_wait3A_83, %dma_wait3A_86, %dma_wait3A_87] : memref<6x128x64xf32, #tpu.memory_space<vmem>> -> memref<1x128x64xf32, #tpu.memory_space<vmem>>
      %dma_wait3A_89 = tpu.memref_squeeze %dma_wait3A_88 : memref<1x128x64xf32, #tpu.memory_space<vmem>> -> memref<128x64xf32, #tpu.memory_space<vmem>>
      %dma_wait3A_90 = arith.constant 0 : i32
      %dma_wait3A_91 = tpu.memref_slice %arg14[%dma_wait3A_84, %dma_wait3A_90] : memref<157x128xi32, #tpu.memory_space<vmem>> -> memref<1x128xi32, #tpu.memory_space<vmem>>
      %dma_wait3A_92 = tpu.memref_squeeze %dma_wait3A_91 : memref<1x128xi32, #tpu.memory_space<vmem>> -> memref<128xi32, #tpu.memory_space<vmem>>
      %dma_wait3A_93 = arith.constant 0 : i32
      %dma_wait3A_94 = arith.constant 0 : i32
      %dma_wait3A_95 = tpu.memref_slice %arg16[%dma_wait3A_93, %dma_wait3A_94] : memref<10240x64xf32, #tpu.memory_space<vmem_shared>> -> memref<10240x64xf32, #tpu.memory_space<vmem_shared>>
      %dma_wait3A_96 = tpu.memref_slice %arg18[%dma_wait3A_85] : memref<6x!tpu.dma_semaphore, #tpu.memory_space<semaphore_mem>> -> memref<1x!tpu.dma_semaphore, #tpu.memory_space<semaphore_mem>>
      %dma_wait3A_97 = tpu.memref_squeeze %dma_wait3A_96 : memref<1x!tpu.dma_semaphore, #tpu.memory_space<semaphore_mem>> -> memref<!tpu.dma_semaphore, #tpu.memory_space<semaphore_mem>>
      tpu.wait_indirect_dma semaphore(%dma_wait3A_97 : memref<!tpu.dma_semaphore, #tpu.memory_space<semaphore_mem>>) src(%dma_wait3A_89 : memref<128x64xf32, #tpu.memory_space<vmem>>) dst(%dma_wait3A_95 : memref<10240x64xf32, #tpu.memory_space<vmem_shared>>)
      %dma_wait3A_98 = arith.constant 3 : i32
      %dma_wait3A_99 = arith.constant 153 : i32
      %dma_wait3A_100 = arith.constant 3 : i32
      %dma_wait3A_101 = arith.constant 0 : i32
      %dma_wait3A_102 = arith.constant 0 : i32
      %dma_wait3A_103 = tpu.memref_slice %arg15[%dma_wait3A_98, %dma_wait3A_101, %dma_wait3A_102] : memref<6x128x64xf32, #tpu.memory_space<vmem>> -> memref<1x128x64xf32, #tpu.memory_space<vmem>>
      %dma_wait3A_104 = tpu.memref_squeeze %dma_wait3A_103 : memref<1x128x64xf32, #tpu.memory_space<vmem>> -> memref<128x64xf32, #tpu.memory_space<vmem>>
      %dma_wait3A_105 = arith.constant 0 : i32
      %dma_wait3A_106 = tpu.memref_slice %arg14[%dma_wait3A_99, %dma_wait3A_105] : memref<157x128xi32, #tpu.memory_space<vmem>> -> memref<1x128xi32, #tpu.memory_space<vmem>>
      %dma_wait3A_107 = tpu.memref_squeeze %dma_wait3A_106 : memref<1x128xi32, #tpu.memory_space<vmem>> -> memref<128xi32, #tpu.memory_space<vmem>>
      %dma_wait3A_108 = arith.constant 0 : i32
      %dma_wait3A_109 = arith.constant 0 : i32
      %dma_wait3A_110 = tpu.memref_slice %arg16[%dma_wait3A_108, %dma_wait3A_109] : memref<10240x64xf32, #tpu.memory_space<vmem_shared>> -> memref<10240x64xf32, #tpu.memory_space<vmem_shared>>
      %dma_wait3A_111 = tpu.memref_slice %arg18[%dma_wait3A_100] : memref<6x!tpu.dma_semaphore, #tpu.memory_space<semaphore_mem>> -> memref<1x!tpu.dma_semaphore, #tpu.memory_space<semaphore_mem>>
      %dma_wait3A_112 = tpu.memref_squeeze %dma_wait3A_111 : memref<1x!tpu.dma_semaphore, #tpu.memory_space<semaphore_mem>> -> memref<!tpu.dma_semaphore, #tpu.memory_space<semaphore_mem>>
      tpu.wait_indirect_dma semaphore(%dma_wait3A_112 : memref<!tpu.dma_semaphore, #tpu.memory_space<semaphore_mem>>) src(%dma_wait3A_104 : memref<128x64xf32, #tpu.memory_space<vmem>>) dst(%dma_wait3A_110 : memref<10240x64xf32, #tpu.memory_space<vmem_shared>>)
      %dma_wait3A_113 = arith.constant 4 : i32
      %dma_wait3A_114 = arith.constant 154 : i32
      %dma_wait3A_115 = arith.constant 4 : i32
      %dma_wait3A_116 = arith.constant 0 : i32
      %dma_wait3A_117 = arith.constant 0 : i32
      %dma_wait3A_118 = tpu.memref_slice %arg15[%dma_wait3A_113, %dma_wait3A_116, %dma_wait3A_117] : memref<6x128x64xf32, #tpu.memory_space<vmem>> -> memref<1x128x64xf32, #tpu.memory_space<vmem>>
      %dma_wait3A_119 = tpu.memref_squeeze %dma_wait3A_118 : memref<1x128x64xf32, #tpu.memory_space<vmem>> -> memref<128x64xf32, #tpu.memory_space<vmem>>
      %dma_wait3A_120 = arith.constant 0 : i32
      %dma_wait3A_121 = tpu.memref_slice %arg14[%dma_wait3A_114, %dma_wait3A_120] : memref<157x128xi32, #tpu.memory_space<vmem>> -> memref<1x128xi32, #tpu.memory_space<vmem>>
      %dma_wait3A_122 = tpu.memref_squeeze %dma_wait3A_121 : memref<1x128xi32, #tpu.memory_space<vmem>> -> memref<128xi32, #tpu.memory_space<vmem>>
      %dma_wait3A_123 = arith.constant 0 : i32
      %dma_wait3A_124 = arith.constant 0 : i32
      %dma_wait3A_125 = tpu.memref_slice %arg16[%dma_wait3A_123, %dma_wait3A_124] : memref<10240x64xf32, #tpu.memory_space<vmem_shared>> -> memref<10240x64xf32, #tpu.memory_space<vmem_shared>>
      %dma_wait3A_126 = tpu.memref_slice %arg18[%dma_wait3A_115] : memref<6x!tpu.dma_semaphore, #tpu.memory_space<semaphore_mem>> -> memref<1x!tpu.dma_semaphore, #tpu.memory_space<semaphore_mem>>
      %dma_wait3A_127 = tpu.memref_squeeze %dma_wait3A_126 : memref<1x!tpu.dma_semaphore, #tpu.memory_space<semaphore_mem>> -> memref<!tpu.dma_semaphore, #tpu.memory_space<semaphore_mem>>
      tpu.wait_indirect_dma semaphore(%dma_wait3A_127 : memref<!tpu.dma_semaphore, #tpu.memory_space<semaphore_mem>>) src(%dma_wait3A_119 : memref<128x64xf32, #tpu.memory_space<vmem>>) dst(%dma_wait3A_125 : memref<10240x64xf32, #tpu.memory_space<vmem_shared>>)
      %dma_wait3A_128 = arith.constant 5 : i32
      %dma_wait3A_129 = arith.constant 155 : i32
      %dma_wait3A_130 = arith.constant 5 : i32
      %dma_wait3A_131 = arith.constant 0 : i32
      %dma_wait3A_132 = arith.constant 0 : i32
      %dma_wait3A_133 = tpu.memref_slice %arg15[%dma_wait3A_128, %dma_wait3A_131, %dma_wait3A_132] : memref<6x128x64xf32, #tpu.memory_space<vmem>> -> memref<1x128x64xf32, #tpu.memory_space<vmem>>
      %dma_wait3A_134 = tpu.memref_squeeze %dma_wait3A_133 : memref<1x128x64xf32, #tpu.memory_space<vmem>> -> memref<128x64xf32, #tpu.memory_space<vmem>>
      %dma_wait3A_135 = arith.constant 0 : i32
      %dma_wait3A_136 = tpu.memref_slice %arg14[%dma_wait3A_129, %dma_wait3A_135] : memref<157x128xi32, #tpu.memory_space<vmem>> -> memref<1x128xi32, #tpu.memory_space<vmem>>
      %dma_wait3A_137 = tpu.memref_squeeze %dma_wait3A_136 : memref<1x128xi32, #tpu.memory_space<vmem>> -> memref<128xi32, #tpu.memory_space<vmem>>
      %dma_wait3A_138 = arith.constant 0 : i32
      %dma_wait3A_139 = arith.constant 0 : i32
      %dma_wait3A_140 = tpu.memref_slice %arg16[%dma_wait3A_138, %dma_wait3A_139] : memref<10240x64xf32, #tpu.memory_space<vmem_shared>> -> memref<10240x64xf32, #tpu.memory_space<vmem_shared>>
      %dma_wait3A_141 = tpu.memref_slice %arg18[%dma_wait3A_130] : memref<6x!tpu.dma_semaphore, #tpu.memory_space<semaphore_mem>> -> memref<1x!tpu.dma_semaphore, #tpu.memory_space<semaphore_mem>>
      %dma_wait3A_142 = tpu.memref_squeeze %dma_wait3A_141 : memref<1x!tpu.dma_semaphore, #tpu.memory_space<semaphore_mem>> -> memref<!tpu.dma_semaphore, #tpu.memory_space<semaphore_mem>>
      tpu.wait_indirect_dma semaphore(%dma_wait3A_142 : memref<!tpu.dma_semaphore, #tpu.memory_space<semaphore_mem>>) src(%dma_wait3A_134 : memref<128x64xf32, #tpu.memory_space<vmem>>) dst(%dma_wait3A_140 : memref<10240x64xf32, #tpu.memory_space<vmem_shared>>)
      %dma_wait3A_143 = arith.constant 0 : i32
      %dma_wait3A_144 = arith.constant 156 : i32
      %dma_wait3A_145 = arith.constant 0 : i32
      %dma_wait3A_146 = arith.constant 0 : i32
      %dma_wait3A_147 = arith.constant 0 : i32
      %dma_wait3A_148 = tpu.memref_slice %arg15[%dma_wait3A_143, %dma_wait3A_146, %dma_wait3A_147] : memref<6x128x64xf32, #tpu.memory_space<vmem>> -> memref<1x128x64xf32, #tpu.memory_space<vmem>>
      %dma_wait3A_149 = tpu.memref_squeeze %dma_wait3A_148 : memref<1x128x64xf32, #tpu.memory_space<vmem>> -> memref<128x64xf32, #tpu.memory_space<vmem>>
      %dma_wait3A_150 = arith.constant 0 : i32
      %dma_wait3A_151 = tpu.memref_slice %arg14[%dma_wait3A_144, %dma_wait3A_150] : memref<157x128xi32, #tpu.memory_space<vmem>> -> memref<1x128xi32, #tpu.memory_space<vmem>>
      %dma_wait3A_152 = tpu.memref_squeeze %dma_wait3A_151 : memref<1x128xi32, #tpu.memory_space<vmem>> -> memref<128xi32, #tpu.memory_space<vmem>>
      %dma_wait3A_153 = arith.constant 0 : i32
      %dma_wait3A_154 = arith.constant 0 : i32
      %dma_wait3A_155 = tpu.memref_slice %arg16[%dma_wait3A_153, %dma_wait3A_154] : memref<10240x64xf32, #tpu.memory_space<vmem_shared>> -> memref<10240x64xf32, #tpu.memory_space<vmem_shared>>
      %dma_wait3A_156 = tpu.memref_slice %arg18[%dma_wait3A_145] : memref<6x!tpu.dma_semaphore, #tpu.memory_space<semaphore_mem>> -> memref<1x!tpu.dma_semaphore, #tpu.memory_space<semaphore_mem>>
      %dma_wait3A_157 = tpu.memref_squeeze %dma_wait3A_156 : memref<1x!tpu.dma_semaphore, #tpu.memory_space<semaphore_mem>> -> memref<!tpu.dma_semaphore, #tpu.memory_space<semaphore_mem>>
      tpu.wait_indirect_dma semaphore(%dma_wait3A_157 : memref<!tpu.dma_semaphore, #tpu.memory_space<semaphore_mem>>) src(%dma_wait3A_149 : memref<128x64xf32, #tpu.memory_space<vmem>>) dst(%dma_wait3A_155 : memref<10240x64xf32, #tpu.memory_space<vmem_shared>>)
      %barrier3A_158 = arith.constant 0 : index
      tpu.barrier barrier_id(%barrier3A_158)
      %mul3A_159 = arith.constant 640 : i32
      %mul3A_160 = arith.muli %arg1, %mul3A_159 : i32
      %mul3A_161 = arith.constant 640 : i32
      %mul3A_162 = arith.muli %arg1, %mul3A_161 : i32
      "tpu.region"() ({
        %run_scoped3A = tpu.sem_alloc : memref<!tpu.dma_semaphore, #tpu.memory_space<semaphore_mem>>
        %dma_start3A_164 = arith.constant 0 : i32
        %dma_start3A_165 = tpu.memref_slice %arg12[%mul3A_162, %dma_start3A_164] : memref<10240x64xf32, #tpu.memory_space<hbm>> -> memref<640x64xf32, #tpu.memory_space<hbm>>
        %dma_start3A_166 = arith.constant 0 : i32
        %dma_start3A_167 = tpu.memref_slice %arg16[%mul3A_160, %dma_start3A_166] : memref<10240x64xf32, #tpu.memory_space<vmem_shared>> -> memref<640x64xf32, #tpu.memory_space<vmem_shared>>
        tpu.enqueue_dma source(%dma_start3A_167 : memref<640x64xf32, #tpu.memory_space<vmem_shared>>) target(%dma_start3A_165 : memref<640x64xf32, #tpu.memory_space<hbm>>) target_semaphore(%run_scoped3A : memref<!tpu.dma_semaphore, #tpu.memory_space<semaphore_mem>>)
        %dma_wait3A_168 = arith.constant 0 : i32
        %dma_wait3A_169 = tpu.memref_slice %arg12[%mul3A_162, %dma_wait3A_168] : memref<10240x64xf32, #tpu.memory_space<hbm>> -> memref<640x64xf32, #tpu.memory_space<hbm>>
        %dma_wait3A_170 = arith.constant 0 : i32
        %dma_wait3A_171 = tpu.memref_slice %arg16[%mul3A_160, %dma_wait3A_170] : memref<10240x64xf32, #tpu.memory_space<vmem_shared>> -> memref<640x64xf32, #tpu.memory_space<vmem_shared>>
        tpu.wait_dma2 semaphore(%run_scoped3A : memref<!tpu.dma_semaphore, #tpu.memory_space<semaphore_mem>>) src(%dma_wait3A_171 : memref<640x64xf32, #tpu.memory_space<vmem_shared>>) dst(%dma_wait3A_169 : memref<640x64xf32, #tpu.memory_space<hbm>>)
        tpu.yield
      }) : () -> ()
      %barrier3A_163 = arith.constant 0 : index
      tpu.barrier barrier_id(%barrier3A_163)
    } else {
    }
    return
  }
}

#map = affine_map<(d0, d1) -> (0, 0, 0)>
#map1 = affine_map<(d0, d1) -> (0, 0)>
module attributes {stable_mosaic.version = 14 : i64} {
  func.func @body(%arg0: i32, %arg1: i32, %arg2: memref<16x157x128xi32, #tpu.memory_space<hbm>>, %arg3: memref<16x157x128xi32, #tpu.memory_space<hbm>>, %arg4: memref<10240x32xf32, #tpu.memory_space<hbm>>, %arg5: memref<10240x32xf32, #tpu.memory_space<hbm>>, %arg6: memref<10240x32xf32, #tpu.memory_space<hbm>>, %arg7: memref<10240x32xf32, #tpu.memory_space<hbm>>, %arg8: memref<10240x32xf32, #tpu.memory_space<hbm>>, %arg9: memref<10240x32xf32, #tpu.memory_space<hbm>>, %arg10: memref<10240x32xf32, #tpu.memory_space<hbm>>, %arg11: memref<10240x32xf32, #tpu.memory_space<hbm>>, %arg12: memref<10240x32xf32, #tpu.memory_space<hbm>>, %arg13: memref<157x128xi32, #tpu.memory_space<vmem>>, %arg14: memref<157x128xi32, #tpu.memory_space<vmem>>, %arg15: memref<6x128x32xf32, #tpu.memory_space<vmem>>, %arg16: memref<10240x32xf32, #tpu.memory_space<vmem_shared>>, %arg17: memref<6x!tpu.dma_semaphore, #tpu.memory_space<semaphore_mem>>, %arg18: memref<6x!tpu.dma_semaphore, #tpu.memory_space<semaphore_mem>>) attributes {dimension_semantics = [#tpu.dimension_semantics<core_parallel>, #tpu.dimension_semantics<subcore_parallel>], iteration_bounds = array<i64: 2, 16>, scalar_prefetch = 0 : i64, scratch_operands = 6 : i64, tpu.core_type = #tpu.core_type<sc_vector_subcore>, window_params = [{transform_indices = #map}, {transform_indices = #map}, {transform_indices = #map1}, {transform_indices = #map1}, {transform_indices = #map1}, {transform_indices = #map1}, {transform_indices = #map1}, {transform_indices = #map1}, {transform_indices = #map1}, {transform_indices = #map1}, {transform_indices = #map1}]} {
    "tpu.region"() ({
      %run_scoped3A = tpu.sem_alloc : memref<!tpu.dma_semaphore, #tpu.memory_space<semaphore_mem>>
      %dma_start3A = arith.constant 0 : i32
      %dma_start3A_17 = arith.constant 0 : i32
      %dma_start3A_18 = tpu.memref_slice %arg2[%arg1, %dma_start3A, %dma_start3A_17] : memref<16x157x128xi32, #tpu.memory_space<hbm>> -> memref<1x157x128xi32, #tpu.memory_space<hbm>>
      %dma_start3A_19 = tpu.memref_squeeze %dma_start3A_18 : memref<1x157x128xi32, #tpu.memory_space<hbm>> -> memref<157x128xi32, #tpu.memory_space<hbm>>
      %dma_start3A_20 = arith.constant 0 : i32
      %dma_start3A_21 = arith.constant 0 : i32
      %dma_start3A_22 = tpu.memref_slice %arg2[%arg1, %dma_start3A_20, %dma_start3A_21] : memref<16x157x128xi32, #tpu.memory_space<hbm>> -> memref<1x157x128xi32, #tpu.memory_space<hbm>>
      %dma_start3A_23 = tpu.memref_squeeze %dma_start3A_22 : memref<1x157x128xi32, #tpu.memory_space<hbm>> -> memref<157x128xi32, #tpu.memory_space<hbm>>
      tpu.enqueue_dma source(%dma_start3A_23 : memref<157x128xi32, #tpu.memory_space<hbm>>) target(%arg13 : memref<157x128xi32, #tpu.memory_space<vmem>>) target_semaphore(%run_scoped3A : memref<!tpu.dma_semaphore, #tpu.memory_space<semaphore_mem>>)
      %dma_wait3A = arith.constant 0 : i32
      %dma_wait3A_24 = arith.constant 0 : i32
      %dma_wait3A_25 = tpu.memref_slice %arg2[%arg1, %dma_wait3A, %dma_wait3A_24] : memref<16x157x128xi32, #tpu.memory_space<hbm>> -> memref<1x157x128xi32, #tpu.memory_space<hbm>>
      %dma_wait3A_26 = tpu.memref_squeeze %dma_wait3A_25 : memref<1x157x128xi32, #tpu.memory_space<hbm>> -> memref<157x128xi32, #tpu.memory_space<hbm>>
      %dma_wait3A_27 = arith.constant 0 : i32
      %dma_wait3A_28 = arith.constant 0 : i32
      %dma_wait3A_29 = tpu.memref_slice %arg2[%arg1, %dma_wait3A_27, %dma_wait3A_28] : memref<16x157x128xi32, #tpu.memory_space<hbm>> -> memref<1x157x128xi32, #tpu.memory_space<hbm>>
      %dma_wait3A_30 = tpu.memref_squeeze %dma_wait3A_29 : memref<1x157x128xi32, #tpu.memory_space<hbm>> -> memref<157x128xi32, #tpu.memory_space<hbm>>
      tpu.wait_dma2 semaphore(%run_scoped3A : memref<!tpu.dma_semaphore, #tpu.memory_space<semaphore_mem>>) src(%dma_wait3A_30 : memref<157x128xi32, #tpu.memory_space<hbm>>) dst(%arg13 : memref<157x128xi32, #tpu.memory_space<vmem>>)
      tpu.yield
    }) : () -> ()
    "tpu.region"() ({
      %run_scoped3A = tpu.sem_alloc : memref<!tpu.dma_semaphore, #tpu.memory_space<semaphore_mem>>
      %dma_start3A = arith.constant 0 : i32
      %dma_start3A_17 = arith.constant 0 : i32
      %dma_start3A_18 = tpu.memref_slice %arg3[%arg1, %dma_start3A, %dma_start3A_17] : memref<16x157x128xi32, #tpu.memory_space<hbm>> -> memref<1x157x128xi32, #tpu.memory_space<hbm>>
      %dma_start3A_19 = tpu.memref_squeeze %dma_start3A_18 : memref<1x157x128xi32, #tpu.memory_space<hbm>> -> memref<157x128xi32, #tpu.memory_space<hbm>>
      %dma_start3A_20 = arith.constant 0 : i32
      %dma_start3A_21 = arith.constant 0 : i32
      %dma_start3A_22 = tpu.memref_slice %arg3[%arg1, %dma_start3A_20, %dma_start3A_21] : memref<16x157x128xi32, #tpu.memory_space<hbm>> -> memref<1x157x128xi32, #tpu.memory_space<hbm>>
      %dma_start3A_23 = tpu.memref_squeeze %dma_start3A_22 : memref<1x157x128xi32, #tpu.memory_space<hbm>> -> memref<157x128xi32, #tpu.memory_space<hbm>>
      tpu.enqueue_dma source(%dma_start3A_23 : memref<157x128xi32, #tpu.memory_space<hbm>>) target(%arg14 : memref<157x128xi32, #tpu.memory_space<vmem>>) target_semaphore(%run_scoped3A : memref<!tpu.dma_semaphore, #tpu.memory_space<semaphore_mem>>)
      %dma_wait3A = arith.constant 0 : i32
      %dma_wait3A_24 = arith.constant 0 : i32
      %dma_wait3A_25 = tpu.memref_slice %arg3[%arg1, %dma_wait3A, %dma_wait3A_24] : memref<16x157x128xi32, #tpu.memory_space<hbm>> -> memref<1x157x128xi32, #tpu.memory_space<hbm>>
      %dma_wait3A_26 = tpu.memref_squeeze %dma_wait3A_25 : memref<1x157x128xi32, #tpu.memory_space<hbm>> -> memref<157x128xi32, #tpu.memory_space<hbm>>
      %dma_wait3A_27 = arith.constant 0 : i32
      %dma_wait3A_28 = arith.constant 0 : i32
      %dma_wait3A_29 = tpu.memref_slice %arg3[%arg1, %dma_wait3A_27, %dma_wait3A_28] : memref<16x157x128xi32, #tpu.memory_space<hbm>> -> memref<1x157x128xi32, #tpu.memory_space<hbm>>
      %dma_wait3A_30 = tpu.memref_squeeze %dma_wait3A_29 : memref<1x157x128xi32, #tpu.memory_space<hbm>> -> memref<157x128xi32, #tpu.memory_space<hbm>>
      tpu.wait_dma2 semaphore(%run_scoped3A : memref<!tpu.dma_semaphore, #tpu.memory_space<semaphore_mem>>) src(%dma_wait3A_30 : memref<157x128xi32, #tpu.memory_space<hbm>>) dst(%arg14 : memref<157x128xi32, #tpu.memory_space<vmem>>)
      tpu.yield
    }) : () -> ()
    %eq3A = arith.constant 0 : i32
    %eq3A_0 = arith.cmpi eq, %arg0, %eq3A : i32
    %convert_element_type3A = arith.extui %eq3A_0 : i1 to i32
    %cond3A = arith.constant 0 : i32
    %cond3A_1 = arith.cmpi ne, %convert_element_type3A, %cond3A : i32
    scf.if %cond3A_1 {
      %mul3A = arith.constant 640 : i32
      %mul3A_17 = arith.muli %arg1, %mul3A : i32
      %mul3A_18 = arith.constant 640 : i32
      %mul3A_19 = arith.muli %arg1, %mul3A_18 : i32
      "tpu.region"() ({
        %run_scoped3A = tpu.sem_alloc : memref<!tpu.dma_semaphore, #tpu.memory_space<semaphore_mem>>
        %dma_start3A_164 = arith.constant 0 : i32
        %dma_start3A_165 = tpu.memref_slice %arg16[%mul3A_19, %dma_start3A_164] : memref<10240x32xf32, #tpu.memory_space<vmem_shared>> -> memref<640x32xf32, #tpu.memory_space<vmem_shared>>
        %dma_start3A_166 = arith.constant 0 : i32
        %dma_start3A_167 = tpu.memref_slice %arg4[%mul3A_17, %dma_start3A_166] : memref<10240x32xf32, #tpu.memory_space<hbm>> -> memref<640x32xf32, #tpu.memory_space<hbm>>
        tpu.enqueue_dma source(%dma_start3A_167 : memref<640x32xf32, #tpu.memory_space<hbm>>) target(%dma_start3A_165 : memref<640x32xf32, #tpu.memory_space<vmem_shared>>) target_semaphore(%run_scoped3A : memref<!tpu.dma_semaphore, #tpu.memory_space<semaphore_mem>>)
        %dma_wait3A_168 = arith.constant 0 : i32
        %dma_wait3A_169 = tpu.memref_slice %arg16[%mul3A_19, %dma_wait3A_168] : memref<10240x32xf32, #tpu.memory_space<vmem_shared>> -> memref<640x32xf32, #tpu.memory_space<vmem_shared>>
        %dma_wait3A_170 = arith.constant 0 : i32
        %dma_wait3A_171 = tpu.memref_slice %arg4[%mul3A_17, %dma_wait3A_170] : memref<10240x32xf32, #tpu.memory_space<hbm>> -> memref<640x32xf32, #tpu.memory_space<hbm>>
        tpu.wait_dma2 semaphore(%run_scoped3A : memref<!tpu.dma_semaphore, #tpu.memory_space<semaphore_mem>>) src(%dma_wait3A_171 : memref<640x32xf32, #tpu.memory_space<hbm>>) dst(%dma_wait3A_169 : memref<640x32xf32, #tpu.memory_space<vmem_shared>>)
        tpu.yield
      }) : () -> ()
      %barrier3A = arith.constant 0 : index
      tpu.barrier barrier_id(%barrier3A)
      %dma_start3A = arith.constant 0 : i32
      %dma_start3A_20 = arith.constant 0 : i32
      %dma_start3A_21 = arith.constant 0 : i32
      %dma_start3A_22 = arith.constant 0 : i32
      %dma_start3A_23 = arith.constant 0 : i32
      %dma_start3A_24 = tpu.memref_slice %arg15[%dma_start3A_20, %dma_start3A_22, %dma_start3A_23] : memref<6x128x32xf32, #tpu.memory_space<vmem>> -> memref<1x128x32xf32, #tpu.memory_space<vmem>>
      %dma_start3A_25 = tpu.memref_squeeze %dma_start3A_24 : memref<1x128x32xf32, #tpu.memory_space<vmem>> -> memref<128x32xf32, #tpu.memory_space<vmem>>
      %dma_start3A_26 = arith.constant 0 : i32
      %dma_start3A_27 = tpu.memref_slice %arg13[%dma_start3A, %dma_start3A_26] : memref<157x128xi32, #tpu.memory_space<vmem>> -> memref<1x128xi32, #tpu.memory_space<vmem>>
      %dma_start3A_28 = tpu.memref_squeeze %dma_start3A_27 : memref<1x128xi32, #tpu.memory_space<vmem>> -> memref<128xi32, #tpu.memory_space<vmem>>
      %dma_start3A_29 = arith.constant 0 : i32
      %dma_start3A_30 = arith.constant 0 : i32
      %dma_start3A_31 = tpu.memref_slice %arg5[%dma_start3A_29, %dma_start3A_30] : memref<10240x32xf32, #tpu.memory_space<hbm>> -> memref<10240x32xf32, #tpu.memory_space<hbm>>
      %dma_start3A_32 = tpu.memref_slice %arg17[%dma_start3A_21] : memref<6x!tpu.dma_semaphore, #tpu.memory_space<semaphore_mem>> -> memref<1x!tpu.dma_semaphore, #tpu.memory_space<semaphore_mem>>
      %dma_start3A_33 = tpu.memref_squeeze %dma_start3A_32 : memref<1x!tpu.dma_semaphore, #tpu.memory_space<semaphore_mem>> -> memref<!tpu.dma_semaphore, #tpu.memory_space<semaphore_mem>>
      tpu.enqueue_indirect_dma source(%dma_start3A_31 : memref<10240x32xf32, #tpu.memory_space<hbm>>) target(%dma_start3A_25 : memref<128x32xf32, #tpu.memory_space<vmem>>) offsets(%dma_start3A_28 : memref<128xi32, #tpu.memory_space<vmem>>) semaphore(%dma_start3A_33 : memref<!tpu.dma_semaphore, #tpu.memory_space<semaphore_mem>>)
      %dma_start3A_34 = arith.constant 1 : i32
      %dma_start3A_35 = arith.constant 1 : i32
      %dma_start3A_36 = arith.constant 1 : i32
      %dma_start3A_37 = arith.constant 0 : i32
      %dma_start3A_38 = arith.constant 0 : i32
      %dma_start3A_39 = tpu.memref_slice %arg15[%dma_start3A_35, %dma_start3A_37, %dma_start3A_38] : memref<6x128x32xf32, #tpu.memory_space<vmem>> -> memref<1x128x32xf32, #tpu.memory_space<vmem>>
      %dma_start3A_40 = tpu.memref_squeeze %dma_start3A_39 : memref<1x128x32xf32, #tpu.memory_space<vmem>> -> memref<128x32xf32, #tpu.memory_space<vmem>>
      %dma_start3A_41 = arith.constant 0 : i32
      %dma_start3A_42 = tpu.memref_slice %arg13[%dma_start3A_34, %dma_start3A_41] : memref<157x128xi32, #tpu.memory_space<vmem>> -> memref<1x128xi32, #tpu.memory_space<vmem>>
      %dma_start3A_43 = tpu.memref_squeeze %dma_start3A_42 : memref<1x128xi32, #tpu.memory_space<vmem>> -> memref<128xi32, #tpu.memory_space<vmem>>
      %dma_start3A_44 = arith.constant 0 : i32
      %dma_start3A_45 = arith.constant 0 : i32
      %dma_start3A_46 = tpu.memref_slice %arg5[%dma_start3A_44, %dma_start3A_45] : memref<10240x32xf32, #tpu.memory_space<hbm>> -> memref<10240x32xf32, #tpu.memory_space<hbm>>
      %dma_start3A_47 = tpu.memref_slice %arg17[%dma_start3A_36] : memref<6x!tpu.dma_semaphore, #tpu.memory_space<semaphore_mem>> -> memref<1x!tpu.dma_semaphore, #tpu.memory_space<semaphore_mem>>
      %dma_start3A_48 = tpu.memref_squeeze %dma_start3A_47 : memref<1x!tpu.dma_semaphore, #tpu.memory_space<semaphore_mem>> -> memref<!tpu.dma_semaphore, #tpu.memory_space<semaphore_mem>>
      tpu.enqueue_indirect_dma source(%dma_start3A_46 : memref<10240x32xf32, #tpu.memory_space<hbm>>) target(%dma_start3A_40 : memref<128x32xf32, #tpu.memory_space<vmem>>) offsets(%dma_start3A_43 : memref<128xi32, #tpu.memory_space<vmem>>) semaphore(%dma_start3A_48 : memref<!tpu.dma_semaphore, #tpu.memory_space<semaphore_mem>>)
      %dma_start3A_49 = arith.constant 2 : i32
      %dma_start3A_50 = arith.constant 2 : i32
      %dma_start3A_51 = arith.constant 2 : i32
      %dma_start3A_52 = arith.constant 0 : i32
      %dma_start3A_53 = arith.constant 0 : i32
      %dma_start3A_54 = tpu.memref_slice %arg15[%dma_start3A_50, %dma_start3A_52, %dma_start3A_53] : memref<6x128x32xf32, #tpu.memory_space<vmem>> -> memref<1x128x32xf32, #tpu.memory_space<vmem>>
      %dma_start3A_55 = tpu.memref_squeeze %dma_start3A_54 : memref<1x128x32xf32, #tpu.memory_space<vmem>> -> memref<128x32xf32, #tpu.memory_space<vmem>>
      %dma_start3A_56 = arith.constant 0 : i32
      %dma_start3A_57 = tpu.memref_slice %arg13[%dma_start3A_49, %dma_start3A_56] : memref<157x128xi32, #tpu.memory_space<vmem>> -> memref<1x128xi32, #tpu.memory_space<vmem>>
      %dma_start3A_58 = tpu.memref_squeeze %dma_start3A_57 : memref<1x128xi32, #tpu.memory_space<vmem>> -> memref<128xi32, #tpu.memory_space<vmem>>
      %dma_start3A_59 = arith.constant 0 : i32
      %dma_start3A_60 = arith.constant 0 : i32
      %dma_start3A_61 = tpu.memref_slice %arg5[%dma_start3A_59, %dma_start3A_60] : memref<10240x32xf32, #tpu.memory_space<hbm>> -> memref<10240x32xf32, #tpu.memory_space<hbm>>
      %dma_start3A_62 = tpu.memref_slice %arg17[%dma_start3A_51] : memref<6x!tpu.dma_semaphore, #tpu.memory_space<semaphore_mem>> -> memref<1x!tpu.dma_semaphore, #tpu.memory_space<semaphore_mem>>
      %dma_start3A_63 = tpu.memref_squeeze %dma_start3A_62 : memref<1x!tpu.dma_semaphore, #tpu.memory_space<semaphore_mem>> -> memref<!tpu.dma_semaphore, #tpu.memory_space<semaphore_mem>>
      tpu.enqueue_indirect_dma source(%dma_start3A_61 : memref<10240x32xf32, #tpu.memory_space<hbm>>) target(%dma_start3A_55 : memref<128x32xf32, #tpu.memory_space<vmem>>) offsets(%dma_start3A_58 : memref<128xi32, #tpu.memory_space<vmem>>) semaphore(%dma_start3A_63 : memref<!tpu.dma_semaphore, #tpu.memory_space<semaphore_mem>>)
      %scan3A = arith.constant 0 : i32
      %scan3A_64 = arith.constant 0 : i32
      %scan3A_65 = arith.constant 157 : i32
      %scan3A_66 = arith.addi %scan3A_64, %scan3A_65 : i32
      %scan3A_67 = arith.constant 1 : i32
      scf.for %scan3A_164 = %scan3A_64 to %scan3A_66 step %scan3A_67  : i32 {
        %rem3A = arith.constant 6 : i32
        %rem3A_165 = arith.remsi %scan3A_164, %rem3A : i32
        %add3A = arith.constant 3 : i32
        %add3A_166 = arith.addi %scan3A_164, %add3A : i32
        %rem3A_167 = arith.constant 6 : i32
        %rem3A_168 = arith.remsi %add3A_166, %rem3A_167 : i32
        %add3A_169 = arith.constant 3 : i32
        %add3A_170 = arith.addi %scan3A_164, %add3A_169 : i32
        %lt3A = arith.constant 157 : i32
        %lt3A_171 = arith.cmpi slt, %add3A_170, %lt3A : i32
        %convert_element_type3A_172 = arith.extui %lt3A_171 : i1 to i32
        %cond3A_173 = arith.constant 0 : i32
        %cond3A_174 = arith.cmpi ne, %convert_element_type3A_172, %cond3A_173 : i32
        scf.if %cond3A_174 {
          %ge3A = arith.constant 3 : i32
          %ge3A_199 = arith.cmpi sge, %scan3A_164, %ge3A : i32
          %convert_element_type3A_200 = arith.extui %ge3A_199 : i1 to i32
          %cond3A_201 = arith.constant 0 : i32
          %cond3A_202 = arith.cmpi ne, %convert_element_type3A_200, %cond3A_201 : i32
          scf.if %cond3A_202 {
            %sub3A = arith.constant 3 : i32
            %sub3A_217 = arith.subi %scan3A_164, %sub3A : i32
            %dma_wait3A_218 = arith.constant 0 : i32
            %dma_wait3A_219 = arith.constant 0 : i32
            %dma_wait3A_220 = tpu.memref_slice %arg15[%rem3A_168, %dma_wait3A_218, %dma_wait3A_219] : memref<6x128x32xf32, #tpu.memory_space<vmem>> -> memref<1x128x32xf32, #tpu.memory_space<vmem>>
            %dma_wait3A_221 = tpu.memref_squeeze %dma_wait3A_220 : memref<1x128x32xf32, #tpu.memory_space<vmem>> -> memref<128x32xf32, #tpu.memory_space<vmem>>
            %dma_wait3A_222 = arith.constant 0 : i32
            %dma_wait3A_223 = tpu.memref_slice %arg14[%sub3A_217, %dma_wait3A_222] : memref<157x128xi32, #tpu.memory_space<vmem>> -> memref<1x128xi32, #tpu.memory_space<vmem>>
            %dma_wait3A_224 = tpu.memref_squeeze %dma_wait3A_223 : memref<1x128xi32, #tpu.memory_space<vmem>> -> memref<128xi32, #tpu.memory_space<vmem>>
            %dma_wait3A_225 = arith.constant 0 : i32
            %dma_wait3A_226 = arith.constant 0 : i32
            %dma_wait3A_227 = tpu.memref_slice %arg16[%dma_wait3A_225, %dma_wait3A_226] : memref<10240x32xf32, #tpu.memory_space<vmem_shared>> -> memref<10240x32xf32, #tpu.memory_space<vmem_shared>>
            %dma_wait3A_228 = tpu.memref_slice %arg18[%rem3A_168] : memref<6x!tpu.dma_semaphore, #tpu.memory_space<semaphore_mem>> -> memref<1x!tpu.dma_semaphore, #tpu.memory_space<semaphore_mem>>
            %dma_wait3A_229 = tpu.memref_squeeze %dma_wait3A_228 : memref<1x!tpu.dma_semaphore, #tpu.memory_space<semaphore_mem>> -> memref<!tpu.dma_semaphore, #tpu.memory_space<semaphore_mem>>
            tpu.wait_indirect_dma semaphore(%dma_wait3A_229 : memref<!tpu.dma_semaphore, #tpu.memory_space<semaphore_mem>>) src(%dma_wait3A_221 : memref<128x32xf32, #tpu.memory_space<vmem>>) dst(%dma_wait3A_227 : memref<10240x32xf32, #tpu.memory_space<vmem_shared>>)
          } else {
          }
          %add3A_203 = arith.constant 3 : i32
          %add3A_204 = arith.addi %scan3A_164, %add3A_203 : i32
          %dma_start3A_205 = arith.constant 0 : i32
          %dma_start3A_206 = arith.constant 0 : i32
          %dma_start3A_207 = tpu.memref_slice %arg15[%rem3A_168, %dma_start3A_205, %dma_start3A_206] : memref<6x128x32xf32, #tpu.memory_space<vmem>> -> memref<1x128x32xf32, #tpu.memory_space<vmem>>
          %dma_start3A_208 = tpu.memref_squeeze %dma_start3A_207 : memref<1x128x32xf32, #tpu.memory_space<vmem>> -> memref<128x32xf32, #tpu.memory_space<vmem>>
          %dma_start3A_209 = arith.constant 0 : i32
          %dma_start3A_210 = tpu.memref_slice %arg13[%add3A_204, %dma_start3A_209] : memref<157x128xi32, #tpu.memory_space<vmem>> -> memref<1x128xi32, #tpu.memory_space<vmem>>
          %dma_start3A_211 = tpu.memref_squeeze %dma_start3A_210 : memref<1x128xi32, #tpu.memory_space<vmem>> -> memref<128xi32, #tpu.memory_space<vmem>>
          %dma_start3A_212 = arith.constant 0 : i32
          %dma_start3A_213 = arith.constant 0 : i32
          %dma_start3A_214 = tpu.memref_slice %arg5[%dma_start3A_212, %dma_start3A_213] : memref<10240x32xf32, #tpu.memory_space<hbm>> -> memref<10240x32xf32, #tpu.memory_space<hbm>>
          %dma_start3A_215 = tpu.memref_slice %arg17[%rem3A_168] : memref<6x!tpu.dma_semaphore, #tpu.memory_space<semaphore_mem>> -> memref<1x!tpu.dma_semaphore, #tpu.memory_space<semaphore_mem>>
          %dma_start3A_216 = tpu.memref_squeeze %dma_start3A_215 : memref<1x!tpu.dma_semaphore, #tpu.memory_space<semaphore_mem>> -> memref<!tpu.dma_semaphore, #tpu.memory_space<semaphore_mem>>
          tpu.enqueue_indirect_dma source(%dma_start3A_214 : memref<10240x32xf32, #tpu.memory_space<hbm>>) target(%dma_start3A_208 : memref<128x32xf32, #tpu.memory_space<vmem>>) offsets(%dma_start3A_211 : memref<128xi32, #tpu.memory_space<vmem>>) semaphore(%dma_start3A_216 : memref<!tpu.dma_semaphore, #tpu.memory_space<semaphore_mem>>)
        } else {
        }
        %dma_wait3A_175 = arith.constant 0 : i32
        %dma_wait3A_176 = arith.constant 0 : i32
        %dma_wait3A_177 = tpu.memref_slice %arg15[%rem3A_165, %dma_wait3A_175, %dma_wait3A_176] : memref<6x128x32xf32, #tpu.memory_space<vmem>> -> memref<1x128x32xf32, #tpu.memory_space<vmem>>
        %dma_wait3A_178 = tpu.memref_squeeze %dma_wait3A_177 : memref<1x128x32xf32, #tpu.memory_space<vmem>> -> memref<128x32xf32, #tpu.memory_space<vmem>>
        %dma_wait3A_179 = arith.constant 0 : i32
        %dma_wait3A_180 = tpu.memref_slice %arg13[%scan3A_164, %dma_wait3A_179] : memref<157x128xi32, #tpu.memory_space<vmem>> -> memref<1x128xi32, #tpu.memory_space<vmem>>
        %dma_wait3A_181 = tpu.memref_squeeze %dma_wait3A_180 : memref<1x128xi32, #tpu.memory_space<vmem>> -> memref<128xi32, #tpu.memory_space<vmem>>
        %dma_wait3A_182 = arith.constant 0 : i32
        %dma_wait3A_183 = arith.constant 0 : i32
        %dma_wait3A_184 = tpu.memref_slice %arg5[%dma_wait3A_182, %dma_wait3A_183] : memref<10240x32xf32, #tpu.memory_space<hbm>> -> memref<10240x32xf32, #tpu.memory_space<hbm>>
        %dma_wait3A_185 = tpu.memref_slice %arg17[%rem3A_165] : memref<6x!tpu.dma_semaphore, #tpu.memory_space<semaphore_mem>> -> memref<1x!tpu.dma_semaphore, #tpu.memory_space<semaphore_mem>>
        %dma_wait3A_186 = tpu.memref_squeeze %dma_wait3A_185 : memref<1x!tpu.dma_semaphore, #tpu.memory_space<semaphore_mem>> -> memref<!tpu.dma_semaphore, #tpu.memory_space<semaphore_mem>>
        tpu.wait_indirect_dma semaphore(%dma_wait3A_186 : memref<!tpu.dma_semaphore, #tpu.memory_space<semaphore_mem>>) src(%dma_wait3A_184 : memref<10240x32xf32, #tpu.memory_space<hbm>>) dst(%dma_wait3A_178 : memref<128x32xf32, #tpu.memory_space<vmem>>)
        %dma_start3A_187 = arith.constant 0 : i32
        %dma_start3A_188 = arith.constant 0 : i32
        %dma_start3A_189 = tpu.memref_slice %arg15[%rem3A_165, %dma_start3A_187, %dma_start3A_188] : memref<6x128x32xf32, #tpu.memory_space<vmem>> -> memref<1x128x32xf32, #tpu.memory_space<vmem>>
        %dma_start3A_190 = tpu.memref_squeeze %dma_start3A_189 : memref<1x128x32xf32, #tpu.memory_space<vmem>> -> memref<128x32xf32, #tpu.memory_space<vmem>>
        %dma_start3A_191 = arith.constant 0 : i32
        %dma_start3A_192 = tpu.memref_slice %arg14[%scan3A_164, %dma_start3A_191] : memref<157x128xi32, #tpu.memory_space<vmem>> -> memref<1x128xi32, #tpu.memory_space<vmem>>
        %dma_start3A_193 = tpu.memref_squeeze %dma_start3A_192 : memref<1x128xi32, #tpu.memory_space<vmem>> -> memref<128xi32, #tpu.memory_space<vmem>>
        %dma_start3A_194 = arith.constant 0 : i32
        %dma_start3A_195 = arith.constant 0 : i32
        %dma_start3A_196 = tpu.memref_slice %arg16[%dma_start3A_194, %dma_start3A_195] : memref<10240x32xf32, #tpu.memory_space<vmem_shared>> -> memref<10240x32xf32, #tpu.memory_space<vmem_shared>>
        %dma_start3A_197 = tpu.memref_slice %arg18[%rem3A_165] : memref<6x!tpu.dma_semaphore, #tpu.memory_space<semaphore_mem>> -> memref<1x!tpu.dma_semaphore, #tpu.memory_space<semaphore_mem>>
        %dma_start3A_198 = tpu.memref_squeeze %dma_start3A_197 : memref<1x!tpu.dma_semaphore, #tpu.memory_space<semaphore_mem>> -> memref<!tpu.dma_semaphore, #tpu.memory_space<semaphore_mem>>
        tpu.enqueue_indirect_dma source(%dma_start3A_190 : memref<128x32xf32, #tpu.memory_space<vmem>>) target(%dma_start3A_196 : memref<10240x32xf32, #tpu.memory_space<vmem_shared>>) offsets(%dma_start3A_193 : memref<128xi32, #tpu.memory_space<vmem>>) semaphore(%dma_start3A_198 : memref<!tpu.dma_semaphore, #tpu.memory_space<semaphore_mem>>) {add = true}
      }
      %scan3A_68 = arith.constant 157 : i32
      %dma_wait3A = arith.constant 1 : i32
      %dma_wait3A_69 = arith.constant 151 : i32
      %dma_wait3A_70 = arith.constant 1 : i32
      %dma_wait3A_71 = arith.constant 0 : i32
      %dma_wait3A_72 = arith.constant 0 : i32
      %dma_wait3A_73 = tpu.memref_slice %arg15[%dma_wait3A, %dma_wait3A_71, %dma_wait3A_72] : memref<6x128x32xf32, #tpu.memory_space<vmem>> -> memref<1x128x32xf32, #tpu.memory_space<vmem>>
      %dma_wait3A_74 = tpu.memref_squeeze %dma_wait3A_73 : memref<1x128x32xf32, #tpu.memory_space<vmem>> -> memref<128x32xf32, #tpu.memory_space<vmem>>
      %dma_wait3A_75 = arith.constant 0 : i32
      %dma_wait3A_76 = tpu.memref_slice %arg14[%dma_wait3A_69, %dma_wait3A_75] : memref<157x128xi32, #tpu.memory_space<vmem>> -> memref<1x128xi32, #tpu.memory_space<vmem>>
      %dma_wait3A_77 = tpu.memref_squeeze %dma_wait3A_76 : memref<1x128xi32, #tpu.memory_space<vmem>> -> memref<128xi32, #tpu.memory_space<vmem>>
      %dma_wait3A_78 = arith.constant 0 : i32
      %dma_wait3A_79 = arith.constant 0 : i32
      %dma_wait3A_80 = tpu.memref_slice %arg16[%dma_wait3A_78, %dma_wait3A_79] : memref<10240x32xf32, #tpu.memory_space<vmem_shared>> -> memref<10240x32xf32, #tpu.memory_space<vmem_shared>>
      %dma_wait3A_81 = tpu.memref_slice %arg18[%dma_wait3A_70] : memref<6x!tpu.dma_semaphore, #tpu.memory_space<semaphore_mem>> -> memref<1x!tpu.dma_semaphore, #tpu.memory_space<semaphore_mem>>
      %dma_wait3A_82 = tpu.memref_squeeze %dma_wait3A_81 : memref<1x!tpu.dma_semaphore, #tpu.memory_space<semaphore_mem>> -> memref<!tpu.dma_semaphore, #tpu.memory_space<semaphore_mem>>
      tpu.wait_indirect_dma semaphore(%dma_wait3A_82 : memref<!tpu.dma_semaphore, #tpu.memory_space<semaphore_mem>>) src(%dma_wait3A_74 : memref<128x32xf32, #tpu.memory_space<vmem>>) dst(%dma_wait3A_80 : memref<10240x32xf32, #tpu.memory_space<vmem_shared>>)
      %dma_wait3A_83 = arith.constant 2 : i32
      %dma_wait3A_84 = arith.constant 152 : i32
      %dma_wait3A_85 = arith.constant 2 : i32
      %dma_wait3A_86 = arith.constant 0 : i32
      %dma_wait3A_87 = arith.constant 0 : i32
      %dma_wait3A_88 = tpu.memref_slice %arg15[%dma_wait3A_83, %dma_wait3A_86, %dma_wait3A_87] : memref<6x128x32xf32, #tpu.memory_space<vmem>> -> memref<1x128x32xf32, #tpu.memory_space<vmem>>
      %dma_wait3A_89 = tpu.memref_squeeze %dma_wait3A_88 : memref<1x128x32xf32, #tpu.memory_space<vmem>> -> memref<128x32xf32, #tpu.memory_space<vmem>>
      %dma_wait3A_90 = arith.constant 0 : i32
      %dma_wait3A_91 = tpu.memref_slice %arg14[%dma_wait3A_84, %dma_wait3A_90] : memref<157x128xi32, #tpu.memory_space<vmem>> -> memref<1x128xi32, #tpu.memory_space<vmem>>
      %dma_wait3A_92 = tpu.memref_squeeze %dma_wait3A_91 : memref<1x128xi32, #tpu.memory_space<vmem>> -> memref<128xi32, #tpu.memory_space<vmem>>
      %dma_wait3A_93 = arith.constant 0 : i32
      %dma_wait3A_94 = arith.constant 0 : i32
      %dma_wait3A_95 = tpu.memref_slice %arg16[%dma_wait3A_93, %dma_wait3A_94] : memref<10240x32xf32, #tpu.memory_space<vmem_shared>> -> memref<10240x32xf32, #tpu.memory_space<vmem_shared>>
      %dma_wait3A_96 = tpu.memref_slice %arg18[%dma_wait3A_85] : memref<6x!tpu.dma_semaphore, #tpu.memory_space<semaphore_mem>> -> memref<1x!tpu.dma_semaphore, #tpu.memory_space<semaphore_mem>>
      %dma_wait3A_97 = tpu.memref_squeeze %dma_wait3A_96 : memref<1x!tpu.dma_semaphore, #tpu.memory_space<semaphore_mem>> -> memref<!tpu.dma_semaphore, #tpu.memory_space<semaphore_mem>>
      tpu.wait_indirect_dma semaphore(%dma_wait3A_97 : memref<!tpu.dma_semaphore, #tpu.memory_space<semaphore_mem>>) src(%dma_wait3A_89 : memref<128x32xf32, #tpu.memory_space<vmem>>) dst(%dma_wait3A_95 : memref<10240x32xf32, #tpu.memory_space<vmem_shared>>)
      %dma_wait3A_98 = arith.constant 3 : i32
      %dma_wait3A_99 = arith.constant 153 : i32
      %dma_wait3A_100 = arith.constant 3 : i32
      %dma_wait3A_101 = arith.constant 0 : i32
      %dma_wait3A_102 = arith.constant 0 : i32
      %dma_wait3A_103 = tpu.memref_slice %arg15[%dma_wait3A_98, %dma_wait3A_101, %dma_wait3A_102] : memref<6x128x32xf32, #tpu.memory_space<vmem>> -> memref<1x128x32xf32, #tpu.memory_space<vmem>>
      %dma_wait3A_104 = tpu.memref_squeeze %dma_wait3A_103 : memref<1x128x32xf32, #tpu.memory_space<vmem>> -> memref<128x32xf32, #tpu.memory_space<vmem>>
      %dma_wait3A_105 = arith.constant 0 : i32
      %dma_wait3A_106 = tpu.memref_slice %arg14[%dma_wait3A_99, %dma_wait3A_105] : memref<157x128xi32, #tpu.memory_space<vmem>> -> memref<1x128xi32, #tpu.memory_space<vmem>>
      %dma_wait3A_107 = tpu.memref_squeeze %dma_wait3A_106 : memref<1x128xi32, #tpu.memory_space<vmem>> -> memref<128xi32, #tpu.memory_space<vmem>>
      %dma_wait3A_108 = arith.constant 0 : i32
      %dma_wait3A_109 = arith.constant 0 : i32
      %dma_wait3A_110 = tpu.memref_slice %arg16[%dma_wait3A_108, %dma_wait3A_109] : memref<10240x32xf32, #tpu.memory_space<vmem_shared>> -> memref<10240x32xf32, #tpu.memory_space<vmem_shared>>
      %dma_wait3A_111 = tpu.memref_slice %arg18[%dma_wait3A_100] : memref<6x!tpu.dma_semaphore, #tpu.memory_space<semaphore_mem>> -> memref<1x!tpu.dma_semaphore, #tpu.memory_space<semaphore_mem>>
      %dma_wait3A_112 = tpu.memref_squeeze %dma_wait3A_111 : memref<1x!tpu.dma_semaphore, #tpu.memory_space<semaphore_mem>> -> memref<!tpu.dma_semaphore, #tpu.memory_space<semaphore_mem>>
      tpu.wait_indirect_dma semaphore(%dma_wait3A_112 : memref<!tpu.dma_semaphore, #tpu.memory_space<semaphore_mem>>) src(%dma_wait3A_104 : memref<128x32xf32, #tpu.memory_space<vmem>>) dst(%dma_wait3A_110 : memref<10240x32xf32, #tpu.memory_space<vmem_shared>>)
      %dma_wait3A_113 = arith.constant 4 : i32
      %dma_wait3A_114 = arith.constant 154 : i32
      %dma_wait3A_115 = arith.constant 4 : i32
      %dma_wait3A_116 = arith.constant 0 : i32
      %dma_wait3A_117 = arith.constant 0 : i32
      %dma_wait3A_118 = tpu.memref_slice %arg15[%dma_wait3A_113, %dma_wait3A_116, %dma_wait3A_117] : memref<6x128x32xf32, #tpu.memory_space<vmem>> -> memref<1x128x32xf32, #tpu.memory_space<vmem>>
      %dma_wait3A_119 = tpu.memref_squeeze %dma_wait3A_118 : memref<1x128x32xf32, #tpu.memory_space<vmem>> -> memref<128x32xf32, #tpu.memory_space<vmem>>
      %dma_wait3A_120 = arith.constant 0 : i32
      %dma_wait3A_121 = tpu.memref_slice %arg14[%dma_wait3A_114, %dma_wait3A_120] : memref<157x128xi32, #tpu.memory_space<vmem>> -> memref<1x128xi32, #tpu.memory_space<vmem>>
      %dma_wait3A_122 = tpu.memref_squeeze %dma_wait3A_121 : memref<1x128xi32, #tpu.memory_space<vmem>> -> memref<128xi32, #tpu.memory_space<vmem>>
      %dma_wait3A_123 = arith.constant 0 : i32
      %dma_wait3A_124 = arith.constant 0 : i32
      %dma_wait3A_125 = tpu.memref_slice %arg16[%dma_wait3A_123, %dma_wait3A_124] : memref<10240x32xf32, #tpu.memory_space<vmem_shared>> -> memref<10240x32xf32, #tpu.memory_space<vmem_shared>>
      %dma_wait3A_126 = tpu.memref_slice %arg18[%dma_wait3A_115] : memref<6x!tpu.dma_semaphore, #tpu.memory_space<semaphore_mem>> -> memref<1x!tpu.dma_semaphore, #tpu.memory_space<semaphore_mem>>
      %dma_wait3A_127 = tpu.memref_squeeze %dma_wait3A_126 : memref<1x!tpu.dma_semaphore, #tpu.memory_space<semaphore_mem>> -> memref<!tpu.dma_semaphore, #tpu.memory_space<semaphore_mem>>
      tpu.wait_indirect_dma semaphore(%dma_wait3A_127 : memref<!tpu.dma_semaphore, #tpu.memory_space<semaphore_mem>>) src(%dma_wait3A_119 : memref<128x32xf32, #tpu.memory_space<vmem>>) dst(%dma_wait3A_125 : memref<10240x32xf32, #tpu.memory_space<vmem_shared>>)
      %dma_wait3A_128 = arith.constant 5 : i32
      %dma_wait3A_129 = arith.constant 155 : i32
      %dma_wait3A_130 = arith.constant 5 : i32
      %dma_wait3A_131 = arith.constant 0 : i32
      %dma_wait3A_132 = arith.constant 0 : i32
      %dma_wait3A_133 = tpu.memref_slice %arg15[%dma_wait3A_128, %dma_wait3A_131, %dma_wait3A_132] : memref<6x128x32xf32, #tpu.memory_space<vmem>> -> memref<1x128x32xf32, #tpu.memory_space<vmem>>
      %dma_wait3A_134 = tpu.memref_squeeze %dma_wait3A_133 : memref<1x128x32xf32, #tpu.memory_space<vmem>> -> memref<128x32xf32, #tpu.memory_space<vmem>>
      %dma_wait3A_135 = arith.constant 0 : i32
      %dma_wait3A_136 = tpu.memref_slice %arg14[%dma_wait3A_129, %dma_wait3A_135] : memref<157x128xi32, #tpu.memory_space<vmem>> -> memref<1x128xi32, #tpu.memory_space<vmem>>
      %dma_wait3A_137 = tpu.memref_squeeze %dma_wait3A_136 : memref<1x128xi32, #tpu.memory_space<vmem>> -> memref<128xi32, #tpu.memory_space<vmem>>
      %dma_wait3A_138 = arith.constant 0 : i32
      %dma_wait3A_139 = arith.constant 0 : i32
      %dma_wait3A_140 = tpu.memref_slice %arg16[%dma_wait3A_138, %dma_wait3A_139] : memref<10240x32xf32, #tpu.memory_space<vmem_shared>> -> memref<10240x32xf32, #tpu.memory_space<vmem_shared>>
      %dma_wait3A_141 = tpu.memref_slice %arg18[%dma_wait3A_130] : memref<6x!tpu.dma_semaphore, #tpu.memory_space<semaphore_mem>> -> memref<1x!tpu.dma_semaphore, #tpu.memory_space<semaphore_mem>>
      %dma_wait3A_142 = tpu.memref_squeeze %dma_wait3A_141 : memref<1x!tpu.dma_semaphore, #tpu.memory_space<semaphore_mem>> -> memref<!tpu.dma_semaphore, #tpu.memory_space<semaphore_mem>>
      tpu.wait_indirect_dma semaphore(%dma_wait3A_142 : memref<!tpu.dma_semaphore, #tpu.memory_space<semaphore_mem>>) src(%dma_wait3A_134 : memref<128x32xf32, #tpu.memory_space<vmem>>) dst(%dma_wait3A_140 : memref<10240x32xf32, #tpu.memory_space<vmem_shared>>)
      %dma_wait3A_143 = arith.constant 0 : i32
      %dma_wait3A_144 = arith.constant 156 : i32
      %dma_wait3A_145 = arith.constant 0 : i32
      %dma_wait3A_146 = arith.constant 0 : i32
      %dma_wait3A_147 = arith.constant 0 : i32
      %dma_wait3A_148 = tpu.memref_slice %arg15[%dma_wait3A_143, %dma_wait3A_146, %dma_wait3A_147] : memref<6x128x32xf32, #tpu.memory_space<vmem>> -> memref<1x128x32xf32, #tpu.memory_space<vmem>>
      %dma_wait3A_149 = tpu.memref_squeeze %dma_wait3A_148 : memref<1x128x32xf32, #tpu.memory_space<vmem>> -> memref<128x32xf32, #tpu.memory_space<vmem>>
      %dma_wait3A_150 = arith.constant 0 : i32
      %dma_wait3A_151 = tpu.memref_slice %arg14[%dma_wait3A_144, %dma_wait3A_150] : memref<157x128xi32, #tpu.memory_space<vmem>> -> memref<1x128xi32, #tpu.memory_space<vmem>>
      %dma_wait3A_152 = tpu.memref_squeeze %dma_wait3A_151 : memref<1x128xi32, #tpu.memory_space<vmem>> -> memref<128xi32, #tpu.memory_space<vmem>>
      %dma_wait3A_153 = arith.constant 0 : i32
      %dma_wait3A_154 = arith.constant 0 : i32
      %dma_wait3A_155 = tpu.memref_slice %arg16[%dma_wait3A_153, %dma_wait3A_154] : memref<10240x32xf32, #tpu.memory_space<vmem_shared>> -> memref<10240x32xf32, #tpu.memory_space<vmem_shared>>
      %dma_wait3A_156 = tpu.memref_slice %arg18[%dma_wait3A_145] : memref<6x!tpu.dma_semaphore, #tpu.memory_space<semaphore_mem>> -> memref<1x!tpu.dma_semaphore, #tpu.memory_space<semaphore_mem>>
      %dma_wait3A_157 = tpu.memref_squeeze %dma_wait3A_156 : memref<1x!tpu.dma_semaphore, #tpu.memory_space<semaphore_mem>> -> memref<!tpu.dma_semaphore, #tpu.memory_space<semaphore_mem>>
      tpu.wait_indirect_dma semaphore(%dma_wait3A_157 : memref<!tpu.dma_semaphore, #tpu.memory_space<semaphore_mem>>) src(%dma_wait3A_149 : memref<128x32xf32, #tpu.memory_space<vmem>>) dst(%dma_wait3A_155 : memref<10240x32xf32, #tpu.memory_space<vmem_shared>>)
      %barrier3A_158 = arith.constant 0 : index
      tpu.barrier barrier_id(%barrier3A_158)
      %mul3A_159 = arith.constant 640 : i32
      %mul3A_160 = arith.muli %arg1, %mul3A_159 : i32
      %mul3A_161 = arith.constant 640 : i32
      %mul3A_162 = arith.muli %arg1, %mul3A_161 : i32
      "tpu.region"() ({
        %run_scoped3A = tpu.sem_alloc : memref<!tpu.dma_semaphore, #tpu.memory_space<semaphore_mem>>
        %dma_start3A_164 = arith.constant 0 : i32
        %dma_start3A_165 = tpu.memref_slice %arg9[%mul3A_162, %dma_start3A_164] : memref<10240x32xf32, #tpu.memory_space<hbm>> -> memref<640x32xf32, #tpu.memory_space<hbm>>
        %dma_start3A_166 = arith.constant 0 : i32
        %dma_start3A_167 = tpu.memref_slice %arg16[%mul3A_160, %dma_start3A_166] : memref<10240x32xf32, #tpu.memory_space<vmem_shared>> -> memref<640x32xf32, #tpu.memory_space<vmem_shared>>
        tpu.enqueue_dma source(%dma_start3A_167 : memref<640x32xf32, #tpu.memory_space<vmem_shared>>) target(%dma_start3A_165 : memref<640x32xf32, #tpu.memory_space<hbm>>) target_semaphore(%run_scoped3A : memref<!tpu.dma_semaphore, #tpu.memory_space<semaphore_mem>>)
        %dma_wait3A_168 = arith.constant 0 : i32
        %dma_wait3A_169 = tpu.memref_slice %arg9[%mul3A_162, %dma_wait3A_168] : memref<10240x32xf32, #tpu.memory_space<hbm>> -> memref<640x32xf32, #tpu.memory_space<hbm>>
        %dma_wait3A_170 = arith.constant 0 : i32
        %dma_wait3A_171 = tpu.memref_slice %arg16[%mul3A_160, %dma_wait3A_170] : memref<10240x32xf32, #tpu.memory_space<vmem_shared>> -> memref<640x32xf32, #tpu.memory_space<vmem_shared>>
        tpu.wait_dma2 semaphore(%run_scoped3A : memref<!tpu.dma_semaphore, #tpu.memory_space<semaphore_mem>>) src(%dma_wait3A_171 : memref<640x32xf32, #tpu.memory_space<vmem_shared>>) dst(%dma_wait3A_169 : memref<640x32xf32, #tpu.memory_space<hbm>>)
        tpu.yield
      }) : () -> ()
      %barrier3A_163 = arith.constant 0 : index
      tpu.barrier barrier_id(%barrier3A_163)
    } else {
    }
    %eq3A_2 = arith.constant 0 : i32
    %eq3A_3 = arith.cmpi eq, %arg0, %eq3A_2 : i32
    %convert_element_type3A_4 = arith.extui %eq3A_3 : i1 to i32
    %cond3A_5 = arith.constant 0 : i32
    %cond3A_6 = arith.cmpi ne, %convert_element_type3A_4, %cond3A_5 : i32
    scf.if %cond3A_6 {
      %mul3A = arith.constant 640 : i32
      %mul3A_17 = arith.muli %arg1, %mul3A : i32
      %mul3A_18 = arith.constant 640 : i32
      %mul3A_19 = arith.muli %arg1, %mul3A_18 : i32
      "tpu.region"() ({
        %run_scoped3A = tpu.sem_alloc : memref<!tpu.dma_semaphore, #tpu.memory_space<semaphore_mem>>
        %dma_start3A_164 = arith.constant 0 : i32
        %dma_start3A_165 = tpu.memref_slice %arg16[%mul3A_19, %dma_start3A_164] : memref<10240x32xf32, #tpu.memory_space<vmem_shared>> -> memref<640x32xf32, #tpu.memory_space<vmem_shared>>
        %dma_start3A_166 = arith.constant 0 : i32
        %dma_start3A_167 = tpu.memref_slice %arg4[%mul3A_17, %dma_start3A_166] : memref<10240x32xf32, #tpu.memory_space<hbm>> -> memref<640x32xf32, #tpu.memory_space<hbm>>
        tpu.enqueue_dma source(%dma_start3A_167 : memref<640x32xf32, #tpu.memory_space<hbm>>) target(%dma_start3A_165 : memref<640x32xf32, #tpu.memory_space<vmem_shared>>) target_semaphore(%run_scoped3A : memref<!tpu.dma_semaphore, #tpu.memory_space<semaphore_mem>>)
        %dma_wait3A_168 = arith.constant 0 : i32
        %dma_wait3A_169 = tpu.memref_slice %arg16[%mul3A_19, %dma_wait3A_168] : memref<10240x32xf32, #tpu.memory_space<vmem_shared>> -> memref<640x32xf32, #tpu.memory_space<vmem_shared>>
        %dma_wait3A_170 = arith.constant 0 : i32
        %dma_wait3A_171 = tpu.memref_slice %arg4[%mul3A_17, %dma_wait3A_170] : memref<10240x32xf32, #tpu.memory_space<hbm>> -> memref<640x32xf32, #tpu.memory_space<hbm>>
        tpu.wait_dma2 semaphore(%run_scoped3A : memref<!tpu.dma_semaphore, #tpu.memory_space<semaphore_mem>>) src(%dma_wait3A_171 : memref<640x32xf32, #tpu.memory_space<hbm>>) dst(%dma_wait3A_169 : memref<640x32xf32, #tpu.memory_space<vmem_shared>>)
        tpu.yield
      }) : () -> ()
      %barrier3A = arith.constant 0 : index
      tpu.barrier barrier_id(%barrier3A)
      %dma_start3A = arith.constant 0 : i32
      %dma_start3A_20 = arith.constant 0 : i32
      %dma_start3A_21 = arith.constant 0 : i32
      %dma_start3A_22 = arith.constant 0 : i32
      %dma_start3A_23 = arith.constant 0 : i32
      %dma_start3A_24 = tpu.memref_slice %arg15[%dma_start3A_20, %dma_start3A_22, %dma_start3A_23] : memref<6x128x32xf32, #tpu.memory_space<vmem>> -> memref<1x128x32xf32, #tpu.memory_space<vmem>>
      %dma_start3A_25 = tpu.memref_squeeze %dma_start3A_24 : memref<1x128x32xf32, #tpu.memory_space<vmem>> -> memref<128x32xf32, #tpu.memory_space<vmem>>
      %dma_start3A_26 = arith.constant 0 : i32
      %dma_start3A_27 = tpu.memref_slice %arg13[%dma_start3A, %dma_start3A_26] : memref<157x128xi32, #tpu.memory_space<vmem>> -> memref<1x128xi32, #tpu.memory_space<vmem>>
      %dma_start3A_28 = tpu.memref_squeeze %dma_start3A_27 : memref<1x128xi32, #tpu.memory_space<vmem>> -> memref<128xi32, #tpu.memory_space<vmem>>
      %dma_start3A_29 = arith.constant 0 : i32
      %dma_start3A_30 = arith.constant 0 : i32
      %dma_start3A_31 = tpu.memref_slice %arg6[%dma_start3A_29, %dma_start3A_30] : memref<10240x32xf32, #tpu.memory_space<hbm>> -> memref<10240x32xf32, #tpu.memory_space<hbm>>
      %dma_start3A_32 = tpu.memref_slice %arg17[%dma_start3A_21] : memref<6x!tpu.dma_semaphore, #tpu.memory_space<semaphore_mem>> -> memref<1x!tpu.dma_semaphore, #tpu.memory_space<semaphore_mem>>
      %dma_start3A_33 = tpu.memref_squeeze %dma_start3A_32 : memref<1x!tpu.dma_semaphore, #tpu.memory_space<semaphore_mem>> -> memref<!tpu.dma_semaphore, #tpu.memory_space<semaphore_mem>>
      tpu.enqueue_indirect_dma source(%dma_start3A_31 : memref<10240x32xf32, #tpu.memory_space<hbm>>) target(%dma_start3A_25 : memref<128x32xf32, #tpu.memory_space<vmem>>) offsets(%dma_start3A_28 : memref<128xi32, #tpu.memory_space<vmem>>) semaphore(%dma_start3A_33 : memref<!tpu.dma_semaphore, #tpu.memory_space<semaphore_mem>>)
      %dma_start3A_34 = arith.constant 1 : i32
      %dma_start3A_35 = arith.constant 1 : i32
      %dma_start3A_36 = arith.constant 1 : i32
      %dma_start3A_37 = arith.constant 0 : i32
      %dma_start3A_38 = arith.constant 0 : i32
      %dma_start3A_39 = tpu.memref_slice %arg15[%dma_start3A_35, %dma_start3A_37, %dma_start3A_38] : memref<6x128x32xf32, #tpu.memory_space<vmem>> -> memref<1x128x32xf32, #tpu.memory_space<vmem>>
      %dma_start3A_40 = tpu.memref_squeeze %dma_start3A_39 : memref<1x128x32xf32, #tpu.memory_space<vmem>> -> memref<128x32xf32, #tpu.memory_space<vmem>>
      %dma_start3A_41 = arith.constant 0 : i32
      %dma_start3A_42 = tpu.memref_slice %arg13[%dma_start3A_34, %dma_start3A_41] : memref<157x128xi32, #tpu.memory_space<vmem>> -> memref<1x128xi32, #tpu.memory_space<vmem>>
      %dma_start3A_43 = tpu.memref_squeeze %dma_start3A_42 : memref<1x128xi32, #tpu.memory_space<vmem>> -> memref<128xi32, #tpu.memory_space<vmem>>
      %dma_start3A_44 = arith.constant 0 : i32
      %dma_start3A_45 = arith.constant 0 : i32
      %dma_start3A_46 = tpu.memref_slice %arg6[%dma_start3A_44, %dma_start3A_45] : memref<10240x32xf32, #tpu.memory_space<hbm>> -> memref<10240x32xf32, #tpu.memory_space<hbm>>
      %dma_start3A_47 = tpu.memref_slice %arg17[%dma_start3A_36] : memref<6x!tpu.dma_semaphore, #tpu.memory_space<semaphore_mem>> -> memref<1x!tpu.dma_semaphore, #tpu.memory_space<semaphore_mem>>
      %dma_start3A_48 = tpu.memref_squeeze %dma_start3A_47 : memref<1x!tpu.dma_semaphore, #tpu.memory_space<semaphore_mem>> -> memref<!tpu.dma_semaphore, #tpu.memory_space<semaphore_mem>>
      tpu.enqueue_indirect_dma source(%dma_start3A_46 : memref<10240x32xf32, #tpu.memory_space<hbm>>) target(%dma_start3A_40 : memref<128x32xf32, #tpu.memory_space<vmem>>) offsets(%dma_start3A_43 : memref<128xi32, #tpu.memory_space<vmem>>) semaphore(%dma_start3A_48 : memref<!tpu.dma_semaphore, #tpu.memory_space<semaphore_mem>>)
      %dma_start3A_49 = arith.constant 2 : i32
      %dma_start3A_50 = arith.constant 2 : i32
      %dma_start3A_51 = arith.constant 2 : i32
      %dma_start3A_52 = arith.constant 0 : i32
      %dma_start3A_53 = arith.constant 0 : i32
      %dma_start3A_54 = tpu.memref_slice %arg15[%dma_start3A_50, %dma_start3A_52, %dma_start3A_53] : memref<6x128x32xf32, #tpu.memory_space<vmem>> -> memref<1x128x32xf32, #tpu.memory_space<vmem>>
      %dma_start3A_55 = tpu.memref_squeeze %dma_start3A_54 : memref<1x128x32xf32, #tpu.memory_space<vmem>> -> memref<128x32xf32, #tpu.memory_space<vmem>>
      %dma_start3A_56 = arith.constant 0 : i32
      %dma_start3A_57 = tpu.memref_slice %arg13[%dma_start3A_49, %dma_start3A_56] : memref<157x128xi32, #tpu.memory_space<vmem>> -> memref<1x128xi32, #tpu.memory_space<vmem>>
      %dma_start3A_58 = tpu.memref_squeeze %dma_start3A_57 : memref<1x128xi32, #tpu.memory_space<vmem>> -> memref<128xi32, #tpu.memory_space<vmem>>
      %dma_start3A_59 = arith.constant 0 : i32
      %dma_start3A_60 = arith.constant 0 : i32
      %dma_start3A_61 = tpu.memref_slice %arg6[%dma_start3A_59, %dma_start3A_60] : memref<10240x32xf32, #tpu.memory_space<hbm>> -> memref<10240x32xf32, #tpu.memory_space<hbm>>
      %dma_start3A_62 = tpu.memref_slice %arg17[%dma_start3A_51] : memref<6x!tpu.dma_semaphore, #tpu.memory_space<semaphore_mem>> -> memref<1x!tpu.dma_semaphore, #tpu.memory_space<semaphore_mem>>
      %dma_start3A_63 = tpu.memref_squeeze %dma_start3A_62 : memref<1x!tpu.dma_semaphore, #tpu.memory_space<semaphore_mem>> -> memref<!tpu.dma_semaphore, #tpu.memory_space<semaphore_mem>>
      tpu.enqueue_indirect_dma source(%dma_start3A_61 : memref<10240x32xf32, #tpu.memory_space<hbm>>) target(%dma_start3A_55 : memref<128x32xf32, #tpu.memory_space<vmem>>) offsets(%dma_start3A_58 : memref<128xi32, #tpu.memory_space<vmem>>) semaphore(%dma_start3A_63 : memref<!tpu.dma_semaphore, #tpu.memory_space<semaphore_mem>>)
      %scan3A = arith.constant 0 : i32
      %scan3A_64 = arith.constant 0 : i32
      %scan3A_65 = arith.constant 157 : i32
      %scan3A_66 = arith.addi %scan3A_64, %scan3A_65 : i32
      %scan3A_67 = arith.constant 1 : i32
      scf.for %scan3A_164 = %scan3A_64 to %scan3A_66 step %scan3A_67  : i32 {
        %rem3A = arith.constant 6 : i32
        %rem3A_165 = arith.remsi %scan3A_164, %rem3A : i32
        %add3A = arith.constant 3 : i32
        %add3A_166 = arith.addi %scan3A_164, %add3A : i32
        %rem3A_167 = arith.constant 6 : i32
        %rem3A_168 = arith.remsi %add3A_166, %rem3A_167 : i32
        %add3A_169 = arith.constant 3 : i32
        %add3A_170 = arith.addi %scan3A_164, %add3A_169 : i32
        %lt3A = arith.constant 157 : i32
        %lt3A_171 = arith.cmpi slt, %add3A_170, %lt3A : i32
        %convert_element_type3A_172 = arith.extui %lt3A_171 : i1 to i32
        %cond3A_173 = arith.constant 0 : i32
        %cond3A_174 = arith.cmpi ne, %convert_element_type3A_172, %cond3A_173 : i32
        scf.if %cond3A_174 {
          %ge3A = arith.constant 3 : i32
          %ge3A_199 = arith.cmpi sge, %scan3A_164, %ge3A : i32
          %convert_element_type3A_200 = arith.extui %ge3A_199 : i1 to i32
          %cond3A_201 = arith.constant 0 : i32
          %cond3A_202 = arith.cmpi ne, %convert_element_type3A_200, %cond3A_201 : i32
          scf.if %cond3A_202 {
            %sub3A = arith.constant 3 : i32
            %sub3A_217 = arith.subi %scan3A_164, %sub3A : i32
            %dma_wait3A_218 = arith.constant 0 : i32
            %dma_wait3A_219 = arith.constant 0 : i32
            %dma_wait3A_220 = tpu.memref_slice %arg15[%rem3A_168, %dma_wait3A_218, %dma_wait3A_219] : memref<6x128x32xf32, #tpu.memory_space<vmem>> -> memref<1x128x32xf32, #tpu.memory_space<vmem>>
            %dma_wait3A_221 = tpu.memref_squeeze %dma_wait3A_220 : memref<1x128x32xf32, #tpu.memory_space<vmem>> -> memref<128x32xf32, #tpu.memory_space<vmem>>
            %dma_wait3A_222 = arith.constant 0 : i32
            %dma_wait3A_223 = tpu.memref_slice %arg14[%sub3A_217, %dma_wait3A_222] : memref<157x128xi32, #tpu.memory_space<vmem>> -> memref<1x128xi32, #tpu.memory_space<vmem>>
            %dma_wait3A_224 = tpu.memref_squeeze %dma_wait3A_223 : memref<1x128xi32, #tpu.memory_space<vmem>> -> memref<128xi32, #tpu.memory_space<vmem>>
            %dma_wait3A_225 = arith.constant 0 : i32
            %dma_wait3A_226 = arith.constant 0 : i32
            %dma_wait3A_227 = tpu.memref_slice %arg16[%dma_wait3A_225, %dma_wait3A_226] : memref<10240x32xf32, #tpu.memory_space<vmem_shared>> -> memref<10240x32xf32, #tpu.memory_space<vmem_shared>>
            %dma_wait3A_228 = tpu.memref_slice %arg18[%rem3A_168] : memref<6x!tpu.dma_semaphore, #tpu.memory_space<semaphore_mem>> -> memref<1x!tpu.dma_semaphore, #tpu.memory_space<semaphore_mem>>
            %dma_wait3A_229 = tpu.memref_squeeze %dma_wait3A_228 : memref<1x!tpu.dma_semaphore, #tpu.memory_space<semaphore_mem>> -> memref<!tpu.dma_semaphore, #tpu.memory_space<semaphore_mem>>
            tpu.wait_indirect_dma semaphore(%dma_wait3A_229 : memref<!tpu.dma_semaphore, #tpu.memory_space<semaphore_mem>>) src(%dma_wait3A_221 : memref<128x32xf32, #tpu.memory_space<vmem>>) dst(%dma_wait3A_227 : memref<10240x32xf32, #tpu.memory_space<vmem_shared>>)
          } else {
          }
          %add3A_203 = arith.constant 3 : i32
          %add3A_204 = arith.addi %scan3A_164, %add3A_203 : i32
          %dma_start3A_205 = arith.constant 0 : i32
          %dma_start3A_206 = arith.constant 0 : i32
          %dma_start3A_207 = tpu.memref_slice %arg15[%rem3A_168, %dma_start3A_205, %dma_start3A_206] : memref<6x128x32xf32, #tpu.memory_space<vmem>> -> memref<1x128x32xf32, #tpu.memory_space<vmem>>
          %dma_start3A_208 = tpu.memref_squeeze %dma_start3A_207 : memref<1x128x32xf32, #tpu.memory_space<vmem>> -> memref<128x32xf32, #tpu.memory_space<vmem>>
          %dma_start3A_209 = arith.constant 0 : i32
          %dma_start3A_210 = tpu.memref_slice %arg13[%add3A_204, %dma_start3A_209] : memref<157x128xi32, #tpu.memory_space<vmem>> -> memref<1x128xi32, #tpu.memory_space<vmem>>
          %dma_start3A_211 = tpu.memref_squeeze %dma_start3A_210 : memref<1x128xi32, #tpu.memory_space<vmem>> -> memref<128xi32, #tpu.memory_space<vmem>>
          %dma_start3A_212 = arith.constant 0 : i32
          %dma_start3A_213 = arith.constant 0 : i32
          %dma_start3A_214 = tpu.memref_slice %arg6[%dma_start3A_212, %dma_start3A_213] : memref<10240x32xf32, #tpu.memory_space<hbm>> -> memref<10240x32xf32, #tpu.memory_space<hbm>>
          %dma_start3A_215 = tpu.memref_slice %arg17[%rem3A_168] : memref<6x!tpu.dma_semaphore, #tpu.memory_space<semaphore_mem>> -> memref<1x!tpu.dma_semaphore, #tpu.memory_space<semaphore_mem>>
          %dma_start3A_216 = tpu.memref_squeeze %dma_start3A_215 : memref<1x!tpu.dma_semaphore, #tpu.memory_space<semaphore_mem>> -> memref<!tpu.dma_semaphore, #tpu.memory_space<semaphore_mem>>
          tpu.enqueue_indirect_dma source(%dma_start3A_214 : memref<10240x32xf32, #tpu.memory_space<hbm>>) target(%dma_start3A_208 : memref<128x32xf32, #tpu.memory_space<vmem>>) offsets(%dma_start3A_211 : memref<128xi32, #tpu.memory_space<vmem>>) semaphore(%dma_start3A_216 : memref<!tpu.dma_semaphore, #tpu.memory_space<semaphore_mem>>)
        } else {
        }
        %dma_wait3A_175 = arith.constant 0 : i32
        %dma_wait3A_176 = arith.constant 0 : i32
        %dma_wait3A_177 = tpu.memref_slice %arg15[%rem3A_165, %dma_wait3A_175, %dma_wait3A_176] : memref<6x128x32xf32, #tpu.memory_space<vmem>> -> memref<1x128x32xf32, #tpu.memory_space<vmem>>
        %dma_wait3A_178 = tpu.memref_squeeze %dma_wait3A_177 : memref<1x128x32xf32, #tpu.memory_space<vmem>> -> memref<128x32xf32, #tpu.memory_space<vmem>>
        %dma_wait3A_179 = arith.constant 0 : i32
        %dma_wait3A_180 = tpu.memref_slice %arg13[%scan3A_164, %dma_wait3A_179] : memref<157x128xi32, #tpu.memory_space<vmem>> -> memref<1x128xi32, #tpu.memory_space<vmem>>
        %dma_wait3A_181 = tpu.memref_squeeze %dma_wait3A_180 : memref<1x128xi32, #tpu.memory_space<vmem>> -> memref<128xi32, #tpu.memory_space<vmem>>
        %dma_wait3A_182 = arith.constant 0 : i32
        %dma_wait3A_183 = arith.constant 0 : i32
        %dma_wait3A_184 = tpu.memref_slice %arg6[%dma_wait3A_182, %dma_wait3A_183] : memref<10240x32xf32, #tpu.memory_space<hbm>> -> memref<10240x32xf32, #tpu.memory_space<hbm>>
        %dma_wait3A_185 = tpu.memref_slice %arg17[%rem3A_165] : memref<6x!tpu.dma_semaphore, #tpu.memory_space<semaphore_mem>> -> memref<1x!tpu.dma_semaphore, #tpu.memory_space<semaphore_mem>>
        %dma_wait3A_186 = tpu.memref_squeeze %dma_wait3A_185 : memref<1x!tpu.dma_semaphore, #tpu.memory_space<semaphore_mem>> -> memref<!tpu.dma_semaphore, #tpu.memory_space<semaphore_mem>>
        tpu.wait_indirect_dma semaphore(%dma_wait3A_186 : memref<!tpu.dma_semaphore, #tpu.memory_space<semaphore_mem>>) src(%dma_wait3A_184 : memref<10240x32xf32, #tpu.memory_space<hbm>>) dst(%dma_wait3A_178 : memref<128x32xf32, #tpu.memory_space<vmem>>)
        %dma_start3A_187 = arith.constant 0 : i32
        %dma_start3A_188 = arith.constant 0 : i32
        %dma_start3A_189 = tpu.memref_slice %arg15[%rem3A_165, %dma_start3A_187, %dma_start3A_188] : memref<6x128x32xf32, #tpu.memory_space<vmem>> -> memref<1x128x32xf32, #tpu.memory_space<vmem>>
        %dma_start3A_190 = tpu.memref_squeeze %dma_start3A_189 : memref<1x128x32xf32, #tpu.memory_space<vmem>> -> memref<128x32xf32, #tpu.memory_space<vmem>>
        %dma_start3A_191 = arith.constant 0 : i32
        %dma_start3A_192 = tpu.memref_slice %arg14[%scan3A_164, %dma_start3A_191] : memref<157x128xi32, #tpu.memory_space<vmem>> -> memref<1x128xi32, #tpu.memory_space<vmem>>
        %dma_start3A_193 = tpu.memref_squeeze %dma_start3A_192 : memref<1x128xi32, #tpu.memory_space<vmem>> -> memref<128xi32, #tpu.memory_space<vmem>>
        %dma_start3A_194 = arith.constant 0 : i32
        %dma_start3A_195 = arith.constant 0 : i32
        %dma_start3A_196 = tpu.memref_slice %arg16[%dma_start3A_194, %dma_start3A_195] : memref<10240x32xf32, #tpu.memory_space<vmem_shared>> -> memref<10240x32xf32, #tpu.memory_space<vmem_shared>>
        %dma_start3A_197 = tpu.memref_slice %arg18[%rem3A_165] : memref<6x!tpu.dma_semaphore, #tpu.memory_space<semaphore_mem>> -> memref<1x!tpu.dma_semaphore, #tpu.memory_space<semaphore_mem>>
        %dma_start3A_198 = tpu.memref_squeeze %dma_start3A_197 : memref<1x!tpu.dma_semaphore, #tpu.memory_space<semaphore_mem>> -> memref<!tpu.dma_semaphore, #tpu.memory_space<semaphore_mem>>
        tpu.enqueue_indirect_dma source(%dma_start3A_190 : memref<128x32xf32, #tpu.memory_space<vmem>>) target(%dma_start3A_196 : memref<10240x32xf32, #tpu.memory_space<vmem_shared>>) offsets(%dma_start3A_193 : memref<128xi32, #tpu.memory_space<vmem>>) semaphore(%dma_start3A_198 : memref<!tpu.dma_semaphore, #tpu.memory_space<semaphore_mem>>) {add = true}
      }
      %scan3A_68 = arith.constant 157 : i32
      %dma_wait3A = arith.constant 1 : i32
      %dma_wait3A_69 = arith.constant 151 : i32
      %dma_wait3A_70 = arith.constant 1 : i32
      %dma_wait3A_71 = arith.constant 0 : i32
      %dma_wait3A_72 = arith.constant 0 : i32
      %dma_wait3A_73 = tpu.memref_slice %arg15[%dma_wait3A, %dma_wait3A_71, %dma_wait3A_72] : memref<6x128x32xf32, #tpu.memory_space<vmem>> -> memref<1x128x32xf32, #tpu.memory_space<vmem>>
      %dma_wait3A_74 = tpu.memref_squeeze %dma_wait3A_73 : memref<1x128x32xf32, #tpu.memory_space<vmem>> -> memref<128x32xf32, #tpu.memory_space<vmem>>
      %dma_wait3A_75 = arith.constant 0 : i32
      %dma_wait3A_76 = tpu.memref_slice %arg14[%dma_wait3A_69, %dma_wait3A_75] : memref<157x128xi32, #tpu.memory_space<vmem>> -> memref<1x128xi32, #tpu.memory_space<vmem>>
      %dma_wait3A_77 = tpu.memref_squeeze %dma_wait3A_76 : memref<1x128xi32, #tpu.memory_space<vmem>> -> memref<128xi32, #tpu.memory_space<vmem>>
      %dma_wait3A_78 = arith.constant 0 : i32
      %dma_wait3A_79 = arith.constant 0 : i32
      %dma_wait3A_80 = tpu.memref_slice %arg16[%dma_wait3A_78, %dma_wait3A_79] : memref<10240x32xf32, #tpu.memory_space<vmem_shared>> -> memref<10240x32xf32, #tpu.memory_space<vmem_shared>>
      %dma_wait3A_81 = tpu.memref_slice %arg18[%dma_wait3A_70] : memref<6x!tpu.dma_semaphore, #tpu.memory_space<semaphore_mem>> -> memref<1x!tpu.dma_semaphore, #tpu.memory_space<semaphore_mem>>
      %dma_wait3A_82 = tpu.memref_squeeze %dma_wait3A_81 : memref<1x!tpu.dma_semaphore, #tpu.memory_space<semaphore_mem>> -> memref<!tpu.dma_semaphore, #tpu.memory_space<semaphore_mem>>
      tpu.wait_indirect_dma semaphore(%dma_wait3A_82 : memref<!tpu.dma_semaphore, #tpu.memory_space<semaphore_mem>>) src(%dma_wait3A_74 : memref<128x32xf32, #tpu.memory_space<vmem>>) dst(%dma_wait3A_80 : memref<10240x32xf32, #tpu.memory_space<vmem_shared>>)
      %dma_wait3A_83 = arith.constant 2 : i32
      %dma_wait3A_84 = arith.constant 152 : i32
      %dma_wait3A_85 = arith.constant 2 : i32
      %dma_wait3A_86 = arith.constant 0 : i32
      %dma_wait3A_87 = arith.constant 0 : i32
      %dma_wait3A_88 = tpu.memref_slice %arg15[%dma_wait3A_83, %dma_wait3A_86, %dma_wait3A_87] : memref<6x128x32xf32, #tpu.memory_space<vmem>> -> memref<1x128x32xf32, #tpu.memory_space<vmem>>
      %dma_wait3A_89 = tpu.memref_squeeze %dma_wait3A_88 : memref<1x128x32xf32, #tpu.memory_space<vmem>> -> memref<128x32xf32, #tpu.memory_space<vmem>>
      %dma_wait3A_90 = arith.constant 0 : i32
      %dma_wait3A_91 = tpu.memref_slice %arg14[%dma_wait3A_84, %dma_wait3A_90] : memref<157x128xi32, #tpu.memory_space<vmem>> -> memref<1x128xi32, #tpu.memory_space<vmem>>
      %dma_wait3A_92 = tpu.memref_squeeze %dma_wait3A_91 : memref<1x128xi32, #tpu.memory_space<vmem>> -> memref<128xi32, #tpu.memory_space<vmem>>
      %dma_wait3A_93 = arith.constant 0 : i32
      %dma_wait3A_94 = arith.constant 0 : i32
      %dma_wait3A_95 = tpu.memref_slice %arg16[%dma_wait3A_93, %dma_wait3A_94] : memref<10240x32xf32, #tpu.memory_space<vmem_shared>> -> memref<10240x32xf32, #tpu.memory_space<vmem_shared>>
      %dma_wait3A_96 = tpu.memref_slice %arg18[%dma_wait3A_85] : memref<6x!tpu.dma_semaphore, #tpu.memory_space<semaphore_mem>> -> memref<1x!tpu.dma_semaphore, #tpu.memory_space<semaphore_mem>>
      %dma_wait3A_97 = tpu.memref_squeeze %dma_wait3A_96 : memref<1x!tpu.dma_semaphore, #tpu.memory_space<semaphore_mem>> -> memref<!tpu.dma_semaphore, #tpu.memory_space<semaphore_mem>>
      tpu.wait_indirect_dma semaphore(%dma_wait3A_97 : memref<!tpu.dma_semaphore, #tpu.memory_space<semaphore_mem>>) src(%dma_wait3A_89 : memref<128x32xf32, #tpu.memory_space<vmem>>) dst(%dma_wait3A_95 : memref<10240x32xf32, #tpu.memory_space<vmem_shared>>)
      %dma_wait3A_98 = arith.constant 3 : i32
      %dma_wait3A_99 = arith.constant 153 : i32
      %dma_wait3A_100 = arith.constant 3 : i32
      %dma_wait3A_101 = arith.constant 0 : i32
      %dma_wait3A_102 = arith.constant 0 : i32
      %dma_wait3A_103 = tpu.memref_slice %arg15[%dma_wait3A_98, %dma_wait3A_101, %dma_wait3A_102] : memref<6x128x32xf32, #tpu.memory_space<vmem>> -> memref<1x128x32xf32, #tpu.memory_space<vmem>>
      %dma_wait3A_104 = tpu.memref_squeeze %dma_wait3A_103 : memref<1x128x32xf32, #tpu.memory_space<vmem>> -> memref<128x32xf32, #tpu.memory_space<vmem>>
      %dma_wait3A_105 = arith.constant 0 : i32
      %dma_wait3A_106 = tpu.memref_slice %arg14[%dma_wait3A_99, %dma_wait3A_105] : memref<157x128xi32, #tpu.memory_space<vmem>> -> memref<1x128xi32, #tpu.memory_space<vmem>>
      %dma_wait3A_107 = tpu.memref_squeeze %dma_wait3A_106 : memref<1x128xi32, #tpu.memory_space<vmem>> -> memref<128xi32, #tpu.memory_space<vmem>>
      %dma_wait3A_108 = arith.constant 0 : i32
      %dma_wait3A_109 = arith.constant 0 : i32
      %dma_wait3A_110 = tpu.memref_slice %arg16[%dma_wait3A_108, %dma_wait3A_109] : memref<10240x32xf32, #tpu.memory_space<vmem_shared>> -> memref<10240x32xf32, #tpu.memory_space<vmem_shared>>
      %dma_wait3A_111 = tpu.memref_slice %arg18[%dma_wait3A_100] : memref<6x!tpu.dma_semaphore, #tpu.memory_space<semaphore_mem>> -> memref<1x!tpu.dma_semaphore, #tpu.memory_space<semaphore_mem>>
      %dma_wait3A_112 = tpu.memref_squeeze %dma_wait3A_111 : memref<1x!tpu.dma_semaphore, #tpu.memory_space<semaphore_mem>> -> memref<!tpu.dma_semaphore, #tpu.memory_space<semaphore_mem>>
      tpu.wait_indirect_dma semaphore(%dma_wait3A_112 : memref<!tpu.dma_semaphore, #tpu.memory_space<semaphore_mem>>) src(%dma_wait3A_104 : memref<128x32xf32, #tpu.memory_space<vmem>>) dst(%dma_wait3A_110 : memref<10240x32xf32, #tpu.memory_space<vmem_shared>>)
      %dma_wait3A_113 = arith.constant 4 : i32
      %dma_wait3A_114 = arith.constant 154 : i32
      %dma_wait3A_115 = arith.constant 4 : i32
      %dma_wait3A_116 = arith.constant 0 : i32
      %dma_wait3A_117 = arith.constant 0 : i32
      %dma_wait3A_118 = tpu.memref_slice %arg15[%dma_wait3A_113, %dma_wait3A_116, %dma_wait3A_117] : memref<6x128x32xf32, #tpu.memory_space<vmem>> -> memref<1x128x32xf32, #tpu.memory_space<vmem>>
      %dma_wait3A_119 = tpu.memref_squeeze %dma_wait3A_118 : memref<1x128x32xf32, #tpu.memory_space<vmem>> -> memref<128x32xf32, #tpu.memory_space<vmem>>
      %dma_wait3A_120 = arith.constant 0 : i32
      %dma_wait3A_121 = tpu.memref_slice %arg14[%dma_wait3A_114, %dma_wait3A_120] : memref<157x128xi32, #tpu.memory_space<vmem>> -> memref<1x128xi32, #tpu.memory_space<vmem>>
      %dma_wait3A_122 = tpu.memref_squeeze %dma_wait3A_121 : memref<1x128xi32, #tpu.memory_space<vmem>> -> memref<128xi32, #tpu.memory_space<vmem>>
      %dma_wait3A_123 = arith.constant 0 : i32
      %dma_wait3A_124 = arith.constant 0 : i32
      %dma_wait3A_125 = tpu.memref_slice %arg16[%dma_wait3A_123, %dma_wait3A_124] : memref<10240x32xf32, #tpu.memory_space<vmem_shared>> -> memref<10240x32xf32, #tpu.memory_space<vmem_shared>>
      %dma_wait3A_126 = tpu.memref_slice %arg18[%dma_wait3A_115] : memref<6x!tpu.dma_semaphore, #tpu.memory_space<semaphore_mem>> -> memref<1x!tpu.dma_semaphore, #tpu.memory_space<semaphore_mem>>
      %dma_wait3A_127 = tpu.memref_squeeze %dma_wait3A_126 : memref<1x!tpu.dma_semaphore, #tpu.memory_space<semaphore_mem>> -> memref<!tpu.dma_semaphore, #tpu.memory_space<semaphore_mem>>
      tpu.wait_indirect_dma semaphore(%dma_wait3A_127 : memref<!tpu.dma_semaphore, #tpu.memory_space<semaphore_mem>>) src(%dma_wait3A_119 : memref<128x32xf32, #tpu.memory_space<vmem>>) dst(%dma_wait3A_125 : memref<10240x32xf32, #tpu.memory_space<vmem_shared>>)
      %dma_wait3A_128 = arith.constant 5 : i32
      %dma_wait3A_129 = arith.constant 155 : i32
      %dma_wait3A_130 = arith.constant 5 : i32
      %dma_wait3A_131 = arith.constant 0 : i32
      %dma_wait3A_132 = arith.constant 0 : i32
      %dma_wait3A_133 = tpu.memref_slice %arg15[%dma_wait3A_128, %dma_wait3A_131, %dma_wait3A_132] : memref<6x128x32xf32, #tpu.memory_space<vmem>> -> memref<1x128x32xf32, #tpu.memory_space<vmem>>
      %dma_wait3A_134 = tpu.memref_squeeze %dma_wait3A_133 : memref<1x128x32xf32, #tpu.memory_space<vmem>> -> memref<128x32xf32, #tpu.memory_space<vmem>>
      %dma_wait3A_135 = arith.constant 0 : i32
      %dma_wait3A_136 = tpu.memref_slice %arg14[%dma_wait3A_129, %dma_wait3A_135] : memref<157x128xi32, #tpu.memory_space<vmem>> -> memref<1x128xi32, #tpu.memory_space<vmem>>
      %dma_wait3A_137 = tpu.memref_squeeze %dma_wait3A_136 : memref<1x128xi32, #tpu.memory_space<vmem>> -> memref<128xi32, #tpu.memory_space<vmem>>
      %dma_wait3A_138 = arith.constant 0 : i32
      %dma_wait3A_139 = arith.constant 0 : i32
      %dma_wait3A_140 = tpu.memref_slice %arg16[%dma_wait3A_138, %dma_wait3A_139] : memref<10240x32xf32, #tpu.memory_space<vmem_shared>> -> memref<10240x32xf32, #tpu.memory_space<vmem_shared>>
      %dma_wait3A_141 = tpu.memref_slice %arg18[%dma_wait3A_130] : memref<6x!tpu.dma_semaphore, #tpu.memory_space<semaphore_mem>> -> memref<1x!tpu.dma_semaphore, #tpu.memory_space<semaphore_mem>>
      %dma_wait3A_142 = tpu.memref_squeeze %dma_wait3A_141 : memref<1x!tpu.dma_semaphore, #tpu.memory_space<semaphore_mem>> -> memref<!tpu.dma_semaphore, #tpu.memory_space<semaphore_mem>>
      tpu.wait_indirect_dma semaphore(%dma_wait3A_142 : memref<!tpu.dma_semaphore, #tpu.memory_space<semaphore_mem>>) src(%dma_wait3A_134 : memref<128x32xf32, #tpu.memory_space<vmem>>) dst(%dma_wait3A_140 : memref<10240x32xf32, #tpu.memory_space<vmem_shared>>)
      %dma_wait3A_143 = arith.constant 0 : i32
      %dma_wait3A_144 = arith.constant 156 : i32
      %dma_wait3A_145 = arith.constant 0 : i32
      %dma_wait3A_146 = arith.constant 0 : i32
      %dma_wait3A_147 = arith.constant 0 : i32
      %dma_wait3A_148 = tpu.memref_slice %arg15[%dma_wait3A_143, %dma_wait3A_146, %dma_wait3A_147] : memref<6x128x32xf32, #tpu.memory_space<vmem>> -> memref<1x128x32xf32, #tpu.memory_space<vmem>>
      %dma_wait3A_149 = tpu.memref_squeeze %dma_wait3A_148 : memref<1x128x32xf32, #tpu.memory_space<vmem>> -> memref<128x32xf32, #tpu.memory_space<vmem>>
      %dma_wait3A_150 = arith.constant 0 : i32
      %dma_wait3A_151 = tpu.memref_slice %arg14[%dma_wait3A_144, %dma_wait3A_150] : memref<157x128xi32, #tpu.memory_space<vmem>> -> memref<1x128xi32, #tpu.memory_space<vmem>>
      %dma_wait3A_152 = tpu.memref_squeeze %dma_wait3A_151 : memref<1x128xi32, #tpu.memory_space<vmem>> -> memref<128xi32, #tpu.memory_space<vmem>>
      %dma_wait3A_153 = arith.constant 0 : i32
      %dma_wait3A_154 = arith.constant 0 : i32
      %dma_wait3A_155 = tpu.memref_slice %arg16[%dma_wait3A_153, %dma_wait3A_154] : memref<10240x32xf32, #tpu.memory_space<vmem_shared>> -> memref<10240x32xf32, #tpu.memory_space<vmem_shared>>
      %dma_wait3A_156 = tpu.memref_slice %arg18[%dma_wait3A_145] : memref<6x!tpu.dma_semaphore, #tpu.memory_space<semaphore_mem>> -> memref<1x!tpu.dma_semaphore, #tpu.memory_space<semaphore_mem>>
      %dma_wait3A_157 = tpu.memref_squeeze %dma_wait3A_156 : memref<1x!tpu.dma_semaphore, #tpu.memory_space<semaphore_mem>> -> memref<!tpu.dma_semaphore, #tpu.memory_space<semaphore_mem>>
      tpu.wait_indirect_dma semaphore(%dma_wait3A_157 : memref<!tpu.dma_semaphore, #tpu.memory_space<semaphore_mem>>) src(%dma_wait3A_149 : memref<128x32xf32, #tpu.memory_space<vmem>>) dst(%dma_wait3A_155 : memref<10240x32xf32, #tpu.memory_space<vmem_shared>>)
      %barrier3A_158 = arith.constant 0 : index
      tpu.barrier barrier_id(%barrier3A_158)
      %mul3A_159 = arith.constant 640 : i32
      %mul3A_160 = arith.muli %arg1, %mul3A_159 : i32
      %mul3A_161 = arith.constant 640 : i32
      %mul3A_162 = arith.muli %arg1, %mul3A_161 : i32
      "tpu.region"() ({
        %run_scoped3A = tpu.sem_alloc : memref<!tpu.dma_semaphore, #tpu.memory_space<semaphore_mem>>
        %dma_start3A_164 = arith.constant 0 : i32
        %dma_start3A_165 = tpu.memref_slice %arg10[%mul3A_162, %dma_start3A_164] : memref<10240x32xf32, #tpu.memory_space<hbm>> -> memref<640x32xf32, #tpu.memory_space<hbm>>
        %dma_start3A_166 = arith.constant 0 : i32
        %dma_start3A_167 = tpu.memref_slice %arg16[%mul3A_160, %dma_start3A_166] : memref<10240x32xf32, #tpu.memory_space<vmem_shared>> -> memref<640x32xf32, #tpu.memory_space<vmem_shared>>
        tpu.enqueue_dma source(%dma_start3A_167 : memref<640x32xf32, #tpu.memory_space<vmem_shared>>) target(%dma_start3A_165 : memref<640x32xf32, #tpu.memory_space<hbm>>) target_semaphore(%run_scoped3A : memref<!tpu.dma_semaphore, #tpu.memory_space<semaphore_mem>>)
        %dma_wait3A_168 = arith.constant 0 : i32
        %dma_wait3A_169 = tpu.memref_slice %arg10[%mul3A_162, %dma_wait3A_168] : memref<10240x32xf32, #tpu.memory_space<hbm>> -> memref<640x32xf32, #tpu.memory_space<hbm>>
        %dma_wait3A_170 = arith.constant 0 : i32
        %dma_wait3A_171 = tpu.memref_slice %arg16[%mul3A_160, %dma_wait3A_170] : memref<10240x32xf32, #tpu.memory_space<vmem_shared>> -> memref<640x32xf32, #tpu.memory_space<vmem_shared>>
        tpu.wait_dma2 semaphore(%run_scoped3A : memref<!tpu.dma_semaphore, #tpu.memory_space<semaphore_mem>>) src(%dma_wait3A_171 : memref<640x32xf32, #tpu.memory_space<vmem_shared>>) dst(%dma_wait3A_169 : memref<640x32xf32, #tpu.memory_space<hbm>>)
        tpu.yield
      }) : () -> ()
      %barrier3A_163 = arith.constant 0 : index
      tpu.barrier barrier_id(%barrier3A_163)
    } else {
    }
    %eq3A_7 = arith.constant 1 : i32
    %eq3A_8 = arith.cmpi eq, %arg0, %eq3A_7 : i32
    %convert_element_type3A_9 = arith.extui %eq3A_8 : i1 to i32
    %cond3A_10 = arith.constant 0 : i32
    %cond3A_11 = arith.cmpi ne, %convert_element_type3A_9, %cond3A_10 : i32
    scf.if %cond3A_11 {
      %mul3A = arith.constant 640 : i32
      %mul3A_17 = arith.muli %arg1, %mul3A : i32
      %mul3A_18 = arith.constant 640 : i32
      %mul3A_19 = arith.muli %arg1, %mul3A_18 : i32
      "tpu.region"() ({
        %run_scoped3A = tpu.sem_alloc : memref<!tpu.dma_semaphore, #tpu.memory_space<semaphore_mem>>
        %dma_start3A_164 = arith.constant 0 : i32
        %dma_start3A_165 = tpu.memref_slice %arg16[%mul3A_19, %dma_start3A_164] : memref<10240x32xf32, #tpu.memory_space<vmem_shared>> -> memref<640x32xf32, #tpu.memory_space<vmem_shared>>
        %dma_start3A_166 = arith.constant 0 : i32
        %dma_start3A_167 = tpu.memref_slice %arg4[%mul3A_17, %dma_start3A_166] : memref<10240x32xf32, #tpu.memory_space<hbm>> -> memref<640x32xf32, #tpu.memory_space<hbm>>
        tpu.enqueue_dma source(%dma_start3A_167 : memref<640x32xf32, #tpu.memory_space<hbm>>) target(%dma_start3A_165 : memref<640x32xf32, #tpu.memory_space<vmem_shared>>) target_semaphore(%run_scoped3A : memref<!tpu.dma_semaphore, #tpu.memory_space<semaphore_mem>>)
        %dma_wait3A_168 = arith.constant 0 : i32
        %dma_wait3A_169 = tpu.memref_slice %arg16[%mul3A_19, %dma_wait3A_168] : memref<10240x32xf32, #tpu.memory_space<vmem_shared>> -> memref<640x32xf32, #tpu.memory_space<vmem_shared>>
        %dma_wait3A_170 = arith.constant 0 : i32
        %dma_wait3A_171 = tpu.memref_slice %arg4[%mul3A_17, %dma_wait3A_170] : memref<10240x32xf32, #tpu.memory_space<hbm>> -> memref<640x32xf32, #tpu.memory_space<hbm>>
        tpu.wait_dma2 semaphore(%run_scoped3A : memref<!tpu.dma_semaphore, #tpu.memory_space<semaphore_mem>>) src(%dma_wait3A_171 : memref<640x32xf32, #tpu.memory_space<hbm>>) dst(%dma_wait3A_169 : memref<640x32xf32, #tpu.memory_space<vmem_shared>>)
        tpu.yield
      }) : () -> ()
      %barrier3A = arith.constant 0 : index
      tpu.barrier barrier_id(%barrier3A)
      %dma_start3A = arith.constant 0 : i32
      %dma_start3A_20 = arith.constant 0 : i32
      %dma_start3A_21 = arith.constant 0 : i32
      %dma_start3A_22 = arith.constant 0 : i32
      %dma_start3A_23 = arith.constant 0 : i32
      %dma_start3A_24 = tpu.memref_slice %arg15[%dma_start3A_20, %dma_start3A_22, %dma_start3A_23] : memref<6x128x32xf32, #tpu.memory_space<vmem>> -> memref<1x128x32xf32, #tpu.memory_space<vmem>>
      %dma_start3A_25 = tpu.memref_squeeze %dma_start3A_24 : memref<1x128x32xf32, #tpu.memory_space<vmem>> -> memref<128x32xf32, #tpu.memory_space<vmem>>
      %dma_start3A_26 = arith.constant 0 : i32
      %dma_start3A_27 = tpu.memref_slice %arg13[%dma_start3A, %dma_start3A_26] : memref<157x128xi32, #tpu.memory_space<vmem>> -> memref<1x128xi32, #tpu.memory_space<vmem>>
      %dma_start3A_28 = tpu.memref_squeeze %dma_start3A_27 : memref<1x128xi32, #tpu.memory_space<vmem>> -> memref<128xi32, #tpu.memory_space<vmem>>
      %dma_start3A_29 = arith.constant 0 : i32
      %dma_start3A_30 = arith.constant 0 : i32
      %dma_start3A_31 = tpu.memref_slice %arg7[%dma_start3A_29, %dma_start3A_30] : memref<10240x32xf32, #tpu.memory_space<hbm>> -> memref<10240x32xf32, #tpu.memory_space<hbm>>
      %dma_start3A_32 = tpu.memref_slice %arg17[%dma_start3A_21] : memref<6x!tpu.dma_semaphore, #tpu.memory_space<semaphore_mem>> -> memref<1x!tpu.dma_semaphore, #tpu.memory_space<semaphore_mem>>
      %dma_start3A_33 = tpu.memref_squeeze %dma_start3A_32 : memref<1x!tpu.dma_semaphore, #tpu.memory_space<semaphore_mem>> -> memref<!tpu.dma_semaphore, #tpu.memory_space<semaphore_mem>>
      tpu.enqueue_indirect_dma source(%dma_start3A_31 : memref<10240x32xf32, #tpu.memory_space<hbm>>) target(%dma_start3A_25 : memref<128x32xf32, #tpu.memory_space<vmem>>) offsets(%dma_start3A_28 : memref<128xi32, #tpu.memory_space<vmem>>) semaphore(%dma_start3A_33 : memref<!tpu.dma_semaphore, #tpu.memory_space<semaphore_mem>>)
      %dma_start3A_34 = arith.constant 1 : i32
      %dma_start3A_35 = arith.constant 1 : i32
      %dma_start3A_36 = arith.constant 1 : i32
      %dma_start3A_37 = arith.constant 0 : i32
      %dma_start3A_38 = arith.constant 0 : i32
      %dma_start3A_39 = tpu.memref_slice %arg15[%dma_start3A_35, %dma_start3A_37, %dma_start3A_38] : memref<6x128x32xf32, #tpu.memory_space<vmem>> -> memref<1x128x32xf32, #tpu.memory_space<vmem>>
      %dma_start3A_40 = tpu.memref_squeeze %dma_start3A_39 : memref<1x128x32xf32, #tpu.memory_space<vmem>> -> memref<128x32xf32, #tpu.memory_space<vmem>>
      %dma_start3A_41 = arith.constant 0 : i32
      %dma_start3A_42 = tpu.memref_slice %arg13[%dma_start3A_34, %dma_start3A_41] : memref<157x128xi32, #tpu.memory_space<vmem>> -> memref<1x128xi32, #tpu.memory_space<vmem>>
      %dma_start3A_43 = tpu.memref_squeeze %dma_start3A_42 : memref<1x128xi32, #tpu.memory_space<vmem>> -> memref<128xi32, #tpu.memory_space<vmem>>
      %dma_start3A_44 = arith.constant 0 : i32
      %dma_start3A_45 = arith.constant 0 : i32
      %dma_start3A_46 = tpu.memref_slice %arg7[%dma_start3A_44, %dma_start3A_45] : memref<10240x32xf32, #tpu.memory_space<hbm>> -> memref<10240x32xf32, #tpu.memory_space<hbm>>
      %dma_start3A_47 = tpu.memref_slice %arg17[%dma_start3A_36] : memref<6x!tpu.dma_semaphore, #tpu.memory_space<semaphore_mem>> -> memref<1x!tpu.dma_semaphore, #tpu.memory_space<semaphore_mem>>
      %dma_start3A_48 = tpu.memref_squeeze %dma_start3A_47 : memref<1x!tpu.dma_semaphore, #tpu.memory_space<semaphore_mem>> -> memref<!tpu.dma_semaphore, #tpu.memory_space<semaphore_mem>>
      tpu.enqueue_indirect_dma source(%dma_start3A_46 : memref<10240x32xf32, #tpu.memory_space<hbm>>) target(%dma_start3A_40 : memref<128x32xf32, #tpu.memory_space<vmem>>) offsets(%dma_start3A_43 : memref<128xi32, #tpu.memory_space<vmem>>) semaphore(%dma_start3A_48 : memref<!tpu.dma_semaphore, #tpu.memory_space<semaphore_mem>>)
      %dma_start3A_49 = arith.constant 2 : i32
      %dma_start3A_50 = arith.constant 2 : i32
      %dma_start3A_51 = arith.constant 2 : i32
      %dma_start3A_52 = arith.constant 0 : i32
      %dma_start3A_53 = arith.constant 0 : i32
      %dma_start3A_54 = tpu.memref_slice %arg15[%dma_start3A_50, %dma_start3A_52, %dma_start3A_53] : memref<6x128x32xf32, #tpu.memory_space<vmem>> -> memref<1x128x32xf32, #tpu.memory_space<vmem>>
      %dma_start3A_55 = tpu.memref_squeeze %dma_start3A_54 : memref<1x128x32xf32, #tpu.memory_space<vmem>> -> memref<128x32xf32, #tpu.memory_space<vmem>>
      %dma_start3A_56 = arith.constant 0 : i32
      %dma_start3A_57 = tpu.memref_slice %arg13[%dma_start3A_49, %dma_start3A_56] : memref<157x128xi32, #tpu.memory_space<vmem>> -> memref<1x128xi32, #tpu.memory_space<vmem>>
      %dma_start3A_58 = tpu.memref_squeeze %dma_start3A_57 : memref<1x128xi32, #tpu.memory_space<vmem>> -> memref<128xi32, #tpu.memory_space<vmem>>
      %dma_start3A_59 = arith.constant 0 : i32
      %dma_start3A_60 = arith.constant 0 : i32
      %dma_start3A_61 = tpu.memref_slice %arg7[%dma_start3A_59, %dma_start3A_60] : memref<10240x32xf32, #tpu.memory_space<hbm>> -> memref<10240x32xf32, #tpu.memory_space<hbm>>
      %dma_start3A_62 = tpu.memref_slice %arg17[%dma_start3A_51] : memref<6x!tpu.dma_semaphore, #tpu.memory_space<semaphore_mem>> -> memref<1x!tpu.dma_semaphore, #tpu.memory_space<semaphore_mem>>
      %dma_start3A_63 = tpu.memref_squeeze %dma_start3A_62 : memref<1x!tpu.dma_semaphore, #tpu.memory_space<semaphore_mem>> -> memref<!tpu.dma_semaphore, #tpu.memory_space<semaphore_mem>>
      tpu.enqueue_indirect_dma source(%dma_start3A_61 : memref<10240x32xf32, #tpu.memory_space<hbm>>) target(%dma_start3A_55 : memref<128x32xf32, #tpu.memory_space<vmem>>) offsets(%dma_start3A_58 : memref<128xi32, #tpu.memory_space<vmem>>) semaphore(%dma_start3A_63 : memref<!tpu.dma_semaphore, #tpu.memory_space<semaphore_mem>>)
      %scan3A = arith.constant 0 : i32
      %scan3A_64 = arith.constant 0 : i32
      %scan3A_65 = arith.constant 157 : i32
      %scan3A_66 = arith.addi %scan3A_64, %scan3A_65 : i32
      %scan3A_67 = arith.constant 1 : i32
      scf.for %scan3A_164 = %scan3A_64 to %scan3A_66 step %scan3A_67  : i32 {
        %rem3A = arith.constant 6 : i32
        %rem3A_165 = arith.remsi %scan3A_164, %rem3A : i32
        %add3A = arith.constant 3 : i32
        %add3A_166 = arith.addi %scan3A_164, %add3A : i32
        %rem3A_167 = arith.constant 6 : i32
        %rem3A_168 = arith.remsi %add3A_166, %rem3A_167 : i32
        %add3A_169 = arith.constant 3 : i32
        %add3A_170 = arith.addi %scan3A_164, %add3A_169 : i32
        %lt3A = arith.constant 157 : i32
        %lt3A_171 = arith.cmpi slt, %add3A_170, %lt3A : i32
        %convert_element_type3A_172 = arith.extui %lt3A_171 : i1 to i32
        %cond3A_173 = arith.constant 0 : i32
        %cond3A_174 = arith.cmpi ne, %convert_element_type3A_172, %cond3A_173 : i32
        scf.if %cond3A_174 {
          %ge3A = arith.constant 3 : i32
          %ge3A_199 = arith.cmpi sge, %scan3A_164, %ge3A : i32
          %convert_element_type3A_200 = arith.extui %ge3A_199 : i1 to i32
          %cond3A_201 = arith.constant 0 : i32
          %cond3A_202 = arith.cmpi ne, %convert_element_type3A_200, %cond3A_201 : i32
          scf.if %cond3A_202 {
            %sub3A = arith.constant 3 : i32
            %sub3A_217 = arith.subi %scan3A_164, %sub3A : i32
            %dma_wait3A_218 = arith.constant 0 : i32
            %dma_wait3A_219 = arith.constant 0 : i32
            %dma_wait3A_220 = tpu.memref_slice %arg15[%rem3A_168, %dma_wait3A_218, %dma_wait3A_219] : memref<6x128x32xf32, #tpu.memory_space<vmem>> -> memref<1x128x32xf32, #tpu.memory_space<vmem>>
            %dma_wait3A_221 = tpu.memref_squeeze %dma_wait3A_220 : memref<1x128x32xf32, #tpu.memory_space<vmem>> -> memref<128x32xf32, #tpu.memory_space<vmem>>
            %dma_wait3A_222 = arith.constant 0 : i32
            %dma_wait3A_223 = tpu.memref_slice %arg14[%sub3A_217, %dma_wait3A_222] : memref<157x128xi32, #tpu.memory_space<vmem>> -> memref<1x128xi32, #tpu.memory_space<vmem>>
            %dma_wait3A_224 = tpu.memref_squeeze %dma_wait3A_223 : memref<1x128xi32, #tpu.memory_space<vmem>> -> memref<128xi32, #tpu.memory_space<vmem>>
            %dma_wait3A_225 = arith.constant 0 : i32
            %dma_wait3A_226 = arith.constant 0 : i32
            %dma_wait3A_227 = tpu.memref_slice %arg16[%dma_wait3A_225, %dma_wait3A_226] : memref<10240x32xf32, #tpu.memory_space<vmem_shared>> -> memref<10240x32xf32, #tpu.memory_space<vmem_shared>>
            %dma_wait3A_228 = tpu.memref_slice %arg18[%rem3A_168] : memref<6x!tpu.dma_semaphore, #tpu.memory_space<semaphore_mem>> -> memref<1x!tpu.dma_semaphore, #tpu.memory_space<semaphore_mem>>
            %dma_wait3A_229 = tpu.memref_squeeze %dma_wait3A_228 : memref<1x!tpu.dma_semaphore, #tpu.memory_space<semaphore_mem>> -> memref<!tpu.dma_semaphore, #tpu.memory_space<semaphore_mem>>
            tpu.wait_indirect_dma semaphore(%dma_wait3A_229 : memref<!tpu.dma_semaphore, #tpu.memory_space<semaphore_mem>>) src(%dma_wait3A_221 : memref<128x32xf32, #tpu.memory_space<vmem>>) dst(%dma_wait3A_227 : memref<10240x32xf32, #tpu.memory_space<vmem_shared>>)
          } else {
          }
          %add3A_203 = arith.constant 3 : i32
          %add3A_204 = arith.addi %scan3A_164, %add3A_203 : i32
          %dma_start3A_205 = arith.constant 0 : i32
          %dma_start3A_206 = arith.constant 0 : i32
          %dma_start3A_207 = tpu.memref_slice %arg15[%rem3A_168, %dma_start3A_205, %dma_start3A_206] : memref<6x128x32xf32, #tpu.memory_space<vmem>> -> memref<1x128x32xf32, #tpu.memory_space<vmem>>
          %dma_start3A_208 = tpu.memref_squeeze %dma_start3A_207 : memref<1x128x32xf32, #tpu.memory_space<vmem>> -> memref<128x32xf32, #tpu.memory_space<vmem>>
          %dma_start3A_209 = arith.constant 0 : i32
          %dma_start3A_210 = tpu.memref_slice %arg13[%add3A_204, %dma_start3A_209] : memref<157x128xi32, #tpu.memory_space<vmem>> -> memref<1x128xi32, #tpu.memory_space<vmem>>
          %dma_start3A_211 = tpu.memref_squeeze %dma_start3A_210 : memref<1x128xi32, #tpu.memory_space<vmem>> -> memref<128xi32, #tpu.memory_space<vmem>>
          %dma_start3A_212 = arith.constant 0 : i32
          %dma_start3A_213 = arith.constant 0 : i32
          %dma_start3A_214 = tpu.memref_slice %arg7[%dma_start3A_212, %dma_start3A_213] : memref<10240x32xf32, #tpu.memory_space<hbm>> -> memref<10240x32xf32, #tpu.memory_space<hbm>>
          %dma_start3A_215 = tpu.memref_slice %arg17[%rem3A_168] : memref<6x!tpu.dma_semaphore, #tpu.memory_space<semaphore_mem>> -> memref<1x!tpu.dma_semaphore, #tpu.memory_space<semaphore_mem>>
          %dma_start3A_216 = tpu.memref_squeeze %dma_start3A_215 : memref<1x!tpu.dma_semaphore, #tpu.memory_space<semaphore_mem>> -> memref<!tpu.dma_semaphore, #tpu.memory_space<semaphore_mem>>
          tpu.enqueue_indirect_dma source(%dma_start3A_214 : memref<10240x32xf32, #tpu.memory_space<hbm>>) target(%dma_start3A_208 : memref<128x32xf32, #tpu.memory_space<vmem>>) offsets(%dma_start3A_211 : memref<128xi32, #tpu.memory_space<vmem>>) semaphore(%dma_start3A_216 : memref<!tpu.dma_semaphore, #tpu.memory_space<semaphore_mem>>)
        } else {
        }
        %dma_wait3A_175 = arith.constant 0 : i32
        %dma_wait3A_176 = arith.constant 0 : i32
        %dma_wait3A_177 = tpu.memref_slice %arg15[%rem3A_165, %dma_wait3A_175, %dma_wait3A_176] : memref<6x128x32xf32, #tpu.memory_space<vmem>> -> memref<1x128x32xf32, #tpu.memory_space<vmem>>
        %dma_wait3A_178 = tpu.memref_squeeze %dma_wait3A_177 : memref<1x128x32xf32, #tpu.memory_space<vmem>> -> memref<128x32xf32, #tpu.memory_space<vmem>>
        %dma_wait3A_179 = arith.constant 0 : i32
        %dma_wait3A_180 = tpu.memref_slice %arg13[%scan3A_164, %dma_wait3A_179] : memref<157x128xi32, #tpu.memory_space<vmem>> -> memref<1x128xi32, #tpu.memory_space<vmem>>
        %dma_wait3A_181 = tpu.memref_squeeze %dma_wait3A_180 : memref<1x128xi32, #tpu.memory_space<vmem>> -> memref<128xi32, #tpu.memory_space<vmem>>
        %dma_wait3A_182 = arith.constant 0 : i32
        %dma_wait3A_183 = arith.constant 0 : i32
        %dma_wait3A_184 = tpu.memref_slice %arg7[%dma_wait3A_182, %dma_wait3A_183] : memref<10240x32xf32, #tpu.memory_space<hbm>> -> memref<10240x32xf32, #tpu.memory_space<hbm>>
        %dma_wait3A_185 = tpu.memref_slice %arg17[%rem3A_165] : memref<6x!tpu.dma_semaphore, #tpu.memory_space<semaphore_mem>> -> memref<1x!tpu.dma_semaphore, #tpu.memory_space<semaphore_mem>>
        %dma_wait3A_186 = tpu.memref_squeeze %dma_wait3A_185 : memref<1x!tpu.dma_semaphore, #tpu.memory_space<semaphore_mem>> -> memref<!tpu.dma_semaphore, #tpu.memory_space<semaphore_mem>>
        tpu.wait_indirect_dma semaphore(%dma_wait3A_186 : memref<!tpu.dma_semaphore, #tpu.memory_space<semaphore_mem>>) src(%dma_wait3A_184 : memref<10240x32xf32, #tpu.memory_space<hbm>>) dst(%dma_wait3A_178 : memref<128x32xf32, #tpu.memory_space<vmem>>)
        %dma_start3A_187 = arith.constant 0 : i32
        %dma_start3A_188 = arith.constant 0 : i32
        %dma_start3A_189 = tpu.memref_slice %arg15[%rem3A_165, %dma_start3A_187, %dma_start3A_188] : memref<6x128x32xf32, #tpu.memory_space<vmem>> -> memref<1x128x32xf32, #tpu.memory_space<vmem>>
        %dma_start3A_190 = tpu.memref_squeeze %dma_start3A_189 : memref<1x128x32xf32, #tpu.memory_space<vmem>> -> memref<128x32xf32, #tpu.memory_space<vmem>>
        %dma_start3A_191 = arith.constant 0 : i32
        %dma_start3A_192 = tpu.memref_slice %arg14[%scan3A_164, %dma_start3A_191] : memref<157x128xi32, #tpu.memory_space<vmem>> -> memref<1x128xi32, #tpu.memory_space<vmem>>
        %dma_start3A_193 = tpu.memref_squeeze %dma_start3A_192 : memref<1x128xi32, #tpu.memory_space<vmem>> -> memref<128xi32, #tpu.memory_space<vmem>>
        %dma_start3A_194 = arith.constant 0 : i32
        %dma_start3A_195 = arith.constant 0 : i32
        %dma_start3A_196 = tpu.memref_slice %arg16[%dma_start3A_194, %dma_start3A_195] : memref<10240x32xf32, #tpu.memory_space<vmem_shared>> -> memref<10240x32xf32, #tpu.memory_space<vmem_shared>>
        %dma_start3A_197 = tpu.memref_slice %arg18[%rem3A_165] : memref<6x!tpu.dma_semaphore, #tpu.memory_space<semaphore_mem>> -> memref<1x!tpu.dma_semaphore, #tpu.memory_space<semaphore_mem>>
        %dma_start3A_198 = tpu.memref_squeeze %dma_start3A_197 : memref<1x!tpu.dma_semaphore, #tpu.memory_space<semaphore_mem>> -> memref<!tpu.dma_semaphore, #tpu.memory_space<semaphore_mem>>
        tpu.enqueue_indirect_dma source(%dma_start3A_190 : memref<128x32xf32, #tpu.memory_space<vmem>>) target(%dma_start3A_196 : memref<10240x32xf32, #tpu.memory_space<vmem_shared>>) offsets(%dma_start3A_193 : memref<128xi32, #tpu.memory_space<vmem>>) semaphore(%dma_start3A_198 : memref<!tpu.dma_semaphore, #tpu.memory_space<semaphore_mem>>) {add = true}
      }
      %scan3A_68 = arith.constant 157 : i32
      %dma_wait3A = arith.constant 1 : i32
      %dma_wait3A_69 = arith.constant 151 : i32
      %dma_wait3A_70 = arith.constant 1 : i32
      %dma_wait3A_71 = arith.constant 0 : i32
      %dma_wait3A_72 = arith.constant 0 : i32
      %dma_wait3A_73 = tpu.memref_slice %arg15[%dma_wait3A, %dma_wait3A_71, %dma_wait3A_72] : memref<6x128x32xf32, #tpu.memory_space<vmem>> -> memref<1x128x32xf32, #tpu.memory_space<vmem>>
      %dma_wait3A_74 = tpu.memref_squeeze %dma_wait3A_73 : memref<1x128x32xf32, #tpu.memory_space<vmem>> -> memref<128x32xf32, #tpu.memory_space<vmem>>
      %dma_wait3A_75 = arith.constant 0 : i32
      %dma_wait3A_76 = tpu.memref_slice %arg14[%dma_wait3A_69, %dma_wait3A_75] : memref<157x128xi32, #tpu.memory_space<vmem>> -> memref<1x128xi32, #tpu.memory_space<vmem>>
      %dma_wait3A_77 = tpu.memref_squeeze %dma_wait3A_76 : memref<1x128xi32, #tpu.memory_space<vmem>> -> memref<128xi32, #tpu.memory_space<vmem>>
      %dma_wait3A_78 = arith.constant 0 : i32
      %dma_wait3A_79 = arith.constant 0 : i32
      %dma_wait3A_80 = tpu.memref_slice %arg16[%dma_wait3A_78, %dma_wait3A_79] : memref<10240x32xf32, #tpu.memory_space<vmem_shared>> -> memref<10240x32xf32, #tpu.memory_space<vmem_shared>>
      %dma_wait3A_81 = tpu.memref_slice %arg18[%dma_wait3A_70] : memref<6x!tpu.dma_semaphore, #tpu.memory_space<semaphore_mem>> -> memref<1x!tpu.dma_semaphore, #tpu.memory_space<semaphore_mem>>
      %dma_wait3A_82 = tpu.memref_squeeze %dma_wait3A_81 : memref<1x!tpu.dma_semaphore, #tpu.memory_space<semaphore_mem>> -> memref<!tpu.dma_semaphore, #tpu.memory_space<semaphore_mem>>
      tpu.wait_indirect_dma semaphore(%dma_wait3A_82 : memref<!tpu.dma_semaphore, #tpu.memory_space<semaphore_mem>>) src(%dma_wait3A_74 : memref<128x32xf32, #tpu.memory_space<vmem>>) dst(%dma_wait3A_80 : memref<10240x32xf32, #tpu.memory_space<vmem_shared>>)
      %dma_wait3A_83 = arith.constant 2 : i32
      %dma_wait3A_84 = arith.constant 152 : i32
      %dma_wait3A_85 = arith.constant 2 : i32
      %dma_wait3A_86 = arith.constant 0 : i32
      %dma_wait3A_87 = arith.constant 0 : i32
      %dma_wait3A_88 = tpu.memref_slice %arg15[%dma_wait3A_83, %dma_wait3A_86, %dma_wait3A_87] : memref<6x128x32xf32, #tpu.memory_space<vmem>> -> memref<1x128x32xf32, #tpu.memory_space<vmem>>
      %dma_wait3A_89 = tpu.memref_squeeze %dma_wait3A_88 : memref<1x128x32xf32, #tpu.memory_space<vmem>> -> memref<128x32xf32, #tpu.memory_space<vmem>>
      %dma_wait3A_90 = arith.constant 0 : i32
      %dma_wait3A_91 = tpu.memref_slice %arg14[%dma_wait3A_84, %dma_wait3A_90] : memref<157x128xi32, #tpu.memory_space<vmem>> -> memref<1x128xi32, #tpu.memory_space<vmem>>
      %dma_wait3A_92 = tpu.memref_squeeze %dma_wait3A_91 : memref<1x128xi32, #tpu.memory_space<vmem>> -> memref<128xi32, #tpu.memory_space<vmem>>
      %dma_wait3A_93 = arith.constant 0 : i32
      %dma_wait3A_94 = arith.constant 0 : i32
      %dma_wait3A_95 = tpu.memref_slice %arg16[%dma_wait3A_93, %dma_wait3A_94] : memref<10240x32xf32, #tpu.memory_space<vmem_shared>> -> memref<10240x32xf32, #tpu.memory_space<vmem_shared>>
      %dma_wait3A_96 = tpu.memref_slice %arg18[%dma_wait3A_85] : memref<6x!tpu.dma_semaphore, #tpu.memory_space<semaphore_mem>> -> memref<1x!tpu.dma_semaphore, #tpu.memory_space<semaphore_mem>>
      %dma_wait3A_97 = tpu.memref_squeeze %dma_wait3A_96 : memref<1x!tpu.dma_semaphore, #tpu.memory_space<semaphore_mem>> -> memref<!tpu.dma_semaphore, #tpu.memory_space<semaphore_mem>>
      tpu.wait_indirect_dma semaphore(%dma_wait3A_97 : memref<!tpu.dma_semaphore, #tpu.memory_space<semaphore_mem>>) src(%dma_wait3A_89 : memref<128x32xf32, #tpu.memory_space<vmem>>) dst(%dma_wait3A_95 : memref<10240x32xf32, #tpu.memory_space<vmem_shared>>)
      %dma_wait3A_98 = arith.constant 3 : i32
      %dma_wait3A_99 = arith.constant 153 : i32
      %dma_wait3A_100 = arith.constant 3 : i32
      %dma_wait3A_101 = arith.constant 0 : i32
      %dma_wait3A_102 = arith.constant 0 : i32
      %dma_wait3A_103 = tpu.memref_slice %arg15[%dma_wait3A_98, %dma_wait3A_101, %dma_wait3A_102] : memref<6x128x32xf32, #tpu.memory_space<vmem>> -> memref<1x128x32xf32, #tpu.memory_space<vmem>>
      %dma_wait3A_104 = tpu.memref_squeeze %dma_wait3A_103 : memref<1x128x32xf32, #tpu.memory_space<vmem>> -> memref<128x32xf32, #tpu.memory_space<vmem>>
      %dma_wait3A_105 = arith.constant 0 : i32
      %dma_wait3A_106 = tpu.memref_slice %arg14[%dma_wait3A_99, %dma_wait3A_105] : memref<157x128xi32, #tpu.memory_space<vmem>> -> memref<1x128xi32, #tpu.memory_space<vmem>>
      %dma_wait3A_107 = tpu.memref_squeeze %dma_wait3A_106 : memref<1x128xi32, #tpu.memory_space<vmem>> -> memref<128xi32, #tpu.memory_space<vmem>>
      %dma_wait3A_108 = arith.constant 0 : i32
      %dma_wait3A_109 = arith.constant 0 : i32
      %dma_wait3A_110 = tpu.memref_slice %arg16[%dma_wait3A_108, %dma_wait3A_109] : memref<10240x32xf32, #tpu.memory_space<vmem_shared>> -> memref<10240x32xf32, #tpu.memory_space<vmem_shared>>
      %dma_wait3A_111 = tpu.memref_slice %arg18[%dma_wait3A_100] : memref<6x!tpu.dma_semaphore, #tpu.memory_space<semaphore_mem>> -> memref<1x!tpu.dma_semaphore, #tpu.memory_space<semaphore_mem>>
      %dma_wait3A_112 = tpu.memref_squeeze %dma_wait3A_111 : memref<1x!tpu.dma_semaphore, #tpu.memory_space<semaphore_mem>> -> memref<!tpu.dma_semaphore, #tpu.memory_space<semaphore_mem>>
      tpu.wait_indirect_dma semaphore(%dma_wait3A_112 : memref<!tpu.dma_semaphore, #tpu.memory_space<semaphore_mem>>) src(%dma_wait3A_104 : memref<128x32xf32, #tpu.memory_space<vmem>>) dst(%dma_wait3A_110 : memref<10240x32xf32, #tpu.memory_space<vmem_shared>>)
      %dma_wait3A_113 = arith.constant 4 : i32
      %dma_wait3A_114 = arith.constant 154 : i32
      %dma_wait3A_115 = arith.constant 4 : i32
      %dma_wait3A_116 = arith.constant 0 : i32
      %dma_wait3A_117 = arith.constant 0 : i32
      %dma_wait3A_118 = tpu.memref_slice %arg15[%dma_wait3A_113, %dma_wait3A_116, %dma_wait3A_117] : memref<6x128x32xf32, #tpu.memory_space<vmem>> -> memref<1x128x32xf32, #tpu.memory_space<vmem>>
      %dma_wait3A_119 = tpu.memref_squeeze %dma_wait3A_118 : memref<1x128x32xf32, #tpu.memory_space<vmem>> -> memref<128x32xf32, #tpu.memory_space<vmem>>
      %dma_wait3A_120 = arith.constant 0 : i32
      %dma_wait3A_121 = tpu.memref_slice %arg14[%dma_wait3A_114, %dma_wait3A_120] : memref<157x128xi32, #tpu.memory_space<vmem>> -> memref<1x128xi32, #tpu.memory_space<vmem>>
      %dma_wait3A_122 = tpu.memref_squeeze %dma_wait3A_121 : memref<1x128xi32, #tpu.memory_space<vmem>> -> memref<128xi32, #tpu.memory_space<vmem>>
      %dma_wait3A_123 = arith.constant 0 : i32
      %dma_wait3A_124 = arith.constant 0 : i32
      %dma_wait3A_125 = tpu.memref_slice %arg16[%dma_wait3A_123, %dma_wait3A_124] : memref<10240x32xf32, #tpu.memory_space<vmem_shared>> -> memref<10240x32xf32, #tpu.memory_space<vmem_shared>>
      %dma_wait3A_126 = tpu.memref_slice %arg18[%dma_wait3A_115] : memref<6x!tpu.dma_semaphore, #tpu.memory_space<semaphore_mem>> -> memref<1x!tpu.dma_semaphore, #tpu.memory_space<semaphore_mem>>
      %dma_wait3A_127 = tpu.memref_squeeze %dma_wait3A_126 : memref<1x!tpu.dma_semaphore, #tpu.memory_space<semaphore_mem>> -> memref<!tpu.dma_semaphore, #tpu.memory_space<semaphore_mem>>
      tpu.wait_indirect_dma semaphore(%dma_wait3A_127 : memref<!tpu.dma_semaphore, #tpu.memory_space<semaphore_mem>>) src(%dma_wait3A_119 : memref<128x32xf32, #tpu.memory_space<vmem>>) dst(%dma_wait3A_125 : memref<10240x32xf32, #tpu.memory_space<vmem_shared>>)
      %dma_wait3A_128 = arith.constant 5 : i32
      %dma_wait3A_129 = arith.constant 155 : i32
      %dma_wait3A_130 = arith.constant 5 : i32
      %dma_wait3A_131 = arith.constant 0 : i32
      %dma_wait3A_132 = arith.constant 0 : i32
      %dma_wait3A_133 = tpu.memref_slice %arg15[%dma_wait3A_128, %dma_wait3A_131, %dma_wait3A_132] : memref<6x128x32xf32, #tpu.memory_space<vmem>> -> memref<1x128x32xf32, #tpu.memory_space<vmem>>
      %dma_wait3A_134 = tpu.memref_squeeze %dma_wait3A_133 : memref<1x128x32xf32, #tpu.memory_space<vmem>> -> memref<128x32xf32, #tpu.memory_space<vmem>>
      %dma_wait3A_135 = arith.constant 0 : i32
      %dma_wait3A_136 = tpu.memref_slice %arg14[%dma_wait3A_129, %dma_wait3A_135] : memref<157x128xi32, #tpu.memory_space<vmem>> -> memref<1x128xi32, #tpu.memory_space<vmem>>
      %dma_wait3A_137 = tpu.memref_squeeze %dma_wait3A_136 : memref<1x128xi32, #tpu.memory_space<vmem>> -> memref<128xi32, #tpu.memory_space<vmem>>
      %dma_wait3A_138 = arith.constant 0 : i32
      %dma_wait3A_139 = arith.constant 0 : i32
      %dma_wait3A_140 = tpu.memref_slice %arg16[%dma_wait3A_138, %dma_wait3A_139] : memref<10240x32xf32, #tpu.memory_space<vmem_shared>> -> memref<10240x32xf32, #tpu.memory_space<vmem_shared>>
      %dma_wait3A_141 = tpu.memref_slice %arg18[%dma_wait3A_130] : memref<6x!tpu.dma_semaphore, #tpu.memory_space<semaphore_mem>> -> memref<1x!tpu.dma_semaphore, #tpu.memory_space<semaphore_mem>>
      %dma_wait3A_142 = tpu.memref_squeeze %dma_wait3A_141 : memref<1x!tpu.dma_semaphore, #tpu.memory_space<semaphore_mem>> -> memref<!tpu.dma_semaphore, #tpu.memory_space<semaphore_mem>>
      tpu.wait_indirect_dma semaphore(%dma_wait3A_142 : memref<!tpu.dma_semaphore, #tpu.memory_space<semaphore_mem>>) src(%dma_wait3A_134 : memref<128x32xf32, #tpu.memory_space<vmem>>) dst(%dma_wait3A_140 : memref<10240x32xf32, #tpu.memory_space<vmem_shared>>)
      %dma_wait3A_143 = arith.constant 0 : i32
      %dma_wait3A_144 = arith.constant 156 : i32
      %dma_wait3A_145 = arith.constant 0 : i32
      %dma_wait3A_146 = arith.constant 0 : i32
      %dma_wait3A_147 = arith.constant 0 : i32
      %dma_wait3A_148 = tpu.memref_slice %arg15[%dma_wait3A_143, %dma_wait3A_146, %dma_wait3A_147] : memref<6x128x32xf32, #tpu.memory_space<vmem>> -> memref<1x128x32xf32, #tpu.memory_space<vmem>>
      %dma_wait3A_149 = tpu.memref_squeeze %dma_wait3A_148 : memref<1x128x32xf32, #tpu.memory_space<vmem>> -> memref<128x32xf32, #tpu.memory_space<vmem>>
      %dma_wait3A_150 = arith.constant 0 : i32
      %dma_wait3A_151 = tpu.memref_slice %arg14[%dma_wait3A_144, %dma_wait3A_150] : memref<157x128xi32, #tpu.memory_space<vmem>> -> memref<1x128xi32, #tpu.memory_space<vmem>>
      %dma_wait3A_152 = tpu.memref_squeeze %dma_wait3A_151 : memref<1x128xi32, #tpu.memory_space<vmem>> -> memref<128xi32, #tpu.memory_space<vmem>>
      %dma_wait3A_153 = arith.constant 0 : i32
      %dma_wait3A_154 = arith.constant 0 : i32
      %dma_wait3A_155 = tpu.memref_slice %arg16[%dma_wait3A_153, %dma_wait3A_154] : memref<10240x32xf32, #tpu.memory_space<vmem_shared>> -> memref<10240x32xf32, #tpu.memory_space<vmem_shared>>
      %dma_wait3A_156 = tpu.memref_slice %arg18[%dma_wait3A_145] : memref<6x!tpu.dma_semaphore, #tpu.memory_space<semaphore_mem>> -> memref<1x!tpu.dma_semaphore, #tpu.memory_space<semaphore_mem>>
      %dma_wait3A_157 = tpu.memref_squeeze %dma_wait3A_156 : memref<1x!tpu.dma_semaphore, #tpu.memory_space<semaphore_mem>> -> memref<!tpu.dma_semaphore, #tpu.memory_space<semaphore_mem>>
      tpu.wait_indirect_dma semaphore(%dma_wait3A_157 : memref<!tpu.dma_semaphore, #tpu.memory_space<semaphore_mem>>) src(%dma_wait3A_149 : memref<128x32xf32, #tpu.memory_space<vmem>>) dst(%dma_wait3A_155 : memref<10240x32xf32, #tpu.memory_space<vmem_shared>>)
      %barrier3A_158 = arith.constant 0 : index
      tpu.barrier barrier_id(%barrier3A_158)
      %mul3A_159 = arith.constant 640 : i32
      %mul3A_160 = arith.muli %arg1, %mul3A_159 : i32
      %mul3A_161 = arith.constant 640 : i32
      %mul3A_162 = arith.muli %arg1, %mul3A_161 : i32
      "tpu.region"() ({
        %run_scoped3A = tpu.sem_alloc : memref<!tpu.dma_semaphore, #tpu.memory_space<semaphore_mem>>
        %dma_start3A_164 = arith.constant 0 : i32
        %dma_start3A_165 = tpu.memref_slice %arg11[%mul3A_162, %dma_start3A_164] : memref<10240x32xf32, #tpu.memory_space<hbm>> -> memref<640x32xf32, #tpu.memory_space<hbm>>
        %dma_start3A_166 = arith.constant 0 : i32
        %dma_start3A_167 = tpu.memref_slice %arg16[%mul3A_160, %dma_start3A_166] : memref<10240x32xf32, #tpu.memory_space<vmem_shared>> -> memref<640x32xf32, #tpu.memory_space<vmem_shared>>
        tpu.enqueue_dma source(%dma_start3A_167 : memref<640x32xf32, #tpu.memory_space<vmem_shared>>) target(%dma_start3A_165 : memref<640x32xf32, #tpu.memory_space<hbm>>) target_semaphore(%run_scoped3A : memref<!tpu.dma_semaphore, #tpu.memory_space<semaphore_mem>>)
        %dma_wait3A_168 = arith.constant 0 : i32
        %dma_wait3A_169 = tpu.memref_slice %arg11[%mul3A_162, %dma_wait3A_168] : memref<10240x32xf32, #tpu.memory_space<hbm>> -> memref<640x32xf32, #tpu.memory_space<hbm>>
        %dma_wait3A_170 = arith.constant 0 : i32
        %dma_wait3A_171 = tpu.memref_slice %arg16[%mul3A_160, %dma_wait3A_170] : memref<10240x32xf32, #tpu.memory_space<vmem_shared>> -> memref<640x32xf32, #tpu.memory_space<vmem_shared>>
        tpu.wait_dma2 semaphore(%run_scoped3A : memref<!tpu.dma_semaphore, #tpu.memory_space<semaphore_mem>>) src(%dma_wait3A_171 : memref<640x32xf32, #tpu.memory_space<vmem_shared>>) dst(%dma_wait3A_169 : memref<640x32xf32, #tpu.memory_space<hbm>>)
        tpu.yield
      }) : () -> ()
      %barrier3A_163 = arith.constant 0 : index
      tpu.barrier barrier_id(%barrier3A_163)
    } else {
    }
    %eq3A_12 = arith.constant 1 : i32
    %eq3A_13 = arith.cmpi eq, %arg0, %eq3A_12 : i32
    %convert_element_type3A_14 = arith.extui %eq3A_13 : i1 to i32
    %cond3A_15 = arith.constant 0 : i32
    %cond3A_16 = arith.cmpi ne, %convert_element_type3A_14, %cond3A_15 : i32
    scf.if %cond3A_16 {
      %mul3A = arith.constant 640 : i32
      %mul3A_17 = arith.muli %arg1, %mul3A : i32
      %mul3A_18 = arith.constant 640 : i32
      %mul3A_19 = arith.muli %arg1, %mul3A_18 : i32
      "tpu.region"() ({
        %run_scoped3A = tpu.sem_alloc : memref<!tpu.dma_semaphore, #tpu.memory_space<semaphore_mem>>
        %dma_start3A_164 = arith.constant 0 : i32
        %dma_start3A_165 = tpu.memref_slice %arg16[%mul3A_19, %dma_start3A_164] : memref<10240x32xf32, #tpu.memory_space<vmem_shared>> -> memref<640x32xf32, #tpu.memory_space<vmem_shared>>
        %dma_start3A_166 = arith.constant 0 : i32
        %dma_start3A_167 = tpu.memref_slice %arg4[%mul3A_17, %dma_start3A_166] : memref<10240x32xf32, #tpu.memory_space<hbm>> -> memref<640x32xf32, #tpu.memory_space<hbm>>
        tpu.enqueue_dma source(%dma_start3A_167 : memref<640x32xf32, #tpu.memory_space<hbm>>) target(%dma_start3A_165 : memref<640x32xf32, #tpu.memory_space<vmem_shared>>) target_semaphore(%run_scoped3A : memref<!tpu.dma_semaphore, #tpu.memory_space<semaphore_mem>>)
        %dma_wait3A_168 = arith.constant 0 : i32
        %dma_wait3A_169 = tpu.memref_slice %arg16[%mul3A_19, %dma_wait3A_168] : memref<10240x32xf32, #tpu.memory_space<vmem_shared>> -> memref<640x32xf32, #tpu.memory_space<vmem_shared>>
        %dma_wait3A_170 = arith.constant 0 : i32
        %dma_wait3A_171 = tpu.memref_slice %arg4[%mul3A_17, %dma_wait3A_170] : memref<10240x32xf32, #tpu.memory_space<hbm>> -> memref<640x32xf32, #tpu.memory_space<hbm>>
        tpu.wait_dma2 semaphore(%run_scoped3A : memref<!tpu.dma_semaphore, #tpu.memory_space<semaphore_mem>>) src(%dma_wait3A_171 : memref<640x32xf32, #tpu.memory_space<hbm>>) dst(%dma_wait3A_169 : memref<640x32xf32, #tpu.memory_space<vmem_shared>>)
        tpu.yield
      }) : () -> ()
      %barrier3A = arith.constant 0 : index
      tpu.barrier barrier_id(%barrier3A)
      %dma_start3A = arith.constant 0 : i32
      %dma_start3A_20 = arith.constant 0 : i32
      %dma_start3A_21 = arith.constant 0 : i32
      %dma_start3A_22 = arith.constant 0 : i32
      %dma_start3A_23 = arith.constant 0 : i32
      %dma_start3A_24 = tpu.memref_slice %arg15[%dma_start3A_20, %dma_start3A_22, %dma_start3A_23] : memref<6x128x32xf32, #tpu.memory_space<vmem>> -> memref<1x128x32xf32, #tpu.memory_space<vmem>>
      %dma_start3A_25 = tpu.memref_squeeze %dma_start3A_24 : memref<1x128x32xf32, #tpu.memory_space<vmem>> -> memref<128x32xf32, #tpu.memory_space<vmem>>
      %dma_start3A_26 = arith.constant 0 : i32
      %dma_start3A_27 = tpu.memref_slice %arg13[%dma_start3A, %dma_start3A_26] : memref<157x128xi32, #tpu.memory_space<vmem>> -> memref<1x128xi32, #tpu.memory_space<vmem>>
      %dma_start3A_28 = tpu.memref_squeeze %dma_start3A_27 : memref<1x128xi32, #tpu.memory_space<vmem>> -> memref<128xi32, #tpu.memory_space<vmem>>
      %dma_start3A_29 = arith.constant 0 : i32
      %dma_start3A_30 = arith.constant 0 : i32
      %dma_start3A_31 = tpu.memref_slice %arg8[%dma_start3A_29, %dma_start3A_30] : memref<10240x32xf32, #tpu.memory_space<hbm>> -> memref<10240x32xf32, #tpu.memory_space<hbm>>
      %dma_start3A_32 = tpu.memref_slice %arg17[%dma_start3A_21] : memref<6x!tpu.dma_semaphore, #tpu.memory_space<semaphore_mem>> -> memref<1x!tpu.dma_semaphore, #tpu.memory_space<semaphore_mem>>
      %dma_start3A_33 = tpu.memref_squeeze %dma_start3A_32 : memref<1x!tpu.dma_semaphore, #tpu.memory_space<semaphore_mem>> -> memref<!tpu.dma_semaphore, #tpu.memory_space<semaphore_mem>>
      tpu.enqueue_indirect_dma source(%dma_start3A_31 : memref<10240x32xf32, #tpu.memory_space<hbm>>) target(%dma_start3A_25 : memref<128x32xf32, #tpu.memory_space<vmem>>) offsets(%dma_start3A_28 : memref<128xi32, #tpu.memory_space<vmem>>) semaphore(%dma_start3A_33 : memref<!tpu.dma_semaphore, #tpu.memory_space<semaphore_mem>>)
      %dma_start3A_34 = arith.constant 1 : i32
      %dma_start3A_35 = arith.constant 1 : i32
      %dma_start3A_36 = arith.constant 1 : i32
      %dma_start3A_37 = arith.constant 0 : i32
      %dma_start3A_38 = arith.constant 0 : i32
      %dma_start3A_39 = tpu.memref_slice %arg15[%dma_start3A_35, %dma_start3A_37, %dma_start3A_38] : memref<6x128x32xf32, #tpu.memory_space<vmem>> -> memref<1x128x32xf32, #tpu.memory_space<vmem>>
      %dma_start3A_40 = tpu.memref_squeeze %dma_start3A_39 : memref<1x128x32xf32, #tpu.memory_space<vmem>> -> memref<128x32xf32, #tpu.memory_space<vmem>>
      %dma_start3A_41 = arith.constant 0 : i32
      %dma_start3A_42 = tpu.memref_slice %arg13[%dma_start3A_34, %dma_start3A_41] : memref<157x128xi32, #tpu.memory_space<vmem>> -> memref<1x128xi32, #tpu.memory_space<vmem>>
      %dma_start3A_43 = tpu.memref_squeeze %dma_start3A_42 : memref<1x128xi32, #tpu.memory_space<vmem>> -> memref<128xi32, #tpu.memory_space<vmem>>
      %dma_start3A_44 = arith.constant 0 : i32
      %dma_start3A_45 = arith.constant 0 : i32
      %dma_start3A_46 = tpu.memref_slice %arg8[%dma_start3A_44, %dma_start3A_45] : memref<10240x32xf32, #tpu.memory_space<hbm>> -> memref<10240x32xf32, #tpu.memory_space<hbm>>
      %dma_start3A_47 = tpu.memref_slice %arg17[%dma_start3A_36] : memref<6x!tpu.dma_semaphore, #tpu.memory_space<semaphore_mem>> -> memref<1x!tpu.dma_semaphore, #tpu.memory_space<semaphore_mem>>
      %dma_start3A_48 = tpu.memref_squeeze %dma_start3A_47 : memref<1x!tpu.dma_semaphore, #tpu.memory_space<semaphore_mem>> -> memref<!tpu.dma_semaphore, #tpu.memory_space<semaphore_mem>>
      tpu.enqueue_indirect_dma source(%dma_start3A_46 : memref<10240x32xf32, #tpu.memory_space<hbm>>) target(%dma_start3A_40 : memref<128x32xf32, #tpu.memory_space<vmem>>) offsets(%dma_start3A_43 : memref<128xi32, #tpu.memory_space<vmem>>) semaphore(%dma_start3A_48 : memref<!tpu.dma_semaphore, #tpu.memory_space<semaphore_mem>>)
      %dma_start3A_49 = arith.constant 2 : i32
      %dma_start3A_50 = arith.constant 2 : i32
      %dma_start3A_51 = arith.constant 2 : i32
      %dma_start3A_52 = arith.constant 0 : i32
      %dma_start3A_53 = arith.constant 0 : i32
      %dma_start3A_54 = tpu.memref_slice %arg15[%dma_start3A_50, %dma_start3A_52, %dma_start3A_53] : memref<6x128x32xf32, #tpu.memory_space<vmem>> -> memref<1x128x32xf32, #tpu.memory_space<vmem>>
      %dma_start3A_55 = tpu.memref_squeeze %dma_start3A_54 : memref<1x128x32xf32, #tpu.memory_space<vmem>> -> memref<128x32xf32, #tpu.memory_space<vmem>>
      %dma_start3A_56 = arith.constant 0 : i32
      %dma_start3A_57 = tpu.memref_slice %arg13[%dma_start3A_49, %dma_start3A_56] : memref<157x128xi32, #tpu.memory_space<vmem>> -> memref<1x128xi32, #tpu.memory_space<vmem>>
      %dma_start3A_58 = tpu.memref_squeeze %dma_start3A_57 : memref<1x128xi32, #tpu.memory_space<vmem>> -> memref<128xi32, #tpu.memory_space<vmem>>
      %dma_start3A_59 = arith.constant 0 : i32
      %dma_start3A_60 = arith.constant 0 : i32
      %dma_start3A_61 = tpu.memref_slice %arg8[%dma_start3A_59, %dma_start3A_60] : memref<10240x32xf32, #tpu.memory_space<hbm>> -> memref<10240x32xf32, #tpu.memory_space<hbm>>
      %dma_start3A_62 = tpu.memref_slice %arg17[%dma_start3A_51] : memref<6x!tpu.dma_semaphore, #tpu.memory_space<semaphore_mem>> -> memref<1x!tpu.dma_semaphore, #tpu.memory_space<semaphore_mem>>
      %dma_start3A_63 = tpu.memref_squeeze %dma_start3A_62 : memref<1x!tpu.dma_semaphore, #tpu.memory_space<semaphore_mem>> -> memref<!tpu.dma_semaphore, #tpu.memory_space<semaphore_mem>>
      tpu.enqueue_indirect_dma source(%dma_start3A_61 : memref<10240x32xf32, #tpu.memory_space<hbm>>) target(%dma_start3A_55 : memref<128x32xf32, #tpu.memory_space<vmem>>) offsets(%dma_start3A_58 : memref<128xi32, #tpu.memory_space<vmem>>) semaphore(%dma_start3A_63 : memref<!tpu.dma_semaphore, #tpu.memory_space<semaphore_mem>>)
      %scan3A = arith.constant 0 : i32
      %scan3A_64 = arith.constant 0 : i32
      %scan3A_65 = arith.constant 157 : i32
      %scan3A_66 = arith.addi %scan3A_64, %scan3A_65 : i32
      %scan3A_67 = arith.constant 1 : i32
      scf.for %scan3A_164 = %scan3A_64 to %scan3A_66 step %scan3A_67  : i32 {
        %rem3A = arith.constant 6 : i32
        %rem3A_165 = arith.remsi %scan3A_164, %rem3A : i32
        %add3A = arith.constant 3 : i32
        %add3A_166 = arith.addi %scan3A_164, %add3A : i32
        %rem3A_167 = arith.constant 6 : i32
        %rem3A_168 = arith.remsi %add3A_166, %rem3A_167 : i32
        %add3A_169 = arith.constant 3 : i32
        %add3A_170 = arith.addi %scan3A_164, %add3A_169 : i32
        %lt3A = arith.constant 157 : i32
        %lt3A_171 = arith.cmpi slt, %add3A_170, %lt3A : i32
        %convert_element_type3A_172 = arith.extui %lt3A_171 : i1 to i32
        %cond3A_173 = arith.constant 0 : i32
        %cond3A_174 = arith.cmpi ne, %convert_element_type3A_172, %cond3A_173 : i32
        scf.if %cond3A_174 {
          %ge3A = arith.constant 3 : i32
          %ge3A_199 = arith.cmpi sge, %scan3A_164, %ge3A : i32
          %convert_element_type3A_200 = arith.extui %ge3A_199 : i1 to i32
          %cond3A_201 = arith.constant 0 : i32
          %cond3A_202 = arith.cmpi ne, %convert_element_type3A_200, %cond3A_201 : i32
          scf.if %cond3A_202 {
            %sub3A = arith.constant 3 : i32
            %sub3A_217 = arith.subi %scan3A_164, %sub3A : i32
            %dma_wait3A_218 = arith.constant 0 : i32
            %dma_wait3A_219 = arith.constant 0 : i32
            %dma_wait3A_220 = tpu.memref_slice %arg15[%rem3A_168, %dma_wait3A_218, %dma_wait3A_219] : memref<6x128x32xf32, #tpu.memory_space<vmem>> -> memref<1x128x32xf32, #tpu.memory_space<vmem>>
            %dma_wait3A_221 = tpu.memref_squeeze %dma_wait3A_220 : memref<1x128x32xf32, #tpu.memory_space<vmem>> -> memref<128x32xf32, #tpu.memory_space<vmem>>
            %dma_wait3A_222 = arith.constant 0 : i32
            %dma_wait3A_223 = tpu.memref_slice %arg14[%sub3A_217, %dma_wait3A_222] : memref<157x128xi32, #tpu.memory_space<vmem>> -> memref<1x128xi32, #tpu.memory_space<vmem>>
            %dma_wait3A_224 = tpu.memref_squeeze %dma_wait3A_223 : memref<1x128xi32, #tpu.memory_space<vmem>> -> memref<128xi32, #tpu.memory_space<vmem>>
            %dma_wait3A_225 = arith.constant 0 : i32
            %dma_wait3A_226 = arith.constant 0 : i32
            %dma_wait3A_227 = tpu.memref_slice %arg16[%dma_wait3A_225, %dma_wait3A_226] : memref<10240x32xf32, #tpu.memory_space<vmem_shared>> -> memref<10240x32xf32, #tpu.memory_space<vmem_shared>>
            %dma_wait3A_228 = tpu.memref_slice %arg18[%rem3A_168] : memref<6x!tpu.dma_semaphore, #tpu.memory_space<semaphore_mem>> -> memref<1x!tpu.dma_semaphore, #tpu.memory_space<semaphore_mem>>
            %dma_wait3A_229 = tpu.memref_squeeze %dma_wait3A_228 : memref<1x!tpu.dma_semaphore, #tpu.memory_space<semaphore_mem>> -> memref<!tpu.dma_semaphore, #tpu.memory_space<semaphore_mem>>
            tpu.wait_indirect_dma semaphore(%dma_wait3A_229 : memref<!tpu.dma_semaphore, #tpu.memory_space<semaphore_mem>>) src(%dma_wait3A_221 : memref<128x32xf32, #tpu.memory_space<vmem>>) dst(%dma_wait3A_227 : memref<10240x32xf32, #tpu.memory_space<vmem_shared>>)
          } else {
          }
          %add3A_203 = arith.constant 3 : i32
          %add3A_204 = arith.addi %scan3A_164, %add3A_203 : i32
          %dma_start3A_205 = arith.constant 0 : i32
          %dma_start3A_206 = arith.constant 0 : i32
          %dma_start3A_207 = tpu.memref_slice %arg15[%rem3A_168, %dma_start3A_205, %dma_start3A_206] : memref<6x128x32xf32, #tpu.memory_space<vmem>> -> memref<1x128x32xf32, #tpu.memory_space<vmem>>
          %dma_start3A_208 = tpu.memref_squeeze %dma_start3A_207 : memref<1x128x32xf32, #tpu.memory_space<vmem>> -> memref<128x32xf32, #tpu.memory_space<vmem>>
          %dma_start3A_209 = arith.constant 0 : i32
          %dma_start3A_210 = tpu.memref_slice %arg13[%add3A_204, %dma_start3A_209] : memref<157x128xi32, #tpu.memory_space<vmem>> -> memref<1x128xi32, #tpu.memory_space<vmem>>
          %dma_start3A_211 = tpu.memref_squeeze %dma_start3A_210 : memref<1x128xi32, #tpu.memory_space<vmem>> -> memref<128xi32, #tpu.memory_space<vmem>>
          %dma_start3A_212 = arith.constant 0 : i32
          %dma_start3A_213 = arith.constant 0 : i32
          %dma_start3A_214 = tpu.memref_slice %arg8[%dma_start3A_212, %dma_start3A_213] : memref<10240x32xf32, #tpu.memory_space<hbm>> -> memref<10240x32xf32, #tpu.memory_space<hbm>>
          %dma_start3A_215 = tpu.memref_slice %arg17[%rem3A_168] : memref<6x!tpu.dma_semaphore, #tpu.memory_space<semaphore_mem>> -> memref<1x!tpu.dma_semaphore, #tpu.memory_space<semaphore_mem>>
          %dma_start3A_216 = tpu.memref_squeeze %dma_start3A_215 : memref<1x!tpu.dma_semaphore, #tpu.memory_space<semaphore_mem>> -> memref<!tpu.dma_semaphore, #tpu.memory_space<semaphore_mem>>
          tpu.enqueue_indirect_dma source(%dma_start3A_214 : memref<10240x32xf32, #tpu.memory_space<hbm>>) target(%dma_start3A_208 : memref<128x32xf32, #tpu.memory_space<vmem>>) offsets(%dma_start3A_211 : memref<128xi32, #tpu.memory_space<vmem>>) semaphore(%dma_start3A_216 : memref<!tpu.dma_semaphore, #tpu.memory_space<semaphore_mem>>)
        } else {
        }
        %dma_wait3A_175 = arith.constant 0 : i32
        %dma_wait3A_176 = arith.constant 0 : i32
        %dma_wait3A_177 = tpu.memref_slice %arg15[%rem3A_165, %dma_wait3A_175, %dma_wait3A_176] : memref<6x128x32xf32, #tpu.memory_space<vmem>> -> memref<1x128x32xf32, #tpu.memory_space<vmem>>
        %dma_wait3A_178 = tpu.memref_squeeze %dma_wait3A_177 : memref<1x128x32xf32, #tpu.memory_space<vmem>> -> memref<128x32xf32, #tpu.memory_space<vmem>>
        %dma_wait3A_179 = arith.constant 0 : i32
        %dma_wait3A_180 = tpu.memref_slice %arg13[%scan3A_164, %dma_wait3A_179] : memref<157x128xi32, #tpu.memory_space<vmem>> -> memref<1x128xi32, #tpu.memory_space<vmem>>
        %dma_wait3A_181 = tpu.memref_squeeze %dma_wait3A_180 : memref<1x128xi32, #tpu.memory_space<vmem>> -> memref<128xi32, #tpu.memory_space<vmem>>
        %dma_wait3A_182 = arith.constant 0 : i32
        %dma_wait3A_183 = arith.constant 0 : i32
        %dma_wait3A_184 = tpu.memref_slice %arg8[%dma_wait3A_182, %dma_wait3A_183] : memref<10240x32xf32, #tpu.memory_space<hbm>> -> memref<10240x32xf32, #tpu.memory_space<hbm>>
        %dma_wait3A_185 = tpu.memref_slice %arg17[%rem3A_165] : memref<6x!tpu.dma_semaphore, #tpu.memory_space<semaphore_mem>> -> memref<1x!tpu.dma_semaphore, #tpu.memory_space<semaphore_mem>>
        %dma_wait3A_186 = tpu.memref_squeeze %dma_wait3A_185 : memref<1x!tpu.dma_semaphore, #tpu.memory_space<semaphore_mem>> -> memref<!tpu.dma_semaphore, #tpu.memory_space<semaphore_mem>>
        tpu.wait_indirect_dma semaphore(%dma_wait3A_186 : memref<!tpu.dma_semaphore, #tpu.memory_space<semaphore_mem>>) src(%dma_wait3A_184 : memref<10240x32xf32, #tpu.memory_space<hbm>>) dst(%dma_wait3A_178 : memref<128x32xf32, #tpu.memory_space<vmem>>)
        %dma_start3A_187 = arith.constant 0 : i32
        %dma_start3A_188 = arith.constant 0 : i32
        %dma_start3A_189 = tpu.memref_slice %arg15[%rem3A_165, %dma_start3A_187, %dma_start3A_188] : memref<6x128x32xf32, #tpu.memory_space<vmem>> -> memref<1x128x32xf32, #tpu.memory_space<vmem>>
        %dma_start3A_190 = tpu.memref_squeeze %dma_start3A_189 : memref<1x128x32xf32, #tpu.memory_space<vmem>> -> memref<128x32xf32, #tpu.memory_space<vmem>>
        %dma_start3A_191 = arith.constant 0 : i32
        %dma_start3A_192 = tpu.memref_slice %arg14[%scan3A_164, %dma_start3A_191] : memref<157x128xi32, #tpu.memory_space<vmem>> -> memref<1x128xi32, #tpu.memory_space<vmem>>
        %dma_start3A_193 = tpu.memref_squeeze %dma_start3A_192 : memref<1x128xi32, #tpu.memory_space<vmem>> -> memref<128xi32, #tpu.memory_space<vmem>>
        %dma_start3A_194 = arith.constant 0 : i32
        %dma_start3A_195 = arith.constant 0 : i32
        %dma_start3A_196 = tpu.memref_slice %arg16[%dma_start3A_194, %dma_start3A_195] : memref<10240x32xf32, #tpu.memory_space<vmem_shared>> -> memref<10240x32xf32, #tpu.memory_space<vmem_shared>>
        %dma_start3A_197 = tpu.memref_slice %arg18[%rem3A_165] : memref<6x!tpu.dma_semaphore, #tpu.memory_space<semaphore_mem>> -> memref<1x!tpu.dma_semaphore, #tpu.memory_space<semaphore_mem>>
        %dma_start3A_198 = tpu.memref_squeeze %dma_start3A_197 : memref<1x!tpu.dma_semaphore, #tpu.memory_space<semaphore_mem>> -> memref<!tpu.dma_semaphore, #tpu.memory_space<semaphore_mem>>
        tpu.enqueue_indirect_dma source(%dma_start3A_190 : memref<128x32xf32, #tpu.memory_space<vmem>>) target(%dma_start3A_196 : memref<10240x32xf32, #tpu.memory_space<vmem_shared>>) offsets(%dma_start3A_193 : memref<128xi32, #tpu.memory_space<vmem>>) semaphore(%dma_start3A_198 : memref<!tpu.dma_semaphore, #tpu.memory_space<semaphore_mem>>) {add = true}
      }
      %scan3A_68 = arith.constant 157 : i32
      %dma_wait3A = arith.constant 1 : i32
      %dma_wait3A_69 = arith.constant 151 : i32
      %dma_wait3A_70 = arith.constant 1 : i32
      %dma_wait3A_71 = arith.constant 0 : i32
      %dma_wait3A_72 = arith.constant 0 : i32
      %dma_wait3A_73 = tpu.memref_slice %arg15[%dma_wait3A, %dma_wait3A_71, %dma_wait3A_72] : memref<6x128x32xf32, #tpu.memory_space<vmem>> -> memref<1x128x32xf32, #tpu.memory_space<vmem>>
      %dma_wait3A_74 = tpu.memref_squeeze %dma_wait3A_73 : memref<1x128x32xf32, #tpu.memory_space<vmem>> -> memref<128x32xf32, #tpu.memory_space<vmem>>
      %dma_wait3A_75 = arith.constant 0 : i32
      %dma_wait3A_76 = tpu.memref_slice %arg14[%dma_wait3A_69, %dma_wait3A_75] : memref<157x128xi32, #tpu.memory_space<vmem>> -> memref<1x128xi32, #tpu.memory_space<vmem>>
      %dma_wait3A_77 = tpu.memref_squeeze %dma_wait3A_76 : memref<1x128xi32, #tpu.memory_space<vmem>> -> memref<128xi32, #tpu.memory_space<vmem>>
      %dma_wait3A_78 = arith.constant 0 : i32
      %dma_wait3A_79 = arith.constant 0 : i32
      %dma_wait3A_80 = tpu.memref_slice %arg16[%dma_wait3A_78, %dma_wait3A_79] : memref<10240x32xf32, #tpu.memory_space<vmem_shared>> -> memref<10240x32xf32, #tpu.memory_space<vmem_shared>>
      %dma_wait3A_81 = tpu.memref_slice %arg18[%dma_wait3A_70] : memref<6x!tpu.dma_semaphore, #tpu.memory_space<semaphore_mem>> -> memref<1x!tpu.dma_semaphore, #tpu.memory_space<semaphore_mem>>
      %dma_wait3A_82 = tpu.memref_squeeze %dma_wait3A_81 : memref<1x!tpu.dma_semaphore, #tpu.memory_space<semaphore_mem>> -> memref<!tpu.dma_semaphore, #tpu.memory_space<semaphore_mem>>
      tpu.wait_indirect_dma semaphore(%dma_wait3A_82 : memref<!tpu.dma_semaphore, #tpu.memory_space<semaphore_mem>>) src(%dma_wait3A_74 : memref<128x32xf32, #tpu.memory_space<vmem>>) dst(%dma_wait3A_80 : memref<10240x32xf32, #tpu.memory_space<vmem_shared>>)
      %dma_wait3A_83 = arith.constant 2 : i32
      %dma_wait3A_84 = arith.constant 152 : i32
      %dma_wait3A_85 = arith.constant 2 : i32
      %dma_wait3A_86 = arith.constant 0 : i32
      %dma_wait3A_87 = arith.constant 0 : i32
      %dma_wait3A_88 = tpu.memref_slice %arg15[%dma_wait3A_83, %dma_wait3A_86, %dma_wait3A_87] : memref<6x128x32xf32, #tpu.memory_space<vmem>> -> memref<1x128x32xf32, #tpu.memory_space<vmem>>
      %dma_wait3A_89 = tpu.memref_squeeze %dma_wait3A_88 : memref<1x128x32xf32, #tpu.memory_space<vmem>> -> memref<128x32xf32, #tpu.memory_space<vmem>>
      %dma_wait3A_90 = arith.constant 0 : i32
      %dma_wait3A_91 = tpu.memref_slice %arg14[%dma_wait3A_84, %dma_wait3A_90] : memref<157x128xi32, #tpu.memory_space<vmem>> -> memref<1x128xi32, #tpu.memory_space<vmem>>
      %dma_wait3A_92 = tpu.memref_squeeze %dma_wait3A_91 : memref<1x128xi32, #tpu.memory_space<vmem>> -> memref<128xi32, #tpu.memory_space<vmem>>
      %dma_wait3A_93 = arith.constant 0 : i32
      %dma_wait3A_94 = arith.constant 0 : i32
      %dma_wait3A_95 = tpu.memref_slice %arg16[%dma_wait3A_93, %dma_wait3A_94] : memref<10240x32xf32, #tpu.memory_space<vmem_shared>> -> memref<10240x32xf32, #tpu.memory_space<vmem_shared>>
      %dma_wait3A_96 = tpu.memref_slice %arg18[%dma_wait3A_85] : memref<6x!tpu.dma_semaphore, #tpu.memory_space<semaphore_mem>> -> memref<1x!tpu.dma_semaphore, #tpu.memory_space<semaphore_mem>>
      %dma_wait3A_97 = tpu.memref_squeeze %dma_wait3A_96 : memref<1x!tpu.dma_semaphore, #tpu.memory_space<semaphore_mem>> -> memref<!tpu.dma_semaphore, #tpu.memory_space<semaphore_mem>>
      tpu.wait_indirect_dma semaphore(%dma_wait3A_97 : memref<!tpu.dma_semaphore, #tpu.memory_space<semaphore_mem>>) src(%dma_wait3A_89 : memref<128x32xf32, #tpu.memory_space<vmem>>) dst(%dma_wait3A_95 : memref<10240x32xf32, #tpu.memory_space<vmem_shared>>)
      %dma_wait3A_98 = arith.constant 3 : i32
      %dma_wait3A_99 = arith.constant 153 : i32
      %dma_wait3A_100 = arith.constant 3 : i32
      %dma_wait3A_101 = arith.constant 0 : i32
      %dma_wait3A_102 = arith.constant 0 : i32
      %dma_wait3A_103 = tpu.memref_slice %arg15[%dma_wait3A_98, %dma_wait3A_101, %dma_wait3A_102] : memref<6x128x32xf32, #tpu.memory_space<vmem>> -> memref<1x128x32xf32, #tpu.memory_space<vmem>>
      %dma_wait3A_104 = tpu.memref_squeeze %dma_wait3A_103 : memref<1x128x32xf32, #tpu.memory_space<vmem>> -> memref<128x32xf32, #tpu.memory_space<vmem>>
      %dma_wait3A_105 = arith.constant 0 : i32
      %dma_wait3A_106 = tpu.memref_slice %arg14[%dma_wait3A_99, %dma_wait3A_105] : memref<157x128xi32, #tpu.memory_space<vmem>> -> memref<1x128xi32, #tpu.memory_space<vmem>>
      %dma_wait3A_107 = tpu.memref_squeeze %dma_wait3A_106 : memref<1x128xi32, #tpu.memory_space<vmem>> -> memref<128xi32, #tpu.memory_space<vmem>>
      %dma_wait3A_108 = arith.constant 0 : i32
      %dma_wait3A_109 = arith.constant 0 : i32
      %dma_wait3A_110 = tpu.memref_slice %arg16[%dma_wait3A_108, %dma_wait3A_109] : memref<10240x32xf32, #tpu.memory_space<vmem_shared>> -> memref<10240x32xf32, #tpu.memory_space<vmem_shared>>
      %dma_wait3A_111 = tpu.memref_slice %arg18[%dma_wait3A_100] : memref<6x!tpu.dma_semaphore, #tpu.memory_space<semaphore_mem>> -> memref<1x!tpu.dma_semaphore, #tpu.memory_space<semaphore_mem>>
      %dma_wait3A_112 = tpu.memref_squeeze %dma_wait3A_111 : memref<1x!tpu.dma_semaphore, #tpu.memory_space<semaphore_mem>> -> memref<!tpu.dma_semaphore, #tpu.memory_space<semaphore_mem>>
      tpu.wait_indirect_dma semaphore(%dma_wait3A_112 : memref<!tpu.dma_semaphore, #tpu.memory_space<semaphore_mem>>) src(%dma_wait3A_104 : memref<128x32xf32, #tpu.memory_space<vmem>>) dst(%dma_wait3A_110 : memref<10240x32xf32, #tpu.memory_space<vmem_shared>>)
      %dma_wait3A_113 = arith.constant 4 : i32
      %dma_wait3A_114 = arith.constant 154 : i32
      %dma_wait3A_115 = arith.constant 4 : i32
      %dma_wait3A_116 = arith.constant 0 : i32
      %dma_wait3A_117 = arith.constant 0 : i32
      %dma_wait3A_118 = tpu.memref_slice %arg15[%dma_wait3A_113, %dma_wait3A_116, %dma_wait3A_117] : memref<6x128x32xf32, #tpu.memory_space<vmem>> -> memref<1x128x32xf32, #tpu.memory_space<vmem>>
      %dma_wait3A_119 = tpu.memref_squeeze %dma_wait3A_118 : memref<1x128x32xf32, #tpu.memory_space<vmem>> -> memref<128x32xf32, #tpu.memory_space<vmem>>
      %dma_wait3A_120 = arith.constant 0 : i32
      %dma_wait3A_121 = tpu.memref_slice %arg14[%dma_wait3A_114, %dma_wait3A_120] : memref<157x128xi32, #tpu.memory_space<vmem>> -> memref<1x128xi32, #tpu.memory_space<vmem>>
      %dma_wait3A_122 = tpu.memref_squeeze %dma_wait3A_121 : memref<1x128xi32, #tpu.memory_space<vmem>> -> memref<128xi32, #tpu.memory_space<vmem>>
      %dma_wait3A_123 = arith.constant 0 : i32
      %dma_wait3A_124 = arith.constant 0 : i32
      %dma_wait3A_125 = tpu.memref_slice %arg16[%dma_wait3A_123, %dma_wait3A_124] : memref<10240x32xf32, #tpu.memory_space<vmem_shared>> -> memref<10240x32xf32, #tpu.memory_space<vmem_shared>>
      %dma_wait3A_126 = tpu.memref_slice %arg18[%dma_wait3A_115] : memref<6x!tpu.dma_semaphore, #tpu.memory_space<semaphore_mem>> -> memref<1x!tpu.dma_semaphore, #tpu.memory_space<semaphore_mem>>
      %dma_wait3A_127 = tpu.memref_squeeze %dma_wait3A_126 : memref<1x!tpu.dma_semaphore, #tpu.memory_space<semaphore_mem>> -> memref<!tpu.dma_semaphore, #tpu.memory_space<semaphore_mem>>
      tpu.wait_indirect_dma semaphore(%dma_wait3A_127 : memref<!tpu.dma_semaphore, #tpu.memory_space<semaphore_mem>>) src(%dma_wait3A_119 : memref<128x32xf32, #tpu.memory_space<vmem>>) dst(%dma_wait3A_125 : memref<10240x32xf32, #tpu.memory_space<vmem_shared>>)
      %dma_wait3A_128 = arith.constant 5 : i32
      %dma_wait3A_129 = arith.constant 155 : i32
      %dma_wait3A_130 = arith.constant 5 : i32
      %dma_wait3A_131 = arith.constant 0 : i32
      %dma_wait3A_132 = arith.constant 0 : i32
      %dma_wait3A_133 = tpu.memref_slice %arg15[%dma_wait3A_128, %dma_wait3A_131, %dma_wait3A_132] : memref<6x128x32xf32, #tpu.memory_space<vmem>> -> memref<1x128x32xf32, #tpu.memory_space<vmem>>
      %dma_wait3A_134 = tpu.memref_squeeze %dma_wait3A_133 : memref<1x128x32xf32, #tpu.memory_space<vmem>> -> memref<128x32xf32, #tpu.memory_space<vmem>>
      %dma_wait3A_135 = arith.constant 0 : i32
      %dma_wait3A_136 = tpu.memref_slice %arg14[%dma_wait3A_129, %dma_wait3A_135] : memref<157x128xi32, #tpu.memory_space<vmem>> -> memref<1x128xi32, #tpu.memory_space<vmem>>
      %dma_wait3A_137 = tpu.memref_squeeze %dma_wait3A_136 : memref<1x128xi32, #tpu.memory_space<vmem>> -> memref<128xi32, #tpu.memory_space<vmem>>
      %dma_wait3A_138 = arith.constant 0 : i32
      %dma_wait3A_139 = arith.constant 0 : i32
      %dma_wait3A_140 = tpu.memref_slice %arg16[%dma_wait3A_138, %dma_wait3A_139] : memref<10240x32xf32, #tpu.memory_space<vmem_shared>> -> memref<10240x32xf32, #tpu.memory_space<vmem_shared>>
      %dma_wait3A_141 = tpu.memref_slice %arg18[%dma_wait3A_130] : memref<6x!tpu.dma_semaphore, #tpu.memory_space<semaphore_mem>> -> memref<1x!tpu.dma_semaphore, #tpu.memory_space<semaphore_mem>>
      %dma_wait3A_142 = tpu.memref_squeeze %dma_wait3A_141 : memref<1x!tpu.dma_semaphore, #tpu.memory_space<semaphore_mem>> -> memref<!tpu.dma_semaphore, #tpu.memory_space<semaphore_mem>>
      tpu.wait_indirect_dma semaphore(%dma_wait3A_142 : memref<!tpu.dma_semaphore, #tpu.memory_space<semaphore_mem>>) src(%dma_wait3A_134 : memref<128x32xf32, #tpu.memory_space<vmem>>) dst(%dma_wait3A_140 : memref<10240x32xf32, #tpu.memory_space<vmem_shared>>)
      %dma_wait3A_143 = arith.constant 0 : i32
      %dma_wait3A_144 = arith.constant 156 : i32
      %dma_wait3A_145 = arith.constant 0 : i32
      %dma_wait3A_146 = arith.constant 0 : i32
      %dma_wait3A_147 = arith.constant 0 : i32
      %dma_wait3A_148 = tpu.memref_slice %arg15[%dma_wait3A_143, %dma_wait3A_146, %dma_wait3A_147] : memref<6x128x32xf32, #tpu.memory_space<vmem>> -> memref<1x128x32xf32, #tpu.memory_space<vmem>>
      %dma_wait3A_149 = tpu.memref_squeeze %dma_wait3A_148 : memref<1x128x32xf32, #tpu.memory_space<vmem>> -> memref<128x32xf32, #tpu.memory_space<vmem>>
      %dma_wait3A_150 = arith.constant 0 : i32
      %dma_wait3A_151 = tpu.memref_slice %arg14[%dma_wait3A_144, %dma_wait3A_150] : memref<157x128xi32, #tpu.memory_space<vmem>> -> memref<1x128xi32, #tpu.memory_space<vmem>>
      %dma_wait3A_152 = tpu.memref_squeeze %dma_wait3A_151 : memref<1x128xi32, #tpu.memory_space<vmem>> -> memref<128xi32, #tpu.memory_space<vmem>>
      %dma_wait3A_153 = arith.constant 0 : i32
      %dma_wait3A_154 = arith.constant 0 : i32
      %dma_wait3A_155 = tpu.memref_slice %arg16[%dma_wait3A_153, %dma_wait3A_154] : memref<10240x32xf32, #tpu.memory_space<vmem_shared>> -> memref<10240x32xf32, #tpu.memory_space<vmem_shared>>
      %dma_wait3A_156 = tpu.memref_slice %arg18[%dma_wait3A_145] : memref<6x!tpu.dma_semaphore, #tpu.memory_space<semaphore_mem>> -> memref<1x!tpu.dma_semaphore, #tpu.memory_space<semaphore_mem>>
      %dma_wait3A_157 = tpu.memref_squeeze %dma_wait3A_156 : memref<1x!tpu.dma_semaphore, #tpu.memory_space<semaphore_mem>> -> memref<!tpu.dma_semaphore, #tpu.memory_space<semaphore_mem>>
      tpu.wait_indirect_dma semaphore(%dma_wait3A_157 : memref<!tpu.dma_semaphore, #tpu.memory_space<semaphore_mem>>) src(%dma_wait3A_149 : memref<128x32xf32, #tpu.memory_space<vmem>>) dst(%dma_wait3A_155 : memref<10240x32xf32, #tpu.memory_space<vmem_shared>>)
      %barrier3A_158 = arith.constant 0 : index
      tpu.barrier barrier_id(%barrier3A_158)
      %mul3A_159 = arith.constant 640 : i32
      %mul3A_160 = arith.muli %arg1, %mul3A_159 : i32
      %mul3A_161 = arith.constant 640 : i32
      %mul3A_162 = arith.muli %arg1, %mul3A_161 : i32
      "tpu.region"() ({
        %run_scoped3A = tpu.sem_alloc : memref<!tpu.dma_semaphore, #tpu.memory_space<semaphore_mem>>
        %dma_start3A_164 = arith.constant 0 : i32
        %dma_start3A_165 = tpu.memref_slice %arg12[%mul3A_162, %dma_start3A_164] : memref<10240x32xf32, #tpu.memory_space<hbm>> -> memref<640x32xf32, #tpu.memory_space<hbm>>
        %dma_start3A_166 = arith.constant 0 : i32
        %dma_start3A_167 = tpu.memref_slice %arg16[%mul3A_160, %dma_start3A_166] : memref<10240x32xf32, #tpu.memory_space<vmem_shared>> -> memref<640x32xf32, #tpu.memory_space<vmem_shared>>
        tpu.enqueue_dma source(%dma_start3A_167 : memref<640x32xf32, #tpu.memory_space<vmem_shared>>) target(%dma_start3A_165 : memref<640x32xf32, #tpu.memory_space<hbm>>) target_semaphore(%run_scoped3A : memref<!tpu.dma_semaphore, #tpu.memory_space<semaphore_mem>>)
        %dma_wait3A_168 = arith.constant 0 : i32
        %dma_wait3A_169 = tpu.memref_slice %arg12[%mul3A_162, %dma_wait3A_168] : memref<10240x32xf32, #tpu.memory_space<hbm>> -> memref<640x32xf32, #tpu.memory_space<hbm>>
        %dma_wait3A_170 = arith.constant 0 : i32
        %dma_wait3A_171 = tpu.memref_slice %arg16[%mul3A_160, %dma_wait3A_170] : memref<10240x32xf32, #tpu.memory_space<vmem_shared>> -> memref<640x32xf32, #tpu.memory_space<vmem_shared>>
        tpu.wait_dma2 semaphore(%run_scoped3A : memref<!tpu.dma_semaphore, #tpu.memory_space<semaphore_mem>>) src(%dma_wait3A_171 : memref<640x32xf32, #tpu.memory_space<vmem_shared>>) dst(%dma_wait3A_169 : memref<640x32xf32, #tpu.memory_space<hbm>>)
        tpu.yield
      }) : () -> ()
      %barrier3A_163 = arith.constant 0 : index
      tpu.barrier barrier_id(%barrier3A_163)
    } else {
    }
    return
  }
}

#map = affine_map<(d0, d1) -> (0, 0, 0)>
#map1 = affine_map<(d0, d1) -> (0)>
module attributes {stable_mosaic.version = 14 : i64} {
  func.func @body(%arg0: i32, %arg1: i32, %arg2: memref<16x157x128xi32, #tpu.memory_space<hbm>>, %arg3: memref<10240xf32, #tpu.memory_space<hbm>>, %arg4: memref<10240xf32, #tpu.memory_space<hbm>>, %arg5: memref<157x128xi32, #tpu.memory_space<vmem>>, %arg6: memref<128xf32, #tpu.memory_space<vmem>>, %arg7: memref<10240xf32, #tpu.memory_space<vmem_shared>>) attributes {dimension_semantics = [#tpu.dimension_semantics<core_parallel>, #tpu.dimension_semantics<subcore_parallel>], iteration_bounds = array<i64: 2, 16>, scalar_prefetch = 0 : i64, scratch_operands = 3 : i64, tpu.core_type = #tpu.core_type<sc_vector_subcore>, window_params = [{transform_indices = #map}, {transform_indices = #map1}, {transform_indices = #map1}]} {
    %eq3A = arith.constant 0 : i32
    %eq3A_0 = arith.cmpi eq, %arg0, %eq3A : i32
    %convert_element_type3A = arith.extui %eq3A_0 : i1 to i32
    %cond3A = arith.constant 0 : i32
    %cond3A_1 = arith.cmpi ne, %convert_element_type3A, %cond3A : i32
    scf.if %cond3A_1 {
      "tpu.region"() ({
        %run_scoped3A = tpu.sem_alloc : memref<!tpu.dma_semaphore, #tpu.memory_space<semaphore_mem>>
        %dma_start3A = arith.constant 0 : i32
        %dma_start3A_61 = arith.constant 0 : i32
        %dma_start3A_62 = tpu.memref_slice %arg2[%arg1, %dma_start3A, %dma_start3A_61] : memref<16x157x128xi32, #tpu.memory_space<hbm>> -> memref<1x157x128xi32, #tpu.memory_space<hbm>>
        %dma_start3A_63 = tpu.memref_squeeze %dma_start3A_62 : memref<1x157x128xi32, #tpu.memory_space<hbm>> -> memref<157x128xi32, #tpu.memory_space<hbm>>
        %dma_start3A_64 = arith.constant 0 : i32
        %dma_start3A_65 = arith.constant 0 : i32
        %dma_start3A_66 = tpu.memref_slice %arg2[%arg1, %dma_start3A_64, %dma_start3A_65] : memref<16x157x128xi32, #tpu.memory_space<hbm>> -> memref<1x157x128xi32, #tpu.memory_space<hbm>>
        %dma_start3A_67 = tpu.memref_squeeze %dma_start3A_66 : memref<1x157x128xi32, #tpu.memory_space<hbm>> -> memref<157x128xi32, #tpu.memory_space<hbm>>
        tpu.enqueue_dma source(%dma_start3A_67 : memref<157x128xi32, #tpu.memory_space<hbm>>) target(%arg5 : memref<157x128xi32, #tpu.memory_space<vmem>>) target_semaphore(%run_scoped3A : memref<!tpu.dma_semaphore, #tpu.memory_space<semaphore_mem>>)
        %dma_wait3A = arith.constant 0 : i32
        %dma_wait3A_68 = arith.constant 0 : i32
        %dma_wait3A_69 = tpu.memref_slice %arg2[%arg1, %dma_wait3A, %dma_wait3A_68] : memref<16x157x128xi32, #tpu.memory_space<hbm>> -> memref<1x157x128xi32, #tpu.memory_space<hbm>>
        %dma_wait3A_70 = tpu.memref_squeeze %dma_wait3A_69 : memref<1x157x128xi32, #tpu.memory_space<hbm>> -> memref<157x128xi32, #tpu.memory_space<hbm>>
        %dma_wait3A_71 = arith.constant 0 : i32
        %dma_wait3A_72 = arith.constant 0 : i32
        %dma_wait3A_73 = tpu.memref_slice %arg2[%arg1, %dma_wait3A_71, %dma_wait3A_72] : memref<16x157x128xi32, #tpu.memory_space<hbm>> -> memref<1x157x128xi32, #tpu.memory_space<hbm>>
        %dma_wait3A_74 = tpu.memref_squeeze %dma_wait3A_73 : memref<1x157x128xi32, #tpu.memory_space<hbm>> -> memref<157x128xi32, #tpu.memory_space<hbm>>
        tpu.wait_dma2 semaphore(%run_scoped3A : memref<!tpu.dma_semaphore, #tpu.memory_space<semaphore_mem>>) src(%dma_wait3A_74 : memref<157x128xi32, #tpu.memory_space<hbm>>) dst(%arg5 : memref<157x128xi32, #tpu.memory_space<vmem>>)
        tpu.yield
      }) : () -> ()
      %broadcast_in_dim3A = arith.constant 1.000000e+00 : f32
      %broadcast_in_dim3A_2 = vector.broadcast %broadcast_in_dim3A : f32 to vector<16xf32>
      %swap3A = arith.constant 0 : index
      %swap3A_3 = tpu.vector_load %arg6[%swap3A] {strides = array<i32>} : memref<128xf32, #tpu.memory_space<vmem>>, vector<16xf32>,
      %swap3A_4 = vector.shape_cast %swap3A_3 : vector<16xf32> to vector<16xf32>
      %swap3A_5 = vector.shape_cast %broadcast_in_dim3A_2 : vector<16xf32> to vector<16xf32>
      tpu.vector_store %arg6[%swap3A], %swap3A_5 {strides = array<i32>} : memref<128xf32, #tpu.memory_space<vmem>>, vector<16xf32>,
      %broadcast_in_dim3A_6 = arith.constant 1.000000e+00 : f32
      %broadcast_in_dim3A_7 = vector.broadcast %broadcast_in_dim3A_6 : f32 to vector<16xf32>
      %swap3A_8 = arith.constant 16 : index
      %swap3A_9 = tpu.vector_load %arg6[%swap3A_8] {strides = array<i32>} : memref<128xf32, #tpu.memory_space<vmem>>, vector<16xf32>,
      %swap3A_10 = vector.shape_cast %swap3A_9 : vector<16xf32> to vector<16xf32>
      %swap3A_11 = vector.shape_cast %broadcast_in_dim3A_7 : vector<16xf32> to vector<16xf32>
      tpu.vector_store %arg6[%swap3A_8], %swap3A_11 {strides = array<i32>} : memref<128xf32, #tpu.memory_space<vmem>>, vector<16xf32>,
      %broadcast_in_dim3A_12 = arith.constant 1.000000e+00 : f32
      %broadcast_in_dim3A_13 = vector.broadcast %broadcast_in_dim3A_12 : f32 to vector<16xf32>
      %swap3A_14 = arith.constant 32 : index
      %swap3A_15 = tpu.vector_load %arg6[%swap3A_14] {strides = array<i32>} : memref<128xf32, #tpu.memory_space<vmem>>, vector<16xf32>,
      %swap3A_16 = vector.shape_cast %swap3A_15 : vector<16xf32> to vector<16xf32>
      %swap3A_17 = vector.shape_cast %broadcast_in_dim3A_13 : vector<16xf32> to vector<16xf32>
      tpu.vector_store %arg6[%swap3A_14], %swap3A_17 {strides = array<i32>} : memref<128xf32, #tpu.memory_space<vmem>>, vector<16xf32>,
      %broadcast_in_dim3A_18 = arith.constant 1.000000e+00 : f32
      %broadcast_in_dim3A_19 = vector.broadcast %broadcast_in_dim3A_18 : f32 to vector<16xf32>
      %swap3A_20 = arith.constant 48 : index
      %swap3A_21 = tpu.vector_load %arg6[%swap3A_20] {strides = array<i32>} : memref<128xf32, #tpu.memory_space<vmem>>, vector<16xf32>,
      %swap3A_22 = vector.shape_cast %swap3A_21 : vector<16xf32> to vector<16xf32>
      %swap3A_23 = vector.shape_cast %broadcast_in_dim3A_19 : vector<16xf32> to vector<16xf32>
      tpu.vector_store %arg6[%swap3A_20], %swap3A_23 {strides = array<i32>} : memref<128xf32, #tpu.memory_space<vmem>>, vector<16xf32>,
      %broadcast_in_dim3A_24 = arith.constant 1.000000e+00 : f32
      %broadcast_in_dim3A_25 = vector.broadcast %broadcast_in_dim3A_24 : f32 to vector<16xf32>
      %swap3A_26 = arith.constant 64 : index
      %swap3A_27 = tpu.vector_load %arg6[%swap3A_26] {strides = array<i32>} : memref<128xf32, #tpu.memory_space<vmem>>, vector<16xf32>,
      %swap3A_28 = vector.shape_cast %swap3A_27 : vector<16xf32> to vector<16xf32>
      %swap3A_29 = vector.shape_cast %broadcast_in_dim3A_25 : vector<16xf32> to vector<16xf32>
      tpu.vector_store %arg6[%swap3A_26], %swap3A_29 {strides = array<i32>} : memref<128xf32, #tpu.memory_space<vmem>>, vector<16xf32>,
      %broadcast_in_dim3A_30 = arith.constant 1.000000e+00 : f32
      %broadcast_in_dim3A_31 = vector.broadcast %broadcast_in_dim3A_30 : f32 to vector<16xf32>
      %swap3A_32 = arith.constant 80 : index
      %swap3A_33 = tpu.vector_load %arg6[%swap3A_32] {strides = array<i32>} : memref<128xf32, #tpu.memory_space<vmem>>, vector<16xf32>,
      %swap3A_34 = vector.shape_cast %swap3A_33 : vector<16xf32> to vector<16xf32>
      %swap3A_35 = vector.shape_cast %broadcast_in_dim3A_31 : vector<16xf32> to vector<16xf32>
      tpu.vector_store %arg6[%swap3A_32], %swap3A_35 {strides = array<i32>} : memref<128xf32, #tpu.memory_space<vmem>>, vector<16xf32>,
      %broadcast_in_dim3A_36 = arith.constant 1.000000e+00 : f32
      %broadcast_in_dim3A_37 = vector.broadcast %broadcast_in_dim3A_36 : f32 to vector<16xf32>
      %swap3A_38 = arith.constant 96 : index
      %swap3A_39 = tpu.vector_load %arg6[%swap3A_38] {strides = array<i32>} : memref<128xf32, #tpu.memory_space<vmem>>, vector<16xf32>,
      %swap3A_40 = vector.shape_cast %swap3A_39 : vector<16xf32> to vector<16xf32>
      %swap3A_41 = vector.shape_cast %broadcast_in_dim3A_37 : vector<16xf32> to vector<16xf32>
      tpu.vector_store %arg6[%swap3A_38], %swap3A_41 {strides = array<i32>} : memref<128xf32, #tpu.memory_space<vmem>>, vector<16xf32>,
      %broadcast_in_dim3A_42 = arith.constant 1.000000e+00 : f32
      %broadcast_in_dim3A_43 = vector.broadcast %broadcast_in_dim3A_42 : f32 to vector<16xf32>
      %swap3A_44 = arith.constant 112 : index
      %swap3A_45 = tpu.vector_load %arg6[%swap3A_44] {strides = array<i32>} : memref<128xf32, #tpu.memory_space<vmem>>, vector<16xf32>,
      %swap3A_46 = vector.shape_cast %swap3A_45 : vector<16xf32> to vector<16xf32>
      %swap3A_47 = vector.shape_cast %broadcast_in_dim3A_43 : vector<16xf32> to vector<16xf32>
      tpu.vector_store %arg6[%swap3A_44], %swap3A_47 {strides = array<i32>} : memref<128xf32, #tpu.memory_space<vmem>>, vector<16xf32>,
      %mul3A = arith.constant 640 : i32
      %mul3A_48 = arith.muli %arg1, %mul3A : i32
      %mul3A_49 = arith.constant 640 : i32
      %mul3A_50 = arith.muli %arg1, %mul3A_49 : i32
      "tpu.region"() ({
        %run_scoped3A = tpu.sem_alloc : memref<!tpu.dma_semaphore, #tpu.memory_space<semaphore_mem>>
        %dma_start3A = tpu.memref_slice %arg7[%mul3A_50] : memref<10240xf32, #tpu.memory_space<vmem_shared>> -> memref<640xf32, #tpu.memory_space<vmem_shared>>
        %dma_start3A_61 = tpu.memref_slice %arg3[%mul3A_48] : memref<10240xf32, #tpu.memory_space<hbm>> -> memref<640xf32, #tpu.memory_space<hbm>>
        tpu.enqueue_dma source(%dma_start3A_61 : memref<640xf32, #tpu.memory_space<hbm>>) target(%dma_start3A : memref<640xf32, #tpu.memory_space<vmem_shared>>) target_semaphore(%run_scoped3A : memref<!tpu.dma_semaphore, #tpu.memory_space<semaphore_mem>>)
        %dma_wait3A = tpu.memref_slice %arg7[%mul3A_50] : memref<10240xf32, #tpu.memory_space<vmem_shared>> -> memref<640xf32, #tpu.memory_space<vmem_shared>>
        %dma_wait3A_62 = tpu.memref_slice %arg3[%mul3A_48] : memref<10240xf32, #tpu.memory_space<hbm>> -> memref<640xf32, #tpu.memory_space<hbm>>
        tpu.wait_dma2 semaphore(%run_scoped3A : memref<!tpu.dma_semaphore, #tpu.memory_space<semaphore_mem>>) src(%dma_wait3A_62 : memref<640xf32, #tpu.memory_space<hbm>>) dst(%dma_wait3A : memref<640xf32, #tpu.memory_space<vmem_shared>>)
        tpu.yield
      }) : () -> ()
      %barrier3A = arith.constant 0 : index
      tpu.barrier barrier_id(%barrier3A)
      %scan3A = arith.constant 0 : i32
      %scan3A_51 = arith.constant 0 : i32
      %scan3A_52 = arith.constant 157 : i32
      %scan3A_53 = arith.addi %scan3A_51, %scan3A_52 : i32
      %scan3A_54 = arith.constant 1 : i32
      scf.for %scan3A_61 = %scan3A_51 to %scan3A_53 step %scan3A_54  : i32 {
        "tpu.region"() ({
          %run_scoped3A = tpu.sem_alloc : memref<!tpu.dma_semaphore, #tpu.memory_space<semaphore_mem>>
          %dma_start3A = arith.constant 0 : i32
          %dma_start3A_62 = tpu.memref_slice %arg5[%scan3A_61, %dma_start3A] : memref<157x128xi32, #tpu.memory_space<vmem>> -> memref<1x128xi32, #tpu.memory_space<vmem>>
          %dma_start3A_63 = tpu.memref_squeeze %dma_start3A_62 : memref<1x128xi32, #tpu.memory_space<vmem>> -> memref<128xi32, #tpu.memory_space<vmem>>
          %dma_start3A_64 = arith.constant 0 : i32
          %dma_start3A_65 = tpu.memref_slice %arg7[%dma_start3A_64] : memref<10240xf32, #tpu.memory_space<vmem_shared>> -> memref<10240xf32, #tpu.memory_space<vmem_shared>>
          tpu.enqueue_indirect_dma source(%arg6 : memref<128xf32, #tpu.memory_space<vmem>>) target(%dma_start3A_65 : memref<10240xf32, #tpu.memory_space<vmem_shared>>) offsets(%dma_start3A_63 : memref<128xi32, #tpu.memory_space<vmem>>) semaphore(%run_scoped3A : memref<!tpu.dma_semaphore, #tpu.memory_space<semaphore_mem>>) {add = true}
          %dma_wait3A = arith.constant 0 : i32
          %dma_wait3A_66 = tpu.memref_slice %arg5[%scan3A_61, %dma_wait3A] : memref<157x128xi32, #tpu.memory_space<vmem>> -> memref<1x128xi32, #tpu.memory_space<vmem>>
          %dma_wait3A_67 = tpu.memref_squeeze %dma_wait3A_66 : memref<1x128xi32, #tpu.memory_space<vmem>> -> memref<128xi32, #tpu.memory_space<vmem>>
          %dma_wait3A_68 = arith.constant 0 : i32
          %dma_wait3A_69 = tpu.memref_slice %arg7[%dma_wait3A_68] : memref<10240xf32, #tpu.memory_space<vmem_shared>> -> memref<10240xf32, #tpu.memory_space<vmem_shared>>
          tpu.wait_indirect_dma semaphore(%run_scoped3A : memref<!tpu.dma_semaphore, #tpu.memory_space<semaphore_mem>>) src(%arg6 : memref<128xf32, #tpu.memory_space<vmem>>) dst(%dma_wait3A_69 : memref<10240xf32, #tpu.memory_space<vmem_shared>>)
          tpu.yield
        }) : () -> ()
      }
      %scan3A_55 = arith.constant 157 : i32
      %barrier3A_56 = arith.constant 0 : index
      tpu.barrier barrier_id(%barrier3A_56)
      %mul3A_57 = arith.constant 640 : i32
      %mul3A_58 = arith.muli %arg1, %mul3A_57 : i32
      %mul3A_59 = arith.constant 640 : i32
      %mul3A_60 = arith.muli %arg1, %mul3A_59 : i32
      "tpu.region"() ({
        %run_scoped3A = tpu.sem_alloc : memref<!tpu.dma_semaphore, #tpu.memory_space<semaphore_mem>>
        %dma_start3A = tpu.memref_slice %arg4[%mul3A_60] : memref<10240xf32, #tpu.memory_space<hbm>> -> memref<640xf32, #tpu.memory_space<hbm>>
        %dma_start3A_61 = tpu.memref_slice %arg7[%mul3A_58] : memref<10240xf32, #tpu.memory_space<vmem_shared>> -> memref<640xf32, #tpu.memory_space<vmem_shared>>
        tpu.enqueue_dma source(%dma_start3A_61 : memref<640xf32, #tpu.memory_space<vmem_shared>>) target(%dma_start3A : memref<640xf32, #tpu.memory_space<hbm>>) target_semaphore(%run_scoped3A : memref<!tpu.dma_semaphore, #tpu.memory_space<semaphore_mem>>)
        %dma_wait3A = tpu.memref_slice %arg4[%mul3A_60] : memref<10240xf32, #tpu.memory_space<hbm>> -> memref<640xf32, #tpu.memory_space<hbm>>
        %dma_wait3A_62 = tpu.memref_slice %arg7[%mul3A_58] : memref<10240xf32, #tpu.memory_space<vmem_shared>> -> memref<640xf32, #tpu.memory_space<vmem_shared>>
        tpu.wait_dma2 semaphore(%run_scoped3A : memref<!tpu.dma_semaphore, #tpu.memory_space<semaphore_mem>>) src(%dma_wait3A_62 : memref<640xf32, #tpu.memory_space<vmem_shared>>) dst(%dma_wait3A : memref<640xf32, #tpu.memory_space<hbm>>)
        tpu.yield
      }) : () -> ()
    } else {
    }
    return
  }
}

#map = affine_map<(d0, d1) -> (0, 0, 0)>
#map1 = affine_map<(d0, d1) -> (0, 0)>
module attributes {stable_mosaic.version = 14 : i64} {
  func.func @body(%arg0: i32, %arg1: i32, %arg2: memref<16x157x128xi32, #tpu.memory_space<hbm>>, %arg3: memref<16x157x128xi32, #tpu.memory_space<hbm>>, %arg4: memref<10240x64xf32, #tpu.memory_space<hbm>>, %arg5: memref<10240x64xf32, #tpu.memory_space<hbm>>, %arg6: memref<10240x64xf32, #tpu.memory_space<hbm>>, %arg7: memref<10240x64xf32, #tpu.memory_space<hbm>>, %arg8: memref<10240x64xf32, #tpu.memory_space<hbm>>, %arg9: memref<157x128xi32, #tpu.memory_space<vmem>>, %arg10: memref<157x128xi32, #tpu.memory_space<vmem>>, %arg11: memref<6x128x64xf32, #tpu.memory_space<vmem>>, %arg12: memref<10240x64xf32, #tpu.memory_space<vmem_shared>>, %arg13: memref<6x!tpu.dma_semaphore, #tpu.memory_space<semaphore_mem>>, %arg14: memref<6x!tpu.dma_semaphore, #tpu.memory_space<semaphore_mem>>) attributes {dimension_semantics = [#tpu.dimension_semantics<core_parallel>, #tpu.dimension_semantics<subcore_parallel>], iteration_bounds = array<i64: 2, 16>, scalar_prefetch = 0 : i64, scratch_operands = 6 : i64, tpu.core_type = #tpu.core_type<sc_vector_subcore>, window_params = [{transform_indices = #map}, {transform_indices = #map}, {transform_indices = #map1}, {transform_indices = #map1}, {transform_indices = #map1}, {transform_indices = #map1}, {transform_indices = #map1}]} {
    "tpu.region"() ({
      %run_scoped3A = tpu.sem_alloc : memref<!tpu.dma_semaphore, #tpu.memory_space<semaphore_mem>>
      %dma_start3A = arith.constant 0 : i32
      %dma_start3A_7 = arith.constant 0 : i32
      %dma_start3A_8 = tpu.memref_slice %arg2[%arg1, %dma_start3A, %dma_start3A_7] : memref<16x157x128xi32, #tpu.memory_space<hbm>> -> memref<1x157x128xi32, #tpu.memory_space<hbm>>
      %dma_start3A_9 = tpu.memref_squeeze %dma_start3A_8 : memref<1x157x128xi32, #tpu.memory_space<hbm>> -> memref<157x128xi32, #tpu.memory_space<hbm>>
      %dma_start3A_10 = arith.constant 0 : i32
      %dma_start3A_11 = arith.constant 0 : i32
      %dma_start3A_12 = tpu.memref_slice %arg2[%arg1, %dma_start3A_10, %dma_start3A_11] : memref<16x157x128xi32, #tpu.memory_space<hbm>> -> memref<1x157x128xi32, #tpu.memory_space<hbm>>
      %dma_start3A_13 = tpu.memref_squeeze %dma_start3A_12 : memref<1x157x128xi32, #tpu.memory_space<hbm>> -> memref<157x128xi32, #tpu.memory_space<hbm>>
      tpu.enqueue_dma source(%dma_start3A_13 : memref<157x128xi32, #tpu.memory_space<hbm>>) target(%arg9 : memref<157x128xi32, #tpu.memory_space<vmem>>) target_semaphore(%run_scoped3A : memref<!tpu.dma_semaphore, #tpu.memory_space<semaphore_mem>>)
      %dma_wait3A = arith.constant 0 : i32
      %dma_wait3A_14 = arith.constant 0 : i32
      %dma_wait3A_15 = tpu.memref_slice %arg2[%arg1, %dma_wait3A, %dma_wait3A_14] : memref<16x157x128xi32, #tpu.memory_space<hbm>> -> memref<1x157x128xi32, #tpu.memory_space<hbm>>
      %dma_wait3A_16 = tpu.memref_squeeze %dma_wait3A_15 : memref<1x157x128xi32, #tpu.memory_space<hbm>> -> memref<157x128xi32, #tpu.memory_space<hbm>>
      %dma_wait3A_17 = arith.constant 0 : i32
      %dma_wait3A_18 = arith.constant 0 : i32
      %dma_wait3A_19 = tpu.memref_slice %arg2[%arg1, %dma_wait3A_17, %dma_wait3A_18] : memref<16x157x128xi32, #tpu.memory_space<hbm>> -> memref<1x157x128xi32, #tpu.memory_space<hbm>>
      %dma_wait3A_20 = tpu.memref_squeeze %dma_wait3A_19 : memref<1x157x128xi32, #tpu.memory_space<hbm>> -> memref<157x128xi32, #tpu.memory_space<hbm>>
      tpu.wait_dma2 semaphore(%run_scoped3A : memref<!tpu.dma_semaphore, #tpu.memory_space<semaphore_mem>>) src(%dma_wait3A_20 : memref<157x128xi32, #tpu.memory_space<hbm>>) dst(%arg9 : memref<157x128xi32, #tpu.memory_space<vmem>>)
      tpu.yield
    }) : () -> ()
    "tpu.region"() ({
      %run_scoped3A = tpu.sem_alloc : memref<!tpu.dma_semaphore, #tpu.memory_space<semaphore_mem>>
      %dma_start3A = arith.constant 0 : i32
      %dma_start3A_7 = arith.constant 0 : i32
      %dma_start3A_8 = tpu.memref_slice %arg3[%arg1, %dma_start3A, %dma_start3A_7] : memref<16x157x128xi32, #tpu.memory_space<hbm>> -> memref<1x157x128xi32, #tpu.memory_space<hbm>>
      %dma_start3A_9 = tpu.memref_squeeze %dma_start3A_8 : memref<1x157x128xi32, #tpu.memory_space<hbm>> -> memref<157x128xi32, #tpu.memory_space<hbm>>
      %dma_start3A_10 = arith.constant 0 : i32
      %dma_start3A_11 = arith.constant 0 : i32
      %dma_start3A_12 = tpu.memref_slice %arg3[%arg1, %dma_start3A_10, %dma_start3A_11] : memref<16x157x128xi32, #tpu.memory_space<hbm>> -> memref<1x157x128xi32, #tpu.memory_space<hbm>>
      %dma_start3A_13 = tpu.memref_squeeze %dma_start3A_12 : memref<1x157x128xi32, #tpu.memory_space<hbm>> -> memref<157x128xi32, #tpu.memory_space<hbm>>
      tpu.enqueue_dma source(%dma_start3A_13 : memref<157x128xi32, #tpu.memory_space<hbm>>) target(%arg10 : memref<157x128xi32, #tpu.memory_space<vmem>>) target_semaphore(%run_scoped3A : memref<!tpu.dma_semaphore, #tpu.memory_space<semaphore_mem>>)
      %dma_wait3A = arith.constant 0 : i32
      %dma_wait3A_14 = arith.constant 0 : i32
      %dma_wait3A_15 = tpu.memref_slice %arg3[%arg1, %dma_wait3A, %dma_wait3A_14] : memref<16x157x128xi32, #tpu.memory_space<hbm>> -> memref<1x157x128xi32, #tpu.memory_space<hbm>>
      %dma_wait3A_16 = tpu.memref_squeeze %dma_wait3A_15 : memref<1x157x128xi32, #tpu.memory_space<hbm>> -> memref<157x128xi32, #tpu.memory_space<hbm>>
      %dma_wait3A_17 = arith.constant 0 : i32
      %dma_wait3A_18 = arith.constant 0 : i32
      %dma_wait3A_19 = tpu.memref_slice %arg3[%arg1, %dma_wait3A_17, %dma_wait3A_18] : memref<16x157x128xi32, #tpu.memory_space<hbm>> -> memref<1x157x128xi32, #tpu.memory_space<hbm>>
      %dma_wait3A_20 = tpu.memref_squeeze %dma_wait3A_19 : memref<1x157x128xi32, #tpu.memory_space<hbm>> -> memref<157x128xi32, #tpu.memory_space<hbm>>
      tpu.wait_dma2 semaphore(%run_scoped3A : memref<!tpu.dma_semaphore, #tpu.memory_space<semaphore_mem>>) src(%dma_wait3A_20 : memref<157x128xi32, #tpu.memory_space<hbm>>) dst(%arg10 : memref<157x128xi32, #tpu.memory_space<vmem>>)
      tpu.yield
    }) : () -> ()
    %eq3A = arith.constant 0 : i32
    %eq3A_0 = arith.cmpi eq, %arg0, %eq3A : i32
    %convert_element_type3A = arith.extui %eq3A_0 : i1 to i32
    %cond3A = arith.constant 0 : i32
    %cond3A_1 = arith.cmpi ne, %convert_element_type3A, %cond3A : i32
    scf.if %cond3A_1 {
      %mul3A = arith.constant 640 : i32
      %mul3A_7 = arith.muli %arg1, %mul3A : i32
      %mul3A_8 = arith.constant 640 : i32
      %mul3A_9 = arith.muli %arg1, %mul3A_8 : i32
      "tpu.region"() ({
        %run_scoped3A = tpu.sem_alloc : memref<!tpu.dma_semaphore, #tpu.memory_space<semaphore_mem>>
        %dma_start3A_154 = arith.constant 0 : i32
        %dma_start3A_155 = tpu.memref_slice %arg12[%mul3A_9, %dma_start3A_154] : memref<10240x64xf32, #tpu.memory_space<vmem_shared>> -> memref<640x64xf32, #tpu.memory_space<vmem_shared>>
        %dma_start3A_156 = arith.constant 0 : i32
        %dma_start3A_157 = tpu.memref_slice %arg4[%mul3A_7, %dma_start3A_156] : memref<10240x64xf32, #tpu.memory_space<hbm>> -> memref<640x64xf32, #tpu.memory_space<hbm>>
        tpu.enqueue_dma source(%dma_start3A_157 : memref<640x64xf32, #tpu.memory_space<hbm>>) target(%dma_start3A_155 : memref<640x64xf32, #tpu.memory_space<vmem_shared>>) target_semaphore(%run_scoped3A : memref<!tpu.dma_semaphore, #tpu.memory_space<semaphore_mem>>)
        %dma_wait3A_158 = arith.constant 0 : i32
        %dma_wait3A_159 = tpu.memref_slice %arg12[%mul3A_9, %dma_wait3A_158] : memref<10240x64xf32, #tpu.memory_space<vmem_shared>> -> memref<640x64xf32, #tpu.memory_space<vmem_shared>>
        %dma_wait3A_160 = arith.constant 0 : i32
        %dma_wait3A_161 = tpu.memref_slice %arg4[%mul3A_7, %dma_wait3A_160] : memref<10240x64xf32, #tpu.memory_space<hbm>> -> memref<640x64xf32, #tpu.memory_space<hbm>>
        tpu.wait_dma2 semaphore(%run_scoped3A : memref<!tpu.dma_semaphore, #tpu.memory_space<semaphore_mem>>) src(%dma_wait3A_161 : memref<640x64xf32, #tpu.memory_space<hbm>>) dst(%dma_wait3A_159 : memref<640x64xf32, #tpu.memory_space<vmem_shared>>)
        tpu.yield
      }) : () -> ()
      %barrier3A = arith.constant 0 : index
      tpu.barrier barrier_id(%barrier3A)
      %dma_start3A = arith.constant 0 : i32
      %dma_start3A_10 = arith.constant 0 : i32
      %dma_start3A_11 = arith.constant 0 : i32
      %dma_start3A_12 = arith.constant 0 : i32
      %dma_start3A_13 = arith.constant 0 : i32
      %dma_start3A_14 = tpu.memref_slice %arg11[%dma_start3A_10, %dma_start3A_12, %dma_start3A_13] : memref<6x128x64xf32, #tpu.memory_space<vmem>> -> memref<1x128x64xf32, #tpu.memory_space<vmem>>
      %dma_start3A_15 = tpu.memref_squeeze %dma_start3A_14 : memref<1x128x64xf32, #tpu.memory_space<vmem>> -> memref<128x64xf32, #tpu.memory_space<vmem>>
      %dma_start3A_16 = arith.constant 0 : i32
      %dma_start3A_17 = tpu.memref_slice %arg9[%dma_start3A, %dma_start3A_16] : memref<157x128xi32, #tpu.memory_space<vmem>> -> memref<1x128xi32, #tpu.memory_space<vmem>>
      %dma_start3A_18 = tpu.memref_squeeze %dma_start3A_17 : memref<1x128xi32, #tpu.memory_space<vmem>> -> memref<128xi32, #tpu.memory_space<vmem>>
      %dma_start3A_19 = arith.constant 0 : i32
      %dma_start3A_20 = arith.constant 0 : i32
      %dma_start3A_21 = tpu.memref_slice %arg5[%dma_start3A_19, %dma_start3A_20] : memref<10240x64xf32, #tpu.memory_space<hbm>> -> memref<10240x64xf32, #tpu.memory_space<hbm>>
      %dma_start3A_22 = tpu.memref_slice %arg13[%dma_start3A_11] : memref<6x!tpu.dma_semaphore, #tpu.memory_space<semaphore_mem>> -> memref<1x!tpu.dma_semaphore, #tpu.memory_space<semaphore_mem>>
      %dma_start3A_23 = tpu.memref_squeeze %dma_start3A_22 : memref<1x!tpu.dma_semaphore, #tpu.memory_space<semaphore_mem>> -> memref<!tpu.dma_semaphore, #tpu.memory_space<semaphore_mem>>
      tpu.enqueue_indirect_dma source(%dma_start3A_21 : memref<10240x64xf32, #tpu.memory_space<hbm>>) target(%dma_start3A_15 : memref<128x64xf32, #tpu.memory_space<vmem>>) offsets(%dma_start3A_18 : memref<128xi32, #tpu.memory_space<vmem>>) semaphore(%dma_start3A_23 : memref<!tpu.dma_semaphore, #tpu.memory_space<semaphore_mem>>)
      %dma_start3A_24 = arith.constant 1 : i32
      %dma_start3A_25 = arith.constant 1 : i32
      %dma_start3A_26 = arith.constant 1 : i32
      %dma_start3A_27 = arith.constant 0 : i32
      %dma_start3A_28 = arith.constant 0 : i32
      %dma_start3A_29 = tpu.memref_slice %arg11[%dma_start3A_25, %dma_start3A_27, %dma_start3A_28] : memref<6x128x64xf32, #tpu.memory_space<vmem>> -> memref<1x128x64xf32, #tpu.memory_space<vmem>>
      %dma_start3A_30 = tpu.memref_squeeze %dma_start3A_29 : memref<1x128x64xf32, #tpu.memory_space<vmem>> -> memref<128x64xf32, #tpu.memory_space<vmem>>
      %dma_start3A_31 = arith.constant 0 : i32
      %dma_start3A_32 = tpu.memref_slice %arg9[%dma_start3A_24, %dma_start3A_31] : memref<157x128xi32, #tpu.memory_space<vmem>> -> memref<1x128xi32, #tpu.memory_space<vmem>>
      %dma_start3A_33 = tpu.memref_squeeze %dma_start3A_32 : memref<1x128xi32, #tpu.memory_space<vmem>> -> memref<128xi32, #tpu.memory_space<vmem>>
      %dma_start3A_34 = arith.constant 0 : i32
      %dma_start3A_35 = arith.constant 0 : i32
      %dma_start3A_36 = tpu.memref_slice %arg5[%dma_start3A_34, %dma_start3A_35] : memref<10240x64xf32, #tpu.memory_space<hbm>> -> memref<10240x64xf32, #tpu.memory_space<hbm>>
      %dma_start3A_37 = tpu.memref_slice %arg13[%dma_start3A_26] : memref<6x!tpu.dma_semaphore, #tpu.memory_space<semaphore_mem>> -> memref<1x!tpu.dma_semaphore, #tpu.memory_space<semaphore_mem>>
      %dma_start3A_38 = tpu.memref_squeeze %dma_start3A_37 : memref<1x!tpu.dma_semaphore, #tpu.memory_space<semaphore_mem>> -> memref<!tpu.dma_semaphore, #tpu.memory_space<semaphore_mem>>
      tpu.enqueue_indirect_dma source(%dma_start3A_36 : memref<10240x64xf32, #tpu.memory_space<hbm>>) target(%dma_start3A_30 : memref<128x64xf32, #tpu.memory_space<vmem>>) offsets(%dma_start3A_33 : memref<128xi32, #tpu.memory_space<vmem>>) semaphore(%dma_start3A_38 : memref<!tpu.dma_semaphore, #tpu.memory_space<semaphore_mem>>)
      %dma_start3A_39 = arith.constant 2 : i32
      %dma_start3A_40 = arith.constant 2 : i32
      %dma_start3A_41 = arith.constant 2 : i32
      %dma_start3A_42 = arith.constant 0 : i32
      %dma_start3A_43 = arith.constant 0 : i32
      %dma_start3A_44 = tpu.memref_slice %arg11[%dma_start3A_40, %dma_start3A_42, %dma_start3A_43] : memref<6x128x64xf32, #tpu.memory_space<vmem>> -> memref<1x128x64xf32, #tpu.memory_space<vmem>>
      %dma_start3A_45 = tpu.memref_squeeze %dma_start3A_44 : memref<1x128x64xf32, #tpu.memory_space<vmem>> -> memref<128x64xf32, #tpu.memory_space<vmem>>
      %dma_start3A_46 = arith.constant 0 : i32
      %dma_start3A_47 = tpu.memref_slice %arg9[%dma_start3A_39, %dma_start3A_46] : memref<157x128xi32, #tpu.memory_space<vmem>> -> memref<1x128xi32, #tpu.memory_space<vmem>>
      %dma_start3A_48 = tpu.memref_squeeze %dma_start3A_47 : memref<1x128xi32, #tpu.memory_space<vmem>> -> memref<128xi32, #tpu.memory_space<vmem>>
      %dma_start3A_49 = arith.constant 0 : i32
      %dma_start3A_50 = arith.constant 0 : i32
      %dma_start3A_51 = tpu.memref_slice %arg5[%dma_start3A_49, %dma_start3A_50] : memref<10240x64xf32, #tpu.memory_space<hbm>> -> memref<10240x64xf32, #tpu.memory_space<hbm>>
      %dma_start3A_52 = tpu.memref_slice %arg13[%dma_start3A_41] : memref<6x!tpu.dma_semaphore, #tpu.memory_space<semaphore_mem>> -> memref<1x!tpu.dma_semaphore, #tpu.memory_space<semaphore_mem>>
      %dma_start3A_53 = tpu.memref_squeeze %dma_start3A_52 : memref<1x!tpu.dma_semaphore, #tpu.memory_space<semaphore_mem>> -> memref<!tpu.dma_semaphore, #tpu.memory_space<semaphore_mem>>
      tpu.enqueue_indirect_dma source(%dma_start3A_51 : memref<10240x64xf32, #tpu.memory_space<hbm>>) target(%dma_start3A_45 : memref<128x64xf32, #tpu.memory_space<vmem>>) offsets(%dma_start3A_48 : memref<128xi32, #tpu.memory_space<vmem>>) semaphore(%dma_start3A_53 : memref<!tpu.dma_semaphore, #tpu.memory_space<semaphore_mem>>)
      %scan3A = arith.constant 0 : i32
      %scan3A_54 = arith.constant 0 : i32
      %scan3A_55 = arith.constant 157 : i32
      %scan3A_56 = arith.addi %scan3A_54, %scan3A_55 : i32
      %scan3A_57 = arith.constant 1 : i32
      scf.for %scan3A_154 = %scan3A_54 to %scan3A_56 step %scan3A_57  : i32 {
        %rem3A = arith.constant 6 : i32
        %rem3A_155 = arith.remsi %scan3A_154, %rem3A : i32
        %add3A = arith.constant 3 : i32
        %add3A_156 = arith.addi %scan3A_154, %add3A : i32
        %rem3A_157 = arith.constant 6 : i32
        %rem3A_158 = arith.remsi %add3A_156, %rem3A_157 : i32
        %add3A_159 = arith.constant 3 : i32
        %add3A_160 = arith.addi %scan3A_154, %add3A_159 : i32
        %lt3A = arith.constant 157 : i32
        %lt3A_161 = arith.cmpi slt, %add3A_160, %lt3A : i32
        %convert_element_type3A_162 = arith.extui %lt3A_161 : i1 to i32
        %cond3A_163 = arith.constant 0 : i32
        %cond3A_164 = arith.cmpi ne, %convert_element_type3A_162, %cond3A_163 : i32
        scf.if %cond3A_164 {
          %ge3A = arith.constant 3 : i32
          %ge3A_189 = arith.cmpi sge, %scan3A_154, %ge3A : i32
          %convert_element_type3A_190 = arith.extui %ge3A_189 : i1 to i32
          %cond3A_191 = arith.constant 0 : i32
          %cond3A_192 = arith.cmpi ne, %convert_element_type3A_190, %cond3A_191 : i32
          scf.if %cond3A_192 {
            %sub3A = arith.constant 3 : i32
            %sub3A_207 = arith.subi %scan3A_154, %sub3A : i32
            %dma_wait3A_208 = arith.constant 0 : i32
            %dma_wait3A_209 = arith.constant 0 : i32
            %dma_wait3A_210 = tpu.memref_slice %arg11[%rem3A_158, %dma_wait3A_208, %dma_wait3A_209] : memref<6x128x64xf32, #tpu.memory_space<vmem>> -> memref<1x128x64xf32, #tpu.memory_space<vmem>>
            %dma_wait3A_211 = tpu.memref_squeeze %dma_wait3A_210 : memref<1x128x64xf32, #tpu.memory_space<vmem>> -> memref<128x64xf32, #tpu.memory_space<vmem>>
            %dma_wait3A_212 = arith.constant 0 : i32
            %dma_wait3A_213 = tpu.memref_slice %arg10[%sub3A_207, %dma_wait3A_212] : memref<157x128xi32, #tpu.memory_space<vmem>> -> memref<1x128xi32, #tpu.memory_space<vmem>>
            %dma_wait3A_214 = tpu.memref_squeeze %dma_wait3A_213 : memref<1x128xi32, #tpu.memory_space<vmem>> -> memref<128xi32, #tpu.memory_space<vmem>>
            %dma_wait3A_215 = arith.constant 0 : i32
            %dma_wait3A_216 = arith.constant 0 : i32
            %dma_wait3A_217 = tpu.memref_slice %arg12[%dma_wait3A_215, %dma_wait3A_216] : memref<10240x64xf32, #tpu.memory_space<vmem_shared>> -> memref<10240x64xf32, #tpu.memory_space<vmem_shared>>
            %dma_wait3A_218 = tpu.memref_slice %arg14[%rem3A_158] : memref<6x!tpu.dma_semaphore, #tpu.memory_space<semaphore_mem>> -> memref<1x!tpu.dma_semaphore, #tpu.memory_space<semaphore_mem>>
            %dma_wait3A_219 = tpu.memref_squeeze %dma_wait3A_218 : memref<1x!tpu.dma_semaphore, #tpu.memory_space<semaphore_mem>> -> memref<!tpu.dma_semaphore, #tpu.memory_space<semaphore_mem>>
            tpu.wait_indirect_dma semaphore(%dma_wait3A_219 : memref<!tpu.dma_semaphore, #tpu.memory_space<semaphore_mem>>) src(%dma_wait3A_211 : memref<128x64xf32, #tpu.memory_space<vmem>>) dst(%dma_wait3A_217 : memref<10240x64xf32, #tpu.memory_space<vmem_shared>>)
          } else {
          }
          %add3A_193 = arith.constant 3 : i32
          %add3A_194 = arith.addi %scan3A_154, %add3A_193 : i32
          %dma_start3A_195 = arith.constant 0 : i32
          %dma_start3A_196 = arith.constant 0 : i32
          %dma_start3A_197 = tpu.memref_slice %arg11[%rem3A_158, %dma_start3A_195, %dma_start3A_196] : memref<6x128x64xf32, #tpu.memory_space<vmem>> -> memref<1x128x64xf32, #tpu.memory_space<vmem>>
          %dma_start3A_198 = tpu.memref_squeeze %dma_start3A_197 : memref<1x128x64xf32, #tpu.memory_space<vmem>> -> memref<128x64xf32, #tpu.memory_space<vmem>>
          %dma_start3A_199 = arith.constant 0 : i32
          %dma_start3A_200 = tpu.memref_slice %arg9[%add3A_194, %dma_start3A_199] : memref<157x128xi32, #tpu.memory_space<vmem>> -> memref<1x128xi32, #tpu.memory_space<vmem>>
          %dma_start3A_201 = tpu.memref_squeeze %dma_start3A_200 : memref<1x128xi32, #tpu.memory_space<vmem>> -> memref<128xi32, #tpu.memory_space<vmem>>
          %dma_start3A_202 = arith.constant 0 : i32
          %dma_start3A_203 = arith.constant 0 : i32
          %dma_start3A_204 = tpu.memref_slice %arg5[%dma_start3A_202, %dma_start3A_203] : memref<10240x64xf32, #tpu.memory_space<hbm>> -> memref<10240x64xf32, #tpu.memory_space<hbm>>
          %dma_start3A_205 = tpu.memref_slice %arg13[%rem3A_158] : memref<6x!tpu.dma_semaphore, #tpu.memory_space<semaphore_mem>> -> memref<1x!tpu.dma_semaphore, #tpu.memory_space<semaphore_mem>>
          %dma_start3A_206 = tpu.memref_squeeze %dma_start3A_205 : memref<1x!tpu.dma_semaphore, #tpu.memory_space<semaphore_mem>> -> memref<!tpu.dma_semaphore, #tpu.memory_space<semaphore_mem>>
          tpu.enqueue_indirect_dma source(%dma_start3A_204 : memref<10240x64xf32, #tpu.memory_space<hbm>>) target(%dma_start3A_198 : memref<128x64xf32, #tpu.memory_space<vmem>>) offsets(%dma_start3A_201 : memref<128xi32, #tpu.memory_space<vmem>>) semaphore(%dma_start3A_206 : memref<!tpu.dma_semaphore, #tpu.memory_space<semaphore_mem>>)
        } else {
        }
        %dma_wait3A_165 = arith.constant 0 : i32
        %dma_wait3A_166 = arith.constant 0 : i32
        %dma_wait3A_167 = tpu.memref_slice %arg11[%rem3A_155, %dma_wait3A_165, %dma_wait3A_166] : memref<6x128x64xf32, #tpu.memory_space<vmem>> -> memref<1x128x64xf32, #tpu.memory_space<vmem>>
        %dma_wait3A_168 = tpu.memref_squeeze %dma_wait3A_167 : memref<1x128x64xf32, #tpu.memory_space<vmem>> -> memref<128x64xf32, #tpu.memory_space<vmem>>
        %dma_wait3A_169 = arith.constant 0 : i32
        %dma_wait3A_170 = tpu.memref_slice %arg9[%scan3A_154, %dma_wait3A_169] : memref<157x128xi32, #tpu.memory_space<vmem>> -> memref<1x128xi32, #tpu.memory_space<vmem>>
        %dma_wait3A_171 = tpu.memref_squeeze %dma_wait3A_170 : memref<1x128xi32, #tpu.memory_space<vmem>> -> memref<128xi32, #tpu.memory_space<vmem>>
        %dma_wait3A_172 = arith.constant 0 : i32
        %dma_wait3A_173 = arith.constant 0 : i32
        %dma_wait3A_174 = tpu.memref_slice %arg5[%dma_wait3A_172, %dma_wait3A_173] : memref<10240x64xf32, #tpu.memory_space<hbm>> -> memref<10240x64xf32, #tpu.memory_space<hbm>>
        %dma_wait3A_175 = tpu.memref_slice %arg13[%rem3A_155] : memref<6x!tpu.dma_semaphore, #tpu.memory_space<semaphore_mem>> -> memref<1x!tpu.dma_semaphore, #tpu.memory_space<semaphore_mem>>
        %dma_wait3A_176 = tpu.memref_squeeze %dma_wait3A_175 : memref<1x!tpu.dma_semaphore, #tpu.memory_space<semaphore_mem>> -> memref<!tpu.dma_semaphore, #tpu.memory_space<semaphore_mem>>
        tpu.wait_indirect_dma semaphore(%dma_wait3A_176 : memref<!tpu.dma_semaphore, #tpu.memory_space<semaphore_mem>>) src(%dma_wait3A_174 : memref<10240x64xf32, #tpu.memory_space<hbm>>) dst(%dma_wait3A_168 : memref<128x64xf32, #tpu.memory_space<vmem>>)
        %dma_start3A_177 = arith.constant 0 : i32
        %dma_start3A_178 = arith.constant 0 : i32
        %dma_start3A_179 = tpu.memref_slice %arg11[%rem3A_155, %dma_start3A_177, %dma_start3A_178] : memref<6x128x64xf32, #tpu.memory_space<vmem>> -> memref<1x128x64xf32, #tpu.memory_space<vmem>>
        %dma_start3A_180 = tpu.memref_squeeze %dma_start3A_179 : memref<1x128x64xf32, #tpu.memory_space<vmem>> -> memref<128x64xf32, #tpu.memory_space<vmem>>
        %dma_start3A_181 = arith.constant 0 : i32
        %dma_start3A_182 = tpu.memref_slice %arg10[%scan3A_154, %dma_start3A_181] : memref<157x128xi32, #tpu.memory_space<vmem>> -> memref<1x128xi32, #tpu.memory_space<vmem>>
        %dma_start3A_183 = tpu.memref_squeeze %dma_start3A_182 : memref<1x128xi32, #tpu.memory_space<vmem>> -> memref<128xi32, #tpu.memory_space<vmem>>
        %dma_start3A_184 = arith.constant 0 : i32
        %dma_start3A_185 = arith.constant 0 : i32
        %dma_start3A_186 = tpu.memref_slice %arg12[%dma_start3A_184, %dma_start3A_185] : memref<10240x64xf32, #tpu.memory_space<vmem_shared>> -> memref<10240x64xf32, #tpu.memory_space<vmem_shared>>
        %dma_start3A_187 = tpu.memref_slice %arg14[%rem3A_155] : memref<6x!tpu.dma_semaphore, #tpu.memory_space<semaphore_mem>> -> memref<1x!tpu.dma_semaphore, #tpu.memory_space<semaphore_mem>>
        %dma_start3A_188 = tpu.memref_squeeze %dma_start3A_187 : memref<1x!tpu.dma_semaphore, #tpu.memory_space<semaphore_mem>> -> memref<!tpu.dma_semaphore, #tpu.memory_space<semaphore_mem>>
        tpu.enqueue_indirect_dma source(%dma_start3A_180 : memref<128x64xf32, #tpu.memory_space<vmem>>) target(%dma_start3A_186 : memref<10240x64xf32, #tpu.memory_space<vmem_shared>>) offsets(%dma_start3A_183 : memref<128xi32, #tpu.memory_space<vmem>>) semaphore(%dma_start3A_188 : memref<!tpu.dma_semaphore, #tpu.memory_space<semaphore_mem>>) {add = true}
      }
      %scan3A_58 = arith.constant 157 : i32
      %dma_wait3A = arith.constant 1 : i32
      %dma_wait3A_59 = arith.constant 151 : i32
      %dma_wait3A_60 = arith.constant 1 : i32
      %dma_wait3A_61 = arith.constant 0 : i32
      %dma_wait3A_62 = arith.constant 0 : i32
      %dma_wait3A_63 = tpu.memref_slice %arg11[%dma_wait3A, %dma_wait3A_61, %dma_wait3A_62] : memref<6x128x64xf32, #tpu.memory_space<vmem>> -> memref<1x128x64xf32, #tpu.memory_space<vmem>>
      %dma_wait3A_64 = tpu.memref_squeeze %dma_wait3A_63 : memref<1x128x64xf32, #tpu.memory_space<vmem>> -> memref<128x64xf32, #tpu.memory_space<vmem>>
      %dma_wait3A_65 = arith.constant 0 : i32
      %dma_wait3A_66 = tpu.memref_slice %arg10[%dma_wait3A_59, %dma_wait3A_65] : memref<157x128xi32, #tpu.memory_space<vmem>> -> memref<1x128xi32, #tpu.memory_space<vmem>>
      %dma_wait3A_67 = tpu.memref_squeeze %dma_wait3A_66 : memref<1x128xi32, #tpu.memory_space<vmem>> -> memref<128xi32, #tpu.memory_space<vmem>>
      %dma_wait3A_68 = arith.constant 0 : i32
      %dma_wait3A_69 = arith.constant 0 : i32
      %dma_wait3A_70 = tpu.memref_slice %arg12[%dma_wait3A_68, %dma_wait3A_69] : memref<10240x64xf32, #tpu.memory_space<vmem_shared>> -> memref<10240x64xf32, #tpu.memory_space<vmem_shared>>
      %dma_wait3A_71 = tpu.memref_slice %arg14[%dma_wait3A_60] : memref<6x!tpu.dma_semaphore, #tpu.memory_space<semaphore_mem>> -> memref<1x!tpu.dma_semaphore, #tpu.memory_space<semaphore_mem>>
      %dma_wait3A_72 = tpu.memref_squeeze %dma_wait3A_71 : memref<1x!tpu.dma_semaphore, #tpu.memory_space<semaphore_mem>> -> memref<!tpu.dma_semaphore, #tpu.memory_space<semaphore_mem>>
      tpu.wait_indirect_dma semaphore(%dma_wait3A_72 : memref<!tpu.dma_semaphore, #tpu.memory_space<semaphore_mem>>) src(%dma_wait3A_64 : memref<128x64xf32, #tpu.memory_space<vmem>>) dst(%dma_wait3A_70 : memref<10240x64xf32, #tpu.memory_space<vmem_shared>>)
      %dma_wait3A_73 = arith.constant 2 : i32
      %dma_wait3A_74 = arith.constant 152 : i32
      %dma_wait3A_75 = arith.constant 2 : i32
      %dma_wait3A_76 = arith.constant 0 : i32
      %dma_wait3A_77 = arith.constant 0 : i32
      %dma_wait3A_78 = tpu.memref_slice %arg11[%dma_wait3A_73, %dma_wait3A_76, %dma_wait3A_77] : memref<6x128x64xf32, #tpu.memory_space<vmem>> -> memref<1x128x64xf32, #tpu.memory_space<vmem>>
      %dma_wait3A_79 = tpu.memref_squeeze %dma_wait3A_78 : memref<1x128x64xf32, #tpu.memory_space<vmem>> -> memref<128x64xf32, #tpu.memory_space<vmem>>
      %dma_wait3A_80 = arith.constant 0 : i32
      %dma_wait3A_81 = tpu.memref_slice %arg10[%dma_wait3A_74, %dma_wait3A_80] : memref<157x128xi32, #tpu.memory_space<vmem>> -> memref<1x128xi32, #tpu.memory_space<vmem>>
      %dma_wait3A_82 = tpu.memref_squeeze %dma_wait3A_81 : memref<1x128xi32, #tpu.memory_space<vmem>> -> memref<128xi32, #tpu.memory_space<vmem>>
      %dma_wait3A_83 = arith.constant 0 : i32
      %dma_wait3A_84 = arith.constant 0 : i32
      %dma_wait3A_85 = tpu.memref_slice %arg12[%dma_wait3A_83, %dma_wait3A_84] : memref<10240x64xf32, #tpu.memory_space<vmem_shared>> -> memref<10240x64xf32, #tpu.memory_space<vmem_shared>>
      %dma_wait3A_86 = tpu.memref_slice %arg14[%dma_wait3A_75] : memref<6x!tpu.dma_semaphore, #tpu.memory_space<semaphore_mem>> -> memref<1x!tpu.dma_semaphore, #tpu.memory_space<semaphore_mem>>
      %dma_wait3A_87 = tpu.memref_squeeze %dma_wait3A_86 : memref<1x!tpu.dma_semaphore, #tpu.memory_space<semaphore_mem>> -> memref<!tpu.dma_semaphore, #tpu.memory_space<semaphore_mem>>
      tpu.wait_indirect_dma semaphore(%dma_wait3A_87 : memref<!tpu.dma_semaphore, #tpu.memory_space<semaphore_mem>>) src(%dma_wait3A_79 : memref<128x64xf32, #tpu.memory_space<vmem>>) dst(%dma_wait3A_85 : memref<10240x64xf32, #tpu.memory_space<vmem_shared>>)
      %dma_wait3A_88 = arith.constant 3 : i32
      %dma_wait3A_89 = arith.constant 153 : i32
      %dma_wait3A_90 = arith.constant 3 : i32
      %dma_wait3A_91 = arith.constant 0 : i32
      %dma_wait3A_92 = arith.constant 0 : i32
      %dma_wait3A_93 = tpu.memref_slice %arg11[%dma_wait3A_88, %dma_wait3A_91, %dma_wait3A_92] : memref<6x128x64xf32, #tpu.memory_space<vmem>> -> memref<1x128x64xf32, #tpu.memory_space<vmem>>
      %dma_wait3A_94 = tpu.memref_squeeze %dma_wait3A_93 : memref<1x128x64xf32, #tpu.memory_space<vmem>> -> memref<128x64xf32, #tpu.memory_space<vmem>>
      %dma_wait3A_95 = arith.constant 0 : i32
      %dma_wait3A_96 = tpu.memref_slice %arg10[%dma_wait3A_89, %dma_wait3A_95] : memref<157x128xi32, #tpu.memory_space<vmem>> -> memref<1x128xi32, #tpu.memory_space<vmem>>
      %dma_wait3A_97 = tpu.memref_squeeze %dma_wait3A_96 : memref<1x128xi32, #tpu.memory_space<vmem>> -> memref<128xi32, #tpu.memory_space<vmem>>
      %dma_wait3A_98 = arith.constant 0 : i32
      %dma_wait3A_99 = arith.constant 0 : i32
      %dma_wait3A_100 = tpu.memref_slice %arg12[%dma_wait3A_98, %dma_wait3A_99] : memref<10240x64xf32, #tpu.memory_space<vmem_shared>> -> memref<10240x64xf32, #tpu.memory_space<vmem_shared>>
      %dma_wait3A_101 = tpu.memref_slice %arg14[%dma_wait3A_90] : memref<6x!tpu.dma_semaphore, #tpu.memory_space<semaphore_mem>> -> memref<1x!tpu.dma_semaphore, #tpu.memory_space<semaphore_mem>>
      %dma_wait3A_102 = tpu.memref_squeeze %dma_wait3A_101 : memref<1x!tpu.dma_semaphore, #tpu.memory_space<semaphore_mem>> -> memref<!tpu.dma_semaphore, #tpu.memory_space<semaphore_mem>>
      tpu.wait_indirect_dma semaphore(%dma_wait3A_102 : memref<!tpu.dma_semaphore, #tpu.memory_space<semaphore_mem>>) src(%dma_wait3A_94 : memref<128x64xf32, #tpu.memory_space<vmem>>) dst(%dma_wait3A_100 : memref<10240x64xf32, #tpu.memory_space<vmem_shared>>)
      %dma_wait3A_103 = arith.constant 4 : i32
      %dma_wait3A_104 = arith.constant 154 : i32
      %dma_wait3A_105 = arith.constant 4 : i32
      %dma_wait3A_106 = arith.constant 0 : i32
      %dma_wait3A_107 = arith.constant 0 : i32
      %dma_wait3A_108 = tpu.memref_slice %arg11[%dma_wait3A_103, %dma_wait3A_106, %dma_wait3A_107] : memref<6x128x64xf32, #tpu.memory_space<vmem>> -> memref<1x128x64xf32, #tpu.memory_space<vmem>>
      %dma_wait3A_109 = tpu.memref_squeeze %dma_wait3A_108 : memref<1x128x64xf32, #tpu.memory_space<vmem>> -> memref<128x64xf32, #tpu.memory_space<vmem>>
      %dma_wait3A_110 = arith.constant 0 : i32
      %dma_wait3A_111 = tpu.memref_slice %arg10[%dma_wait3A_104, %dma_wait3A_110] : memref<157x128xi32, #tpu.memory_space<vmem>> -> memref<1x128xi32, #tpu.memory_space<vmem>>
      %dma_wait3A_112 = tpu.memref_squeeze %dma_wait3A_111 : memref<1x128xi32, #tpu.memory_space<vmem>> -> memref<128xi32, #tpu.memory_space<vmem>>
      %dma_wait3A_113 = arith.constant 0 : i32
      %dma_wait3A_114 = arith.constant 0 : i32
      %dma_wait3A_115 = tpu.memref_slice %arg12[%dma_wait3A_113, %dma_wait3A_114] : memref<10240x64xf32, #tpu.memory_space<vmem_shared>> -> memref<10240x64xf32, #tpu.memory_space<vmem_shared>>
      %dma_wait3A_116 = tpu.memref_slice %arg14[%dma_wait3A_105] : memref<6x!tpu.dma_semaphore, #tpu.memory_space<semaphore_mem>> -> memref<1x!tpu.dma_semaphore, #tpu.memory_space<semaphore_mem>>
      %dma_wait3A_117 = tpu.memref_squeeze %dma_wait3A_116 : memref<1x!tpu.dma_semaphore, #tpu.memory_space<semaphore_mem>> -> memref<!tpu.dma_semaphore, #tpu.memory_space<semaphore_mem>>
      tpu.wait_indirect_dma semaphore(%dma_wait3A_117 : memref<!tpu.dma_semaphore, #tpu.memory_space<semaphore_mem>>) src(%dma_wait3A_109 : memref<128x64xf32, #tpu.memory_space<vmem>>) dst(%dma_wait3A_115 : memref<10240x64xf32, #tpu.memory_space<vmem_shared>>)
      %dma_wait3A_118 = arith.constant 5 : i32
      %dma_wait3A_119 = arith.constant 155 : i32
      %dma_wait3A_120 = arith.constant 5 : i32
      %dma_wait3A_121 = arith.constant 0 : i32
      %dma_wait3A_122 = arith.constant 0 : i32
      %dma_wait3A_123 = tpu.memref_slice %arg11[%dma_wait3A_118, %dma_wait3A_121, %dma_wait3A_122] : memref<6x128x64xf32, #tpu.memory_space<vmem>> -> memref<1x128x64xf32, #tpu.memory_space<vmem>>
      %dma_wait3A_124 = tpu.memref_squeeze %dma_wait3A_123 : memref<1x128x64xf32, #tpu.memory_space<vmem>> -> memref<128x64xf32, #tpu.memory_space<vmem>>
      %dma_wait3A_125 = arith.constant 0 : i32
      %dma_wait3A_126 = tpu.memref_slice %arg10[%dma_wait3A_119, %dma_wait3A_125] : memref<157x128xi32, #tpu.memory_space<vmem>> -> memref<1x128xi32, #tpu.memory_space<vmem>>
      %dma_wait3A_127 = tpu.memref_squeeze %dma_wait3A_126 : memref<1x128xi32, #tpu.memory_space<vmem>> -> memref<128xi32, #tpu.memory_space<vmem>>
      %dma_wait3A_128 = arith.constant 0 : i32
      %dma_wait3A_129 = arith.constant 0 : i32
      %dma_wait3A_130 = tpu.memref_slice %arg12[%dma_wait3A_128, %dma_wait3A_129] : memref<10240x64xf32, #tpu.memory_space<vmem_shared>> -> memref<10240x64xf32, #tpu.memory_space<vmem_shared>>
      %dma_wait3A_131 = tpu.memref_slice %arg14[%dma_wait3A_120] : memref<6x!tpu.dma_semaphore, #tpu.memory_space<semaphore_mem>> -> memref<1x!tpu.dma_semaphore, #tpu.memory_space<semaphore_mem>>
      %dma_wait3A_132 = tpu.memref_squeeze %dma_wait3A_131 : memref<1x!tpu.dma_semaphore, #tpu.memory_space<semaphore_mem>> -> memref<!tpu.dma_semaphore, #tpu.memory_space<semaphore_mem>>
      tpu.wait_indirect_dma semaphore(%dma_wait3A_132 : memref<!tpu.dma_semaphore, #tpu.memory_space<semaphore_mem>>) src(%dma_wait3A_124 : memref<128x64xf32, #tpu.memory_space<vmem>>) dst(%dma_wait3A_130 : memref<10240x64xf32, #tpu.memory_space<vmem_shared>>)
      %dma_wait3A_133 = arith.constant 0 : i32
      %dma_wait3A_134 = arith.constant 156 : i32
      %dma_wait3A_135 = arith.constant 0 : i32
      %dma_wait3A_136 = arith.constant 0 : i32
      %dma_wait3A_137 = arith.constant 0 : i32
      %dma_wait3A_138 = tpu.memref_slice %arg11[%dma_wait3A_133, %dma_wait3A_136, %dma_wait3A_137] : memref<6x128x64xf32, #tpu.memory_space<vmem>> -> memref<1x128x64xf32, #tpu.memory_space<vmem>>
      %dma_wait3A_139 = tpu.memref_squeeze %dma_wait3A_138 : memref<1x128x64xf32, #tpu.memory_space<vmem>> -> memref<128x64xf32, #tpu.memory_space<vmem>>
      %dma_wait3A_140 = arith.constant 0 : i32
      %dma_wait3A_141 = tpu.memref_slice %arg10[%dma_wait3A_134, %dma_wait3A_140] : memref<157x128xi32, #tpu.memory_space<vmem>> -> memref<1x128xi32, #tpu.memory_space<vmem>>
      %dma_wait3A_142 = tpu.memref_squeeze %dma_wait3A_141 : memref<1x128xi32, #tpu.memory_space<vmem>> -> memref<128xi32, #tpu.memory_space<vmem>>
      %dma_wait3A_143 = arith.constant 0 : i32
      %dma_wait3A_144 = arith.constant 0 : i32
      %dma_wait3A_145 = tpu.memref_slice %arg12[%dma_wait3A_143, %dma_wait3A_144] : memref<10240x64xf32, #tpu.memory_space<vmem_shared>> -> memref<10240x64xf32, #tpu.memory_space<vmem_shared>>
      %dma_wait3A_146 = tpu.memref_slice %arg14[%dma_wait3A_135] : memref<6x!tpu.dma_semaphore, #tpu.memory_space<semaphore_mem>> -> memref<1x!tpu.dma_semaphore, #tpu.memory_space<semaphore_mem>>
      %dma_wait3A_147 = tpu.memref_squeeze %dma_wait3A_146 : memref<1x!tpu.dma_semaphore, #tpu.memory_space<semaphore_mem>> -> memref<!tpu.dma_semaphore, #tpu.memory_space<semaphore_mem>>
      tpu.wait_indirect_dma semaphore(%dma_wait3A_147 : memref<!tpu.dma_semaphore, #tpu.memory_space<semaphore_mem>>) src(%dma_wait3A_139 : memref<128x64xf32, #tpu.memory_space<vmem>>) dst(%dma_wait3A_145 : memref<10240x64xf32, #tpu.memory_space<vmem_shared>>)
      %barrier3A_148 = arith.constant 0 : index
      tpu.barrier barrier_id(%barrier3A_148)
      %mul3A_149 = arith.constant 640 : i32
      %mul3A_150 = arith.muli %arg1, %mul3A_149 : i32
      %mul3A_151 = arith.constant 640 : i32
      %mul3A_152 = arith.muli %arg1, %mul3A_151 : i32
      "tpu.region"() ({
        %run_scoped3A = tpu.sem_alloc : memref<!tpu.dma_semaphore, #tpu.memory_space<semaphore_mem>>
        %dma_start3A_154 = arith.constant 0 : i32
        %dma_start3A_155 = tpu.memref_slice %arg7[%mul3A_152, %dma_start3A_154] : memref<10240x64xf32, #tpu.memory_space<hbm>> -> memref<640x64xf32, #tpu.memory_space<hbm>>
        %dma_start3A_156 = arith.constant 0 : i32
        %dma_start3A_157 = tpu.memref_slice %arg12[%mul3A_150, %dma_start3A_156] : memref<10240x64xf32, #tpu.memory_space<vmem_shared>> -> memref<640x64xf32, #tpu.memory_space<vmem_shared>>
        tpu.enqueue_dma source(%dma_start3A_157 : memref<640x64xf32, #tpu.memory_space<vmem_shared>>) target(%dma_start3A_155 : memref<640x64xf32, #tpu.memory_space<hbm>>) target_semaphore(%run_scoped3A : memref<!tpu.dma_semaphore, #tpu.memory_space<semaphore_mem>>)
        %dma_wait3A_158 = arith.constant 0 : i32
        %dma_wait3A_159 = tpu.memref_slice %arg7[%mul3A_152, %dma_wait3A_158] : memref<10240x64xf32, #tpu.memory_space<hbm>> -> memref<640x64xf32, #tpu.memory_space<hbm>>
        %dma_wait3A_160 = arith.constant 0 : i32
        %dma_wait3A_161 = tpu.memref_slice %arg12[%mul3A_150, %dma_wait3A_160] : memref<10240x64xf32, #tpu.memory_space<vmem_shared>> -> memref<640x64xf32, #tpu.memory_space<vmem_shared>>
        tpu.wait_dma2 semaphore(%run_scoped3A : memref<!tpu.dma_semaphore, #tpu.memory_space<semaphore_mem>>) src(%dma_wait3A_161 : memref<640x64xf32, #tpu.memory_space<vmem_shared>>) dst(%dma_wait3A_159 : memref<640x64xf32, #tpu.memory_space<hbm>>)
        tpu.yield
      }) : () -> ()
      %barrier3A_153 = arith.constant 0 : index
      tpu.barrier barrier_id(%barrier3A_153)
    } else {
    }
    %eq3A_2 = arith.constant 1 : i32
    %eq3A_3 = arith.cmpi eq, %arg0, %eq3A_2 : i32
    %convert_element_type3A_4 = arith.extui %eq3A_3 : i1 to i32
    %cond3A_5 = arith.constant 0 : i32
    %cond3A_6 = arith.cmpi ne, %convert_element_type3A_4, %cond3A_5 : i32
    scf.if %cond3A_6 {
      %mul3A = arith.constant 640 : i32
      %mul3A_7 = arith.muli %arg1, %mul3A : i32
      %mul3A_8 = arith.constant 640 : i32
      %mul3A_9 = arith.muli %arg1, %mul3A_8 : i32
      "tpu.region"() ({
        %run_scoped3A = tpu.sem_alloc : memref<!tpu.dma_semaphore, #tpu.memory_space<semaphore_mem>>
        %dma_start3A_154 = arith.constant 0 : i32
        %dma_start3A_155 = tpu.memref_slice %arg12[%mul3A_9, %dma_start3A_154] : memref<10240x64xf32, #tpu.memory_space<vmem_shared>> -> memref<640x64xf32, #tpu.memory_space<vmem_shared>>
        %dma_start3A_156 = arith.constant 0 : i32
        %dma_start3A_157 = tpu.memref_slice %arg4[%mul3A_7, %dma_start3A_156] : memref<10240x64xf32, #tpu.memory_space<hbm>> -> memref<640x64xf32, #tpu.memory_space<hbm>>
        tpu.enqueue_dma source(%dma_start3A_157 : memref<640x64xf32, #tpu.memory_space<hbm>>) target(%dma_start3A_155 : memref<640x64xf32, #tpu.memory_space<vmem_shared>>) target_semaphore(%run_scoped3A : memref<!tpu.dma_semaphore, #tpu.memory_space<semaphore_mem>>)
        %dma_wait3A_158 = arith.constant 0 : i32
        %dma_wait3A_159 = tpu.memref_slice %arg12[%mul3A_9, %dma_wait3A_158] : memref<10240x64xf32, #tpu.memory_space<vmem_shared>> -> memref<640x64xf32, #tpu.memory_space<vmem_shared>>
        %dma_wait3A_160 = arith.constant 0 : i32
        %dma_wait3A_161 = tpu.memref_slice %arg4[%mul3A_7, %dma_wait3A_160] : memref<10240x64xf32, #tpu.memory_space<hbm>> -> memref<640x64xf32, #tpu.memory_space<hbm>>
        tpu.wait_dma2 semaphore(%run_scoped3A : memref<!tpu.dma_semaphore, #tpu.memory_space<semaphore_mem>>) src(%dma_wait3A_161 : memref<640x64xf32, #tpu.memory_space<hbm>>) dst(%dma_wait3A_159 : memref<640x64xf32, #tpu.memory_space<vmem_shared>>)
        tpu.yield
      }) : () -> ()
      %barrier3A = arith.constant 0 : index
      tpu.barrier barrier_id(%barrier3A)
      %dma_start3A = arith.constant 0 : i32
      %dma_start3A_10 = arith.constant 0 : i32
      %dma_start3A_11 = arith.constant 0 : i32
      %dma_start3A_12 = arith.constant 0 : i32
      %dma_start3A_13 = arith.constant 0 : i32
      %dma_start3A_14 = tpu.memref_slice %arg11[%dma_start3A_10, %dma_start3A_12, %dma_start3A_13] : memref<6x128x64xf32, #tpu.memory_space<vmem>> -> memref<1x128x64xf32, #tpu.memory_space<vmem>>
      %dma_start3A_15 = tpu.memref_squeeze %dma_start3A_14 : memref<1x128x64xf32, #tpu.memory_space<vmem>> -> memref<128x64xf32, #tpu.memory_space<vmem>>
      %dma_start3A_16 = arith.constant 0 : i32
      %dma_start3A_17 = tpu.memref_slice %arg9[%dma_start3A, %dma_start3A_16] : memref<157x128xi32, #tpu.memory_space<vmem>> -> memref<1x128xi32, #tpu.memory_space<vmem>>
      %dma_start3A_18 = tpu.memref_squeeze %dma_start3A_17 : memref<1x128xi32, #tpu.memory_space<vmem>> -> memref<128xi32, #tpu.memory_space<vmem>>
      %dma_start3A_19 = arith.constant 0 : i32
      %dma_start3A_20 = arith.constant 0 : i32
      %dma_start3A_21 = tpu.memref_slice %arg6[%dma_start3A_19, %dma_start3A_20] : memref<10240x64xf32, #tpu.memory_space<hbm>> -> memref<10240x64xf32, #tpu.memory_space<hbm>>
      %dma_start3A_22 = tpu.memref_slice %arg13[%dma_start3A_11] : memref<6x!tpu.dma_semaphore, #tpu.memory_space<semaphore_mem>> -> memref<1x!tpu.dma_semaphore, #tpu.memory_space<semaphore_mem>>
      %dma_start3A_23 = tpu.memref_squeeze %dma_start3A_22 : memref<1x!tpu.dma_semaphore, #tpu.memory_space<semaphore_mem>> -> memref<!tpu.dma_semaphore, #tpu.memory_space<semaphore_mem>>
      tpu.enqueue_indirect_dma source(%dma_start3A_21 : memref<10240x64xf32, #tpu.memory_space<hbm>>) target(%dma_start3A_15 : memref<128x64xf32, #tpu.memory_space<vmem>>) offsets(%dma_start3A_18 : memref<128xi32, #tpu.memory_space<vmem>>) semaphore(%dma_start3A_23 : memref<!tpu.dma_semaphore, #tpu.memory_space<semaphore_mem>>)
      %dma_start3A_24 = arith.constant 1 : i32
      %dma_start3A_25 = arith.constant 1 : i32
      %dma_start3A_26 = arith.constant 1 : i32
      %dma_start3A_27 = arith.constant 0 : i32
      %dma_start3A_28 = arith.constant 0 : i32
      %dma_start3A_29 = tpu.memref_slice %arg11[%dma_start3A_25, %dma_start3A_27, %dma_start3A_28] : memref<6x128x64xf32, #tpu.memory_space<vmem>> -> memref<1x128x64xf32, #tpu.memory_space<vmem>>
      %dma_start3A_30 = tpu.memref_squeeze %dma_start3A_29 : memref<1x128x64xf32, #tpu.memory_space<vmem>> -> memref<128x64xf32, #tpu.memory_space<vmem>>
      %dma_start3A_31 = arith.constant 0 : i32
      %dma_start3A_32 = tpu.memref_slice %arg9[%dma_start3A_24, %dma_start3A_31] : memref<157x128xi32, #tpu.memory_space<vmem>> -> memref<1x128xi32, #tpu.memory_space<vmem>>
      %dma_start3A_33 = tpu.memref_squeeze %dma_start3A_32 : memref<1x128xi32, #tpu.memory_space<vmem>> -> memref<128xi32, #tpu.memory_space<vmem>>
      %dma_start3A_34 = arith.constant 0 : i32
      %dma_start3A_35 = arith.constant 0 : i32
      %dma_start3A_36 = tpu.memref_slice %arg6[%dma_start3A_34, %dma_start3A_35] : memref<10240x64xf32, #tpu.memory_space<hbm>> -> memref<10240x64xf32, #tpu.memory_space<hbm>>
      %dma_start3A_37 = tpu.memref_slice %arg13[%dma_start3A_26] : memref<6x!tpu.dma_semaphore, #tpu.memory_space<semaphore_mem>> -> memref<1x!tpu.dma_semaphore, #tpu.memory_space<semaphore_mem>>
      %dma_start3A_38 = tpu.memref_squeeze %dma_start3A_37 : memref<1x!tpu.dma_semaphore, #tpu.memory_space<semaphore_mem>> -> memref<!tpu.dma_semaphore, #tpu.memory_space<semaphore_mem>>
      tpu.enqueue_indirect_dma source(%dma_start3A_36 : memref<10240x64xf32, #tpu.memory_space<hbm>>) target(%dma_start3A_30 : memref<128x64xf32, #tpu.memory_space<vmem>>) offsets(%dma_start3A_33 : memref<128xi32, #tpu.memory_space<vmem>>) semaphore(%dma_start3A_38 : memref<!tpu.dma_semaphore, #tpu.memory_space<semaphore_mem>>)
      %dma_start3A_39 = arith.constant 2 : i32
      %dma_start3A_40 = arith.constant 2 : i32
      %dma_start3A_41 = arith.constant 2 : i32
      %dma_start3A_42 = arith.constant 0 : i32
      %dma_start3A_43 = arith.constant 0 : i32
      %dma_start3A_44 = tpu.memref_slice %arg11[%dma_start3A_40, %dma_start3A_42, %dma_start3A_43] : memref<6x128x64xf32, #tpu.memory_space<vmem>> -> memref<1x128x64xf32, #tpu.memory_space<vmem>>
      %dma_start3A_45 = tpu.memref_squeeze %dma_start3A_44 : memref<1x128x64xf32, #tpu.memory_space<vmem>> -> memref<128x64xf32, #tpu.memory_space<vmem>>
      %dma_start3A_46 = arith.constant 0 : i32
      %dma_start3A_47 = tpu.memref_slice %arg9[%dma_start3A_39, %dma_start3A_46] : memref<157x128xi32, #tpu.memory_space<vmem>> -> memref<1x128xi32, #tpu.memory_space<vmem>>
      %dma_start3A_48 = tpu.memref_squeeze %dma_start3A_47 : memref<1x128xi32, #tpu.memory_space<vmem>> -> memref<128xi32, #tpu.memory_space<vmem>>
      %dma_start3A_49 = arith.constant 0 : i32
      %dma_start3A_50 = arith.constant 0 : i32
      %dma_start3A_51 = tpu.memref_slice %arg6[%dma_start3A_49, %dma_start3A_50] : memref<10240x64xf32, #tpu.memory_space<hbm>> -> memref<10240x64xf32, #tpu.memory_space<hbm>>
      %dma_start3A_52 = tpu.memref_slice %arg13[%dma_start3A_41] : memref<6x!tpu.dma_semaphore, #tpu.memory_space<semaphore_mem>> -> memref<1x!tpu.dma_semaphore, #tpu.memory_space<semaphore_mem>>
      %dma_start3A_53 = tpu.memref_squeeze %dma_start3A_52 : memref<1x!tpu.dma_semaphore, #tpu.memory_space<semaphore_mem>> -> memref<!tpu.dma_semaphore, #tpu.memory_space<semaphore_mem>>
      tpu.enqueue_indirect_dma source(%dma_start3A_51 : memref<10240x64xf32, #tpu.memory_space<hbm>>) target(%dma_start3A_45 : memref<128x64xf32, #tpu.memory_space<vmem>>) offsets(%dma_start3A_48 : memref<128xi32, #tpu.memory_space<vmem>>) semaphore(%dma_start3A_53 : memref<!tpu.dma_semaphore, #tpu.memory_space<semaphore_mem>>)
      %scan3A = arith.constant 0 : i32
      %scan3A_54 = arith.constant 0 : i32
      %scan3A_55 = arith.constant 157 : i32
      %scan3A_56 = arith.addi %scan3A_54, %scan3A_55 : i32
      %scan3A_57 = arith.constant 1 : i32
      scf.for %scan3A_154 = %scan3A_54 to %scan3A_56 step %scan3A_57  : i32 {
        %rem3A = arith.constant 6 : i32
        %rem3A_155 = arith.remsi %scan3A_154, %rem3A : i32
        %add3A = arith.constant 3 : i32
        %add3A_156 = arith.addi %scan3A_154, %add3A : i32
        %rem3A_157 = arith.constant 6 : i32
        %rem3A_158 = arith.remsi %add3A_156, %rem3A_157 : i32
        %add3A_159 = arith.constant 3 : i32
        %add3A_160 = arith.addi %scan3A_154, %add3A_159 : i32
        %lt3A = arith.constant 157 : i32
        %lt3A_161 = arith.cmpi slt, %add3A_160, %lt3A : i32
        %convert_element_type3A_162 = arith.extui %lt3A_161 : i1 to i32
        %cond3A_163 = arith.constant 0 : i32
        %cond3A_164 = arith.cmpi ne, %convert_element_type3A_162, %cond3A_163 : i32
        scf.if %cond3A_164 {
          %ge3A = arith.constant 3 : i32
          %ge3A_189 = arith.cmpi sge, %scan3A_154, %ge3A : i32
          %convert_element_type3A_190 = arith.extui %ge3A_189 : i1 to i32
          %cond3A_191 = arith.constant 0 : i32
          %cond3A_192 = arith.cmpi ne, %convert_element_type3A_190, %cond3A_191 : i32
          scf.if %cond3A_192 {
            %sub3A = arith.constant 3 : i32
            %sub3A_207 = arith.subi %scan3A_154, %sub3A : i32
            %dma_wait3A_208 = arith.constant 0 : i32
            %dma_wait3A_209 = arith.constant 0 : i32
            %dma_wait3A_210 = tpu.memref_slice %arg11[%rem3A_158, %dma_wait3A_208, %dma_wait3A_209] : memref<6x128x64xf32, #tpu.memory_space<vmem>> -> memref<1x128x64xf32, #tpu.memory_space<vmem>>
            %dma_wait3A_211 = tpu.memref_squeeze %dma_wait3A_210 : memref<1x128x64xf32, #tpu.memory_space<vmem>> -> memref<128x64xf32, #tpu.memory_space<vmem>>
            %dma_wait3A_212 = arith.constant 0 : i32
            %dma_wait3A_213 = tpu.memref_slice %arg10[%sub3A_207, %dma_wait3A_212] : memref<157x128xi32, #tpu.memory_space<vmem>> -> memref<1x128xi32, #tpu.memory_space<vmem>>
            %dma_wait3A_214 = tpu.memref_squeeze %dma_wait3A_213 : memref<1x128xi32, #tpu.memory_space<vmem>> -> memref<128xi32, #tpu.memory_space<vmem>>
            %dma_wait3A_215 = arith.constant 0 : i32
            %dma_wait3A_216 = arith.constant 0 : i32
            %dma_wait3A_217 = tpu.memref_slice %arg12[%dma_wait3A_215, %dma_wait3A_216] : memref<10240x64xf32, #tpu.memory_space<vmem_shared>> -> memref<10240x64xf32, #tpu.memory_space<vmem_shared>>
            %dma_wait3A_218 = tpu.memref_slice %arg14[%rem3A_158] : memref<6x!tpu.dma_semaphore, #tpu.memory_space<semaphore_mem>> -> memref<1x!tpu.dma_semaphore, #tpu.memory_space<semaphore_mem>>
            %dma_wait3A_219 = tpu.memref_squeeze %dma_wait3A_218 : memref<1x!tpu.dma_semaphore, #tpu.memory_space<semaphore_mem>> -> memref<!tpu.dma_semaphore, #tpu.memory_space<semaphore_mem>>
            tpu.wait_indirect_dma semaphore(%dma_wait3A_219 : memref<!tpu.dma_semaphore, #tpu.memory_space<semaphore_mem>>) src(%dma_wait3A_211 : memref<128x64xf32, #tpu.memory_space<vmem>>) dst(%dma_wait3A_217 : memref<10240x64xf32, #tpu.memory_space<vmem_shared>>)
          } else {
          }
          %add3A_193 = arith.constant 3 : i32
          %add3A_194 = arith.addi %scan3A_154, %add3A_193 : i32
          %dma_start3A_195 = arith.constant 0 : i32
          %dma_start3A_196 = arith.constant 0 : i32
          %dma_start3A_197 = tpu.memref_slice %arg11[%rem3A_158, %dma_start3A_195, %dma_start3A_196] : memref<6x128x64xf32, #tpu.memory_space<vmem>> -> memref<1x128x64xf32, #tpu.memory_space<vmem>>
          %dma_start3A_198 = tpu.memref_squeeze %dma_start3A_197 : memref<1x128x64xf32, #tpu.memory_space<vmem>> -> memref<128x64xf32, #tpu.memory_space<vmem>>
          %dma_start3A_199 = arith.constant 0 : i32
          %dma_start3A_200 = tpu.memref_slice %arg9[%add3A_194, %dma_start3A_199] : memref<157x128xi32, #tpu.memory_space<vmem>> -> memref<1x128xi32, #tpu.memory_space<vmem>>
          %dma_start3A_201 = tpu.memref_squeeze %dma_start3A_200 : memref<1x128xi32, #tpu.memory_space<vmem>> -> memref<128xi32, #tpu.memory_space<vmem>>
          %dma_start3A_202 = arith.constant 0 : i32
          %dma_start3A_203 = arith.constant 0 : i32
          %dma_start3A_204 = tpu.memref_slice %arg6[%dma_start3A_202, %dma_start3A_203] : memref<10240x64xf32, #tpu.memory_space<hbm>> -> memref<10240x64xf32, #tpu.memory_space<hbm>>
          %dma_start3A_205 = tpu.memref_slice %arg13[%rem3A_158] : memref<6x!tpu.dma_semaphore, #tpu.memory_space<semaphore_mem>> -> memref<1x!tpu.dma_semaphore, #tpu.memory_space<semaphore_mem>>
          %dma_start3A_206 = tpu.memref_squeeze %dma_start3A_205 : memref<1x!tpu.dma_semaphore, #tpu.memory_space<semaphore_mem>> -> memref<!tpu.dma_semaphore, #tpu.memory_space<semaphore_mem>>
          tpu.enqueue_indirect_dma source(%dma_start3A_204 : memref<10240x64xf32, #tpu.memory_space<hbm>>) target(%dma_start3A_198 : memref<128x64xf32, #tpu.memory_space<vmem>>) offsets(%dma_start3A_201 : memref<128xi32, #tpu.memory_space<vmem>>) semaphore(%dma_start3A_206 : memref<!tpu.dma_semaphore, #tpu.memory_space<semaphore_mem>>)
        } else {
        }
        %dma_wait3A_165 = arith.constant 0 : i32
        %dma_wait3A_166 = arith.constant 0 : i32
        %dma_wait3A_167 = tpu.memref_slice %arg11[%rem3A_155, %dma_wait3A_165, %dma_wait3A_166] : memref<6x128x64xf32, #tpu.memory_space<vmem>> -> memref<1x128x64xf32, #tpu.memory_space<vmem>>
        %dma_wait3A_168 = tpu.memref_squeeze %dma_wait3A_167 : memref<1x128x64xf32, #tpu.memory_space<vmem>> -> memref<128x64xf32, #tpu.memory_space<vmem>>
        %dma_wait3A_169 = arith.constant 0 : i32
        %dma_wait3A_170 = tpu.memref_slice %arg9[%scan3A_154, %dma_wait3A_169] : memref<157x128xi32, #tpu.memory_space<vmem>> -> memref<1x128xi32, #tpu.memory_space<vmem>>
        %dma_wait3A_171 = tpu.memref_squeeze %dma_wait3A_170 : memref<1x128xi32, #tpu.memory_space<vmem>> -> memref<128xi32, #tpu.memory_space<vmem>>
        %dma_wait3A_172 = arith.constant 0 : i32
        %dma_wait3A_173 = arith.constant 0 : i32
        %dma_wait3A_174 = tpu.memref_slice %arg6[%dma_wait3A_172, %dma_wait3A_173] : memref<10240x64xf32, #tpu.memory_space<hbm>> -> memref<10240x64xf32, #tpu.memory_space<hbm>>
        %dma_wait3A_175 = tpu.memref_slice %arg13[%rem3A_155] : memref<6x!tpu.dma_semaphore, #tpu.memory_space<semaphore_mem>> -> memref<1x!tpu.dma_semaphore, #tpu.memory_space<semaphore_mem>>
        %dma_wait3A_176 = tpu.memref_squeeze %dma_wait3A_175 : memref<1x!tpu.dma_semaphore, #tpu.memory_space<semaphore_mem>> -> memref<!tpu.dma_semaphore, #tpu.memory_space<semaphore_mem>>
        tpu.wait_indirect_dma semaphore(%dma_wait3A_176 : memref<!tpu.dma_semaphore, #tpu.memory_space<semaphore_mem>>) src(%dma_wait3A_174 : memref<10240x64xf32, #tpu.memory_space<hbm>>) dst(%dma_wait3A_168 : memref<128x64xf32, #tpu.memory_space<vmem>>)
        %dma_start3A_177 = arith.constant 0 : i32
        %dma_start3A_178 = arith.constant 0 : i32
        %dma_start3A_179 = tpu.memref_slice %arg11[%rem3A_155, %dma_start3A_177, %dma_start3A_178] : memref<6x128x64xf32, #tpu.memory_space<vmem>> -> memref<1x128x64xf32, #tpu.memory_space<vmem>>
        %dma_start3A_180 = tpu.memref_squeeze %dma_start3A_179 : memref<1x128x64xf32, #tpu.memory_space<vmem>> -> memref<128x64xf32, #tpu.memory_space<vmem>>
        %dma_start3A_181 = arith.constant 0 : i32
        %dma_start3A_182 = tpu.memref_slice %arg10[%scan3A_154, %dma_start3A_181] : memref<157x128xi32, #tpu.memory_space<vmem>> -> memref<1x128xi32, #tpu.memory_space<vmem>>
        %dma_start3A_183 = tpu.memref_squeeze %dma_start3A_182 : memref<1x128xi32, #tpu.memory_space<vmem>> -> memref<128xi32, #tpu.memory_space<vmem>>
        %dma_start3A_184 = arith.constant 0 : i32
        %dma_start3A_185 = arith.constant 0 : i32
        %dma_start3A_186 = tpu.memref_slice %arg12[%dma_start3A_184, %dma_start3A_185] : memref<10240x64xf32, #tpu.memory_space<vmem_shared>> -> memref<10240x64xf32, #tpu.memory_space<vmem_shared>>
        %dma_start3A_187 = tpu.memref_slice %arg14[%rem3A_155] : memref<6x!tpu.dma_semaphore, #tpu.memory_space<semaphore_mem>> -> memref<1x!tpu.dma_semaphore, #tpu.memory_space<semaphore_mem>>
        %dma_start3A_188 = tpu.memref_squeeze %dma_start3A_187 : memref<1x!tpu.dma_semaphore, #tpu.memory_space<semaphore_mem>> -> memref<!tpu.dma_semaphore, #tpu.memory_space<semaphore_mem>>
        tpu.enqueue_indirect_dma source(%dma_start3A_180 : memref<128x64xf32, #tpu.memory_space<vmem>>) target(%dma_start3A_186 : memref<10240x64xf32, #tpu.memory_space<vmem_shared>>) offsets(%dma_start3A_183 : memref<128xi32, #tpu.memory_space<vmem>>) semaphore(%dma_start3A_188 : memref<!tpu.dma_semaphore, #tpu.memory_space<semaphore_mem>>) {add = true}
      }
      %scan3A_58 = arith.constant 157 : i32
      %dma_wait3A = arith.constant 1 : i32
      %dma_wait3A_59 = arith.constant 151 : i32
      %dma_wait3A_60 = arith.constant 1 : i32
      %dma_wait3A_61 = arith.constant 0 : i32
      %dma_wait3A_62 = arith.constant 0 : i32
      %dma_wait3A_63 = tpu.memref_slice %arg11[%dma_wait3A, %dma_wait3A_61, %dma_wait3A_62] : memref<6x128x64xf32, #tpu.memory_space<vmem>> -> memref<1x128x64xf32, #tpu.memory_space<vmem>>
      %dma_wait3A_64 = tpu.memref_squeeze %dma_wait3A_63 : memref<1x128x64xf32, #tpu.memory_space<vmem>> -> memref<128x64xf32, #tpu.memory_space<vmem>>
      %dma_wait3A_65 = arith.constant 0 : i32
      %dma_wait3A_66 = tpu.memref_slice %arg10[%dma_wait3A_59, %dma_wait3A_65] : memref<157x128xi32, #tpu.memory_space<vmem>> -> memref<1x128xi32, #tpu.memory_space<vmem>>
      %dma_wait3A_67 = tpu.memref_squeeze %dma_wait3A_66 : memref<1x128xi32, #tpu.memory_space<vmem>> -> memref<128xi32, #tpu.memory_space<vmem>>
      %dma_wait3A_68 = arith.constant 0 : i32
      %dma_wait3A_69 = arith.constant 0 : i32
      %dma_wait3A_70 = tpu.memref_slice %arg12[%dma_wait3A_68, %dma_wait3A_69] : memref<10240x64xf32, #tpu.memory_space<vmem_shared>> -> memref<10240x64xf32, #tpu.memory_space<vmem_shared>>
      %dma_wait3A_71 = tpu.memref_slice %arg14[%dma_wait3A_60] : memref<6x!tpu.dma_semaphore, #tpu.memory_space<semaphore_mem>> -> memref<1x!tpu.dma_semaphore, #tpu.memory_space<semaphore_mem>>
      %dma_wait3A_72 = tpu.memref_squeeze %dma_wait3A_71 : memref<1x!tpu.dma_semaphore, #tpu.memory_space<semaphore_mem>> -> memref<!tpu.dma_semaphore, #tpu.memory_space<semaphore_mem>>
      tpu.wait_indirect_dma semaphore(%dma_wait3A_72 : memref<!tpu.dma_semaphore, #tpu.memory_space<semaphore_mem>>) src(%dma_wait3A_64 : memref<128x64xf32, #tpu.memory_space<vmem>>) dst(%dma_wait3A_70 : memref<10240x64xf32, #tpu.memory_space<vmem_shared>>)
      %dma_wait3A_73 = arith.constant 2 : i32
      %dma_wait3A_74 = arith.constant 152 : i32
      %dma_wait3A_75 = arith.constant 2 : i32
      %dma_wait3A_76 = arith.constant 0 : i32
      %dma_wait3A_77 = arith.constant 0 : i32
      %dma_wait3A_78 = tpu.memref_slice %arg11[%dma_wait3A_73, %dma_wait3A_76, %dma_wait3A_77] : memref<6x128x64xf32, #tpu.memory_space<vmem>> -> memref<1x128x64xf32, #tpu.memory_space<vmem>>
      %dma_wait3A_79 = tpu.memref_squeeze %dma_wait3A_78 : memref<1x128x64xf32, #tpu.memory_space<vmem>> -> memref<128x64xf32, #tpu.memory_space<vmem>>
      %dma_wait3A_80 = arith.constant 0 : i32
      %dma_wait3A_81 = tpu.memref_slice %arg10[%dma_wait3A_74, %dma_wait3A_80] : memref<157x128xi32, #tpu.memory_space<vmem>> -> memref<1x128xi32, #tpu.memory_space<vmem>>
      %dma_wait3A_82 = tpu.memref_squeeze %dma_wait3A_81 : memref<1x128xi32, #tpu.memory_space<vmem>> -> memref<128xi32, #tpu.memory_space<vmem>>
      %dma_wait3A_83 = arith.constant 0 : i32
      %dma_wait3A_84 = arith.constant 0 : i32
      %dma_wait3A_85 = tpu.memref_slice %arg12[%dma_wait3A_83, %dma_wait3A_84] : memref<10240x64xf32, #tpu.memory_space<vmem_shared>> -> memref<10240x64xf32, #tpu.memory_space<vmem_shared>>
      %dma_wait3A_86 = tpu.memref_slice %arg14[%dma_wait3A_75] : memref<6x!tpu.dma_semaphore, #tpu.memory_space<semaphore_mem>> -> memref<1x!tpu.dma_semaphore, #tpu.memory_space<semaphore_mem>>
      %dma_wait3A_87 = tpu.memref_squeeze %dma_wait3A_86 : memref<1x!tpu.dma_semaphore, #tpu.memory_space<semaphore_mem>> -> memref<!tpu.dma_semaphore, #tpu.memory_space<semaphore_mem>>
      tpu.wait_indirect_dma semaphore(%dma_wait3A_87 : memref<!tpu.dma_semaphore, #tpu.memory_space<semaphore_mem>>) src(%dma_wait3A_79 : memref<128x64xf32, #tpu.memory_space<vmem>>) dst(%dma_wait3A_85 : memref<10240x64xf32, #tpu.memory_space<vmem_shared>>)
      %dma_wait3A_88 = arith.constant 3 : i32
      %dma_wait3A_89 = arith.constant 153 : i32
      %dma_wait3A_90 = arith.constant 3 : i32
      %dma_wait3A_91 = arith.constant 0 : i32
      %dma_wait3A_92 = arith.constant 0 : i32
      %dma_wait3A_93 = tpu.memref_slice %arg11[%dma_wait3A_88, %dma_wait3A_91, %dma_wait3A_92] : memref<6x128x64xf32, #tpu.memory_space<vmem>> -> memref<1x128x64xf32, #tpu.memory_space<vmem>>
      %dma_wait3A_94 = tpu.memref_squeeze %dma_wait3A_93 : memref<1x128x64xf32, #tpu.memory_space<vmem>> -> memref<128x64xf32, #tpu.memory_space<vmem>>
      %dma_wait3A_95 = arith.constant 0 : i32
      %dma_wait3A_96 = tpu.memref_slice %arg10[%dma_wait3A_89, %dma_wait3A_95] : memref<157x128xi32, #tpu.memory_space<vmem>> -> memref<1x128xi32, #tpu.memory_space<vmem>>
      %dma_wait3A_97 = tpu.memref_squeeze %dma_wait3A_96 : memref<1x128xi32, #tpu.memory_space<vmem>> -> memref<128xi32, #tpu.memory_space<vmem>>
      %dma_wait3A_98 = arith.constant 0 : i32
      %dma_wait3A_99 = arith.constant 0 : i32
      %dma_wait3A_100 = tpu.memref_slice %arg12[%dma_wait3A_98, %dma_wait3A_99] : memref<10240x64xf32, #tpu.memory_space<vmem_shared>> -> memref<10240x64xf32, #tpu.memory_space<vmem_shared>>
      %dma_wait3A_101 = tpu.memref_slice %arg14[%dma_wait3A_90] : memref<6x!tpu.dma_semaphore, #tpu.memory_space<semaphore_mem>> -> memref<1x!tpu.dma_semaphore, #tpu.memory_space<semaphore_mem>>
      %dma_wait3A_102 = tpu.memref_squeeze %dma_wait3A_101 : memref<1x!tpu.dma_semaphore, #tpu.memory_space<semaphore_mem>> -> memref<!tpu.dma_semaphore, #tpu.memory_space<semaphore_mem>>
      tpu.wait_indirect_dma semaphore(%dma_wait3A_102 : memref<!tpu.dma_semaphore, #tpu.memory_space<semaphore_mem>>) src(%dma_wait3A_94 : memref<128x64xf32, #tpu.memory_space<vmem>>) dst(%dma_wait3A_100 : memref<10240x64xf32, #tpu.memory_space<vmem_shared>>)
      %dma_wait3A_103 = arith.constant 4 : i32
      %dma_wait3A_104 = arith.constant 154 : i32
      %dma_wait3A_105 = arith.constant 4 : i32
      %dma_wait3A_106 = arith.constant 0 : i32
      %dma_wait3A_107 = arith.constant 0 : i32
      %dma_wait3A_108 = tpu.memref_slice %arg11[%dma_wait3A_103, %dma_wait3A_106, %dma_wait3A_107] : memref<6x128x64xf32, #tpu.memory_space<vmem>> -> memref<1x128x64xf32, #tpu.memory_space<vmem>>
      %dma_wait3A_109 = tpu.memref_squeeze %dma_wait3A_108 : memref<1x128x64xf32, #tpu.memory_space<vmem>> -> memref<128x64xf32, #tpu.memory_space<vmem>>
      %dma_wait3A_110 = arith.constant 0 : i32
      %dma_wait3A_111 = tpu.memref_slice %arg10[%dma_wait3A_104, %dma_wait3A_110] : memref<157x128xi32, #tpu.memory_space<vmem>> -> memref<1x128xi32, #tpu.memory_space<vmem>>
      %dma_wait3A_112 = tpu.memref_squeeze %dma_wait3A_111 : memref<1x128xi32, #tpu.memory_space<vmem>> -> memref<128xi32, #tpu.memory_space<vmem>>
      %dma_wait3A_113 = arith.constant 0 : i32
      %dma_wait3A_114 = arith.constant 0 : i32
      %dma_wait3A_115 = tpu.memref_slice %arg12[%dma_wait3A_113, %dma_wait3A_114] : memref<10240x64xf32, #tpu.memory_space<vmem_shared>> -> memref<10240x64xf32, #tpu.memory_space<vmem_shared>>
      %dma_wait3A_116 = tpu.memref_slice %arg14[%dma_wait3A_105] : memref<6x!tpu.dma_semaphore, #tpu.memory_space<semaphore_mem>> -> memref<1x!tpu.dma_semaphore, #tpu.memory_space<semaphore_mem>>
      %dma_wait3A_117 = tpu.memref_squeeze %dma_wait3A_116 : memref<1x!tpu.dma_semaphore, #tpu.memory_space<semaphore_mem>> -> memref<!tpu.dma_semaphore, #tpu.memory_space<semaphore_mem>>
      tpu.wait_indirect_dma semaphore(%dma_wait3A_117 : memref<!tpu.dma_semaphore, #tpu.memory_space<semaphore_mem>>) src(%dma_wait3A_109 : memref<128x64xf32, #tpu.memory_space<vmem>>) dst(%dma_wait3A_115 : memref<10240x64xf32, #tpu.memory_space<vmem_shared>>)
      %dma_wait3A_118 = arith.constant 5 : i32
      %dma_wait3A_119 = arith.constant 155 : i32
      %dma_wait3A_120 = arith.constant 5 : i32
      %dma_wait3A_121 = arith.constant 0 : i32
      %dma_wait3A_122 = arith.constant 0 : i32
      %dma_wait3A_123 = tpu.memref_slice %arg11[%dma_wait3A_118, %dma_wait3A_121, %dma_wait3A_122] : memref<6x128x64xf32, #tpu.memory_space<vmem>> -> memref<1x128x64xf32, #tpu.memory_space<vmem>>
      %dma_wait3A_124 = tpu.memref_squeeze %dma_wait3A_123 : memref<1x128x64xf32, #tpu.memory_space<vmem>> -> memref<128x64xf32, #tpu.memory_space<vmem>>
      %dma_wait3A_125 = arith.constant 0 : i32
      %dma_wait3A_126 = tpu.memref_slice %arg10[%dma_wait3A_119, %dma_wait3A_125] : memref<157x128xi32, #tpu.memory_space<vmem>> -> memref<1x128xi32, #tpu.memory_space<vmem>>
      %dma_wait3A_127 = tpu.memref_squeeze %dma_wait3A_126 : memref<1x128xi32, #tpu.memory_space<vmem>> -> memref<128xi32, #tpu.memory_space<vmem>>
      %dma_wait3A_128 = arith.constant 0 : i32
      %dma_wait3A_129 = arith.constant 0 : i32
      %dma_wait3A_130 = tpu.memref_slice %arg12[%dma_wait3A_128, %dma_wait3A_129] : memref<10240x64xf32, #tpu.memory_space<vmem_shared>> -> memref<10240x64xf32, #tpu.memory_space<vmem_shared>>
      %dma_wait3A_131 = tpu.memref_slice %arg14[%dma_wait3A_120] : memref<6x!tpu.dma_semaphore, #tpu.memory_space<semaphore_mem>> -> memref<1x!tpu.dma_semaphore, #tpu.memory_space<semaphore_mem>>
      %dma_wait3A_132 = tpu.memref_squeeze %dma_wait3A_131 : memref<1x!tpu.dma_semaphore, #tpu.memory_space<semaphore_mem>> -> memref<!tpu.dma_semaphore, #tpu.memory_space<semaphore_mem>>
      tpu.wait_indirect_dma semaphore(%dma_wait3A_132 : memref<!tpu.dma_semaphore, #tpu.memory_space<semaphore_mem>>) src(%dma_wait3A_124 : memref<128x64xf32, #tpu.memory_space<vmem>>) dst(%dma_wait3A_130 : memref<10240x64xf32, #tpu.memory_space<vmem_shared>>)
      %dma_wait3A_133 = arith.constant 0 : i32
      %dma_wait3A_134 = arith.constant 156 : i32
      %dma_wait3A_135 = arith.constant 0 : i32
      %dma_wait3A_136 = arith.constant 0 : i32
      %dma_wait3A_137 = arith.constant 0 : i32
      %dma_wait3A_138 = tpu.memref_slice %arg11[%dma_wait3A_133, %dma_wait3A_136, %dma_wait3A_137] : memref<6x128x64xf32, #tpu.memory_space<vmem>> -> memref<1x128x64xf32, #tpu.memory_space<vmem>>
      %dma_wait3A_139 = tpu.memref_squeeze %dma_wait3A_138 : memref<1x128x64xf32, #tpu.memory_space<vmem>> -> memref<128x64xf32, #tpu.memory_space<vmem>>
      %dma_wait3A_140 = arith.constant 0 : i32
      %dma_wait3A_141 = tpu.memref_slice %arg10[%dma_wait3A_134, %dma_wait3A_140] : memref<157x128xi32, #tpu.memory_space<vmem>> -> memref<1x128xi32, #tpu.memory_space<vmem>>
      %dma_wait3A_142 = tpu.memref_squeeze %dma_wait3A_141 : memref<1x128xi32, #tpu.memory_space<vmem>> -> memref<128xi32, #tpu.memory_space<vmem>>
      %dma_wait3A_143 = arith.constant 0 : i32
      %dma_wait3A_144 = arith.constant 0 : i32
      %dma_wait3A_145 = tpu.memref_slice %arg12[%dma_wait3A_143, %dma_wait3A_144] : memref<10240x64xf32, #tpu.memory_space<vmem_shared>> -> memref<10240x64xf32, #tpu.memory_space<vmem_shared>>
      %dma_wait3A_146 = tpu.memref_slice %arg14[%dma_wait3A_135] : memref<6x!tpu.dma_semaphore, #tpu.memory_space<semaphore_mem>> -> memref<1x!tpu.dma_semaphore, #tpu.memory_space<semaphore_mem>>
      %dma_wait3A_147 = tpu.memref_squeeze %dma_wait3A_146 : memref<1x!tpu.dma_semaphore, #tpu.memory_space<semaphore_mem>> -> memref<!tpu.dma_semaphore, #tpu.memory_space<semaphore_mem>>
      tpu.wait_indirect_dma semaphore(%dma_wait3A_147 : memref<!tpu.dma_semaphore, #tpu.memory_space<semaphore_mem>>) src(%dma_wait3A_139 : memref<128x64xf32, #tpu.memory_space<vmem>>) dst(%dma_wait3A_145 : memref<10240x64xf32, #tpu.memory_space<vmem_shared>>)
      %barrier3A_148 = arith.constant 0 : index
      tpu.barrier barrier_id(%barrier3A_148)
      %mul3A_149 = arith.constant 640 : i32
      %mul3A_150 = arith.muli %arg1, %mul3A_149 : i32
      %mul3A_151 = arith.constant 640 : i32
      %mul3A_152 = arith.muli %arg1, %mul3A_151 : i32
      "tpu.region"() ({
        %run_scoped3A = tpu.sem_alloc : memref<!tpu.dma_semaphore, #tpu.memory_space<semaphore_mem>>
        %dma_start3A_154 = arith.constant 0 : i32
        %dma_start3A_155 = tpu.memref_slice %arg8[%mul3A_152, %dma_start3A_154] : memref<10240x64xf32, #tpu.memory_space<hbm>> -> memref<640x64xf32, #tpu.memory_space<hbm>>
        %dma_start3A_156 = arith.constant 0 : i32
        %dma_start3A_157 = tpu.memref_slice %arg12[%mul3A_150, %dma_start3A_156] : memref<10240x64xf32, #tpu.memory_space<vmem_shared>> -> memref<640x64xf32, #tpu.memory_space<vmem_shared>>
        tpu.enqueue_dma source(%dma_start3A_157 : memref<640x64xf32, #tpu.memory_space<vmem_shared>>) target(%dma_start3A_155 : memref<640x64xf32, #tpu.memory_space<hbm>>) target_semaphore(%run_scoped3A : memref<!tpu.dma_semaphore, #tpu.memory_space<semaphore_mem>>)
        %dma_wait3A_158 = arith.constant 0 : i32
        %dma_wait3A_159 = tpu.memref_slice %arg8[%mul3A_152, %dma_wait3A_158] : memref<10240x64xf32, #tpu.memory_space<hbm>> -> memref<640x64xf32, #tpu.memory_space<hbm>>
        %dma_wait3A_160 = arith.constant 0 : i32
        %dma_wait3A_161 = tpu.memref_slice %arg12[%mul3A_150, %dma_wait3A_160] : memref<10240x64xf32, #tpu.memory_space<vmem_shared>> -> memref<640x64xf32, #tpu.memory_space<vmem_shared>>
        tpu.wait_dma2 semaphore(%run_scoped3A : memref<!tpu.dma_semaphore, #tpu.memory_space<semaphore_mem>>) src(%dma_wait3A_161 : memref<640x64xf32, #tpu.memory_space<vmem_shared>>) dst(%dma_wait3A_159 : memref<640x64xf32, #tpu.memory_space<hbm>>)
        tpu.yield
      }) : () -> ()
      %barrier3A_153 = arith.constant 0 : index
      tpu.barrier barrier_id(%barrier3A_153)
    } else {
    }
    return
  }
}

module attributes {stable_mosaic.version = 14 : i64} {
  func.func @body(%arg0: i32, %arg1: memref<512x128xf32, #tpu.memory_space<vmem>>, %arg2: memref<512x1xf32, #tpu.memory_space<vmem>>, %arg3: memref<512x64xf32, #tpu.memory_space<vmem>>, %arg4: memref<512x64xf32, #tpu.memory_space<vmem>>) attributes {dimension_semantics = [#tpu.dimension_semantics<arbitrary>], iteration_bounds = array<i64: 20>, scalar_prefetch = 0 : i64, scratch_operands = 0 : i64, tpu.core_type = #tpu.core_type<tc>, window_params = [{transform_indices = @transform_0, window_bounds = array<i64: 512, 128>}, {transform_indices = @transform_1, window_bounds = array<i64: 512, 1>}, {transform_indices = @transform_2, window_bounds = array<i64: 512, 64>}, {transform_indices = @transform_3, window_bounds = array<i64: 512, 64>}]} {
    %get3A = arith.constant 0 : index
    %get3A_0 = arith.constant 0 : index
    %get3A_1 = vector.load %arg2[%get3A, %get3A_0] : memref<512x1xf32, #tpu.memory_space<vmem>>, vector<512x1xf32>
    %rsqrt3A = math.rsqrt %get3A_1 : vector<512x1xf32>
    %get3A_2 = arith.constant 0 : index
    %get3A_3 = arith.constant 0 : index
    %get3A_4 = vector.load %arg1[%get3A_2, %get3A_3] : memref<512x128xf32, #tpu.memory_space<vmem>>, vector<512x128xf32>
    %mul3A = vector.broadcast %rsqrt3A : vector<512x1xf32> to vector<512x128xf32>
    %mul3A_5 = arith.mulf %get3A_4, %mul3A : vector<512x128xf32>
    %slice3A = vector.extract_strided_slice %mul3A_5 {offsets = [0, 0], sizes = [512, 64], strides = [1, 1]} : vector<512x128xf32> to vector<512x64xf32>
    %swap3A = arith.constant 0 : index
    %swap3A_6 = arith.constant 0 : index
    %swap3A_7 = vector.load %arg3[%swap3A, %swap3A_6] : memref<512x64xf32, #tpu.memory_space<vmem>>, vector<512x64xf32>
    tpu.vector_store %arg3[%swap3A, %swap3A_6], %slice3A {strides = array<i32>} : memref<512x64xf32, #tpu.memory_space<vmem>>, vector<512x64xf32>,
    %slice3A_8 = vector.extract_strided_slice %mul3A_5 {offsets = [0, 64], sizes = [512, 64], strides = [1, 1]} : vector<512x128xf32> to vector<512x64xf32>
    %swap3A_9 = arith.constant 0 : index
    %swap3A_10 = arith.constant 0 : index
    %swap3A_11 = vector.load %arg4[%swap3A_9, %swap3A_10] : memref<512x64xf32, #tpu.memory_space<vmem>>, vector<512x64xf32>
    tpu.vector_store %arg4[%swap3A_9, %swap3A_10], %slice3A_8 {strides = array<i32>} : memref<512x64xf32, #tpu.memory_space<vmem>>, vector<512x64xf32>,
    return
  }
  func.func @transform_0(%arg0: i32) -> (i32, i32) {
    %c0_i32 = arith.constant 0 : i32
    %c0_i32_0 = arith.constant 0 : i32
    return %arg0, %c0_i32 : i32, i32
  }
  func.func @transform_1(%arg0: i32) -> (i32, i32) {
    %c0_i32 = arith.constant 0 : i32
    %c0_i32_0 = arith.constant 0 : i32
    return %arg0, %c0_i32 : i32, i32
  }
  func.func @transform_2(%arg0: i32) -> (i32, i32) {
    %c0_i32 = arith.constant 0 : i32
    %c0_i32_0 = arith.constant 0 : i32
    return %arg0, %c0_i32 : i32, i32
  }
  func.func @transform_3(%arg0: i32) -> (i32, i32) {
    %c0_i32 = arith.constant 0 : i32
    %c0_i32_0 = arith.constant 0 : i32
    return %arg0, %c0_i32 : i32, i32
  }
}

module attributes {stable_mosaic.version = 14 : i64} {
  func.func @body(%arg0: i32, %arg1: memref<512x64xf32, #tpu.memory_space<vmem>>, %arg2: memref<512x64xf32, #tpu.memory_space<vmem>>, %arg3: memref<512x64xf32, #tpu.memory_space<vmem>>, %arg4: memref<512x64xf32, #tpu.memory_space<vmem>>, %arg5: memref<512x1xf32, #tpu.memory_space<vmem>>, %arg6: memref<1x512xf32, #tpu.memory_space<vmem>>, %arg7: memref<1x512xf32, #tpu.memory_space<vmem>>, %arg8: memref<512x128xf32, #tpu.memory_space<vmem>>, %arg9: memref<256x512xf32, #tpu.memory_space<vmem>>, %arg10: memref<512x64xf32, #tpu.memory_space<vmem>>, %arg11: memref<512x64xf32, #tpu.memory_space<vmem>>, %arg12: memref<512x64xf32, #tpu.memory_space<vmem>>, %arg13: memref<512x64xf32, #tpu.memory_space<vmem>>) attributes {dimension_semantics = [#tpu.dimension_semantics<arbitrary>], iteration_bounds = array<i64: 20>, scalar_prefetch = 0 : i64, scratch_operands = 0 : i64, tpu.core_type = #tpu.core_type<tc>, window_params = [{transform_indices = @transform_0, window_bounds = array<i64: 512, 64>}, {transform_indices = @transform_1, window_bounds = array<i64: 512, 64>}, {transform_indices = @transform_2, window_bounds = array<i64: 512, 64>}, {transform_indices = @transform_3, window_bounds = array<i64: 512, 64>}, {transform_indices = @transform_4, window_bounds = array<i64: 512, 1>}, {pipeline_mode = #tpu.pipeline_mode<synchronous>, transform_indices = @transform_5, window_bounds = array<i64: 1, 512>}, {pipeline_mode = #tpu.pipeline_mode<synchronous>, transform_indices = @transform_6, window_bounds = array<i64: 1, 512>}, {pipeline_mode = #tpu.pipeline_mode<synchronous>, transform_indices = @transform_7, window_bounds = array<i64: 512, 128>}, {pipeline_mode = #tpu.pipeline_mode<synchronous>, transform_indices = @transform_8, window_bounds = array<i64: 256, 512>}, {transform_indices = @transform_9, window_bounds = array<i64: 512, 64>}, {transform_indices = @transform_10, window_bounds = array<i64: 512, 64>}, {transform_indices = @transform_11, window_bounds = array<i64: 512, 64>}, {transform_indices = @transform_12, window_bounds = array<i64: 512, 64>}]} {
    %get3A = arith.constant 0 : index
    %get3A_0 = arith.constant 0 : index
    %get3A_1 = vector.load %arg5[%get3A, %get3A_0] : memref<512x1xf32, #tpu.memory_space<vmem>>, vector<512x1xf32>
    %rsqrt3A = math.rsqrt %get3A_1 : vector<512x1xf32>
    %get3A_2 = arith.constant 0 : index
    %get3A_3 = arith.constant 0 : index
    %get3A_4 = vector.load %arg1[%get3A_2, %get3A_3] : memref<512x64xf32, #tpu.memory_space<vmem>>, vector<512x64xf32>
    %get3A_5 = arith.constant 0 : index
    %get3A_6 = arith.constant 0 : index
    %get3A_7 = vector.load %arg3[%get3A_5, %get3A_6] : memref<512x64xf32, #tpu.memory_space<vmem>>, vector<512x64xf32>
    %add3A = arith.addf %get3A_4, %get3A_7 : vector<512x64xf32>
    %get3A_8 = arith.constant 0 : index
    %get3A_9 = arith.constant 0 : index
    %get3A_10 = vector.load %arg2[%get3A_8, %get3A_9] : memref<512x64xf32, #tpu.memory_space<vmem>>, vector<512x64xf32>
    %get3A_11 = arith.constant 0 : index
    %get3A_12 = arith.constant 0 : index
    %get3A_13 = vector.load %arg4[%get3A_11, %get3A_12] : memref<512x64xf32, #tpu.memory_space<vmem>>, vector<512x64xf32>
    %add3A_14 = arith.addf %get3A_10, %get3A_13 : vector<512x64xf32>
    %concatenate3A = tpu.concatenate %add3A, %add3A_14 in 1 : vector<512x64xf32>, vector<512x64xf32> -> vector<512x128xf32>
    %mul3A = vector.broadcast %rsqrt3A : vector<512x1xf32> to vector<512x128xf32>
    %mul3A_15 = arith.mulf %concatenate3A, %mul3A : vector<512x128xf32>
    %get3A_16 = arith.constant 0 : index
    %get3A_17 = arith.constant 0 : index
    %get3A_18 = vector.load %arg8[%get3A_16, %get3A_17] : memref<512x128xf32, #tpu.memory_space<vmem>>, vector<512x128xf32>
    %dot_general3A = arith.constant dense<0.000000e+00> : vector<512x512xf32>
    %dot_general3A_19 = tpu.matmul %mul3A_15, %get3A_18, %dot_general3A {dimension_numbers = #tpu.dot_dimension_numbers<[1], [1], [0], [0], [0, 0, 1, 0], [], []>, transpose_lhs_hint = false} : vector<512x128xf32>, vector<512x128xf32>, vector<512x512xf32> -> vector<512x512xf32>
    %get3A_20 = arith.constant 0 : index
    %get3A_21 = arith.constant 0 : index
    %get3A_22 = vector.load %arg6[%get3A_20, %get3A_21] : memref<1x512xf32, #tpu.memory_space<vmem>>, vector<1x512xf32>
    %mul3A_23 = vector.broadcast %get3A_22 : vector<1x512xf32> to vector<512x512xf32>
    %mul3A_24 = arith.mulf %dot_general3A_19, %mul3A_23 : vector<512x512xf32>
    %get3A_25 = arith.constant 0 : index
    %get3A_26 = arith.constant 0 : index
    %get3A_27 = vector.load %arg7[%get3A_25, %get3A_26] : memref<1x512xf32, #tpu.memory_space<vmem>>, vector<1x512xf32>
    %add3A_28 = vector.broadcast %get3A_27 : vector<1x512xf32> to vector<512x512xf32>
    %add3A_29 = arith.addf %mul3A_24, %add3A_28 : vector<512x512xf32>
    %gt3A = arith.constant 0.000000e+00 : f32
    %gt3A_30 = vector.broadcast %gt3A : f32 to vector<512x512xf32>
    %gt3A_31 = arith.cmpf ogt, %add3A_29, %gt3A_30 : vector<512x512xf32>
    %exp3A = math.exp %add3A_29 : vector<512x512xf32>
    %sub3A = arith.constant 1.000000e+00 : f32
    %sub3A_32 = vector.broadcast %sub3A : f32 to vector<512x512xf32>
    %sub3A_33 = arith.subf %exp3A, %sub3A_32 : vector<512x512xf32>
    %select_n3A = arith.select %gt3A_31, %add3A_29, %sub3A_33 : vector<512x512xi1>, vector<512x512xf32>
    %get3A_34 = arith.constant 0 : index
    %get3A_35 = arith.constant 0 : index
    %get3A_36 = vector.load %arg9[%get3A_34, %get3A_35] : memref<256x512xf32, #tpu.memory_space<vmem>>, vector<256x512xf32>
    %dot_general3A_37 = arith.constant dense<0.000000e+00> : vector<512x256xf32>
    %dot_general3A_38 = tpu.matmul %select_n3A, %get3A_36, %dot_general3A_37 {dimension_numbers = #tpu.dot_dimension_numbers<[1], [1], [0], [0], [0, 0, 1, 0], [], []>, transpose_lhs_hint = false} : vector<512x512xf32>, vector<256x512xf32>, vector<512x256xf32> -> vector<512x256xf32>
    %mul3A_39 = vector.broadcast %rsqrt3A : vector<512x1xf32> to vector<512x256xf32>
    %mul3A_40 = arith.mulf %dot_general3A_38, %mul3A_39 : vector<512x256xf32>
    %slice3A = vector.extract_strided_slice %mul3A_40 {offsets = [0, 0], sizes = [512, 64], strides = [1, 1]} : vector<512x256xf32> to vector<512x64xf32>
    %swap3A = arith.constant 0 : index
    %swap3A_41 = arith.constant 0 : index
    %swap3A_42 = vector.load %arg10[%swap3A, %swap3A_41] : memref<512x64xf32, #tpu.memory_space<vmem>>, vector<512x64xf32>
    tpu.vector_store %arg10[%swap3A, %swap3A_41], %slice3A {strides = array<i32>} : memref<512x64xf32, #tpu.memory_space<vmem>>, vector<512x64xf32>,
    %slice3A_43 = vector.extract_strided_slice %mul3A_40 {offsets = [0, 64], sizes = [512, 64], strides = [1, 1]} : vector<512x256xf32> to vector<512x64xf32>
    %swap3A_44 = arith.constant 0 : index
    %swap3A_45 = arith.constant 0 : index
    %swap3A_46 = vector.load %arg11[%swap3A_44, %swap3A_45] : memref<512x64xf32, #tpu.memory_space<vmem>>, vector<512x64xf32>
    tpu.vector_store %arg11[%swap3A_44, %swap3A_45], %slice3A_43 {strides = array<i32>} : memref<512x64xf32, #tpu.memory_space<vmem>>, vector<512x64xf32>,
    %slice3A_47 = vector.extract_strided_slice %mul3A_40 {offsets = [0, 128], sizes = [512, 64], strides = [1, 1]} : vector<512x256xf32> to vector<512x64xf32>
    %swap3A_48 = arith.constant 0 : index
    %swap3A_49 = arith.constant 0 : index
    %swap3A_50 = vector.load %arg12[%swap3A_48, %swap3A_49] : memref<512x64xf32, #tpu.memory_space<vmem>>, vector<512x64xf32>
    tpu.vector_store %arg12[%swap3A_48, %swap3A_49], %slice3A_47 {strides = array<i32>} : memref<512x64xf32, #tpu.memory_space<vmem>>, vector<512x64xf32>,
    %slice3A_51 = vector.extract_strided_slice %mul3A_40 {offsets = [0, 192], sizes = [512, 64], strides = [1, 1]} : vector<512x256xf32> to vector<512x64xf32>
    %swap3A_52 = arith.constant 0 : index
    %swap3A_53 = arith.constant 0 : index
    %swap3A_54 = vector.load %arg13[%swap3A_52, %swap3A_53] : memref<512x64xf32, #tpu.memory_space<vmem>>, vector<512x64xf32>
    tpu.vector_store %arg13[%swap3A_52, %swap3A_53], %slice3A_51 {strides = array<i32>} : memref<512x64xf32, #tpu.memory_space<vmem>>, vector<512x64xf32>,
    return
  }
  func.func @transform_0(%arg0: i32) -> (i32, i32) {
    %c0_i32 = arith.constant 0 : i32
    %c0_i32_0 = arith.constant 0 : i32
    return %arg0, %c0_i32 : i32, i32
  }
  func.func @transform_1(%arg0: i32) -> (i32, i32) {
    %c0_i32 = arith.constant 0 : i32
    %c0_i32_0 = arith.constant 0 : i32
    return %arg0, %c0_i32 : i32, i32
  }
  func.func @transform_2(%arg0: i32) -> (i32, i32) {
    %c0_i32 = arith.constant 0 : i32
    %c0_i32_0 = arith.constant 0 : i32
    return %arg0, %c0_i32 : i32, i32
  }
  func.func @transform_3(%arg0: i32) -> (i32, i32) {
    %c0_i32 = arith.constant 0 : i32
    %c0_i32_0 = arith.constant 0 : i32
    return %arg0, %c0_i32 : i32, i32
  }
  func.func @transform_4(%arg0: i32) -> (i32, i32) {
    %c0_i32 = arith.constant 0 : i32
    %c0_i32_0 = arith.constant 0 : i32
    return %arg0, %c0_i32 : i32, i32
  }
  func.func @transform_5(%arg0: i32) -> (i32, i32) {
    %c0_i32 = arith.constant 0 : i32
    %c0_i32_0 = arith.constant 0 : i32
    %c0_i32_1 = arith.constant 0 : i32
    return %c0_i32, %c0_i32_0 : i32, i32
  }
  func.func @transform_6(%arg0: i32) -> (i32, i32) {
    %c0_i32 = arith.constant 0 : i32
    %c0_i32_0 = arith.constant 0 : i32
    %c0_i32_1 = arith.constant 0 : i32
    return %c0_i32, %c0_i32_0 : i32, i32
  }
  func.func @transform_7(%arg0: i32) -> (i32, i32) {
    %c0_i32 = arith.constant 0 : i32
    %c0_i32_0 = arith.constant 0 : i32
    %c0_i32_1 = arith.constant 0 : i32
    return %c0_i32, %c0_i32_0 : i32, i32
  }
  func.func @transform_8(%arg0: i32) -> (i32, i32) {
    %c0_i32 = arith.constant 0 : i32
    %c0_i32_0 = arith.constant 0 : i32
    %c0_i32_1 = arith.constant 0 : i32
    return %c0_i32, %c0_i32_0 : i32, i32
  }
  func.func @transform_9(%arg0: i32) -> (i32, i32) {
    %c0_i32 = arith.constant 0 : i32
    %c0_i32_0 = arith.constant 0 : i32
    return %arg0, %c0_i32 : i32, i32
  }
  func.func @transform_10(%arg0: i32) -> (i32, i32) {
    %c0_i32 = arith.constant 0 : i32
    %c0_i32_0 = arith.constant 0 : i32
    return %arg0, %c0_i32 : i32, i32
  }
  func.func @transform_11(%arg0: i32) -> (i32, i32) {
    %c0_i32 = arith.constant 0 : i32
    %c0_i32_0 = arith.constant 0 : i32
    return %arg0, %c0_i32 : i32, i32
  }
  func.func @transform_12(%arg0: i32) -> (i32, i32) {
    %c0_i32 = arith.constant 0 : i32
    %c0_i32_0 = arith.constant 0 : i32
    return %arg0, %c0_i32 : i32, i32
  }
}

module attributes {stable_mosaic.version = 14 : i64} {
  func.func @body(%arg0: i32, %arg1: memref<512x64xf32, #tpu.memory_space<vmem>>, %arg2: memref<512x64xf32, #tpu.memory_space<vmem>>, %arg3: memref<512x64xf32, #tpu.memory_space<vmem>>, %arg4: memref<512x64xf32, #tpu.memory_space<vmem>>, %arg5: memref<512x64xf32, #tpu.memory_space<vmem>>, %arg6: memref<512x64xf32, #tpu.memory_space<vmem>>, %arg7: memref<512x64xf32, #tpu.memory_space<vmem>>, %arg8: memref<512x64xf32, #tpu.memory_space<vmem>>, %arg9: memref<512x1xf32, #tpu.memory_space<vmem>>, %arg10: memref<1x256xf32, #tpu.memory_space<vmem>>, %arg11: memref<1x256xf32, #tpu.memory_space<vmem>>, %arg12: memref<128x256xf32, #tpu.memory_space<vmem>>, %arg13: memref<512x32xf32, #tpu.memory_space<vmem>>, %arg14: memref<512x32xf32, #tpu.memory_space<vmem>>, %arg15: memref<512x32xf32, #tpu.memory_space<vmem>>, %arg16: memref<512x32xf32, #tpu.memory_space<vmem>>) attributes {dimension_semantics = [#tpu.dimension_semantics<arbitrary>], iteration_bounds = array<i64: 20>, scalar_prefetch = 0 : i64, scratch_operands = 0 : i64, tpu.core_type = #tpu.core_type<tc>, window_params = [{transform_indices = @transform_0, window_bounds = array<i64: 512, 64>}, {transform_indices = @transform_1, window_bounds = array<i64: 512, 64>}, {transform_indices = @transform_2, window_bounds = array<i64: 512, 64>}, {transform_indices = @transform_3, window_bounds = array<i64: 512, 64>}, {transform_indices = @transform_4, window_bounds = array<i64: 512, 64>}, {transform_indices = @transform_5, window_bounds = array<i64: 512, 64>}, {transform_indices = @transform_6, window_bounds = array<i64: 512, 64>}, {transform_indices = @transform_7, window_bounds = array<i64: 512, 64>}, {transform_indices = @transform_8, window_bounds = array<i64: 512, 1>}, {pipeline_mode = #tpu.pipeline_mode<synchronous>, transform_indices = @transform_9, window_bounds = array<i64: 1, 256>}, {pipeline_mode = #tpu.pipeline_mode<synchronous>, transform_indices = @transform_10, window_bounds = array<i64: 1, 256>}, {pipeline_mode = #tpu.pipeline_mode<synchronous>, transform_indices = @transform_11, window_bounds = array<i64: 128, 256>}, {transform_indices = @transform_12, window_bounds = array<i64: 512, 32>}, {transform_indices = @transform_13, window_bounds = array<i64: 512, 32>}, {transform_indices = @transform_14, window_bounds = array<i64: 512, 32>}, {transform_indices = @transform_15, window_bounds = array<i64: 512, 32>}]} {
    %get3A = arith.constant 0 : index
    %get3A_0 = arith.constant 0 : index
    %get3A_1 = vector.load %arg9[%get3A, %get3A_0] : memref<512x1xf32, #tpu.memory_space<vmem>>, vector<512x1xf32>
    %rsqrt3A = math.rsqrt %get3A_1 : vector<512x1xf32>
    %get3A_2 = arith.constant 0 : index
    %get3A_3 = arith.constant 0 : index
    %get3A_4 = vector.load %arg1[%get3A_2, %get3A_3] : memref<512x64xf32, #tpu.memory_space<vmem>>, vector<512x64xf32>
    %get3A_5 = arith.constant 0 : index
    %get3A_6 = arith.constant 0 : index
    %get3A_7 = vector.load %arg5[%get3A_5, %get3A_6] : memref<512x64xf32, #tpu.memory_space<vmem>>, vector<512x64xf32>
    %add3A = arith.addf %get3A_4, %get3A_7 : vector<512x64xf32>
    %get3A_8 = arith.constant 0 : index
    %get3A_9 = arith.constant 0 : index
    %get3A_10 = vector.load %arg2[%get3A_8, %get3A_9] : memref<512x64xf32, #tpu.memory_space<vmem>>, vector<512x64xf32>
    %get3A_11 = arith.constant 0 : index
    %get3A_12 = arith.constant 0 : index
    %get3A_13 = vector.load %arg6[%get3A_11, %get3A_12] : memref<512x64xf32, #tpu.memory_space<vmem>>, vector<512x64xf32>
    %add3A_14 = arith.addf %get3A_10, %get3A_13 : vector<512x64xf32>
    %get3A_15 = arith.constant 0 : index
    %get3A_16 = arith.constant 0 : index
    %get3A_17 = vector.load %arg3[%get3A_15, %get3A_16] : memref<512x64xf32, #tpu.memory_space<vmem>>, vector<512x64xf32>
    %get3A_18 = arith.constant 0 : index
    %get3A_19 = arith.constant 0 : index
    %get3A_20 = vector.load %arg7[%get3A_18, %get3A_19] : memref<512x64xf32, #tpu.memory_space<vmem>>, vector<512x64xf32>
    %add3A_21 = arith.addf %get3A_17, %get3A_20 : vector<512x64xf32>
    %get3A_22 = arith.constant 0 : index
    %get3A_23 = arith.constant 0 : index
    %get3A_24 = vector.load %arg4[%get3A_22, %get3A_23] : memref<512x64xf32, #tpu.memory_space<vmem>>, vector<512x64xf32>
    %get3A_25 = arith.constant 0 : index
    %get3A_26 = arith.constant 0 : index
    %get3A_27 = vector.load %arg8[%get3A_25, %get3A_26] : memref<512x64xf32, #tpu.memory_space<vmem>>, vector<512x64xf32>
    %add3A_28 = arith.addf %get3A_24, %get3A_27 : vector<512x64xf32>
    %concatenate3A = tpu.concatenate %add3A, %add3A_14, %add3A_21, %add3A_28 in 1 : vector<512x64xf32>, vector<512x64xf32>, vector<512x64xf32>, vector<512x64xf32> -> vector<512x256xf32>
    %mul3A = vector.broadcast %rsqrt3A : vector<512x1xf32> to vector<512x256xf32>
    %mul3A_29 = arith.mulf %concatenate3A, %mul3A : vector<512x256xf32>
    %get3A_30 = arith.constant 0 : index
    %get3A_31 = arith.constant 0 : index
    %get3A_32 = vector.load %arg10[%get3A_30, %get3A_31] : memref<1x256xf32, #tpu.memory_space<vmem>>, vector<1x256xf32>
    %mul3A_33 = vector.broadcast %get3A_32 : vector<1x256xf32> to vector<512x256xf32>
    %mul3A_34 = arith.mulf %mul3A_29, %mul3A_33 : vector<512x256xf32>
    %get3A_35 = arith.constant 0 : index
    %get3A_36 = arith.constant 0 : index
    %get3A_37 = vector.load %arg11[%get3A_35, %get3A_36] : memref<1x256xf32, #tpu.memory_space<vmem>>, vector<1x256xf32>
    %add3A_38 = vector.broadcast %get3A_37 : vector<1x256xf32> to vector<512x256xf32>
    %add3A_39 = arith.addf %mul3A_34, %add3A_38 : vector<512x256xf32>
    %gt3A = arith.constant 0.000000e+00 : f32
    %gt3A_40 = vector.broadcast %gt3A : f32 to vector<512x256xf32>
    %gt3A_41 = arith.cmpf ogt, %add3A_39, %gt3A_40 : vector<512x256xf32>
    %exp3A = math.exp %add3A_39 : vector<512x256xf32>
    %sub3A = arith.constant 1.000000e+00 : f32
    %sub3A_42 = vector.broadcast %sub3A : f32 to vector<512x256xf32>
    %sub3A_43 = arith.subf %exp3A, %sub3A_42 : vector<512x256xf32>
    %select_n3A = arith.select %gt3A_41, %add3A_39, %sub3A_43 : vector<512x256xi1>, vector<512x256xf32>
    %get3A_44 = arith.constant 0 : index
    %get3A_45 = arith.constant 0 : index
    %get3A_46 = vector.load %arg12[%get3A_44, %get3A_45] : memref<128x256xf32, #tpu.memory_space<vmem>>, vector<128x256xf32>
    %dot_general3A = arith.constant dense<0.000000e+00> : vector<512x128xf32>
    %dot_general3A_47 = tpu.matmul %select_n3A, %get3A_46, %dot_general3A {dimension_numbers = #tpu.dot_dimension_numbers<[1], [1], [0], [0], [0, 0, 1, 0], [], []>, transpose_lhs_hint = false} : vector<512x256xf32>, vector<128x256xf32>, vector<512x128xf32> -> vector<512x128xf32>
    %mul3A_48 = vector.broadcast %rsqrt3A : vector<512x1xf32> to vector<512x128xf32>
    %mul3A_49 = arith.mulf %dot_general3A_47, %mul3A_48 : vector<512x128xf32>
    %slice3A = vector.extract_strided_slice %mul3A_49 {offsets = [0, 0], sizes = [512, 32], strides = [1, 1]} : vector<512x128xf32> to vector<512x32xf32>
    %swap3A = arith.constant 0 : index
    %swap3A_50 = arith.constant 0 : index
    %swap3A_51 = vector.load %arg13[%swap3A, %swap3A_50] : memref<512x32xf32, #tpu.memory_space<vmem>>, vector<512x32xf32>
    tpu.vector_store %arg13[%swap3A, %swap3A_50], %slice3A {strides = array<i32>} : memref<512x32xf32, #tpu.memory_space<vmem>>, vector<512x32xf32>,
    %slice3A_52 = vector.extract_strided_slice %mul3A_49 {offsets = [0, 32], sizes = [512, 32], strides = [1, 1]} : vector<512x128xf32> to vector<512x32xf32>
    %swap3A_53 = arith.constant 0 : index
    %swap3A_54 = arith.constant 0 : index
    %swap3A_55 = vector.load %arg14[%swap3A_53, %swap3A_54] : memref<512x32xf32, #tpu.memory_space<vmem>>, vector<512x32xf32>
    tpu.vector_store %arg14[%swap3A_53, %swap3A_54], %slice3A_52 {strides = array<i32>} : memref<512x32xf32, #tpu.memory_space<vmem>>, vector<512x32xf32>,
    %slice3A_56 = vector.extract_strided_slice %mul3A_49 {offsets = [0, 64], sizes = [512, 32], strides = [1, 1]} : vector<512x128xf32> to vector<512x32xf32>
    %swap3A_57 = arith.constant 0 : index
    %swap3A_58 = arith.constant 0 : index
    %swap3A_59 = vector.load %arg15[%swap3A_57, %swap3A_58] : memref<512x32xf32, #tpu.memory_space<vmem>>, vector<512x32xf32>
    tpu.vector_store %arg15[%swap3A_57, %swap3A_58], %slice3A_56 {strides = array<i32>} : memref<512x32xf32, #tpu.memory_space<vmem>>, vector<512x32xf32>,
    %slice3A_60 = vector.extract_strided_slice %mul3A_49 {offsets = [0, 96], sizes = [512, 32], strides = [1, 1]} : vector<512x128xf32> to vector<512x32xf32>
    %swap3A_61 = arith.constant 0 : index
    %swap3A_62 = arith.constant 0 : index
    %swap3A_63 = vector.load %arg16[%swap3A_61, %swap3A_62] : memref<512x32xf32, #tpu.memory_space<vmem>>, vector<512x32xf32>
    tpu.vector_store %arg16[%swap3A_61, %swap3A_62], %slice3A_60 {strides = array<i32>} : memref<512x32xf32, #tpu.memory_space<vmem>>, vector<512x32xf32>,
    return
  }
  func.func @transform_0(%arg0: i32) -> (i32, i32) {
    %c0_i32 = arith.constant 0 : i32
    %c0_i32_0 = arith.constant 0 : i32
    return %arg0, %c0_i32 : i32, i32
  }
  func.func @transform_1(%arg0: i32) -> (i32, i32) {
    %c0_i32 = arith.constant 0 : i32
    %c0_i32_0 = arith.constant 0 : i32
    return %arg0, %c0_i32 : i32, i32
  }
  func.func @transform_2(%arg0: i32) -> (i32, i32) {
    %c0_i32 = arith.constant 0 : i32
    %c0_i32_0 = arith.constant 0 : i32
    return %arg0, %c0_i32 : i32, i32
  }
  func.func @transform_3(%arg0: i32) -> (i32, i32) {
    %c0_i32 = arith.constant 0 : i32
    %c0_i32_0 = arith.constant 0 : i32
    return %arg0, %c0_i32 : i32, i32
  }
  func.func @transform_4(%arg0: i32) -> (i32, i32) {
    %c0_i32 = arith.constant 0 : i32
    %c0_i32_0 = arith.constant 0 : i32
    return %arg0, %c0_i32 : i32, i32
  }
  func.func @transform_5(%arg0: i32) -> (i32, i32) {
    %c0_i32 = arith.constant 0 : i32
    %c0_i32_0 = arith.constant 0 : i32
    return %arg0, %c0_i32 : i32, i32
  }
  func.func @transform_6(%arg0: i32) -> (i32, i32) {
    %c0_i32 = arith.constant 0 : i32
    %c0_i32_0 = arith.constant 0 : i32
    return %arg0, %c0_i32 : i32, i32
  }
  func.func @transform_7(%arg0: i32) -> (i32, i32) {
    %c0_i32 = arith.constant 0 : i32
    %c0_i32_0 = arith.constant 0 : i32
    return %arg0, %c0_i32 : i32, i32
  }
  func.func @transform_8(%arg0: i32) -> (i32, i32) {
    %c0_i32 = arith.constant 0 : i32
    %c0_i32_0 = arith.constant 0 : i32
    return %arg0, %c0_i32 : i32, i32
  }
  func.func @transform_9(%arg0: i32) -> (i32, i32) {
    %c0_i32 = arith.constant 0 : i32
    %c0_i32_0 = arith.constant 0 : i32
    %c0_i32_1 = arith.constant 0 : i32
    return %c0_i32, %c0_i32_0 : i32, i32
  }
  func.func @transform_10(%arg0: i32) -> (i32, i32) {
    %c0_i32 = arith.constant 0 : i32
    %c0_i32_0 = arith.constant 0 : i32
    %c0_i32_1 = arith.constant 0 : i32
    return %c0_i32, %c0_i32_0 : i32, i32
  }
  func.func @transform_11(%arg0: i32) -> (i32, i32) {
    %c0_i32 = arith.constant 0 : i32
    %c0_i32_0 = arith.constant 0 : i32
    %c0_i32_1 = arith.constant 0 : i32
    return %c0_i32, %c0_i32_0 : i32, i32
  }
  func.func @transform_12(%arg0: i32) -> (i32, i32) {
    %c0_i32 = arith.constant 0 : i32
    %c0_i32_0 = arith.constant 0 : i32
    return %arg0, %c0_i32 : i32, i32
  }
  func.func @transform_13(%arg0: i32) -> (i32, i32) {
    %c0_i32 = arith.constant 0 : i32
    %c0_i32_0 = arith.constant 0 : i32
    return %arg0, %c0_i32 : i32, i32
  }
  func.func @transform_14(%arg0: i32) -> (i32, i32) {
    %c0_i32 = arith.constant 0 : i32
    %c0_i32_0 = arith.constant 0 : i32
    return %arg0, %c0_i32 : i32, i32
  }
  func.func @transform_15(%arg0: i32) -> (i32, i32) {
    %c0_i32 = arith.constant 0 : i32
    %c0_i32_0 = arith.constant 0 : i32
    return %arg0, %c0_i32 : i32, i32
  }
}

module attributes {stable_mosaic.version = 14 : i64} {
  func.func @body(%arg0: i32, %arg1: memref<512x32xf32, #tpu.memory_space<vmem>>, %arg2: memref<512x32xf32, #tpu.memory_space<vmem>>, %arg3: memref<512x32xf32, #tpu.memory_space<vmem>>, %arg4: memref<512x32xf32, #tpu.memory_space<vmem>>, %arg5: memref<512x32xf32, #tpu.memory_space<vmem>>, %arg6: memref<512x32xf32, #tpu.memory_space<vmem>>, %arg7: memref<512x32xf32, #tpu.memory_space<vmem>>, %arg8: memref<512x32xf32, #tpu.memory_space<vmem>>, %arg9: memref<512x1xf32, #tpu.memory_space<vmem>>, %arg10: memref<1x128xf32, #tpu.memory_space<vmem>>, %arg11: memref<512x128xf32, #tpu.memory_space<vmem>>) attributes {dimension_semantics = [#tpu.dimension_semantics<arbitrary>], iteration_bounds = array<i64: 20>, scalar_prefetch = 0 : i64, scratch_operands = 0 : i64, tpu.core_type = #tpu.core_type<tc>, window_params = [{transform_indices = @transform_0, window_bounds = array<i64: 512, 32>}, {transform_indices = @transform_1, window_bounds = array<i64: 512, 32>}, {transform_indices = @transform_2, window_bounds = array<i64: 512, 32>}, {transform_indices = @transform_3, window_bounds = array<i64: 512, 32>}, {transform_indices = @transform_4, window_bounds = array<i64: 512, 32>}, {transform_indices = @transform_5, window_bounds = array<i64: 512, 32>}, {transform_indices = @transform_6, window_bounds = array<i64: 512, 32>}, {transform_indices = @transform_7, window_bounds = array<i64: 512, 32>}, {transform_indices = @transform_8, window_bounds = array<i64: 512, 1>}, {pipeline_mode = #tpu.pipeline_mode<synchronous>, transform_indices = @transform_9, window_bounds = array<i64: 1, 128>}, {transform_indices = @transform_10, window_bounds = array<i64: 512, 128>}]} {
    %get3A = arith.constant 0 : index
    %get3A_0 = arith.constant 0 : index
    %get3A_1 = vector.load %arg9[%get3A, %get3A_0] : memref<512x1xf32, #tpu.memory_space<vmem>>, vector<512x1xf32>
    %rsqrt3A = math.rsqrt %get3A_1 : vector<512x1xf32>
    %get3A_2 = arith.constant 0 : index
    %get3A_3 = arith.constant 0 : index
    %get3A_4 = vector.load %arg1[%get3A_2, %get3A_3] : memref<512x32xf32, #tpu.memory_space<vmem>>, vector<512x32xf32>
    %get3A_5 = arith.constant 0 : index
    %get3A_6 = arith.constant 0 : index
    %get3A_7 = vector.load %arg5[%get3A_5, %get3A_6] : memref<512x32xf32, #tpu.memory_space<vmem>>, vector<512x32xf32>
    %add3A = arith.addf %get3A_4, %get3A_7 : vector<512x32xf32>
    %get3A_8 = arith.constant 0 : index
    %get3A_9 = arith.constant 0 : index
    %get3A_10 = vector.load %arg2[%get3A_8, %get3A_9] : memref<512x32xf32, #tpu.memory_space<vmem>>, vector<512x32xf32>
    %get3A_11 = arith.constant 0 : index
    %get3A_12 = arith.constant 0 : index
    %get3A_13 = vector.load %arg6[%get3A_11, %get3A_12] : memref<512x32xf32, #tpu.memory_space<vmem>>, vector<512x32xf32>
    %add3A_14 = arith.addf %get3A_10, %get3A_13 : vector<512x32xf32>
    %get3A_15 = arith.constant 0 : index
    %get3A_16 = arith.constant 0 : index
    %get3A_17 = vector.load %arg3[%get3A_15, %get3A_16] : memref<512x32xf32, #tpu.memory_space<vmem>>, vector<512x32xf32>
    %get3A_18 = arith.constant 0 : index
    %get3A_19 = arith.constant 0 : index
    %get3A_20 = vector.load %arg7[%get3A_18, %get3A_19] : memref<512x32xf32, #tpu.memory_space<vmem>>, vector<512x32xf32>
    %add3A_21 = arith.addf %get3A_17, %get3A_20 : vector<512x32xf32>
    %get3A_22 = arith.constant 0 : index
    %get3A_23 = arith.constant 0 : index
    %get3A_24 = vector.load %arg4[%get3A_22, %get3A_23] : memref<512x32xf32, #tpu.memory_space<vmem>>, vector<512x32xf32>
    %get3A_25 = arith.constant 0 : index
    %get3A_26 = arith.constant 0 : index
    %get3A_27 = vector.load %arg8[%get3A_25, %get3A_26] : memref<512x32xf32, #tpu.memory_space<vmem>>, vector<512x32xf32>
    %add3A_28 = arith.addf %get3A_24, %get3A_27 : vector<512x32xf32>
    %concatenate3A = tpu.concatenate %add3A, %add3A_14, %add3A_21, %add3A_28 in 1 : vector<512x32xf32>, vector<512x32xf32>, vector<512x32xf32>, vector<512x32xf32> -> vector<512x128xf32>
    %mul3A = vector.broadcast %rsqrt3A : vector<512x1xf32> to vector<512x128xf32>
    %mul3A_29 = arith.mulf %concatenate3A, %mul3A : vector<512x128xf32>
    %get3A_30 = arith.constant 0 : index
    %get3A_31 = arith.constant 0 : index
    %get3A_32 = vector.load %arg10[%get3A_30, %get3A_31] : memref<1x128xf32, #tpu.memory_space<vmem>>, vector<1x128xf32>
    %add3A_33 = vector.broadcast %get3A_32 : vector<1x128xf32> to vector<512x128xf32>
    %add3A_34 = arith.addf %mul3A_29, %add3A_33 : vector<512x128xf32>
    %swap3A = arith.constant 0 : index
    %swap3A_35 = arith.constant 0 : index
    %swap3A_36 = vector.load %arg11[%swap3A, %swap3A_35] : memref<512x128xf32, #tpu.memory_space<vmem>>, vector<512x128xf32>
    tpu.vector_store %arg11[%swap3A, %swap3A_35], %add3A_34 {strides = array<i32>} : memref<512x128xf32, #tpu.memory_space<vmem>>, vector<512x128xf32>,
    return
  }
  func.func @transform_0(%arg0: i32) -> (i32, i32) {
    %c0_i32 = arith.constant 0 : i32
    %c0_i32_0 = arith.constant 0 : i32
    return %arg0, %c0_i32 : i32, i32
  }
  func.func @transform_1(%arg0: i32) -> (i32, i32) {
    %c0_i32 = arith.constant 0 : i32
    %c0_i32_0 = arith.constant 0 : i32
    return %arg0, %c0_i32 : i32, i32
  }
  func.func @transform_2(%arg0: i32) -> (i32, i32) {
    %c0_i32 = arith.constant 0 : i32
    %c0_i32_0 = arith.constant 0 : i32
    return %arg0, %c0_i32 : i32, i32
  }
  func.func @transform_3(%arg0: i32) -> (i32, i32) {
    %c0_i32 = arith.constant 0 : i32
    %c0_i32_0 = arith.constant 0 : i32
    return %arg0, %c0_i32 : i32, i32
  }
  func.func @transform_4(%arg0: i32) -> (i32, i32) {
    %c0_i32 = arith.constant 0 : i32
    %c0_i32_0 = arith.constant 0 : i32
    return %arg0, %c0_i32 : i32, i32
  }
  func.func @transform_5(%arg0: i32) -> (i32, i32) {
    %c0_i32 = arith.constant 0 : i32
    %c0_i32_0 = arith.constant 0 : i32
    return %arg0, %c0_i32 : i32, i32
  }
  func.func @transform_6(%arg0: i32) -> (i32, i32) {
    %c0_i32 = arith.constant 0 : i32
    %c0_i32_0 = arith.constant 0 : i32
    return %arg0, %c0_i32 : i32, i32
  }
  func.func @transform_7(%arg0: i32) -> (i32, i32) {
    %c0_i32 = arith.constant 0 : i32
    %c0_i32_0 = arith.constant 0 : i32
    return %arg0, %c0_i32 : i32, i32
  }
  func.func @transform_8(%arg0: i32) -> (i32, i32) {
    %c0_i32 = arith.constant 0 : i32
    %c0_i32_0 = arith.constant 0 : i32
    return %arg0, %c0_i32 : i32, i32
  }
  func.func @transform_9(%arg0: i32) -> (i32, i32) {
    %c0_i32 = arith.constant 0 : i32
    %c0_i32_0 = arith.constant 0 : i32
    %c0_i32_1 = arith.constant 0 : i32
    return %c0_i32, %c0_i32_0 : i32, i32
  }
  func.func @transform_10(%arg0: i32) -> (i32, i32) {
    %c0_i32 = arith.constant 0 : i32
    %c0_i32_0 = arith.constant 0 : i32
    return %arg0, %c0_i32 : i32, i32
  }
}

</mosaic_0001>

<sc_bundles>
// kernel: kernel.10.cloned.1.call-start
scs
__scs_entry_jumppad:
0x0: {  	(pc) =	sbr.rel $0x88, $3  }
0x1: {  	(tag) =	ssettag $0x0;
	lr =	simm.s32 $0x1  }
0x2: {  	[smem:$0x3F91] =	sst lr;
	_ =	strace $0xD0000000  }
0x3: {  	_ = 	snop  }
0x4: {  	_ = 	snop  }
0x5: {  	_ = 	snop  }
0x6: {  	_ = 	snop  }
0x7: {  	_ = 	snop  }
__scs_overlays_trampoline_lowered:
0x8: {  	[smem:$0x3FA0] =	sst s0  }
0x9: {  	[smem:$0x3FA1] =	sst s1  }
0xa: {  	[smem:$0x3FA2] =	sst s2  }
0xb: {  	[smem:$0x3FA3] =	sst s3  }
0xc: {  	[smem:$0x3FA4] =	sst s4  }
0xd: {  	[smem:$0x3FA5] =	sst s5  }
0xe: {  	[smem:$0x3FA6] =	sst s6  }
0xf: {  	[smem:$0x3FA7] =	sst s7  }
0x10: {  	[smem:$0x3FA8] =	sst s8  }
0x11: {  	[smem:$0x3FA9] =	sst s9;
	s0 =	simm.s32 @!p0 $0x0  }
0x12: {  	s1 =	sld [smem:$0x3F8F];
	s0 =	simm.s32 @p0 $0x1  }
0x13: {  	[smem:$0x3FAA] =	sst s0;
	s0 =	simm.s32 @!p1 $0x0  }
0x14: {  	s2 =	sld [smem:$0x3F8E];
	s0 =	simm.s32 @p1 $0x1  }
0x15: {  	[smem:$0x3FAB] =	sst s0;
	s0 =	simm.s32 @!p2 $0x0  }
0x16: {  	s3 =	sld [smem:$0x3FDB];
	s0 =	simm.s32 @p2 $0x1  }
0x17: {  	s4 =	simm.s32 $0x1BF5;
	[smem:$0x3FAD] =	sst s0  }
0x18: {  	s0 =	sld [smem:$0x3F90];
	_ =	swait.ge [sflag:s4], $0x0  }
0x19: {  	s7 =	sld [smem:$0x3F91]  }
0x1a: {  	s8 =	sadd.s32 $0xFFFFE003, lr  }
0x1b: {  	s9 =	sadd.s32 $0xFFFFFEF7, lr;
	s5 =	simm.s32 $0xFFFFFFFF;
	p2 =	slt.u32 s8, $0xFFFFF086  }
0x1c: {  	p1 =	slt.u32 s9, $0xF7A;
	s5 =	simm.s32 @!p2 $0x0  }
0x1d: {  	s5 =	simm.s32 @p1 $0x1;
	p0 =	seq.s32 s7, s2  }
0x1e: {  	s7 =	smul.u32 @!p0 $0xF7A, s2;
	p2 =	seq.s32 @!p0 s5, $0x0  }
0x1f: {  	s9 =	smul.u32 $0xF7A, s1;
	s8 =	simm.s32 @!p0 $0x1BF5;
	p2 =	por !p2, p0  }
0x20: {  	[sflag:s8] =	ssyncset.s32 @!p0 $0xFFFFF086;
	s6 =	sadd.s32 @!p0 s3, s7;
	s7 =	simm.s32 @!p0 $0x108  }
0x21: {  	s3 =	sadd.s32 s3, s9;
	s6 =	sadd.s32 @!p0 $0x88, s6;
	s7 =	simm.s32 @p2 $0x1082  }
0x22: {  	[simem:s7], [sflag:s8] =	dma.local @!p0 [hbm:s6], $0xF7A  }
0x23: {  	s9 =	sor.u32 $0xD0000000, s2;
	s6 =	simm.s32 $0x108;
	_ =	swait.ge @!p0 [sflag:s8], $0x0  }
0x24: {  	s3 =	sadd.s32 $0x88, s3;
	s6 =	simm.s32 @!p1 $0x1082;
	[sflag:s4] =	ssyncset.s32 $0xFFFFF086  }
0x25: {  	[simem:s6], [sflag:s4] =	dma.local [hbm:s3], $0xF7A  }
0x26: {  	[smem:$0x3F91] =	sst s1;
	(tag) =	ssettag s2;
	_ =	strace s9  }
0x27: {  	s1 =	sld [smem:$0x3FA1]  }
0x28: {  	s2 =	sld [smem:$0x3FA2]  }
0x29: {  	s4 =	sld [smem:$0x3FA4]  }
0x2a: {  	p0 =	seq.s32 s5, $0x0;
	s5 =	sld [smem:$0x3FA5]  }
0x2b: {  	s6 =	sld [smem:$0x3FA6]  }
0x2c: {  	s7 =	sld [smem:$0x3FA7]  }
0x2d: {  	s3 =	simm.s32 $0x108;
	s8 =	sld [smem:$0x3FA8]  }
0x2e: {  	s3 =	simm.s32 @!p0 $0x1082;
	s9 =	sld [smem:$0x3FA9]  }
0x2f: {  	lr =	sadd.s32 s0, s3;
	s0 =	sld [smem:$0x3FA0]  }
0x30: {  	s3 =	sld [smem:$0x3FA3]  }
0x31: {  	[smem:$0x3FAC] =	sst s10  }
0x32: {  	s10 =	sld [smem:$0x3FAA];
	_ =	sdelay $0x3  }
0x33: {  	p0 =	seq.s32 s10, $0x1;
	s10 =	sld [smem:$0x3FAC];
	_ =	sdelay $0x3  }
0x34: {  	[smem:$0x3FAC] =	sst s10  }
0x35: {  	s10 =	sld [smem:$0x3FAB];
	_ =	sdelay $0x3  }
0x36: {  	p1 =	seq.s32 s10, $0x1;
	s10 =	sld [smem:$0x3FAC];
	_ =	sdelay $0x3  }
0x37: {  	[smem:$0x3FAC] =	sst s10  }
0x38: {  	s10 =	sld [smem:$0x3FAD]  }
0x39: {  	_ = 	snop;
	(pc) =	sbr.ind lr, $3  }
0x3a: {  	_ = 	snop  }
0x3b: {  	_ = 	snop  }
0x3c: {  	p2 =	seq.s32 s10, $0x1;
	s10 =	sld [smem:$0x3FAC]  }
0x3d: {  	_ =	shalt  }
0x3e: {  	_ =	shalt  }
0x3f: {  	_ =	shalt  }
0x40: {  	_ =	shalt  }
0x41: {  	_ =	shalt  }
0x42: {  	_ =	shalt  }
0x43: {  	_ =	shalt  }
0x44: {  	_ =	shalt  }
0x45: {  	_ =	shalt  }
0x46: {  	_ =	shalt  }
0x47: {  	_ =	shalt  }
0x48: {  	_ =	shalt  }
0x49: {  	_ =	shalt  }
0x4a: {  	_ =	shalt  }
0x4b: {  	_ =	shalt  }
0x4c: {  	_ =	shalt  }
0x4d: {  	_ =	shalt  }
0x4e: {  	_ =	shalt  }
0x4f: {  	_ =	shalt  }
0x50: {  	_ =	shalt  }
0x51: {  	_ =	shalt  }
0x52: {  	_ =	shalt  }
0x53: {  	_ =	shalt  }
0x54: {  	_ =	shalt  }
0x55: {  	_ =	shalt  }
0x56: {  	_ =	shalt  }
0x57: {  	_ =	shalt  }
0x58: {  	_ =	shalt  }
0x59: {  	_ =	shalt  }
0x5a: {  	_ =	shalt  }
0x5b: {  	_ =	shalt  }
0x5c: {  	_ =	shalt  }
0x5d: {  	_ =	shalt  }
0x5e: {  	_ =	shalt  }
0x5f: {  	_ =	shalt  }
0x60: {  	_ =	shalt  }
0x61: {  	_ =	shalt  }
0x62: {  	_ =	shalt  }
0x63: {  	_ =	shalt  }
0x64: {  	_ =	shalt  }
0x65: {  	_ =	shalt  }
0x66: {  	_ =	shalt  }
0x67: {  	_ =	shalt  }
0x68: {  	_ =	shalt  }
0x69: {  	_ =	shalt  }
0x6a: {  	_ =	shalt  }
0x6b: {  	_ =	shalt  }
0x6c: {  	_ =	shalt  }
0x6d: {  	_ =	shalt  }
0x6e: {  	_ =	shalt  }
0x6f: {  	_ =	shalt  }
0x70: {  	_ =	shalt  }
0x71: {  	_ =	shalt  }
0x72: {  	_ =	shalt  }
0x73: {  	_ =	shalt  }
0x74: {  	_ =	shalt  }
0x75: {  	_ =	shalt  }
0x76: {  	_ =	shalt  }
0x77: {  	_ =	shalt  }
0x78: {  	_ =	shalt  }
0x79: {  	_ =	shalt  }
0x7a: {  	_ =	shalt  }
0x7b: {  	_ =	shalt  }
0x7c: {  	_ =	shalt  }
0x7d: {  	_ =	shalt  }
0x7e: {  	_ =	shalt  }
0x7f: {  	_ =	shalt  }
0x80: {  	_ =	shalt  }
0x81: {  	_ =	shalt  }
0x82: {  	_ =	shalt  }
0x83: {  	_ =	shalt  }
0x84: {  	_ =	shalt  }
0x85: {  	_ =	shalt  }
0x86: {  	_ =	shalt  }
0x87: {  	_ =	shalt  }
.Lfunc_end0:
.L_simem_size_0:
called_computation_lowered:
.L_overlay_start_0:
0x88: {  	s2 =	sld [smem:$0x3FD9]  }
0x89: {  	s3 =	sld [smem:$0x3FFE];
	_ =	sdelay $0x1  }
0x8a: {  	s1 =	srdreg.scid  }
0x8b: {  	s0 =	sand.u32 $0x1, s1  }
0x8c: {  	s17 =	sshll.u32 s0, $0xA;
	s2 =	sadd.s32 s3, s2  }
0x8d: {  	s2 =	sadd.s32 s2, s17  }
0x8e: {  	[smem:$0x3FB8] =	sst s2  }
0x8f: {  	_ = 	snop  }
0x90: {  	s2 =	sld [smem:$0x3FD0];
	(tm) =	ssettm $0x1  }
0x91: {  	s18 =	sld [smem:$0x3FFB];
	_ =	sdelay $0x3  }
0x92: {  	_ =	strace s18  }
0x93: {  	s3 =	sld [smem:$0x3FFC];
	_ =	sdelay $0x3  }
0x94: {  	_ =	strace s3  }
0x95: {  	s3 =	sld [smem:$0x3FFD];
	_ =	sdelay $0x3  }
0x96: {  	_ =	strace s3  }
0x97: {  	_ =	strace $0x8FFFFFFF  }
0x98: {  	s19 =	sld [smem:$0x3FDB];
	_ =	sdelay $0x1  }
0x99: {  	s4 =	simm.s32 $_scs_section_size  }
0x9a: {  	s5 =	simm.s32 $_size__tile_overlayer_lowered;
	s6 =	simm.s32 $_tile_overlayer_lowered  }
0x9b: {  	s22 =	simm.s32 $0x1BFF;
	s21 =	sshll.u32 s6, $0x1;
	s3 =	sadd.s32 s4, s19  }
0x9c: {  	s7 =	simm.s32 $0x0;
	s20 =	sshll.u32 s5, $0x1;
	s5 =	sadd.s32 s21, s3  }
0x9d: {  	[timem:s7], [sflag:s22] =	dma.local [hbm:s5], s20  }
0x9e: {  	_ =	swait.ge [sflag:s22], s20  }
0x9f: {  	s4 =	ssub.s32 $0x0, s20;
	[sflag:s22] =	ssyncset.done $0x0  }
0xa0: {  	[sflag:s22] =	ssyncadd.s32 s4;
	_ =	sdelay $0x1  }
0xa1: {  	s23 =	simm.s32 $0x1B8B  }
0xa2: {  	_ =	swait.ge [sflag:s23], $0x1  }
0xa3: {  	[sflag:s23] =	ssyncset.done $0x0  }
0xa4: {  	s25 =	simm.s32 $0x1B8E;
	s24 =	sld [smem:$0x3FFE];
	[sflag:s23] =	ssyncadd.s32 $0xFFFFFFFF  }
0xa5: {  	s26 =	simm.s32 $execute0_lowered;
	[smem:$0x3FD2] =	sst s25  }
0xa6: {  	s5 =	sshll.u32 s26, $0x1;
	_ =	strace $0x80000046;
	[dreg:$0x1] =	wrdreg $0xFFFFFFFF  }
0xa7: {  	s28 =	simm.s32 $_size_execute0_lowered;
	s3 =	sadd.s32 s3, s5;
	[dreg:$0x0] =	wrdreg $0x0  }
0xa8: {  	s5 =	sshll.u32 s28, $0x1;
	[dreg:$0x2] =	wrdreg s3  }
0xa9: {  	[dreg:$0x3] =	wrdreg s5  }
0xaa: {  	[dreg:$0x4] =	wrdreg $0xC0  }
0xab: {  	_ =	task [dreg:s7], $0x5FFFF  }
0xac: {  	[dreg:$0x1] =	wrdreg $0xFFFFFFFF  }
0xad: {  	[dreg:$0x0] =	wrdreg $0x60  }
0xae: {  	[dreg:$0x2] =	wrdreg s2  }
0xaf: {  	[dreg:$0x3] =	wrdreg s24  }
0xb0: {  	[dreg:$0x4] =	wrdreg $0x50800  }
0xb1: {  	[dreg:$0x5] =	wrdreg $0x9  }
0xb2: {  	_ =	task.clear_ibuf [dreg:s7], $0x6FFFF;
	_ =	strace $0x90000046  }
0xb3: {  	s29 =	simm.s32 $0x9;
	_ =	strace $0x80000048  }
0xb4: {  	_ =	swait.ge [sflag:s29], $0x1  }
0xb5: {  	[sflag:s29] =	ssyncadd.s32 $0xFFFFFFFF  }
0xb6: {  	_ =	strace $0x90000048  }
0xb7: {  	_ =	sfence  }
0xb8: {  	s30 =	sld [smem:$0x0];
	_ =	sdelay $0x2  }
0xb9: {  	s31 =	sshll.u32 s1, $0xD;
	s1 =	sshrl.u32 s1, $0x2  }
0xba: {  	s3 =	sand.u32 $0x4000, s31;
	s1 =	sadd.s32 s1, s30  }
0xbb: {  	s0 =	sor.u32 s3, s0;
	s1 =	sshll.u32 s1, $0x11  }
0xbc: {  	s0 =	sor.u32 s1, s0  }
0xbd: {  	s0 =	sadd.s32 $0x8F2B, s0  }
0xbe: {  	[sflag:s0] =	ssyncadd.remote.s32 $0x1  }
0xbf: {  	_ =	sfence.sel $0xFFFF  }
0xc0: {  	[dreg:$0x0] =	wrdreg $0xFFFFFFFF;
	(pc) =	sbr.abs _section_cstart, $3  }
0xc1: {  	[dreg:$0x1] =	wrdreg $0xFFFFFFFF  }
0xc2: {  	_ =	task.clear_ibuf [dreg:s7], $0x2FFFF;
	_ =	strace $0x9FFFFFFF  }
0xc3: {  	(tm) =	ssettm $0x7FFFFFFF  }
tec
execute0_lowered:
.L_overlay_start_1:
0x0: {  	(tag) =	ssettag $0x1  }
0x1: {  	s1 =	srdreg.scid  }
0x2: {  	s1 =	sand.u32 $0x1, s1  }
0x3: {  	p0 =	seq.s32 s1, $0x1  }
.Ltmp0:
0x4: {  	s3 =	rddreg [dreg:$0x0];
	(pc) =	sbr.rel @p0 .LBB2_4-.Ltmp0, $4  }
0x5: {  	s4 =	rddreg [dreg:$0x1]  }
0x6: {  	s2 =	rddreg [dreg:$0x2];
	s5 =	simm.s32 $0x0  }
0x7: {  	[smem:$0x7FF] =	sst s5  }
0x8: {  	s0 =	rddreg [dreg:$0x3];
	_ =	strace $0x80000047;
	s1 =	stileid.u32  }
0x9: {  	s6 =	smul.u32 $0xA00, s1;
	_ =	sdelay $0x1  }
0xa: {  	s3 =	sadd.s32 s3, s6  }
0xb: {  	[tilespmem:s5], [sflag:$0x1] =	stream.linear.gather [hbm4b:s3+s5], $0x4E80, $0x38;
	[tilespmem:$0x5300] =	vst v63  }
0xc: {  	s3 =	simm.s32 $0x1  }
0xd: {  	_ =	swait.ge [sflag:s3], $0x4E80  }
0xe: {  	[sflag:s3] =	ssyncset.done $0x0  }
0xf: {  	v0 =	vimm.f32 $1.000000000e+00;
	[sflag:s3] =	ssyncadd.s32 $0xFFFFB180  }
0x10: {  	[tilespmem:$0x5000] =	vst v0  }
0x11: {  	[tilespmem:$0x5010] =	vst v0  }
0x12: {  	[tilespmem:$0x5020] =	vst v0  }
0x13: {  	[tilespmem:$0x5030] =	vst v0  }
0x14: {  	s28 =	smul.u32 $0x280, s1;
	[tilespmem:$0x5040] =	vst v0  }
0x15: {  	s29 =	sadd.s32 $0x6800, s4;
	[tilespmem:$0x5050] =	vst v0  }
0x16: {  	s30 =	sshll.u32 s1, $0x6;
	s9 =	sshrl.u32 s28, $0x3;
	s7 =	sadd.s32 s28, s2;
	[tilespmem:$0x5060] =	vst v0  }
0x17: {  	s8 =	sadd.s32 s29, s9;
	s5 =	sor.u32 $0x1C01, s30;
	s6 =	sshrl.u32 s7, $0x3;
	[tilespmem:$0x5070] =	vst v0  }
0x18: {  	[spmem:s6], [sflag:s5] =	dma.local [hbm:s8], $0x50  }
0x19: {  	_ =	swait.ge [sflag:s3], $0x50  }
0x1a: {  	[sflag:s3] =	ssyncset.done $0x0  }
0x1b: {  	s10 =	simm.s32 $0x0;
	[sflag:s3] =	ssyncadd.s32 $0xFFFFFFB0  }
0x1c: {  	s7 =	simm.s32 $0x80;
	s8 =	simm.s32 $0x5000;
	[bflag:$0x0] =	sbarrier.arrive $0xFFFF  }
0x1d: {  	[spmem:s2] =	stream.indirect.scatter.add.f32 [tilespmem:s8], [sflag:$0x1], $0x1, s10, s7, $0xb8;
	[tilespmem:$0x5300] =	vst v63  }
0x1e: {  	s31 =	sadd.s32 s9, s4;
	_ =	swait.ge [sflag:s3], $0x80  }
0x1f: {  	s9 =	simm.s32 $0x200;
	s4 =	sadd.s32 $0x6E00, s31;
	[sflag:s3] =	ssyncset.done $0x0  }
.LBB2_2:
0x20: {  	s10 =	sshra.s32 s9, $0x2;
	[sflag:s3] =	ssyncadd.s32 $0xFFFFFF80;
	p0 =	sne.s32 s9, $0x13800  }
0x21: {  	[spmem:s2] =	stream.indirect.scatter.add.f32 [tilespmem:s8], [sflag:$0x1], $0x1, s10, s7, $0xb8;
	[tilespmem:$0x5300] =	vst v63  }
.Ltmp1:
0x22: {  	_ = 	snop;
	(pc) =	sbr.rel @p0 .LBB2_2-.Ltmp1, $4  }
0x23: {  	_ = 	snop  }
0x24: {  	s9 =	sadd.s32 $0x200, s9  }
0x25: {  	_ =	swait.ge [sflag:s3], $0x80  }
0x26: {  	[sflag:s3] =	ssyncset.done $0x0  }
0x27: {  	[sflag:s3] =	ssyncadd.s32 $0xFFFFFF80  }
0x28: {  	s2 =	simm.s32 $0x1;
	[bflag:$0x0] =	sbarrier.arrive $0xFFFF  }
0x29: {  	[hbm:s4], [sflag:s5] =	dma.local [spmem:s6], $0x50  }
0x2a: {  	_ =	swait.ge [sflag:s2], $0x50  }
0x2b: {  	[sflag:s2] =	ssyncset.done $0x0  }
0x2c: {  	[sflag:s2] =	ssyncadd.s32 $0xFFFFFFB0  }
.LBB2_4:
0x2d: {  	_ =	sfence.sel $0x180000  }
0x2e: {  	[bflag:$0x0] =	sbarrier.arrive $0xFFFF  }
0x2f: {  	p0 =	sne.s32 s1, $0x0;
	_ =	strace $0x90000047  }
0x30: {  	s0 =	sadd.s32 @!p0 $0x100000, s0;
	[bflag:$0x2] =	sbarrier.arrive $0xFFFF  }
0x31: {  	[sflag:s0] =	ssyncadd.tile.s32 @!p0 $0x1;
	_ =	shalt  }
.Lfunc_end2:
_tile_overlayer_lowered:
.L_overlay_start_2:
0x32: {  	(tag) =	ssettag $0x2  }
0x33: {  	s0 =	rddreg [dreg:$0x0];
	s2 =	stileid.u32  }
0x34: {  	s1 =	rddreg [dreg:$0x1];
	p0 =	sne.s32 s2, $0x0  }
0x35: {  	s3 =	rddreg [dreg:$0x2];
	[bflag:$0x3] =	sbarrier.arrive $0xFFFF;
	s2 =	simm.s32 @!p0 $0x1C01  }
0x36: {  	[timem:s3], [sflag:s2] =	dma.local @!p0 [hbm:s0], s1  }
0x37: {  	s0 =	simm.s32 @!p0 $0x1  }
0x38: {  	_ =	swait.ge @!p0 [sflag:s0], s1  }
0x39: {  	s1 =	ssub.s32 @!p0 $0x0, s1;
	[sflag:s0] =	ssyncset.done @!p0 $0x0  }
0x3a: {  	[sflag:s0] =	ssyncadd.s32 @!p0 s1  }
0x3b: {  	[bflag:$0x3] =	sbarrier.arrive $0xFFFF  }
0x3c: {  	_ =	shalt  }

// kernel: kernel.13.cloned.1.call-start
scs
__scs_entry_jumppad:
0x0: {  	(pc) =	sbr.rel $0x88, $3  }
0x1: {  	(tag) =	ssettag $0x0;
	lr =	simm.s32 $0x1  }
0x2: {  	[smem:$0x3F91] =	sst lr;
	_ =	strace $0xD0000000  }
0x3: {  	_ = 	snop  }
0x4: {  	_ = 	snop  }
0x5: {  	_ = 	snop  }
0x6: {  	_ = 	snop  }
0x7: {  	_ = 	snop  }
__scs_overlays_trampoline_lowered:
0x8: {  	[smem:$0x3FA0] =	sst s0  }
0x9: {  	[smem:$0x3FA1] =	sst s1  }
0xa: {  	[smem:$0x3FA2] =	sst s2  }
0xb: {  	[smem:$0x3FA3] =	sst s3  }
0xc: {  	[smem:$0x3FA4] =	sst s4  }
0xd: {  	[smem:$0x3FA5] =	sst s5  }
0xe: {  	[smem:$0x3FA6] =	sst s6  }
0xf: {  	[smem:$0x3FA7] =	sst s7  }
0x10: {  	[smem:$0x3FA8] =	sst s8  }
0x11: {  	[smem:$0x3FA9] =	sst s9;
	s0 =	simm.s32 @!p0 $0x0  }
0x12: {  	s1 =	sld [smem:$0x3F8F];
	s0 =	simm.s32 @p0 $0x1  }
0x13: {  	[smem:$0x3FAA] =	sst s0;
	s0 =	simm.s32 @!p1 $0x0  }
0x14: {  	s2 =	sld [smem:$0x3F8E];
	s0 =	simm.s32 @p1 $0x1  }
0x15: {  	[smem:$0x3FAB] =	sst s0;
	s0 =	simm.s32 @!p2 $0x0  }
0x16: {  	s3 =	sld [smem:$0x3FDB];
	s0 =	simm.s32 @p2 $0x1  }
0x17: {  	s4 =	simm.s32 $0x1BF5;
	[smem:$0x3FAD] =	sst s0  }
0x18: {  	s0 =	sld [smem:$0x3F90];
	_ =	swait.ge [sflag:s4], $0x0  }
0x19: {  	s7 =	sld [smem:$0x3F91]  }
0x1a: {  	s8 =	sadd.s32 $0xFFFFE003, lr  }
0x1b: {  	s9 =	sadd.s32 $0xFFFFFEF7, lr;
	s5 =	simm.s32 $0xFFFFFFFF;
	p2 =	slt.u32 s8, $0xFFFFF086  }
0x1c: {  	p1 =	slt.u32 s9, $0xF7A;
	s5 =	simm.s32 @!p2 $0x0  }
0x1d: {  	s5 =	simm.s32 @p1 $0x1;
	p0 =	seq.s32 s7, s2  }
0x1e: {  	s7 =	smul.u32 @!p0 $0xF7A, s2;
	p2 =	seq.s32 @!p0 s5, $0x0  }
0x1f: {  	s9 =	smul.u32 $0xF7A, s1;
	s8 =	simm.s32 @!p0 $0x1BF5;
	p2 =	por !p2, p0  }
0x20: {  	[sflag:s8] =	ssyncset.s32 @!p0 $0xFFFFF086;
	s6 =	sadd.s32 @!p0 s3, s7;
	s7 =	simm.s32 @!p0 $0x108  }
0x21: {  	s3 =	sadd.s32 s3, s9;
	s6 =	sadd.s32 @!p0 $0x88, s6;
	s7 =	simm.s32 @p2 $0x1082  }
0x22: {  	[simem:s7], [sflag:s8] =	dma.local @!p0 [hbm:s6], $0xF7A  }
0x23: {  	s9 =	sor.u32 $0xD0000000, s2;
	s6 =	simm.s32 $0x108;
	_ =	swait.ge @!p0 [sflag:s8], $0x0  }
0x24: {  	s3 =	sadd.s32 $0x88, s3;
	s6 =	simm.s32 @!p1 $0x1082;
	[sflag:s4] =	ssyncset.s32 $0xFFFFF086  }
0x25: {  	[simem:s6], [sflag:s4] =	dma.local [hbm:s3], $0xF7A  }
0x26: {  	[smem:$0x3F91] =	sst s1;
	(tag) =	ssettag s2;
	_ =	strace s9  }
0x27: {  	s1 =	sld [smem:$0x3FA1]  }
0x28: {  	s2 =	sld [smem:$0x3FA2]  }
0x29: {  	s4 =	sld [smem:$0x3FA4]  }
0x2a: {  	p0 =	seq.s32 s5, $0x0;
	s5 =	sld [smem:$0x3FA5]  }
0x2b: {  	s6 =	sld [smem:$0x3FA6]  }
0x2c: {  	s7 =	sld [smem:$0x3FA7]  }
0x2d: {  	s3 =	simm.s32 $0x108;
	s8 =	sld [smem:$0x3FA8]  }
0x2e: {  	s3 =	simm.s32 @!p0 $0x1082;
	s9 =	sld [smem:$0x3FA9]  }
0x2f: {  	lr =	sadd.s32 s0, s3;
	s0 =	sld [smem:$0x3FA0]  }
0x30: {  	s3 =	sld [smem:$0x3FA3]  }
0x31: {  	[smem:$0x3FAC] =	sst s10  }
0x32: {  	s10 =	sld [smem:$0x3FAA];
	_ =	sdelay $0x3  }
0x33: {  	p0 =	seq.s32 s10, $0x1;
	s10 =	sld [smem:$0x3FAC];
	_ =	sdelay $0x3  }
0x34: {  	[smem:$0x3FAC] =	sst s10  }
0x35: {  	s10 =	sld [smem:$0x3FAB];
	_ =	sdelay $0x3  }
0x36: {  	p1 =	seq.s32 s10, $0x1;
	s10 =	sld [smem:$0x3FAC];
	_ =	sdelay $0x3  }
0x37: {  	[smem:$0x3FAC] =	sst s10  }
0x38: {  	s10 =	sld [smem:$0x3FAD]  }
0x39: {  	_ = 	snop;
	(pc) =	sbr.ind lr, $3  }
0x3a: {  	_ = 	snop  }
0x3b: {  	_ = 	snop  }
0x3c: {  	p2 =	seq.s32 s10, $0x1;
	s10 =	sld [smem:$0x3FAC]  }
0x3d: {  	_ =	shalt  }
0x3e: {  	_ =	shalt  }
0x3f: {  	_ =	shalt  }
0x40: {  	_ =	shalt  }
0x41: {  	_ =	shalt  }
0x42: {  	_ =	shalt  }
0x43: {  	_ =	shalt  }
0x44: {  	_ =	shalt  }
0x45: {  	_ =	shalt  }
0x46: {  	_ =	shalt  }
0x47: {  	_ =	shalt  }
0x48: {  	_ =	shalt  }
0x49: {  	_ =	shalt  }
0x4a: {  	_ =	shalt  }
0x4b: {  	_ =	shalt  }
0x4c: {  	_ =	shalt  }
0x4d: {  	_ =	shalt  }
0x4e: {  	_ =	shalt  }
0x4f: {  	_ =	shalt  }
0x50: {  	_ =	shalt  }
0x51: {  	_ =	shalt  }
0x52: {  	_ =	shalt  }
0x53: {  	_ =	shalt  }
0x54: {  	_ =	shalt  }
0x55: {  	_ =	shalt  }
0x56: {  	_ =	shalt  }
0x57: {  	_ =	shalt  }
0x58: {  	_ =	shalt  }
0x59: {  	_ =	shalt  }
0x5a: {  	_ =	shalt  }
0x5b: {  	_ =	shalt  }
0x5c: {  	_ =	shalt  }
0x5d: {  	_ =	shalt  }
0x5e: {  	_ =	shalt  }
0x5f: {  	_ =	shalt  }
0x60: {  	_ =	shalt  }
0x61: {  	_ =	shalt  }
0x62: {  	_ =	shalt  }
0x63: {  	_ =	shalt  }
0x64: {  	_ =	shalt  }
0x65: {  	_ =	shalt  }
0x66: {  	_ =	shalt  }
0x67: {  	_ =	shalt  }
0x68: {  	_ =	shalt  }
0x69: {  	_ =	shalt  }
0x6a: {  	_ =	shalt  }
0x6b: {  	_ =	shalt  }
0x6c: {  	_ =	shalt  }
0x6d: {  	_ =	shalt  }
0x6e: {  	_ =	shalt  }
0x6f: {  	_ =	shalt  }
0x70: {  	_ =	shalt  }
0x71: {  	_ =	shalt  }
0x72: {  	_ =	shalt  }
0x73: {  	_ =	shalt  }
0x74: {  	_ =	shalt  }
0x75: {  	_ =	shalt  }
0x76: {  	_ =	shalt  }
0x77: {  	_ =	shalt  }
0x78: {  	_ =	shalt  }
0x79: {  	_ =	shalt  }
0x7a: {  	_ =	shalt  }
0x7b: {  	_ =	shalt  }
0x7c: {  	_ =	shalt  }
0x7d: {  	_ =	shalt  }
0x7e: {  	_ =	shalt  }
0x7f: {  	_ =	shalt  }
0x80: {  	_ =	shalt  }
0x81: {  	_ =	shalt  }
0x82: {  	_ =	shalt  }
0x83: {  	_ =	shalt  }
0x84: {  	_ =	shalt  }
0x85: {  	_ =	shalt  }
0x86: {  	_ =	shalt  }
0x87: {  	_ =	shalt  }
.Lfunc_end0:
.L_simem_size_0:
called_computation.1_lowered:
.L_overlay_start_0:
0x88: {  	s2 =	sld [smem:$0x3FD9]  }
0x89: {  	s3 =	sld [smem:$0x3FFE];
	_ =	sdelay $0x1  }
0x8a: {  	s1 =	srdreg.scid  }
0x8b: {  	s0 =	sand.u32 $0x1, s1  }
0x8c: {  	s17 =	sshll.u32 s0, $0xA;
	s2 =	sadd.s32 s3, s2  }
0x8d: {  	s2 =	sadd.s32 s2, s17  }
0x8e: {  	[smem:$0x3FB8] =	sst s2  }
0x8f: {  	_ = 	snop  }
0x90: {  	s2 =	sld [smem:$0x3FD0];
	(tm) =	ssettm $0x1  }
0x91: {  	s18 =	sld [smem:$0x3FFB];
	_ =	sdelay $0x3  }
0x92: {  	_ =	strace s18  }
0x93: {  	s3 =	sld [smem:$0x3FFC];
	_ =	sdelay $0x3  }
0x94: {  	_ =	strace s3  }
0x95: {  	s3 =	sld [smem:$0x3FFD];
	_ =	sdelay $0x3  }
0x96: {  	_ =	strace s3  }
0x97: {  	_ =	strace $0x8FFFFFFF  }
0x98: {  	s19 =	sld [smem:$0x3FDB];
	_ =	sdelay $0x1  }
0x99: {  	s4 =	simm.s32 $_scs_section_size  }
0x9a: {  	s5 =	simm.s32 $_size__tile_overlayer_lowered;
	s6 =	simm.s32 $_tile_overlayer_lowered  }
0x9b: {  	s22 =	simm.s32 $0x1BFF;
	s21 =	sshll.u32 s6, $0x1;
	s3 =	sadd.s32 s4, s19  }
0x9c: {  	s7 =	simm.s32 $0x0;
	s20 =	sshll.u32 s5, $0x1;
	s5 =	sadd.s32 s21, s3  }
0x9d: {  	[timem:s7], [sflag:s22] =	dma.local [hbm:s5], s20  }
0x9e: {  	_ =	swait.ge [sflag:s22], s20  }
0x9f: {  	s4 =	ssub.s32 $0x0, s20;
	[sflag:s22] =	ssyncset.done $0x0  }
0xa0: {  	[sflag:s22] =	ssyncadd.s32 s4;
	_ =	sdelay $0x1  }
0xa1: {  	s23 =	simm.s32 $0x1B8B  }
0xa2: {  	_ =	swait.ge [sflag:s23], $0x1  }
0xa3: {  	[sflag:s23] =	ssyncset.done $0x0  }
0xa4: {  	s25 =	simm.s32 $0x1B8E;
	s24 =	sld [smem:$0x3FFE];
	[sflag:s23] =	ssyncadd.s32 $0xFFFFFFFF  }
0xa5: {  	s26 =	simm.s32 $execute0_lowered;
	[smem:$0x3FD2] =	sst s25  }
0xa6: {  	s5 =	sshll.u32 s26, $0x1;
	_ =	strace $0x80000049;
	[dreg:$0x1] =	wrdreg $0xFFFFFFFF  }
0xa7: {  	s28 =	simm.s32 $_size_execute0_lowered;
	s3 =	sadd.s32 s3, s5;
	[dreg:$0x0] =	wrdreg $0x0  }
0xa8: {  	s5 =	sshll.u32 s28, $0x1;
	[dreg:$0x2] =	wrdreg s3  }
0xa9: {  	[dreg:$0x3] =	wrdreg s5  }
0xaa: {  	[dreg:$0x4] =	wrdreg $0xC0  }
0xab: {  	_ =	task [dreg:s7], $0x5FFFF  }
0xac: {  	[dreg:$0x1] =	wrdreg $0xFFFFFFFF  }
0xad: {  	[dreg:$0x0] =	wrdreg $0x60  }
0xae: {  	[dreg:$0x2] =	wrdreg s24  }
0xaf: {  	[dreg:$0x3] =	wrdreg s2  }
0xb0: {  	[dreg:$0x4] =	wrdreg $0x15D000  }
0xb1: {  	[dreg:$0x5] =	wrdreg $0x9  }
0xb2: {  	_ =	task.clear_ibuf [dreg:s7], $0x6FFFF;
	_ =	strace $0x90000049  }
0xb3: {  	s29 =	simm.s32 $0x9;
	_ =	strace $0x8000004B  }
0xb4: {  	_ =	swait.ge [sflag:s29], $0x1  }
0xb5: {  	[sflag:s29] =	ssyncadd.s32 $0xFFFFFFFF  }
0xb6: {  	_ =	strace $0x9000004B  }
0xb7: {  	_ =	sfence  }
0xb8: {  	s30 =	sld [smem:$0x0];
	_ =	sdelay $0x2  }
0xb9: {  	s31 =	sshll.u32 s1, $0xD;
	s1 =	sshrl.u32 s1, $0x2  }
0xba: {  	s3 =	sand.u32 $0x4000, s31;
	s1 =	sadd.s32 s1, s30  }
0xbb: {  	s0 =	sor.u32 s3, s0;
	s1 =	sshll.u32 s1, $0x11  }
0xbc: {  	s0 =	sor.u32 s1, s0  }
0xbd: {  	s0 =	sadd.s32 $0x8F2B, s0  }
0xbe: {  	[sflag:s0] =	ssyncadd.remote.s32 $0x1  }
0xbf: {  	_ =	sfence.sel $0xFFFF  }
0xc0: {  	[dreg:$0x0] =	wrdreg $0xFFFFFFFF;
	(pc) =	sbr.abs _section_cstart, $3  }
0xc1: {  	[dreg:$0x1] =	wrdreg $0xFFFFFFFF  }
0xc2: {  	_ =	task.clear_ibuf [dreg:s7], $0x2FFFF;
	_ =	strace $0x9FFFFFFF  }
0xc3: {  	(tm) =	ssettm $0x7FFFFFFF  }
tec
execute0_lowered:
.L_overlay_start_1:
0x0: {  	(tag) =	ssettag $0x1  }
0x1: {  	s0 =	rddreg [dreg:$0x0]  }
0x2: {  	s1 =	rddreg [dreg:$0x1]  }
0x3: {  	s2 =	rddreg [dreg:$0x2];
	s3 =	simm.s32 $0x0;
	s14 =	stileid.u32  }
0x4: {  	s5 =	srdreg.scid;
	s13 =	simm.s32 $0xD;
	s17 =	simm.s32 $0x80  }
0x5: {  	s22 =	simm.s32 $0x8;
	s23 =	simm.s32 $0x9;
	s24 =	simm.s32 $0xA  }
0x6: {  	s25 =	simm.s32 $0xB;
	s28 =	simm.s32 $0x7;
	s29 =	simm.s32 $0x0  }
0x7: {  	[smem:$0x7FF] =	sst s3;
	s4 =	smul.u32 $0x9D0, s14;
	s6 =	sand.u32 $0x1, s5  }
0x8: {  	s5 =	sadd.s32 $0x93000, s0;
	s11 =	smul.u32 $0xA000, s14;
	s10 =	sadd.s32 $0xCF000, s0  }
0x9: {  	s31 =	sshll.u32 s14, $0x6;
	_ =	strace $0x8000004A;
	s8 =	ssub.s32 $0x2, s6  }
0xa: {  	[dreg:$0x4] =	wrdreg s10;
	p0 =	seq.s32 s6, $0x1;
	s15 =	sor.u32 $0x1C0D, s31  }
.Ltmp0:
0xb: {  	s7 =	sadd.s32 s4, s0;
	s4 =	sadd.s32 $0xA7000, s0;
	(pc) =	sbr.rel .LBB2_1-.Ltmp0, $4  }
0xc: {  	s9 =	sshrl.u32 s8, $0x1;
	s0 =	sadd.s32 $0xBB000, s0;
	s10 =	sshrl.u32 s11, $0x3  }
0xd: {  	s30 =	sadd.s32 s11, s2;
	[dreg:$0x5] =	wrdreg s0;
	s26 =	ssub.s32 s8, s9  }
0xe: {  	s8 =	sadd.s32 $0x11200, s7;
	s9 =	sadd.s32 $0x7400, s7;
	s11 =	sadd.s32 s1, s10  }
0xf: {  	s16 =	sshrl.u32 s30, $0x3;
	s12 =	smax.u32 s26, $0x1;
	s26 =	simm.s32 $0xC  }
.LBB2_7:
0x10: {  	s1 =	smul.u32 $0xAB, s19  }
0x11: {  	[spmem:s2] =	stream.indirect.scatter.add.f32 [tilespmem:s18], [sflag:s7], $0x40, s14, s17, $0xb8;
	[tilespmem:$0x1FD00] =	vst v63  }
0x12: {  	s19 =	smul.u32 $0xAB, s31;
	s1 =	sshrl.u32 s1, $0xA  }
0x13: {  	s1 =	smul.u32 $0x6, s1  }
0x14: {  	p1 =	sgt.u32 s31, $0x99;
	s7 =	sshrl.u32 s19, $0xA  }
0x15: {  	p2 =	slt.u32 @!p1 s31, $0x3;
	s7 =	sand.u32 $0x3F, s7;
	s1 =	ssub.s32 s6, s1  }
0x16: {  	p2 =	por p2, p1;
	s20 =	smul.u32 $0x6, s7;
	s1 =	sand.u32 $0xFF, s1  }
0x17: {  	s18 =	simm.s32 @!p1 $0x80;
	s7 =	sadd.s32 @!p2 $0x7, s1  }
0x18: {  	s6 =	ssub.s32 s31, s20;
	s14 =	sshll.u32 @!p1 s1, $0xD;
	_ =	swait.ge @!p2 [sflag:s7], $0x2000  }
0x19: {  	s1 =	sadd.s32 @!p1 $0x1, s1;
	s6 =	sand.u32 $0xFF, s6;
	[sflag:s7] =	ssyncset.done @!p2 $0x0  }
0x1a: {  	s21 =	sadd.s32 $0x1, s6;
	[sflag:s7] =	ssyncadd.s32 @!p2 $0xFFFFE000;
	s7 =	sadd.s32 @!p1 $0x9D00, s14  }
0x1b: {  	[tilespmem:s7], [sflag:s1] =	stream.indirect.gather @!p1 [hbm4b:s5+s18], $0x40, s0, s18, $0xb8;
	[tilespmem:$0x1FD00] =	vst v63  }
0x1c: {  	s30 =	sadd.s32 $0x80, s30;
	_ =	swait.ge [sflag:s21], $0x2000  }
0x1d: {  	s31 =	sshll.u32 s6, $0xD;
	s6 =	sadd.s32 $0x7, s6;
	[sflag:s21] =	ssyncset.done $0x0  }
0x1e: {  	s1 =	sadd.s32 $0x9D00, s31;
	s0 =	rddreg [dreg:$0x5];
	[sflag:s21] =	ssyncadd.s32 $0xFFFFE000  }
0x1f: {  	[spmem:s2] =	stream.indirect.scatter.add.f32 [tilespmem:s1], [sflag:s6], $0x40, s30, s17, $0xb8;
	[tilespmem:$0x1FD00] =	vst v63  }
.LBB2_8:
0x20: {  	_ =	swait.ge [sflag:s22], $0x2000  }
0x21: {  	[sflag:s22] =	ssyncset.done $0x0  }
0x22: {  	[sflag:s22] =	ssyncadd.s32 $0xFFFFE000  }
0x23: {  	_ =	swait.ge [sflag:s23], $0x2000  }
0x24: {  	[sflag:s23] =	ssyncset.done $0x0  }
0x25: {  	[sflag:s23] =	ssyncadd.s32 $0xFFFFE000  }
0x26: {  	_ =	swait.ge [sflag:s24], $0x2000  }
0x27: {  	[sflag:s24] =	ssyncset.done $0x0  }
0x28: {  	[sflag:s24] =	ssyncadd.s32 $0xFFFFE000  }
0x29: {  	_ =	swait.ge [sflag:s25], $0x2000  }
0x2a: {  	[sflag:s25] =	ssyncset.done $0x0  }
0x2b: {  	[sflag:s25] =	ssyncadd.s32 $0xFFFFE000  }
0x2c: {  	_ =	swait.ge [sflag:s26], $0x2000  }
0x2d: {  	[sflag:s26] =	ssyncset.done $0x0  }
0x2e: {  	[sflag:s26] =	ssyncadd.s32 $0xFFFFE000  }
0x2f: {  	_ =	swait.ge [sflag:s28], $0x2000  }
0x30: {  	[sflag:s28] =	ssyncset.done $0x0  }
0x31: {  	s29 =	sadd.s32 $0x1, s29;
	[sflag:s28] =	ssyncadd.s32 $0xFFFFE000  }
0x32: {  	s0 =	sadd.s32 s0, s10;
	p1 =	sne.s32 s29, s12;
	[bflag:$0x0] =	sbarrier.arrive $0xFFFF  }
0x33: {  	[hbm:s0], [sflag:s15] =	dma.local [spmem:s16], $0x1400  }
.Ltmp1:
0x34: {  	_ =	swait.ge [sflag:s13], $0x1400;
	(pc) =	sbr.rel @!p1 .LBB2_9-.Ltmp1, $3  }
0x35: {  	[sflag:s13] =	ssyncset.done $0x0  }
0x36: {  	[sflag:s13] =	ssyncadd.s32 $0xFFFFEC00  }
0x37: {  	[bflag:$0x0] =	sbarrier.arrive $0xFFFF;
	_ =	sdelay $0x1  }
.LBB2_1:
0x38: {  	[tilespmem:s3], [sflag:$0xD] =	stream.linear.gather [hbm4b:s8+s3], $0x4E80, $0x38;
	[tilespmem:$0x1FD00] =	vst v63  }
0x39: {  	_ =	swait.ge [sflag:s13], $0x4E80  }
0x3a: {  	[sflag:s13] =	ssyncset.done $0x0  }
0x3b: {  	s0 =	simm.s32 $0x4E80;
	[sflag:s13] =	ssyncadd.s32 $0xFFFFB180  }
0x3c: {  	[tilespmem:s0], [sflag:$0xD] =	stream.linear.gather [hbm4b:s9+s3], $0x4E80, $0x38;
	[tilespmem:$0x1FD00] =	vst v63  }
0x3d: {  	_ =	swait.ge [sflag:s13], $0x4E80  }
0x3e: {  	[sflag:s13] =	ssyncset.done $0x0  }
0x3f: {  	[sflag:s13] =	ssyncadd.s32 $0xFFFFB180  }
0x40: {  	[spmem:s16], [sflag:s15] =	dma.local [hbm:s11], $0x1400  }
.Ltmp2:
0x41: {  	_ =	swait.ge [sflag:s13], $0x1400;
	(pc) =	sbr.rel @!p0 .LBB2_2-.Ltmp2, $4  }
0x42: {  	[sflag:s13] =	ssyncset.done $0x0  }
0x43: {  	[sflag:s13] =	ssyncadd.s32 $0xFFFFEC00  }
0x44: {  	[bflag:$0x0] =	sbarrier.arrive $0xFFFF  }
0x45: {  	s1 =	simm.s32 $0x9D00;
	s0 =	simm.s32 $0x0  }
0x46: {  	[tilespmem:s1], [sflag:$0x1] =	stream.indirect.gather [hbm4b:s5+s17], $0x40, s0, s17, $0xb8;
	[tilespmem:$0x1FD00] =	vst v63  }
0x47: {  	s19 =	simm.s32 $0x3  }
0x48: {  	s18 =	simm.s32 $0xBD00;
	s20 =	smul.u32 $0xAB, s0;
	s1 =	sand.u32 $0xFF, s19  }
0x49: {  	[tilespmem:s18], [sflag:$0x2] =	stream.indirect.gather [hbm4b:s5+s17], $0x40, s17, s17, $0xb8;
	[tilespmem:$0x1FD00] =	vst v63  }
0x4a: {  	s6 =	simm.s32 $0x100;
	s7 =	simm.s32 $0xDD00;
	s1 =	smul.u32 $0xAB, s1  }
0x4b: {  	[tilespmem:s7], [sflag:$0x3] =	stream.indirect.gather [hbm4b:s5+s17], $0x40, s6, s17, $0xb8;
	[tilespmem:$0x1FD00] =	vst v63  }
0x4c: {  	s0 =	sshrl.u32 s20, $0xA;
	s1 =	sshrl.u32 s1, $0xA  }
0x4d: {  	p1 =	por $0x0, $0x0;
	s0 =	sand.u32 $0x3F, s0;
	s1 =	smul.u32 $0x6, s1  }
0x4e: {  	s30 =	simm.s32 $0x4E80;
	p2 =	por @!p1 $0x1, $0x1;
	s0 =	smul.u32 $0x6, s0  }
0x4f: {  	s31 =	simm.s32 $0x1;
	p2 =	por p2, p1;
	s1 =	ssub.s32 $0x3, s1  }
0x50: {  	s6 =	simm.s32 $0x180;
	s0 =	ssub.s32 $0x0, s0;
	s1 =	sand.u32 $0xFF, s1  }
0x51: {  	s18 =	sand.u32 $0xFF, s0;
	s0 =	simm.s32 @!p1 $0x80;
	s7 =	sadd.s32 @!p2 $0x7, s1  }
0x52: {  	s21 =	sadd.s32 $0x1, s18;
	s20 =	sshll.u32 s18, $0xD;
	_ =	swait.ge @!p2 [sflag:s7], $0x2000  }
0x53: {  	s14 =	sshll.u32 @!p1 s1, $0xD;
	s1 =	sadd.s32 @!p1 $0x1, s1;
	[sflag:s7] =	ssyncset.done @!p2 $0x0  }
0x54: {  	[sflag:s7] =	ssyncadd.s32 @!p2 $0xFFFFE000;
	s7 =	sadd.s32 @!p1 $0x9D00, s14;
	s14 =	simm.s32 $0x4E80  }
0x55: {  	[tilespmem:s7], [sflag:s1] =	stream.indirect.gather @!p1 [hbm4b:s5+s0], $0x40, s6, s0, $0xb8;
	[tilespmem:$0x1FD00] =	vst v63  }
0x56: {  	s1 =	simm.s32 $0x2;
	s0 =	simm.s32 $0x200;
	_ =	swait.ge [sflag:s21], $0x2000  }
0x57: {  	s6 =	simm.s32 $0x4;
	s7 =	sadd.s32 $0x7, s18;
	[sflag:s21] =	ssyncset.done $0x0  }
0x58: {  	s18 =	sadd.s32 $0x9D00, s20;
	s19 =	sand.u32 $0xFF, s6;
	[sflag:s21] =	ssyncadd.s32 $0xFFFFE000  }
.LBB2_6:
0x59: {  	s19 =	smul.u32 $0xAB, s19  }
0x5a: {  	s30 =	sadd.s32 $0x80, s30;
	s20 =	smov.u32 s1;
	s1 =	sadd.s32 $0x1, s1  }
0x5b: {  	[spmem:s2] =	stream.indirect.scatter.add.f32 [tilespmem:s18], [sflag:s7], $0x40, s14, s17, $0xb8;
	[tilespmem:$0x1FD00] =	vst v63  }
0x5c: {  	s7 =	smul.u32 $0xAB, s31;
	s14 =	sshrl.u32 s19, $0xA  }
0x5d: {  	p1 =	sne.s32 s1, $0x9D;
	s18 =	smul.u32 $0x6, s14  }
0x5e: {  	p2 =	sgt.u32 s31, $0x99;
	s14 =	smov.u32 s30;
	s7 =	sshrl.u32 s7, $0xA  }
0x5f: {  	p3 =	slt.u32 @!p2 s31, $0x3;
	s7 =	sand.u32 $0x3F, s7;
	s6 =	ssub.s32 s6, s18  }
0x60: {  	p3 =	por p3, p2;
	s7 =	smul.u32 $0x6, s7;
	s6 =	sand.u32 $0xFF, s6  }
0x61: {  	s18 =	sadd.s32 @!p3 $0x7, s6  }
0x62: {  	s19 =	sshll.u32 @!p2 s6, $0xD;
	s6 =	sadd.s32 @!p2 $0x1, s6;
	s7 =	ssub.s32 s31, s7  }
0x63: {  	s31 =	smov.u32 s20;
	_ =	swait.ge @!p3 [sflag:s18], $0x2000;
	s7 =	sand.u32 $0xFF, s7  }
0x64: {  	s20 =	simm.s32 @!p2 $0x80;
	[sflag:s18] =	ssyncset.done @!p3 $0x0;
	s21 =	sadd.s32 $0x1, s7  }
.Ltmp3:
0x65: {  	[sflag:s18] =	ssyncadd.s32 @!p3 $0xFFFFE000;
	s18 =	sadd.s32 @!p2 $0x9D00, s19;
	(pc) =	sbr.rel @p1 .LBB2_6-.Ltmp3, $4  }
0x66: {  	[tilespmem:s18], [sflag:s6] =	stream.indirect.gather @!p2 [hbm4b:s5+s20], $0x40, s0, s20, $0xb8;
	[tilespmem:$0x1FD00] =	vst v63  }
0x67: {  	s18 =	sshll.u32 s7, $0xD;
	s0 =	sadd.s32 $0x80, s0;
	_ =	swait.ge [sflag:s21], $0x2000  }
0x68: {  	s6 =	sadd.s32 $0x3, s31;
	s7 =	sadd.s32 $0x7, s7;
	[sflag:s21] =	ssyncset.done $0x0  }
0x69: {  	s19 =	sand.u32 $0xFF, s6;
	s18 =	sadd.s32 $0x9D00, s18;
	[sflag:s21] =	ssyncadd.s32 $0xFFFFE000  }
.Ltmp4:
0x6a: {  	_ = 	snop;
	(pc) =	sbr.rel .LBB2_7-.Ltmp4, $1  }
0x6b: {  	_ =	sdelay $0x3  }
.LBB2_2:
0x6c: {  	[tilespmem:s1], [sflag:$0x1] =	stream.indirect.gather [hbm4b:s4+s17], $0x40, s0, s17, $0xb8;
	[tilespmem:$0x1FD00] =	vst v63  }
0x6d: {  	s19 =	simm.s32 $0x3  }
0x6e: {  	s18 =	simm.s32 $0xBD00;
	s20 =	smul.u32 $0xAB, s0;
	s1 =	sand.u32 $0xFF, s19  }
0x6f: {  	[tilespmem:s18], [sflag:$0x2] =	stream.indirect.gather [hbm4b:s4+s17], $0x40, s17, s17, $0xb8;
	[tilespmem:$0x1FD00] =	vst v63  }
0x70: {  	s6 =	simm.s32 $0x100;
	s7 =	simm.s32 $0xDD00;
	s1 =	smul.u32 $0xAB, s1  }
0x71: {  	[tilespmem:s7], [sflag:$0x3] =	stream.indirect.gather [hbm4b:s4+s17], $0x40, s6, s17, $0xb8;
	[tilespmem:$0x1FD00] =	vst v63  }
0x72: {  	s0 =	sshrl.u32 s20, $0xA;
	s1 =	sshrl.u32 s1, $0xA  }
0x73: {  	p1 =	por $0x0, $0x0;
	s0 =	sand.u32 $0x3F, s0;
	s1 =	smul.u32 $0x6, s1  }
0x74: {  	s30 =	simm.s32 $0x4E80;
	p2 =	por @!p1 $0x1, $0x1;
	s0 =	smul.u32 $0x6, s0  }
0x75: {  	s31 =	simm.s32 $0x1;
	p2 =	por p2, p1;
	s1 =	ssub.s32 $0x3, s1  }
0x76: {  	s6 =	simm.s32 $0x180;
	s0 =	ssub.s32 $0x0, s0;
	s1 =	sand.u32 $0xFF, s1  }
0x77: {  	s18 =	sand.u32 $0xFF, s0;
	s0 =	simm.s32 @!p1 $0x80;
	s7 =	sadd.s32 @!p2 $0x7, s1  }
0x78: {  	s21 =	sadd.s32 $0x1, s18;
	s20 =	sshll.u32 s18, $0xD;
	_ =	swait.ge @!p2 [sflag:s7], $0x2000  }
0x79: {  	s14 =	sshll.u32 @!p1 s1, $0xD;
	s1 =	sadd.s32 @!p1 $0x1, s1;
	[sflag:s7] =	ssyncset.done @!p2 $0x0  }
0x7a: {  	[sflag:s7] =	ssyncadd.s32 @!p2 $0xFFFFE000;
	s7 =	sadd.s32 @!p1 $0x9D00, s14;
	s14 =	simm.s32 $0x4E80  }
0x7b: {  	[tilespmem:s7], [sflag:s1] =	stream.indirect.gather @!p1 [hbm4b:s4+s0], $0x40, s6, s0, $0xb8;
	[tilespmem:$0x1FD00] =	vst v63  }
0x7c: {  	s1 =	simm.s32 $0x2;
	s0 =	simm.s32 $0x200;
	_ =	swait.ge [sflag:s21], $0x2000  }
0x7d: {  	s6 =	simm.s32 $0x4;
	s7 =	sadd.s32 $0x7, s18;
	[sflag:s21] =	ssyncset.done $0x0  }
0x7e: {  	s18 =	sadd.s32 $0x9D00, s20;
	s19 =	sand.u32 $0xFF, s6;
	[sflag:s21] =	ssyncadd.s32 $0xFFFFE000  }
.LBB2_3:
0x7f: {  	s19 =	smul.u32 $0xAB, s19  }
0x80: {  	s30 =	sadd.s32 $0x80, s30;
	s20 =	smov.u32 s1;
	s1 =	sadd.s32 $0x1, s1  }
0x81: {  	[spmem:s2] =	stream.indirect.scatter.add.f32 [tilespmem:s18], [sflag:s7], $0x40, s14, s17, $0xb8;
	[tilespmem:$0x1FD00] =	vst v63  }
0x82: {  	s7 =	smul.u32 $0xAB, s31;
	s14 =	sshrl.u32 s19, $0xA  }
0x83: {  	p1 =	seq.s32 s1, $0x9D;
	s18 =	smul.u32 $0x6, s14  }
0x84: {  	p2 =	sgt.u32 s31, $0x99;
	s14 =	smov.u32 s30;
	s7 =	sshrl.u32 s7, $0xA  }
0x85: {  	p3 =	slt.u32 @!p2 s31, $0x3;
	s7 =	sand.u32 $0x3F, s7;
	s6 =	ssub.s32 s6, s18  }
0x86: {  	p3 =	por p3, p2;
	s7 =	smul.u32 $0x6, s7;
	s6 =	sand.u32 $0xFF, s6  }
0x87: {  	s18 =	sadd.s32 @!p3 $0x7, s6  }
0x88: {  	s19 =	sshll.u32 @!p2 s6, $0xD;
	s6 =	sadd.s32 @!p2 $0x1, s6;
	s7 =	ssub.s32 s31, s7  }
0x89: {  	s31 =	smov.u32 s20;
	_ =	swait.ge @!p3 [sflag:s18], $0x2000;
	s7 =	sand.u32 $0xFF, s7  }
0x8a: {  	s20 =	simm.s32 @!p2 $0x80;
	[sflag:s18] =	ssyncset.done @!p3 $0x0;
	s21 =	sadd.s32 $0x1, s7  }
.Ltmp5:
0x8b: {  	[sflag:s18] =	ssyncadd.s32 @!p3 $0xFFFFE000;
	s18 =	sadd.s32 @!p2 $0x9D00, s19;
	(pc) =	sbr.rel @!p1 .LBB2_3-.Ltmp5, $4  }
0x8c: {  	[tilespmem:s18], [sflag:s6] =	stream.indirect.gather @!p2 [hbm4b:s4+s20], $0x40, s0, s20, $0xb8;
	[tilespmem:$0x1FD00] =	vst v63  }
0x8d: {  	s18 =	sshll.u32 s7, $0xD;
	s0 =	sadd.s32 $0x80, s0;
	_ =	swait.ge [sflag:s21], $0x2000  }
0x8e: {  	s6 =	sadd.s32 $0x3, s31;
	s7 =	sadd.s32 $0x7, s7;
	[sflag:s21] =	ssyncset.done $0x0  }
0x8f: {  	s19 =	sand.u32 $0xFF, s6;
	s18 =	sadd.s32 $0x9D00, s18;
	[sflag:s21] =	ssyncadd.s32 $0xFFFFE000  }
0x90: {  	s1 =	smul.u32 $0xAB, s19  }
0x91: {  	[spmem:s2] =	stream.indirect.scatter.add.f32 [tilespmem:s18], [sflag:s7], $0x40, s14, s17, $0xb8;
	[tilespmem:$0x1FD00] =	vst v63  }
0x92: {  	s19 =	smul.u32 $0xAB, s31;
	s1 =	sshrl.u32 s1, $0xA  }
0x93: {  	s1 =	smul.u32 $0x6, s1  }
0x94: {  	p1 =	sgt.u32 s31, $0x99;
	s7 =	sshrl.u32 s19, $0xA  }
0x95: {  	p2 =	slt.u32 @!p1 s31, $0x3;
	s7 =	sand.u32 $0x3F, s7;
	s1 =	ssub.s32 s6, s1  }
0x96: {  	p2 =	por p2, p1;
	s20 =	smul.u32 $0x6, s7;
	s1 =	sand.u32 $0xFF, s1  }
0x97: {  	s7 =	sadd.s32 @!p2 $0x7, s1  }
0x98: {  	s18 =	simm.s32 @!p1 $0x80;
	s6 =	ssub.s32 s31, s20;
	_ =	swait.ge @!p2 [sflag:s7], $0x2000  }
0x99: {  	s14 =	sshll.u32 @!p1 s1, $0xD;
	s1 =	sadd.s32 @!p1 $0x1, s1;
	[sflag:s7] =	ssyncset.done @!p2 $0x0  }
0x9a: {  	s6 =	sand.u32 $0xFF, s6;
	[sflag:s7] =	ssyncadd.s32 @!p2 $0xFFFFE000;
	s7 =	sadd.s32 @!p1 $0x9D00, s14  }
0x9b: {  	[tilespmem:s7], [sflag:s1] =	stream.indirect.gather @!p1 [hbm4b:s4+s18], $0x40, s0, s18, $0xb8;
	[tilespmem:$0x1FD00] =	vst v63  }
.Ltmp6:
0x9c: {  	s21 =	sadd.s32 $0x1, s6;
	(pc) =	sbr.rel .LBB2_8-.Ltmp6, $4  }
0x9d: {  	s30 =	sadd.s32 $0x80, s30;
	_ =	swait.ge [sflag:s21], $0x2000  }
0x9e: {  	s31 =	sshll.u32 s6, $0xD;
	s6 =	sadd.s32 $0x7, s6;
	[sflag:s21] =	ssyncset.done $0x0  }
0x9f: {  	s1 =	sadd.s32 $0x9D00, s31;
	s0 =	rddreg [dreg:$0x4];
	[sflag:s21] =	ssyncadd.s32 $0xFFFFE000  }
0xa0: {  	[spmem:s2] =	stream.indirect.scatter.add.f32 [tilespmem:s1], [sflag:s6], $0x40, s30, s17, $0xb8;
	[tilespmem:$0x1FD00] =	vst v63  }
.LBB2_9:
0xa1: {  	_ =	sfence.sel $0x180000  }
0xa2: {  	[bflag:$0x0] =	sbarrier.arrive $0xFFFF  }
0xa3: {  	_ =	strace $0x9000004A  }
0xa4: {  	s0 =	stileid.u32;
	[bflag:$0x2] =	sbarrier.arrive $0xFFFF  }
0xa5: {  	p0 =	sne.s32 s0, $0x0;
	s0 =	rddreg [dreg:$0x3]  }
0xa6: {  	s0 =	sadd.s32 @!p0 $0x100000, s0  }
0xa7: {  	[sflag:s0] =	ssyncadd.tile.s32 @!p0 $0x1;
	_ =	shalt  }
.Lfunc_end2:
_tile_overlayer_lowered:
.L_overlay_start_2:
0xa8: {  	(tag) =	ssettag $0x2  }
0xa9: {  	s0 =	rddreg [dreg:$0x0];
	s2 =	stileid.u32  }
0xaa: {  	s1 =	rddreg [dreg:$0x1];
	p0 =	sne.s32 s2, $0x0  }
0xab: {  	s3 =	rddreg [dreg:$0x2];
	[bflag:$0x3] =	sbarrier.arrive $0xFFFF;
	s2 =	simm.s32 @!p0 $0x1C0D  }
0xac: {  	[timem:s3], [sflag:s2] =	dma.local @!p0 [hbm:s0], s1  }
0xad: {  	s0 =	simm.s32 @!p0 $0xD  }
0xae: {  	_ =	swait.ge @!p0 [sflag:s0], s1  }
0xaf: {  	s1 =	ssub.s32 @!p0 $0x0, s1;
	[sflag:s0] =	ssyncset.done @!p0 $0x0  }
0xb0: {  	[sflag:s0] =	ssyncadd.s32 @!p0 s1  }
0xb1: {  	[bflag:$0x3] =	sbarrier.arrive $0xFFFF  }
0xb2: {  	_ =	shalt  }

// kernel: kernel.16.cloned.1.call-start
scs
__scs_entry_jumppad:
0x0: {  	(pc) =	sbr.rel $0x88, $3  }
0x1: {  	(tag) =	ssettag $0x0;
	lr =	simm.s32 $0x1  }
0x2: {  	[smem:$0x3F91] =	sst lr;
	_ =	strace $0xD0000000  }
0x3: {  	_ = 	snop  }
0x4: {  	_ = 	snop  }
0x5: {  	_ = 	snop  }
0x6: {  	_ = 	snop  }
0x7: {  	_ = 	snop  }
__scs_overlays_trampoline_lowered:
0x8: {  	[smem:$0x3FA0] =	sst s0  }
0x9: {  	[smem:$0x3FA1] =	sst s1  }
0xa: {  	[smem:$0x3FA2] =	sst s2  }
0xb: {  	[smem:$0x3FA3] =	sst s3  }
0xc: {  	[smem:$0x3FA4] =	sst s4  }
0xd: {  	[smem:$0x3FA5] =	sst s5  }
0xe: {  	[smem:$0x3FA6] =	sst s6  }
0xf: {  	[smem:$0x3FA7] =	sst s7  }
0x10: {  	[smem:$0x3FA8] =	sst s8  }
0x11: {  	[smem:$0x3FA9] =	sst s9;
	s0 =	simm.s32 @!p0 $0x0  }
0x12: {  	s1 =	sld [smem:$0x3F8F];
	s0 =	simm.s32 @p0 $0x1  }
0x13: {  	[smem:$0x3FAA] =	sst s0;
	s0 =	simm.s32 @!p1 $0x0  }
0x14: {  	s2 =	sld [smem:$0x3F8E];
	s0 =	simm.s32 @p1 $0x1  }
0x15: {  	[smem:$0x3FAB] =	sst s0;
	s0 =	simm.s32 @!p2 $0x0  }
0x16: {  	s3 =	sld [smem:$0x3FDB];
	s0 =	simm.s32 @p2 $0x1  }
0x17: {  	s4 =	simm.s32 $0x1BF5;
	[smem:$0x3FAD] =	sst s0  }
0x18: {  	s0 =	sld [smem:$0x3F90];
	_ =	swait.ge [sflag:s4], $0x0  }
0x19: {  	s7 =	sld [smem:$0x3F91]  }
0x1a: {  	s8 =	sadd.s32 $0xFFFFE003, lr  }
0x1b: {  	s9 =	sadd.s32 $0xFFFFFEF7, lr;
	s5 =	simm.s32 $0xFFFFFFFF;
	p2 =	slt.u32 s8, $0xFFFFF086  }
0x1c: {  	p1 =	slt.u32 s9, $0xF7A;
	s5 =	simm.s32 @!p2 $0x0  }
0x1d: {  	s5 =	simm.s32 @p1 $0x1;
	p0 =	seq.s32 s7, s2  }
0x1e: {  	s7 =	smul.u32 @!p0 $0xF7A, s2;
	p2 =	seq.s32 @!p0 s5, $0x0  }
0x1f: {  	s9 =	smul.u32 $0xF7A, s1;
	s8 =	simm.s32 @!p0 $0x1BF5;
	p2 =	por !p2, p0  }
0x20: {  	[sflag:s8] =	ssyncset.s32 @!p0 $0xFFFFF086;
	s6 =	sadd.s32 @!p0 s3, s7;
	s7 =	simm.s32 @!p0 $0x108  }
0x21: {  	s3 =	sadd.s32 s3, s9;
	s6 =	sadd.s32 @!p0 $0x88, s6;
	s7 =	simm.s32 @p2 $0x1082  }
0x22: {  	[simem:s7], [sflag:s8] =	dma.local @!p0 [hbm:s6], $0xF7A  }
0x23: {  	s9 =	sor.u32 $0xD0000000, s2;
	s6 =	simm.s32 $0x108;
	_ =	swait.ge @!p0 [sflag:s8], $0x0  }
0x24: {  	s3 =	sadd.s32 $0x88, s3;
	s6 =	simm.s32 @!p1 $0x1082;
	[sflag:s4] =	ssyncset.s32 $0xFFFFF086  }
0x25: {  	[simem:s6], [sflag:s4] =	dma.local [hbm:s3], $0xF7A  }
0x26: {  	[smem:$0x3F91] =	sst s1;
	(tag) =	ssettag s2;
	_ =	strace s9  }
0x27: {  	s1 =	sld [smem:$0x3FA1]  }
0x28: {  	s2 =	sld [smem:$0x3FA2]  }
0x29: {  	s4 =	sld [smem:$0x3FA4]  }
0x2a: {  	p0 =	seq.s32 s5, $0x0;
	s5 =	sld [smem:$0x3FA5]  }
0x2b: {  	s6 =	sld [smem:$0x3FA6]  }
0x2c: {  	s7 =	sld [smem:$0x3FA7]  }
0x2d: {  	s3 =	simm.s32 $0x108;
	s8 =	sld [smem:$0x3FA8]  }
0x2e: {  	s3 =	simm.s32 @!p0 $0x1082;
	s9 =	sld [smem:$0x3FA9]  }
0x2f: {  	lr =	sadd.s32 s0, s3;
	s0 =	sld [smem:$0x3FA0]  }
0x30: {  	s3 =	sld [smem:$0x3FA3]  }
0x31: {  	[smem:$0x3FAC] =	sst s10  }
0x32: {  	s10 =	sld [smem:$0x3FAA];
	_ =	sdelay $0x3  }
0x33: {  	p0 =	seq.s32 s10, $0x1;
	s10 =	sld [smem:$0x3FAC];
	_ =	sdelay $0x3  }
0x34: {  	[smem:$0x3FAC] =	sst s10  }
0x35: {  	s10 =	sld [smem:$0x3FAB];
	_ =	sdelay $0x3  }
0x36: {  	p1 =	seq.s32 s10, $0x1;
	s10 =	sld [smem:$0x3FAC];
	_ =	sdelay $0x3  }
0x37: {  	[smem:$0x3FAC] =	sst s10  }
0x38: {  	s10 =	sld [smem:$0x3FAD]  }
0x39: {  	_ = 	snop;
	(pc) =	sbr.ind lr, $3  }
0x3a: {  	_ = 	snop  }
0x3b: {  	_ = 	snop  }
0x3c: {  	p2 =	seq.s32 s10, $0x1;
	s10 =	sld [smem:$0x3FAC]  }
0x3d: {  	_ =	shalt  }
0x3e: {  	_ =	shalt  }
0x3f: {  	_ =	shalt  }
0x40: {  	_ =	shalt  }
0x41: {  	_ =	shalt  }
0x42: {  	_ =	shalt  }
0x43: {  	_ =	shalt  }
0x44: {  	_ =	shalt  }
0x45: {  	_ =	shalt  }
0x46: {  	_ =	shalt  }
0x47: {  	_ =	shalt  }
0x48: {  	_ =	shalt  }
0x49: {  	_ =	shalt  }
0x4a: {  	_ =	shalt  }
0x4b: {  	_ =	shalt  }
0x4c: {  	_ =	shalt  }
0x4d: {  	_ =	shalt  }
0x4e: {  	_ =	shalt  }
0x4f: {  	_ =	shalt  }
0x50: {  	_ =	shalt  }
0x51: {  	_ =	shalt  }
0x52: {  	_ =	shalt  }
0x53: {  	_ =	shalt  }
0x54: {  	_ =	shalt  }
0x55: {  	_ =	shalt  }
0x56: {  	_ =	shalt  }
0x57: {  	_ =	shalt  }
0x58: {  	_ =	shalt  }
0x59: {  	_ =	shalt  }
0x5a: {  	_ =	shalt  }
0x5b: {  	_ =	shalt  }
0x5c: {  	_ =	shalt  }
0x5d: {  	_ =	shalt  }
0x5e: {  	_ =	shalt  }
0x5f: {  	_ =	shalt  }
0x60: {  	_ =	shalt  }
0x61: {  	_ =	shalt  }
0x62: {  	_ =	shalt  }
0x63: {  	_ =	shalt  }
0x64: {  	_ =	shalt  }
0x65: {  	_ =	shalt  }
0x66: {  	_ =	shalt  }
0x67: {  	_ =	shalt  }
0x68: {  	_ =	shalt  }
0x69: {  	_ =	shalt  }
0x6a: {  	_ =	shalt  }
0x6b: {  	_ =	shalt  }
0x6c: {  	_ =	shalt  }
0x6d: {  	_ =	shalt  }
0x6e: {  	_ =	shalt  }
0x6f: {  	_ =	shalt  }
0x70: {  	_ =	shalt  }
0x71: {  	_ =	shalt  }
0x72: {  	_ =	shalt  }
0x73: {  	_ =	shalt  }
0x74: {  	_ =	shalt  }
0x75: {  	_ =	shalt  }
0x76: {  	_ =	shalt  }
0x77: {  	_ =	shalt  }
0x78: {  	_ =	shalt  }
0x79: {  	_ =	shalt  }
0x7a: {  	_ =	shalt  }
0x7b: {  	_ =	shalt  }
0x7c: {  	_ =	shalt  }
0x7d: {  	_ =	shalt  }
0x7e: {  	_ =	shalt  }
0x7f: {  	_ =	shalt  }
0x80: {  	_ =	shalt  }
0x81: {  	_ =	shalt  }
0x82: {  	_ =	shalt  }
0x83: {  	_ =	shalt  }
0x84: {  	_ =	shalt  }
0x85: {  	_ =	shalt  }
0x86: {  	_ =	shalt  }
0x87: {  	_ =	shalt  }
.Lfunc_end0:
.L_simem_size_0:
called_computation.2_lowered:
.L_overlay_start_0:
0x88: {  	s2 =	sld [smem:$0x3FD9]  }
0x89: {  	s3 =	sld [smem:$0x3FFE];
	_ =	sdelay $0x1  }
0x8a: {  	s1 =	srdreg.scid  }
0x8b: {  	s0 =	sand.u32 $0x1, s1  }
0x8c: {  	s17 =	sshll.u32 s0, $0xA;
	s2 =	sadd.s32 s3, s2  }
0x8d: {  	s2 =	sadd.s32 s2, s17  }
0x8e: {  	[smem:$0x3FB8] =	sst s2  }
0x8f: {  	_ = 	snop  }
0x90: {  	s2 =	sld [smem:$0x3FD0];
	(tm) =	ssettm $0x1  }
0x91: {  	s18 =	sld [smem:$0x3FFB];
	_ =	sdelay $0x3  }
0x92: {  	_ =	strace s18  }
0x93: {  	s3 =	sld [smem:$0x3FFC];
	_ =	sdelay $0x3  }
0x94: {  	_ =	strace s3  }
0x95: {  	s3 =	sld [smem:$0x3FFD];
	_ =	sdelay $0x3  }
0x96: {  	_ =	strace s3  }
0x97: {  	_ =	strace $0x8FFFFFFF  }
0x98: {  	s19 =	sld [smem:$0x3FDB];
	_ =	sdelay $0x1  }
0x99: {  	s4 =	simm.s32 $_scs_section_size  }
0x9a: {  	s5 =	simm.s32 $_size__tile_overlayer_lowered;
	s6 =	simm.s32 $_tile_overlayer_lowered  }
0x9b: {  	s22 =	simm.s32 $0x1BFF;
	s21 =	sshll.u32 s6, $0x1;
	s3 =	sadd.s32 s4, s19  }
0x9c: {  	s7 =	simm.s32 $0x0;
	s20 =	sshll.u32 s5, $0x1;
	s5 =	sadd.s32 s21, s3  }
0x9d: {  	[timem:s7], [sflag:s22] =	dma.local [hbm:s5], s20  }
0x9e: {  	_ =	swait.ge [sflag:s22], s20  }
0x9f: {  	s4 =	ssub.s32 $0x0, s20;
	[sflag:s22] =	ssyncset.done $0x0  }
0xa0: {  	[sflag:s22] =	ssyncadd.s32 s4;
	_ =	sdelay $0x1  }
0xa1: {  	s23 =	simm.s32 $0x1B8B  }
0xa2: {  	_ =	swait.ge [sflag:s23], $0x1  }
0xa3: {  	[sflag:s23] =	ssyncset.done $0x0  }
0xa4: {  	s25 =	simm.s32 $0x1B8E;
	s24 =	sld [smem:$0x3FFE];
	[sflag:s23] =	ssyncadd.s32 $0xFFFFFFFF  }
0xa5: {  	s26 =	simm.s32 $execute0_lowered;
	[smem:$0x3FD2] =	sst s25  }
0xa6: {  	s5 =	sshll.u32 s26, $0x1;
	_ =	strace $0x8000004C;
	[dreg:$0x1] =	wrdreg $0xFFFFFFFF  }
0xa7: {  	s28 =	simm.s32 $_size_execute0_lowered;
	s3 =	sadd.s32 s3, s5;
	[dreg:$0x0] =	wrdreg $0x0  }
0xa8: {  	s5 =	sshll.u32 s28, $0x1;
	[dreg:$0x2] =	wrdreg s3  }
0xa9: {  	[dreg:$0x3] =	wrdreg s5  }
0xaa: {  	[dreg:$0x4] =	wrdreg $0xC0  }
0xab: {  	_ =	task [dreg:s7], $0x5FFFF  }
0xac: {  	[dreg:$0x1] =	wrdreg $0xFFFFFFFF  }
0xad: {  	[dreg:$0x0] =	wrdreg $0x60  }
0xae: {  	[dreg:$0x2] =	wrdreg s24  }
0xaf: {  	[dreg:$0x3] =	wrdreg s2  }
0xb0: {  	[dreg:$0x4] =	wrdreg $0x15D000  }
0xb1: {  	[dreg:$0x5] =	wrdreg $0x9  }
0xb2: {  	_ =	task.clear_ibuf [dreg:s7], $0x6FFFF;
	_ =	strace $0x9000004C  }
0xb3: {  	s29 =	simm.s32 $0x9;
	_ =	strace $0x8000004E  }
0xb4: {  	_ =	swait.ge [sflag:s29], $0x1  }
0xb5: {  	[sflag:s29] =	ssyncadd.s32 $0xFFFFFFFF  }
0xb6: {  	_ =	strace $0x9000004E  }
0xb7: {  	_ =	sfence  }
0xb8: {  	s30 =	sld [smem:$0x0];
	_ =	sdelay $0x2  }
0xb9: {  	s31 =	sshll.u32 s1, $0xD;
	s1 =	sshrl.u32 s1, $0x2  }
0xba: {  	s3 =	sand.u32 $0x4000, s31;
	s1 =	sadd.s32 s1, s30  }
0xbb: {  	s0 =	sor.u32 s3, s0;
	s1 =	sshll.u32 s1, $0x11  }
0xbc: {  	s0 =	sor.u32 s1, s0  }
0xbd: {  	s0 =	sadd.s32 $0x8F2B, s0  }
0xbe: {  	[sflag:s0] =	ssyncadd.remote.s32 $0x1  }
0xbf: {  	_ =	sfence.sel $0xFFFF  }
0xc0: {  	[dreg:$0x0] =	wrdreg $0xFFFFFFFF;
	(pc) =	sbr.abs _section_cstart, $3  }
0xc1: {  	[dreg:$0x1] =	wrdreg $0xFFFFFFFF  }
0xc2: {  	_ =	task.clear_ibuf [dreg:s7], $0x2FFFF;
	_ =	strace $0x9FFFFFFF  }
0xc3: {  	(tm) =	ssettm $0x7FFFFFFF  }
tec
execute0_lowered:
.L_overlay_start_1:
0x0: {  	(tag) =	ssettag $0x1  }
0x1: {  	s0 =	rddreg [dreg:$0x0]  }
0x2: {  	s1 =	rddreg [dreg:$0x1]  }
0x3: {  	s2 =	rddreg [dreg:$0x2]  }
0x4: {  	s14 =	stileid.u32;
	s4 =	simm.s32 $0x0;
	s7 =	srdreg.scid  }
0x5: {  	s17 =	simm.s32 $0xD;
	s28 =	simm.s32 $0x9;
	s29 =	simm.s32 $0xA  }
0x6: {  	s30 =	simm.s32 $0xB;
	s31 =	simm.s32 $0xC;
	s3 =	smul.u32 $0x9D0, s14  }
0x7: {  	[smem:$0x7FF] =	sst s4;
	s4 =	sadd.s32 $0x11F000, s0;
	s9 =	smul.u32 $0xA000, s14  }
0x8: {  	s5 =	sadd.s32 $0x10B000, s0;
	s6 =	sadd.s32 $0xF7000, s0;
	s10 =	sand.u32 $0x1, s7  }
0x9: {  	s7 =	sadd.s32 $0xE3000, s0;
	s12 =	sadd.s32 $0x15B000, s0;
	s26 =	sshll.u32 s14, $0x6  }
0xa: {  	_ =	strace $0x8000004D;
	s11 =	ssub.s32 $0x2, s10;
	[dreg:$0x4] =	wrdreg s12  }
0xb: {  	p0 =	seq.s32 s10, $0x1;
	s19 =	sor.u32 $0x1C0D, s26;
	s26 =	simm.s32 $0x8  }
0xc: {  	s3 =	sadd.s32 s3, s0;
	s8 =	sshrl.u32 s9, $0x3;
	s13 =	sshrl.u32 s11, $0x1  }
0xd: {  	s23 =	sadd.s32 s9, s2;
	s20 =	sadd.s32 s8, s0;
	s0 =	sadd.s32 $0x133000, s0  }
0xe: {  	s21 =	ssub.s32 s11, s13;
	s22 =	sadd.s32 $0x11200, s3;
	[dreg:$0x5] =	wrdreg s0  }
.Ltmp0:
0xf: {  	s3 =	sadd.s32 $0x7400, s3;
	[dreg:$0x6] =	wrdreg s22;
	(pc) =	sbr.rel .LBB2_1-.Ltmp0, $4  }
0x10: {  	s13 =	sadd.s32 s1, s8;
	s1 =	simm.s32 $0x0;
	[dreg:$0x7] =	wrdreg s3  }
0x11: {  	s24 =	sadd.s32 $0x16F000, s20;
	s25 =	sadd.s32 $0x147000, s20;
	s16 =	smax.u32 s21, $0x1  }
0x12: {  	s20 =	sshrl.u32 s23, $0x3;
	s21 =	simm.s32 $0x80;
	[dreg:$0x8] =	wrdreg s24  }
0x13: {  	s0 =	simm.s32 $0x7;
	[dreg:$0x9] =	wrdreg s25;
	s25 =	simm.s32 $0xDD00  }
.LBB2_11:
0x14: {  	s14 =	smul.u32 $0xAB, s22  }
0x15: {  	[spmem:s2] =	stream.indirect.scatter.add.f32 [tilespmem:s12], [sflag:s11], $0x40, s15, s21, $0xb8;
	[tilespmem:$0x1FD00] =	vst v63  }
0x16: {  	s24 =	smul.u32 $0xAB, s9  }
0x17: {  	s14 =	sshrl.u32 s14, $0xA  }
0x18: {  	s11 =	sshrl.u32 s24, $0xA;
	s12 =	smul.u32 $0x6, s14  }
0x19: {  	p1 =	sgt.u32 s9, $0x99;
	s11 =	sand.u32 $0x3F, s11  }
0x1a: {  	p2 =	slt.u32 @!p1 s9, $0x3;
	s11 =	smul.u32 $0x6, s11;
	s3 =	ssub.s32 s3, s12  }
0x1b: {  	p2 =	por p2, p1;
	s3 =	sand.u32 $0xFF, s3  }
0x1c: {  	s15 =	ssub.s32 s9, s11;
	s12 =	sadd.s32 @!p2 $0x7, s3  }
0x1d: {  	s11 =	simm.s32 @!p1 $0x80;
	s14 =	sshll.u32 @!p1 s3, $0xD;
	_ =	swait.ge @!p2 [sflag:s12], $0x2000  }
0x1e: {  	s3 =	sadd.s32 @!p1 $0x1, s3;
	s9 =	sand.u32 $0xFF, s15;
	[sflag:s12] =	ssyncset.done @!p2 $0x0  }
0x1f: {  	s22 =	sadd.s32 $0x1, s9;
	[sflag:s12] =	ssyncadd.s32 @!p2 $0xFFFFE000;
	s12 =	sadd.s32 @!p1 $0x9D00, s14  }
0x20: {  	[tilespmem:s12], [sflag:s3] =	stream.indirect.gather @!p1 [hbm4b:s7+s11], $0x40, s10, s11, $0xb8;
	[tilespmem:$0x1FD00] =	vst v63  }
0x21: {  	s23 =	sadd.s32 $0x80, s18;
	_ =	swait.ge [sflag:s22], $0x2000  }
0x22: {  	s24 =	sshll.u32 s9, $0xD;
	s9 =	sadd.s32 $0x7, s9;
	[sflag:s22] =	ssyncset.done $0x0  }
0x23: {  	s10 =	sadd.s32 $0x9D00, s24;
	s3 =	rddreg [dreg:$0x5];
	[sflag:s22] =	ssyncadd.s32 $0xFFFFE000  }
0x24: {  	[spmem:s2] =	stream.indirect.scatter.add.f32 [tilespmem:s10], [sflag:s9], $0x40, s23, s21, $0xb8;
	[tilespmem:$0x1FD00] =	vst v63  }
.LBB2_12:
0x25: {  	_ =	swait.ge [sflag:s26], $0x2000  }
0x26: {  	[sflag:s26] =	ssyncset.done $0x0  }
0x27: {  	[sflag:s26] =	ssyncadd.s32 $0xFFFFE000  }
0x28: {  	_ =	swait.ge [sflag:s28], $0x2000  }
0x29: {  	[sflag:s28] =	ssyncset.done $0x0  }
0x2a: {  	[sflag:s28] =	ssyncadd.s32 $0xFFFFE000  }
0x2b: {  	_ =	swait.ge [sflag:s29], $0x2000  }
0x2c: {  	[sflag:s29] =	ssyncset.done $0x0  }
0x2d: {  	[sflag:s29] =	ssyncadd.s32 $0xFFFFE000  }
0x2e: {  	_ =	swait.ge [sflag:s30], $0x2000  }
0x2f: {  	[sflag:s30] =	ssyncset.done $0x0  }
0x30: {  	[sflag:s30] =	ssyncadd.s32 $0xFFFFE000  }
0x31: {  	_ =	swait.ge [sflag:s31], $0x2000  }
0x32: {  	[sflag:s31] =	ssyncset.done $0x0  }
0x33: {  	[sflag:s31] =	ssyncadd.s32 $0xFFFFE000  }
0x34: {  	_ =	swait.ge [sflag:s0], $0x2000  }
0x35: {  	[sflag:s0] =	ssyncset.done $0x0  }
0x36: {  	s1 =	sadd.s32 $0x1, s1;
	[sflag:s0] =	ssyncadd.s32 $0xFFFFE000  }
0x37: {  	s3 =	sadd.s32 s3, s8;
	p1 =	sne.s32 s1, s16;
	[bflag:$0x0] =	sbarrier.arrive $0xFFFF  }
0x38: {  	[hbm:s3], [sflag:s19] =	dma.local [spmem:s20], $0x1400  }
.Ltmp1:
0x39: {  	_ =	swait.ge [sflag:s17], $0x1400;
	(pc) =	sbr.rel @!p1 .LBB2_13-.Ltmp1, $3  }
0x3a: {  	[sflag:s17] =	ssyncset.done $0x0  }
0x3b: {  	[sflag:s17] =	ssyncadd.s32 $0xFFFFEC00  }
0x3c: {  	[bflag:$0x0] =	sbarrier.arrive $0xFFFF;
	_ =	sdelay $0x1  }
.LBB2_1:
0x3d: {  	s3 =	simm.s32 $0x0;
	s9 =	rddreg [dreg:$0x6]  }
0x3e: {  	[tilespmem:s3], [sflag:$0xD] =	stream.linear.gather [hbm4b:s9+s3], $0x4E80, $0x38;
	[tilespmem:$0x1FD00] =	vst v63  }
0x3f: {  	_ =	swait.ge [sflag:s17], $0x4E80  }
0x40: {  	[sflag:s17] =	ssyncset.done $0x0  }
0x41: {  	s10 =	simm.s32 $0x4E80;
	s24 =	rddreg [dreg:$0x7];
	[sflag:s17] =	ssyncadd.s32 $0xFFFFB180  }
0x42: {  	[tilespmem:s10], [sflag:$0xD] =	stream.linear.gather [hbm4b:s24+s3], $0x4E80, $0x38;
	[tilespmem:$0x1FD00] =	vst v63  }
0x43: {  	_ =	swait.ge [sflag:s17], $0x4E80  }
0x44: {  	[sflag:s17] =	ssyncset.done $0x0  }
0x45: {  	[sflag:s17] =	ssyncadd.s32 $0xFFFFB180  }
0x46: {  	[spmem:s20], [sflag:s19] =	dma.local [hbm:s13], $0x1400  }
.Ltmp2:
0x47: {  	_ =	swait.ge [sflag:s17], $0x1400;
	(pc) =	sbr.rel @!p0 .LBB2_2-.Ltmp2, $4  }
0x48: {  	[sflag:s17] =	ssyncset.done $0x0  }
0x49: {  	[sflag:s17] =	ssyncadd.s32 $0xFFFFEC00  }
0x4a: {  	[bflag:$0x0] =	sbarrier.arrive $0xFFFF  }
0x4b: {  	s9 =	simm.s32 $0x9D00;
	s3 =	simm.s32 $0x0  }
0x4c: {  	[tilespmem:s9], [sflag:$0x1] =	stream.indirect.gather [hbm4b:s6+s21], $0x40, s3, s21, $0xb8;
	[tilespmem:$0x1FD00] =	vst v63  }
0x4d: {  	s22 =	simm.s32 $0x3  }
0x4e: {  	s18 =	simm.s32 $0xBD00;
	s23 =	smul.u32 $0xAB, s3;
	s9 =	sand.u32 $0xFF, s22  }
0x4f: {  	[tilespmem:s18], [sflag:$0x2] =	stream.indirect.gather [hbm4b:s6+s21], $0x40, s21, s21, $0xb8;
	[tilespmem:$0x1FD00] =	vst v63  }
0x50: {  	s9 =	smul.u32 $0xAB, s9;
	s3 =	sshrl.u32 s23, $0xA  }
0x51: {  	s10 =	simm.s32 $0x100;
	s3 =	sand.u32 $0x3F, s3  }
0x52: {  	p1 =	por $0x0, $0x0;
	s9 =	sshrl.u32 s9, $0xA;
	s3 =	smul.u32 $0x6, s3  }
0x53: {  	s11 =	simm.s32 $0x180;
	p2 =	por @!p1 $0x1, $0x1;
	s9 =	smul.u32 $0x6, s9  }
0x54: {  	[tilespmem:s25], [sflag:$0x3] =	stream.indirect.gather [hbm4b:s6+s21], $0x40, s10, s21, $0xb8;
	[tilespmem:$0x1FD00] =	vst v63  }
0x55: {  	s18 =	simm.s32 $0x4E80;
	s3 =	ssub.s32 $0x0, s3;
	s9 =	ssub.s32 $0x3, s9  }
0x56: {  	p2 =	por p2, p1;
	s15 =	sand.u32 $0xFF, s3;
	s10 =	sand.u32 $0xFF, s9  }
0x57: {  	s3 =	simm.s32 @!p1 $0x80;
	s9 =	simm.s32 $0x1;
	s12 =	sadd.s32 @!p2 $0x7, s10  }
0x58: {  	s23 =	sadd.s32 $0x1, s15;
	s24 =	sshll.u32 s15, $0xD;
	_ =	swait.ge @!p2 [sflag:s12], $0x2000  }
0x59: {  	s14 =	sshll.u32 @!p1 s10, $0xD;
	s10 =	sadd.s32 @!p1 $0x1, s10;
	[sflag:s12] =	ssyncset.done @!p2 $0x0  }
0x5a: {  	[sflag:s12] =	ssyncadd.s32 @!p2 $0xFFFFE000;
	s12 =	sadd.s32 @!p1 $0x9D00, s14;
	s14 =	simm.s32 $0x2  }
0x5b: {  	[tilespmem:s12], [sflag:s10] =	stream.indirect.gather @!p1 [hbm4b:s6+s3], $0x40, s11, s3, $0xb8;
	[tilespmem:$0x1FD00] =	vst v63  }
0x5c: {  	s10 =	simm.s32 $0x200;
	s3 =	simm.s32 $0x4;
	_ =	swait.ge [sflag:s23], $0x2000  }
0x5d: {  	s11 =	sadd.s32 $0x7, s15;
	s12 =	sadd.s32 $0x9D00, s24;
	[sflag:s23] =	ssyncset.done $0x0  }
0x5e: {  	s15 =	simm.s32 $0x4E80;
	s22 =	sand.u32 $0xFF, s3;
	[sflag:s23] =	ssyncadd.s32 $0xFFFFE000  }
.LBB2_8:
0x5f: {  	s22 =	smul.u32 $0xAB, s22  }
0x60: {  	s18 =	sadd.s32 $0x80, s18;
	s23 =	smov.u32 s14;
	s14 =	sadd.s32 $0x1, s14  }
0x61: {  	[spmem:s2] =	stream.indirect.scatter.add.f32 [tilespmem:s12], [sflag:s11], $0x40, s15, s21, $0xb8;
	[tilespmem:$0x1FD00] =	vst v63  }
0x62: {  	s11 =	smul.u32 $0xAB, s9;
	s12 =	sshrl.u32 s22, $0xA  }
0x63: {  	p1 =	sne.s32 s14, $0x9D;
	s12 =	smul.u32 $0x6, s12  }
0x64: {  	p2 =	sgt.u32 s9, $0x99;
	s15 =	smov.u32 s18;
	s11 =	sshrl.u32 s11, $0xA  }
0x65: {  	p3 =	slt.u32 @!p2 s9, $0x3;
	s11 =	sand.u32 $0x3F, s11;
	s3 =	ssub.s32 s3, s12  }
0x66: {  	p3 =	por p3, p2;
	s11 =	smul.u32 $0x6, s11;
	s3 =	sand.u32 $0xFF, s3  }
0x67: {  	s12 =	sadd.s32 @!p3 $0x7, s3  }
0x68: {  	s22 =	sshll.u32 @!p2 s3, $0xD;
	s3 =	sadd.s32 @!p2 $0x1, s3;
	s11 =	ssub.s32 s9, s11  }
0x69: {  	s9 =	smov.u32 s23;
	_ =	swait.ge @!p3 [sflag:s12], $0x2000;
	s11 =	sand.u32 $0xFF, s11  }
0x6a: {  	s23 =	simm.s32 @!p2 $0x80;
	[sflag:s12] =	ssyncset.done @!p3 $0x0;
	s24 =	sadd.s32 $0x1, s11  }
.Ltmp3:
0x6b: {  	[sflag:s12] =	ssyncadd.s32 @!p3 $0xFFFFE000;
	s12 =	sadd.s32 @!p2 $0x9D00, s22;
	(pc) =	sbr.rel @p1 .LBB2_8-.Ltmp3, $4  }
0x6c: {  	[tilespmem:s12], [sflag:s3] =	stream.indirect.gather @!p2 [hbm4b:s6+s23], $0x40, s10, s23, $0xb8;
	[tilespmem:$0x1FD00] =	vst v63  }
0x6d: {  	s12 =	sshll.u32 s11, $0xD;
	s10 =	sadd.s32 $0x80, s10;
	_ =	swait.ge [sflag:s24], $0x2000  }
0x6e: {  	s3 =	sadd.s32 $0x3, s9;
	s11 =	sadd.s32 $0x7, s11;
	[sflag:s24] =	ssyncset.done $0x0  }
0x6f: {  	s22 =	sand.u32 $0xFF, s3;
	s12 =	sadd.s32 $0x9D00, s12;
	[sflag:s24] =	ssyncadd.s32 $0xFFFFE000  }
0x70: {  	s14 =	smul.u32 $0xAB, s22  }
0x71: {  	[spmem:s2] =	stream.indirect.scatter.add.f32 [tilespmem:s12], [sflag:s11], $0x40, s15, s21, $0xb8;
	[tilespmem:$0x1FD00] =	vst v63  }
0x72: {  	s24 =	smul.u32 $0xAB, s9  }
0x73: {  	s14 =	sshrl.u32 s14, $0xA  }
0x74: {  	s11 =	sshrl.u32 s24, $0xA;
	s12 =	smul.u32 $0x6, s14  }
0x75: {  	p1 =	sgt.u32 s9, $0x99;
	s11 =	sand.u32 $0x3F, s11  }
0x76: {  	p2 =	slt.u32 @!p1 s9, $0x3;
	s11 =	smul.u32 $0x6, s11;
	s3 =	ssub.s32 s3, s12  }
0x77: {  	p2 =	por p2, p1;
	s3 =	sand.u32 $0xFF, s3  }
0x78: {  	s15 =	ssub.s32 s9, s11;
	s12 =	sadd.s32 @!p2 $0x7, s3  }
0x79: {  	s11 =	simm.s32 @!p1 $0x80;
	s14 =	sshll.u32 @!p1 s3, $0xD;
	_ =	swait.ge @!p2 [sflag:s12], $0x2000  }
0x7a: {  	s3 =	sadd.s32 @!p1 $0x1, s3;
	s9 =	sand.u32 $0xFF, s15;
	[sflag:s12] =	ssyncset.done @!p2 $0x0  }
0x7b: {  	s22 =	sadd.s32 $0x1, s9;
	[sflag:s12] =	ssyncadd.s32 @!p2 $0xFFFFE000;
	s12 =	sadd.s32 @!p1 $0x9D00, s14  }
0x7c: {  	[tilespmem:s12], [sflag:s3] =	stream.indirect.gather @!p1 [hbm4b:s6+s11], $0x40, s10, s11, $0xb8;
	[tilespmem:$0x1FD00] =	vst v63  }
0x7d: {  	_ =	swait.ge [sflag:s22], $0x2000  }
0x7e: {  	s23 =	sadd.s32 $0x80, s18;
	s24 =	sshll.u32 s9, $0xD;
	[sflag:s22] =	ssyncset.done $0x0  }
0x7f: {  	s9 =	sadd.s32 $0x7, s9;
	s10 =	sadd.s32 $0x9D00, s24;
	[sflag:s22] =	ssyncadd.s32 $0xFFFFE000  }
0x80: {  	[spmem:s2] =	stream.indirect.scatter.add.f32 [tilespmem:s10], [sflag:s9], $0x40, s23, s21, $0xb8;
	[tilespmem:$0x1FD00] =	vst v63  }
0x81: {  	_ =	swait.ge [sflag:s26], $0x2000  }
0x82: {  	[sflag:s26] =	ssyncset.done $0x0  }
0x83: {  	[sflag:s26] =	ssyncadd.s32 $0xFFFFE000  }
0x84: {  	_ =	swait.ge [sflag:s28], $0x2000  }
0x85: {  	[sflag:s28] =	ssyncset.done $0x0  }
0x86: {  	[sflag:s28] =	ssyncadd.s32 $0xFFFFE000  }
0x87: {  	_ =	swait.ge [sflag:s29], $0x2000  }
0x88: {  	[sflag:s29] =	ssyncset.done $0x0  }
0x89: {  	[sflag:s29] =	ssyncadd.s32 $0xFFFFE000  }
0x8a: {  	_ =	swait.ge [sflag:s30], $0x2000  }
0x8b: {  	[sflag:s30] =	ssyncset.done $0x0  }
0x8c: {  	[sflag:s30] =	ssyncadd.s32 $0xFFFFE000  }
0x8d: {  	_ =	swait.ge [sflag:s31], $0x2000  }
0x8e: {  	[sflag:s31] =	ssyncset.done $0x0  }
0x8f: {  	[sflag:s31] =	ssyncadd.s32 $0xFFFFE000  }
0x90: {  	_ =	swait.ge [sflag:s0], $0x2000  }
0x91: {  	[sflag:s0] =	ssyncset.done $0x0  }
0x92: {  	[sflag:s0] =	ssyncadd.s32 $0xFFFFE000  }
0x93: {  	s18 =	simm.s32 $0x100;
	[bflag:$0x0] =	sbarrier.arrive $0xFFFF  }
0x94: {  	s15 =	simm.s32 $0x3;
	s11 =	simm.s32 $0x0;
	s10 =	rddreg [dreg:$0x9]  }
0x95: {  	[hbm:s10], [sflag:s19] =	dma.local [spmem:s20], $0x1400  }
0x96: {  	s14 =	simm.s32 $0xBD00;
	s3 =	smul.u32 $0xAB, s11;
	_ =	swait.ge [sflag:s17], $0x1400  }
0x97: {  	s12 =	simm.s32 $0x9D00;
	p1 =	por $0x0, $0x0;
	[sflag:s17] =	ssyncset.done $0x0  }
0x98: {  	s3 =	sshrl.u32 s3, $0xA;
	s9 =	sand.u32 $0xFF, s15;
	[sflag:s17] =	ssyncadd.s32 $0xFFFFEC00  }
0x99: {  	s3 =	sand.u32 $0x3F, s3;
	s9 =	smul.u32 $0xAB, s9;
	[bflag:$0x0] =	sbarrier.arrive $0xFFFF  }
0x9a: {  	[spmem:s20], [sflag:s19] =	dma.local [hbm:s13], $0x1400  }
0x9b: {  	s3 =	smul.u32 $0x6, s3;
	s9 =	sshrl.u32 s9, $0xA;
	_ =	swait.ge [sflag:s17], $0x1400  }
0x9c: {  	p2 =	por @!p1 $0x1, $0x1;
	s9 =	smul.u32 $0x6, s9;
	[sflag:s17] =	ssyncset.done $0x0  }
0x9d: {  	p2 =	por p2, p1;
	s15 =	simm.s32 $0x4E80;
	[sflag:s17] =	ssyncadd.s32 $0xFFFFEC00  }
0x9e: {  	s3 =	ssub.s32 $0x0, s3;
	s9 =	ssub.s32 $0x3, s9;
	[bflag:$0x0] =	sbarrier.arrive $0xFFFF  }
0x9f: {  	[tilespmem:s12], [sflag:$0x1] =	stream.indirect.gather [hbm4b:s7+s21], $0x40, s11, s21, $0xb8;
	[tilespmem:$0x1FD00] =	vst v63  }
0xa0: {  	s22 =	sand.u32 $0xFF, s3;
	s3 =	simm.s32 @!p1 $0x80;
	s10 =	sand.u32 $0xFF, s9  }
0xa1: {  	[tilespmem:s14], [sflag:$0x2] =	stream.indirect.gather [hbm4b:s7+s21], $0x40, s21, s21, $0xb8;
	[tilespmem:$0x1FD00] =	vst v63  }
0xa2: {  	s23 =	sadd.s32 $0x1, s22;
	s24 =	sshll.u32 s22, $0xD;
	s12 =	sadd.s32 @!p2 $0x7, s10  }
0xa3: {  	[tilespmem:s25], [sflag:$0x3] =	stream.indirect.gather [hbm4b:s7+s21], $0x40, s18, s21, $0xb8;
	[tilespmem:$0x1FD00] =	vst v63  }
0xa4: {  	s9 =	simm.s32 $0x1;
	s11 =	simm.s32 $0x180;
	_ =	swait.ge @!p2 [sflag:s12], $0x2000  }
0xa5: {  	s14 =	sshll.u32 @!p1 s10, $0xD;
	s10 =	sadd.s32 @!p1 $0x1, s10;
	[sflag:s12] =	ssyncset.done @!p2 $0x0  }
0xa6: {  	s18 =	simm.s32 $0x4E80;
	[sflag:s12] =	ssyncadd.s32 @!p2 $0xFFFFE000;
	s12 =	sadd.s32 @!p1 $0x9D00, s14  }
0xa7: {  	[tilespmem:s12], [sflag:s10] =	stream.indirect.gather @!p1 [hbm4b:s7+s3], $0x40, s11, s3, $0xb8;
	[tilespmem:$0x1FD00] =	vst v63  }
0xa8: {  	s14 =	simm.s32 $0x2;
	s10 =	simm.s32 $0x200;
	_ =	swait.ge [sflag:s23], $0x2000  }
0xa9: {  	s3 =	simm.s32 $0x4;
	s11 =	sadd.s32 $0x7, s22;
	[sflag:s23] =	ssyncset.done $0x0  }
0xaa: {  	s12 =	sadd.s32 $0x9D00, s24;
	s22 =	sand.u32 $0xFF, s3;
	[sflag:s23] =	ssyncadd.s32 $0xFFFFE000  }
.LBB2_10:
0xab: {  	s22 =	smul.u32 $0xAB, s22  }
0xac: {  	s18 =	sadd.s32 $0x80, s18;
	s23 =	smov.u32 s14;
	s14 =	sadd.s32 $0x1, s14  }
0xad: {  	[spmem:s2] =	stream.indirect.scatter.add.f32 [tilespmem:s12], [sflag:s11], $0x40, s15, s21, $0xb8;
	[tilespmem:$0x1FD00] =	vst v63  }
0xae: {  	s11 =	smul.u32 $0xAB, s9;
	s12 =	sshrl.u32 s22, $0xA  }
0xaf: {  	p1 =	sne.s32 s14, $0x9D;
	s12 =	smul.u32 $0x6, s12  }
0xb0: {  	p2 =	sgt.u32 s9, $0x99;
	s15 =	smov.u32 s18;
	s11 =	sshrl.u32 s11, $0xA  }
0xb1: {  	p3 =	slt.u32 @!p2 s9, $0x3;
	s11 =	sand.u32 $0x3F, s11;
	s3 =	ssub.s32 s3, s12  }
0xb2: {  	p3 =	por p3, p2;
	s11 =	smul.u32 $0x6, s11;
	s3 =	sand.u32 $0xFF, s3  }
0xb3: {  	s12 =	sadd.s32 @!p3 $0x7, s3  }
0xb4: {  	s22 =	sshll.u32 @!p2 s3, $0xD;
	s3 =	sadd.s32 @!p2 $0x1, s3;
	s11 =	ssub.s32 s9, s11  }
0xb5: {  	s9 =	smov.u32 s23;
	_ =	swait.ge @!p3 [sflag:s12], $0x2000;
	s11 =	sand.u32 $0xFF, s11  }
0xb6: {  	s23 =	simm.s32 @!p2 $0x80;
	[sflag:s12] =	ssyncset.done @!p3 $0x0;
	s24 =	sadd.s32 $0x1, s11  }
.Ltmp4:
0xb7: {  	[sflag:s12] =	ssyncadd.s32 @!p3 $0xFFFFE000;
	s12 =	sadd.s32 @!p2 $0x9D00, s22;
	(pc) =	sbr.rel @p1 .LBB2_10-.Ltmp4, $4  }
0xb8: {  	[tilespmem:s12], [sflag:s3] =	stream.indirect.gather @!p2 [hbm4b:s7+s23], $0x40, s10, s23, $0xb8;
	[tilespmem:$0x1FD00] =	vst v63  }
0xb9: {  	s12 =	sshll.u32 s11, $0xD;
	s10 =	sadd.s32 $0x80, s10;
	_ =	swait.ge [sflag:s24], $0x2000  }
0xba: {  	s3 =	sadd.s32 $0x3, s9;
	s11 =	sadd.s32 $0x7, s11;
	[sflag:s24] =	ssyncset.done $0x0  }
0xbb: {  	s22 =	sand.u32 $0xFF, s3;
	s12 =	sadd.s32 $0x9D00, s12;
	[sflag:s24] =	ssyncadd.s32 $0xFFFFE000  }
.Ltmp5:
0xbc: {  	_ = 	snop;
	(pc) =	sbr.rel .LBB2_11-.Ltmp5, $1  }
0xbd: {  	_ =	sdelay $0x3  }
.LBB2_2:
0xbe: {  	[tilespmem:s9], [sflag:$0x1] =	stream.indirect.gather [hbm4b:s4+s21], $0x40, s3, s21, $0xb8;
	[tilespmem:$0x1FD00] =	vst v63  }
0xbf: {  	s22 =	simm.s32 $0x3  }
0xc0: {  	s18 =	simm.s32 $0xBD00;
	s23 =	smul.u32 $0xAB, s3;
	s9 =	sand.u32 $0xFF, s22  }
0xc1: {  	[tilespmem:s18], [sflag:$0x2] =	stream.indirect.gather [hbm4b:s4+s21], $0x40, s21, s21, $0xb8;
	[tilespmem:$0x1FD00] =	vst v63  }
0xc2: {  	s9 =	smul.u32 $0xAB, s9;
	s3 =	sshrl.u32 s23, $0xA  }
0xc3: {  	s10 =	simm.s32 $0x100;
	s3 =	sand.u32 $0x3F, s3  }
0xc4: {  	p1 =	por $0x0, $0x0;
	s9 =	sshrl.u32 s9, $0xA;
	s3 =	smul.u32 $0x6, s3  }
0xc5: {  	s11 =	simm.s32 $0x180;
	p2 =	por @!p1 $0x1, $0x1;
	s9 =	smul.u32 $0x6, s9  }
0xc6: {  	[tilespmem:s25], [sflag:$0x3] =	stream.indirect.gather [hbm4b:s4+s21], $0x40, s10, s21, $0xb8;
	[tilespmem:$0x1FD00] =	vst v63  }
0xc7: {  	s18 =	simm.s32 $0x4E80;
	s3 =	ssub.s32 $0x0, s3;
	s9 =	ssub.s32 $0x3, s9  }
0xc8: {  	p2 =	por p2, p1;
	s15 =	sand.u32 $0xFF, s3;
	s10 =	sand.u32 $0xFF, s9  }
0xc9: {  	s3 =	simm.s32 @!p1 $0x80;
	s9 =	simm.s32 $0x1;
	s12 =	sadd.s32 @!p2 $0x7, s10  }
0xca: {  	s23 =	sadd.s32 $0x1, s15;
	s24 =	sshll.u32 s15, $0xD;
	_ =	swait.ge @!p2 [sflag:s12], $0x2000  }
0xcb: {  	s14 =	sshll.u32 @!p1 s10, $0xD;
	s10 =	sadd.s32 @!p1 $0x1, s10;
	[sflag:s12] =	ssyncset.done @!p2 $0x0  }
0xcc: {  	[sflag:s12] =	ssyncadd.s32 @!p2 $0xFFFFE000;
	s12 =	sadd.s32 @!p1 $0x9D00, s14;
	s14 =	simm.s32 $0x2  }
0xcd: {  	[tilespmem:s12], [sflag:s10] =	stream.indirect.gather @!p1 [hbm4b:s4+s3], $0x40, s11, s3, $0xb8;
	[tilespmem:$0x1FD00] =	vst v63  }
0xce: {  	s10 =	simm.s32 $0x200;
	s3 =	simm.s32 $0x4;
	_ =	swait.ge [sflag:s23], $0x2000  }
0xcf: {  	s11 =	sadd.s32 $0x7, s15;
	s12 =	sadd.s32 $0x9D00, s24;
	[sflag:s23] =	ssyncset.done $0x0  }
0xd0: {  	s15 =	simm.s32 $0x4E80;
	s22 =	sand.u32 $0xFF, s3;
	[sflag:s23] =	ssyncadd.s32 $0xFFFFE000  }
.LBB2_3:
0xd1: {  	s22 =	smul.u32 $0xAB, s22  }
0xd2: {  	s18 =	sadd.s32 $0x80, s18;
	s23 =	smov.u32 s14;
	s14 =	sadd.s32 $0x1, s14  }
0xd3: {  	[spmem:s2] =	stream.indirect.scatter.add.f32 [tilespmem:s12], [sflag:s11], $0x40, s15, s21, $0xb8;
	[tilespmem:$0x1FD00] =	vst v63  }
0xd4: {  	s11 =	smul.u32 $0xAB, s9;
	s12 =	sshrl.u32 s22, $0xA  }
0xd5: {  	p1 =	sne.s32 s14, $0x9D;
	s12 =	smul.u32 $0x6, s12  }
0xd6: {  	p2 =	sgt.u32 s9, $0x99;
	s15 =	smov.u32 s18;
	s11 =	sshrl.u32 s11, $0xA  }
0xd7: {  	p3 =	slt.u32 @!p2 s9, $0x3;
	s11 =	sand.u32 $0x3F, s11;
	s3 =	ssub.s32 s3, s12  }
0xd8: {  	p3 =	por p3, p2;
	s11 =	smul.u32 $0x6, s11;
	s3 =	sand.u32 $0xFF, s3  }
0xd9: {  	s12 =	sadd.s32 @!p3 $0x7, s3  }
0xda: {  	s22 =	sshll.u32 @!p2 s3, $0xD;
	s3 =	sadd.s32 @!p2 $0x1, s3;
	s11 =	ssub.s32 s9, s11  }
0xdb: {  	s9 =	smov.u32 s23;
	_ =	swait.ge @!p3 [sflag:s12], $0x2000;
	s11 =	sand.u32 $0xFF, s11  }
0xdc: {  	s23 =	simm.s32 @!p2 $0x80;
	[sflag:s12] =	ssyncset.done @!p3 $0x0;
	s24 =	sadd.s32 $0x1, s11  }
.Ltmp6:
0xdd: {  	[sflag:s12] =	ssyncadd.s32 @!p3 $0xFFFFE000;
	s12 =	sadd.s32 @!p2 $0x9D00, s22;
	(pc) =	sbr.rel @p1 .LBB2_3-.Ltmp6, $4  }
0xde: {  	[tilespmem:s12], [sflag:s3] =	stream.indirect.gather @!p2 [hbm4b:s4+s23], $0x40, s10, s23, $0xb8;
	[tilespmem:$0x1FD00] =	vst v63  }
0xdf: {  	s12 =	sshll.u32 s11, $0xD;
	s10 =	sadd.s32 $0x80, s10;
	_ =	swait.ge [sflag:s24], $0x2000  }
0xe0: {  	s3 =	sadd.s32 $0x3, s9;
	s11 =	sadd.s32 $0x7, s11;
	[sflag:s24] =	ssyncset.done $0x0  }
0xe1: {  	s22 =	sand.u32 $0xFF, s3;
	s12 =	sadd.s32 $0x9D00, s12;
	[sflag:s24] =	ssyncadd.s32 $0xFFFFE000  }
0xe2: {  	s14 =	smul.u32 $0xAB, s22  }
0xe3: {  	[spmem:s2] =	stream.indirect.scatter.add.f32 [tilespmem:s12], [sflag:s11], $0x40, s15, s21, $0xb8;
	[tilespmem:$0x1FD00] =	vst v63  }
0xe4: {  	s24 =	smul.u32 $0xAB, s9  }
0xe5: {  	s14 =	sshrl.u32 s14, $0xA  }
0xe6: {  	s11 =	sshrl.u32 s24, $0xA;
	s12 =	smul.u32 $0x6, s14  }
0xe7: {  	p1 =	sgt.u32 s9, $0x99;
	s11 =	sand.u32 $0x3F, s11  }
0xe8: {  	p2 =	slt.u32 @!p1 s9, $0x3;
	s11 =	smul.u32 $0x6, s11;
	s3 =	ssub.s32 s3, s12  }
0xe9: {  	p2 =	por p2, p1;
	s3 =	sand.u32 $0xFF, s3  }
0xea: {  	s15 =	ssub.s32 s9, s11;
	s12 =	sadd.s32 @!p2 $0x7, s3  }
0xeb: {  	s11 =	simm.s32 @!p1 $0x80;
	s14 =	sshll.u32 @!p1 s3, $0xD;
	_ =	swait.ge @!p2 [sflag:s12], $0x2000  }
0xec: {  	s3 =	sadd.s32 @!p1 $0x1, s3;
	s9 =	sand.u32 $0xFF, s15;
	[sflag:s12] =	ssyncset.done @!p2 $0x0  }
0xed: {  	s22 =	sadd.s32 $0x1, s9;
	[sflag:s12] =	ssyncadd.s32 @!p2 $0xFFFFE000;
	s12 =	sadd.s32 @!p1 $0x9D00, s14  }
0xee: {  	[tilespmem:s12], [sflag:s3] =	stream.indirect.gather @!p1 [hbm4b:s4+s11], $0x40, s10, s11, $0xb8;
	[tilespmem:$0x1FD00] =	vst v63  }
0xef: {  	_ =	swait.ge [sflag:s22], $0x2000  }
0xf0: {  	s23 =	sadd.s32 $0x80, s18;
	s24 =	sshll.u32 s9, $0xD;
	[sflag:s22] =	ssyncset.done $0x0  }
0xf1: {  	s9 =	sadd.s32 $0x7, s9;
	s10 =	sadd.s32 $0x9D00, s24;
	[sflag:s22] =	ssyncadd.s32 $0xFFFFE000  }
0xf2: {  	[spmem:s2] =	stream.indirect.scatter.add.f32 [tilespmem:s10], [sflag:s9], $0x40, s23, s21, $0xb8;
	[tilespmem:$0x1FD00] =	vst v63  }
0xf3: {  	_ =	swait.ge [sflag:s26], $0x2000  }
0xf4: {  	[sflag:s26] =	ssyncset.done $0x0  }
0xf5: {  	[sflag:s26] =	ssyncadd.s32 $0xFFFFE000  }
0xf6: {  	_ =	swait.ge [sflag:s28], $0x2000  }
0xf7: {  	[sflag:s28] =	ssyncset.done $0x0  }
0xf8: {  	[sflag:s28] =	ssyncadd.s32 $0xFFFFE000  }
0xf9: {  	_ =	swait.ge [sflag:s29], $0x2000  }
0xfa: {  	[sflag:s29] =	ssyncset.done $0x0  }
0xfb: {  	[sflag:s29] =	ssyncadd.s32 $0xFFFFE000  }
0xfc: {  	_ =	swait.ge [sflag:s30], $0x2000  }
0xfd: {  	[sflag:s30] =	ssyncset.done $0x0  }
0xfe: {  	[sflag:s30] =	ssyncadd.s32 $0xFFFFE000  }
0xff: {  	_ =	swait.ge [sflag:s31], $0x2000  }
0x100: {  	[sflag:s31] =	ssyncset.done $0x0  }
0x101: {  	[sflag:s31] =	ssyncadd.s32 $0xFFFFE000  }
0x102: {  	_ =	swait.ge [sflag:s0], $0x2000  }
0x103: {  	[sflag:s0] =	ssyncset.done $0x0  }
0x104: {  	[sflag:s0] =	ssyncadd.s32 $0xFFFFE000  }
0x105: {  	s18 =	simm.s32 $0x100;
	[bflag:$0x0] =	sbarrier.arrive $0xFFFF  }
0x106: {  	s15 =	simm.s32 $0x3;
	s11 =	simm.s32 $0x0;
	s10 =	rddreg [dreg:$0x8]  }
0x107: {  	[hbm:s10], [sflag:s19] =	dma.local [spmem:s20], $0x1400  }
0x108: {  	s14 =	simm.s32 $0xBD00;
	s3 =	smul.u32 $0xAB, s11;
	_ =	swait.ge [sflag:s17], $0x1400  }
0x109: {  	s12 =	simm.s32 $0x9D00;
	p1 =	por $0x0, $0x0;
	[sflag:s17] =	ssyncset.done $0x0  }
0x10a: {  	s3 =	sshrl.u32 s3, $0xA;
	s9 =	sand.u32 $0xFF, s15;
	[sflag:s17] =	ssyncadd.s32 $0xFFFFEC00  }
0x10b: {  	s3 =	sand.u32 $0x3F, s3;
	s9 =	smul.u32 $0xAB, s9;
	[bflag:$0x0] =	sbarrier.arrive $0xFFFF  }
0x10c: {  	[spmem:s20], [sflag:s19] =	dma.local [hbm:s13], $0x1400  }
0x10d: {  	s3 =	smul.u32 $0x6, s3;
	s9 =	sshrl.u32 s9, $0xA;
	_ =	swait.ge [sflag:s17], $0x1400  }
0x10e: {  	p2 =	por @!p1 $0x1, $0x1;
	s9 =	smul.u32 $0x6, s9;
	[sflag:s17] =	ssyncset.done $0x0  }
0x10f: {  	p2 =	por p2, p1;
	s15 =	simm.s32 $0x4E80;
	[sflag:s17] =	ssyncadd.s32 $0xFFFFEC00  }
0x110: {  	s3 =	ssub.s32 $0x0, s3;
	s9 =	ssub.s32 $0x3, s9;
	[bflag:$0x0] =	sbarrier.arrive $0xFFFF  }
0x111: {  	[tilespmem:s12], [sflag:$0x1] =	stream.indirect.gather [hbm4b:s5+s21], $0x40, s11, s21, $0xb8;
	[tilespmem:$0x1FD00] =	vst v63  }
0x112: {  	s22 =	sand.u32 $0xFF, s3;
	s3 =	simm.s32 @!p1 $0x80;
	s10 =	sand.u32 $0xFF, s9  }
0x113: {  	[tilespmem:s14], [sflag:$0x2] =	stream.indirect.gather [hbm4b:s5+s21], $0x40, s21, s21, $0xb8;
	[tilespmem:$0x1FD00] =	vst v63  }
0x114: {  	s23 =	sadd.s32 $0x1, s22;
	s24 =	sshll.u32 s22, $0xD;
	s12 =	sadd.s32 @!p2 $0x7, s10  }
0x115: {  	[tilespmem:s25], [sflag:$0x3] =	stream.indirect.gather [hbm4b:s5+s21], $0x40, s18, s21, $0xb8;
	[tilespmem:$0x1FD00] =	vst v63  }
0x116: {  	s9 =	simm.s32 $0x1;
	s11 =	simm.s32 $0x180;
	_ =	swait.ge @!p2 [sflag:s12], $0x2000  }
0x117: {  	s14 =	sshll.u32 @!p1 s10, $0xD;
	s10 =	sadd.s32 @!p1 $0x1, s10;
	[sflag:s12] =	ssyncset.done @!p2 $0x0  }
0x118: {  	s18 =	simm.s32 $0x4E80;
	[sflag:s12] =	ssyncadd.s32 @!p2 $0xFFFFE000;
	s12 =	sadd.s32 @!p1 $0x9D00, s14  }
0x119: {  	[tilespmem:s12], [sflag:s10] =	stream.indirect.gather @!p1 [hbm4b:s5+s3], $0x40, s11, s3, $0xb8;
	[tilespmem:$0x1FD00] =	vst v63  }
0x11a: {  	s14 =	simm.s32 $0x2;
	s10 =	simm.s32 $0x200;
	_ =	swait.ge [sflag:s23], $0x2000  }
0x11b: {  	s3 =	simm.s32 $0x4;
	s11 =	sadd.s32 $0x7, s22;
	[sflag:s23] =	ssyncset.done $0x0  }
0x11c: {  	s12 =	sadd.s32 $0x9D00, s24;
	s22 =	sand.u32 $0xFF, s3;
	[sflag:s23] =	ssyncadd.s32 $0xFFFFE000  }
.LBB2_5:
0x11d: {  	s22 =	smul.u32 $0xAB, s22  }
0x11e: {  	s18 =	sadd.s32 $0x80, s18;
	s23 =	smov.u32 s14;
	s14 =	sadd.s32 $0x1, s14  }
0x11f: {  	[spmem:s2] =	stream.indirect.scatter.add.f32 [tilespmem:s12], [sflag:s11], $0x40, s15, s21, $0xb8;
	[tilespmem:$0x1FD00] =	vst v63  }
0x120: {  	s11 =	smul.u32 $0xAB, s9;
	s12 =	sshrl.u32 s22, $0xA  }
0x121: {  	p1 =	seq.s32 s14, $0x9D;
	s12 =	smul.u32 $0x6, s12  }
0x122: {  	p2 =	sgt.u32 s9, $0x99;
	s15 =	smov.u32 s18;
	s11 =	sshrl.u32 s11, $0xA  }
0x123: {  	p3 =	slt.u32 @!p2 s9, $0x3;
	s11 =	sand.u32 $0x3F, s11;
	s3 =	ssub.s32 s3, s12  }
0x124: {  	p3 =	por p3, p2;
	s11 =	smul.u32 $0x6, s11;
	s3 =	sand.u32 $0xFF, s3  }
0x125: {  	s12 =	sadd.s32 @!p3 $0x7, s3  }
0x126: {  	s22 =	sshll.u32 @!p2 s3, $0xD;
	s3 =	sadd.s32 @!p2 $0x1, s3;
	s11 =	ssub.s32 s9, s11  }
0x127: {  	s9 =	smov.u32 s23;
	_ =	swait.ge @!p3 [sflag:s12], $0x2000;
	s11 =	sand.u32 $0xFF, s11  }
0x128: {  	s23 =	simm.s32 @!p2 $0x80;
	[sflag:s12] =	ssyncset.done @!p3 $0x0;
	s24 =	sadd.s32 $0x1, s11  }
.Ltmp7:
0x129: {  	[sflag:s12] =	ssyncadd.s32 @!p3 $0xFFFFE000;
	s12 =	sadd.s32 @!p2 $0x9D00, s22;
	(pc) =	sbr.rel @!p1 .LBB2_5-.Ltmp7, $4  }
0x12a: {  	[tilespmem:s12], [sflag:s3] =	stream.indirect.gather @!p2 [hbm4b:s5+s23], $0x40, s10, s23, $0xb8;
	[tilespmem:$0x1FD00] =	vst v63  }
0x12b: {  	s12 =	sshll.u32 s11, $0xD;
	s10 =	sadd.s32 $0x80, s10;
	_ =	swait.ge [sflag:s24], $0x2000  }
0x12c: {  	s3 =	sadd.s32 $0x3, s9;
	s11 =	sadd.s32 $0x7, s11;
	[sflag:s24] =	ssyncset.done $0x0  }
0x12d: {  	s22 =	sand.u32 $0xFF, s3;
	s12 =	sadd.s32 $0x9D00, s12;
	[sflag:s24] =	ssyncadd.s32 $0xFFFFE000  }
0x12e: {  	s14 =	smul.u32 $0xAB, s22  }
0x12f: {  	[spmem:s2] =	stream.indirect.scatter.add.f32 [tilespmem:s12], [sflag:s11], $0x40, s15, s21, $0xb8;
	[tilespmem:$0x1FD00] =	vst v63  }
0x130: {  	s24 =	smul.u32 $0xAB, s9;
	s14 =	sshrl.u32 s14, $0xA  }
0x131: {  	s12 =	smul.u32 $0x6, s14  }
0x132: {  	p1 =	sgt.u32 s9, $0x99;
	s11 =	sshrl.u32 s24, $0xA  }
0x133: {  	p2 =	slt.u32 @!p1 s9, $0x3;
	s11 =	sand.u32 $0x3F, s11;
	s3 =	ssub.s32 s3, s12  }
0x134: {  	p2 =	por p2, p1;
	s11 =	smul.u32 $0x6, s11;
	s3 =	sand.u32 $0xFF, s3  }
0x135: {  	s12 =	sadd.s32 @!p2 $0x7, s3  }
0x136: {  	s15 =	ssub.s32 s9, s11;
	s11 =	simm.s32 @!p1 $0x80;
	_ =	swait.ge @!p2 [sflag:s12], $0x2000  }
0x137: {  	s14 =	sshll.u32 @!p1 s3, $0xD;
	s3 =	sadd.s32 @!p1 $0x1, s3;
	[sflag:s12] =	ssyncset.done @!p2 $0x0  }
0x138: {  	s9 =	sand.u32 $0xFF, s15;
	[sflag:s12] =	ssyncadd.s32 @!p2 $0xFFFFE000;
	s12 =	sadd.s32 @!p1 $0x9D00, s14  }
0x139: {  	[tilespmem:s12], [sflag:s3] =	stream.indirect.gather @!p1 [hbm4b:s5+s11], $0x40, s10, s11, $0xb8;
	[tilespmem:$0x1FD00] =	vst v63  }
.Ltmp8:
0x13a: {  	s22 =	sadd.s32 $0x1, s9;
	(pc) =	sbr.rel .LBB2_12-.Ltmp8, $4  }
0x13b: {  	s23 =	sadd.s32 $0x80, s18;
	_ =	swait.ge [sflag:s22], $0x2000  }
0x13c: {  	s24 =	sshll.u32 s9, $0xD;
	s9 =	sadd.s32 $0x7, s9;
	[sflag:s22] =	ssyncset.done $0x0  }
0x13d: {  	s10 =	sadd.s32 $0x9D00, s24;
	s3 =	rddreg [dreg:$0x4];
	[sflag:s22] =	ssyncadd.s32 $0xFFFFE000  }
0x13e: {  	[spmem:s2] =	stream.indirect.scatter.add.f32 [tilespmem:s10], [sflag:s9], $0x40, s23, s21, $0xb8;
	[tilespmem:$0x1FD00] =	vst v63  }
.LBB2_13:
0x13f: {  	_ =	sfence.sel $0x180000  }
0x140: {  	[bflag:$0x0] =	sbarrier.arrive $0xFFFF  }
0x141: {  	_ =	strace $0x9000004D  }
0x142: {  	s0 =	stileid.u32;
	[bflag:$0x2] =	sbarrier.arrive $0xFFFF  }
0x143: {  	p0 =	sne.s32 s0, $0x0;
	s0 =	rddreg [dreg:$0x3]  }
0x144: {  	s0 =	sadd.s32 @!p0 $0x100000, s0  }
0x145: {  	[sflag:s0] =	ssyncadd.tile.s32 @!p0 $0x1;
	_ =	shalt  }
.Lfunc_end2:
_tile_overlayer_lowered:
.L_overlay_start_2:
0x146: {  	(tag) =	ssettag $0x2  }
0x147: {  	s0 =	rddreg [dreg:$0x0];
	s2 =	stileid.u32  }
0x148: {  	s1 =	rddreg [dreg:$0x1];
	p0 =	sne.s32 s2, $0x0  }
0x149: {  	s3 =	rddreg [dreg:$0x2];
	[bflag:$0x3] =	sbarrier.arrive $0xFFFF;
	s2 =	simm.s32 @!p0 $0x1C0D  }
0x14a: {  	[timem:s3], [sflag:s2] =	dma.local @!p0 [hbm:s0], s1  }
0x14b: {  	s0 =	simm.s32 @!p0 $0xD  }
0x14c: {  	_ =	swait.ge @!p0 [sflag:s0], s1  }
0x14d: {  	s1 =	ssub.s32 @!p0 $0x0, s1;
	[sflag:s0] =	ssyncset.done @!p0 $0x0  }
0x14e: {  	[sflag:s0] =	ssyncadd.s32 @!p0 s1  }
0x14f: {  	[bflag:$0x3] =	sbarrier.arrive $0xFFFF  }
0x150: {  	_ =	shalt  }

// kernel: kernel.19.cloned.1.call-start
scs
__scs_entry_jumppad:
0x0: {  	(pc) =	sbr.rel $0x88, $3  }
0x1: {  	(tag) =	ssettag $0x0;
	lr =	simm.s32 $0x1  }
0x2: {  	[smem:$0x3F91] =	sst lr;
	_ =	strace $0xD0000000  }
0x3: {  	_ = 	snop  }
0x4: {  	_ = 	snop  }
0x5: {  	_ = 	snop  }
0x6: {  	_ = 	snop  }
0x7: {  	_ = 	snop  }
__scs_overlays_trampoline_lowered:
0x8: {  	[smem:$0x3FA0] =	sst s0  }
0x9: {  	[smem:$0x3FA1] =	sst s1  }
0xa: {  	[smem:$0x3FA2] =	sst s2  }
0xb: {  	[smem:$0x3FA3] =	sst s3  }
0xc: {  	[smem:$0x3FA4] =	sst s4  }
0xd: {  	[smem:$0x3FA5] =	sst s5  }
0xe: {  	[smem:$0x3FA6] =	sst s6  }
0xf: {  	[smem:$0x3FA7] =	sst s7  }
0x10: {  	[smem:$0x3FA8] =	sst s8  }
0x11: {  	[smem:$0x3FA9] =	sst s9;
	s0 =	simm.s32 @!p0 $0x0  }
0x12: {  	s1 =	sld [smem:$0x3F8F];
	s0 =	simm.s32 @p0 $0x1  }
0x13: {  	[smem:$0x3FAA] =	sst s0;
	s0 =	simm.s32 @!p1 $0x0  }
0x14: {  	s2 =	sld [smem:$0x3F8E];
	s0 =	simm.s32 @p1 $0x1  }
0x15: {  	[smem:$0x3FAB] =	sst s0;
	s0 =	simm.s32 @!p2 $0x0  }
0x16: {  	s3 =	sld [smem:$0x3FDB];
	s0 =	simm.s32 @p2 $0x1  }
0x17: {  	s4 =	simm.s32 $0x1BF5;
	[smem:$0x3FAD] =	sst s0  }
0x18: {  	s0 =	sld [smem:$0x3F90];
	_ =	swait.ge [sflag:s4], $0x0  }
0x19: {  	s7 =	sld [smem:$0x3F91]  }
0x1a: {  	s8 =	sadd.s32 $0xFFFFE003, lr  }
0x1b: {  	s9 =	sadd.s32 $0xFFFFFEF7, lr;
	s5 =	simm.s32 $0xFFFFFFFF;
	p2 =	slt.u32 s8, $0xFFFFF086  }
0x1c: {  	p1 =	slt.u32 s9, $0xF7A;
	s5 =	simm.s32 @!p2 $0x0  }
0x1d: {  	s5 =	simm.s32 @p1 $0x1;
	p0 =	seq.s32 s7, s2  }
0x1e: {  	s7 =	smul.u32 @!p0 $0xF7A, s2;
	p2 =	seq.s32 @!p0 s5, $0x0  }
0x1f: {  	s9 =	smul.u32 $0xF7A, s1;
	s8 =	simm.s32 @!p0 $0x1BF5;
	p2 =	por !p2, p0  }
0x20: {  	[sflag:s8] =	ssyncset.s32 @!p0 $0xFFFFF086;
	s6 =	sadd.s32 @!p0 s3, s7;
	s7 =	simm.s32 @!p0 $0x108  }
0x21: {  	s3 =	sadd.s32 s3, s9;
	s6 =	sadd.s32 @!p0 $0x88, s6;
	s7 =	simm.s32 @p2 $0x1082  }
0x22: {  	[simem:s7], [sflag:s8] =	dma.local @!p0 [hbm:s6], $0xF7A  }
0x23: {  	s9 =	sor.u32 $0xD0000000, s2;
	s6 =	simm.s32 $0x108;
	_ =	swait.ge @!p0 [sflag:s8], $0x0  }
0x24: {  	s3 =	sadd.s32 $0x88, s3;
	s6 =	simm.s32 @!p1 $0x1082;
	[sflag:s4] =	ssyncset.s32 $0xFFFFF086  }
0x25: {  	[simem:s6], [sflag:s4] =	dma.local [hbm:s3], $0xF7A  }
0x26: {  	[smem:$0x3F91] =	sst s1;
	(tag) =	ssettag s2;
	_ =	strace s9  }
0x27: {  	s1 =	sld [smem:$0x3FA1]  }
0x28: {  	s2 =	sld [smem:$0x3FA2]  }
0x29: {  	s4 =	sld [smem:$0x3FA4]  }
0x2a: {  	p0 =	seq.s32 s5, $0x0;
	s5 =	sld [smem:$0x3FA5]  }
0x2b: {  	s6 =	sld [smem:$0x3FA6]  }
0x2c: {  	s7 =	sld [smem:$0x3FA7]  }
0x2d: {  	s3 =	simm.s32 $0x108;
	s8 =	sld [smem:$0x3FA8]  }
0x2e: {  	s3 =	simm.s32 @!p0 $0x1082;
	s9 =	sld [smem:$0x3FA9]  }
0x2f: {  	lr =	sadd.s32 s0, s3;
	s0 =	sld [smem:$0x3FA0]  }
0x30: {  	s3 =	sld [smem:$0x3FA3]  }
0x31: {  	[smem:$0x3FAC] =	sst s10  }
0x32: {  	s10 =	sld [smem:$0x3FAA];
	_ =	sdelay $0x3  }
0x33: {  	p0 =	seq.s32 s10, $0x1;
	s10 =	sld [smem:$0x3FAC];
	_ =	sdelay $0x3  }
0x34: {  	[smem:$0x3FAC] =	sst s10  }
0x35: {  	s10 =	sld [smem:$0x3FAB];
	_ =	sdelay $0x3  }
0x36: {  	p1 =	seq.s32 s10, $0x1;
	s10 =	sld [smem:$0x3FAC];
	_ =	sdelay $0x3  }
0x37: {  	[smem:$0x3FAC] =	sst s10  }
0x38: {  	s10 =	sld [smem:$0x3FAD]  }
0x39: {  	_ = 	snop;
	(pc) =	sbr.ind lr, $3  }
0x3a: {  	_ = 	snop  }
0x3b: {  	_ = 	snop  }
0x3c: {  	p2 =	seq.s32 s10, $0x1;
	s10 =	sld [smem:$0x3FAC]  }
0x3d: {  	_ =	shalt  }
0x3e: {  	_ =	shalt  }
0x3f: {  	_ =	shalt  }
0x40: {  	_ =	shalt  }
0x41: {  	_ =	shalt  }
0x42: {  	_ =	shalt  }
0x43: {  	_ =	shalt  }
0x44: {  	_ =	shalt  }
0x45: {  	_ =	shalt  }
0x46: {  	_ =	shalt  }
0x47: {  	_ =	shalt  }
0x48: {  	_ =	shalt  }
0x49: {  	_ =	shalt  }
0x4a: {  	_ =	shalt  }
0x4b: {  	_ =	shalt  }
0x4c: {  	_ =	shalt  }
0x4d: {  	_ =	shalt  }
0x4e: {  	_ =	shalt  }
0x4f: {  	_ =	shalt  }
0x50: {  	_ =	shalt  }
0x51: {  	_ =	shalt  }
0x52: {  	_ =	shalt  }
0x53: {  	_ =	shalt  }
0x54: {  	_ =	shalt  }
0x55: {  	_ =	shalt  }
0x56: {  	_ =	shalt  }
0x57: {  	_ =	shalt  }
0x58: {  	_ =	shalt  }
0x59: {  	_ =	shalt  }
0x5a: {  	_ =	shalt  }
0x5b: {  	_ =	shalt  }
0x5c: {  	_ =	shalt  }
0x5d: {  	_ =	shalt  }
0x5e: {  	_ =	shalt  }
0x5f: {  	_ =	shalt  }
0x60: {  	_ =	shalt  }
0x61: {  	_ =	shalt  }
0x62: {  	_ =	shalt  }
0x63: {  	_ =	shalt  }
0x64: {  	_ =	shalt  }
0x65: {  	_ =	shalt  }
0x66: {  	_ =	shalt  }
0x67: {  	_ =	shalt  }
0x68: {  	_ =	shalt  }
0x69: {  	_ =	shalt  }
0x6a: {  	_ =	shalt  }
0x6b: {  	_ =	shalt  }
0x6c: {  	_ =	shalt  }
0x6d: {  	_ =	shalt  }
0x6e: {  	_ =	shalt  }
0x6f: {  	_ =	shalt  }
0x70: {  	_ =	shalt  }
0x71: {  	_ =	shalt  }
0x72: {  	_ =	shalt  }
0x73: {  	_ =	shalt  }
0x74: {  	_ =	shalt  }
0x75: {  	_ =	shalt  }
0x76: {  	_ =	shalt  }
0x77: {  	_ =	shalt  }
0x78: {  	_ =	shalt  }
0x79: {  	_ =	shalt  }
0x7a: {  	_ =	shalt  }
0x7b: {  	_ =	shalt  }
0x7c: {  	_ =	shalt  }
0x7d: {  	_ =	shalt  }
0x7e: {  	_ =	shalt  }
0x7f: {  	_ =	shalt  }
0x80: {  	_ =	shalt  }
0x81: {  	_ =	shalt  }
0x82: {  	_ =	shalt  }
0x83: {  	_ =	shalt  }
0x84: {  	_ =	shalt  }
0x85: {  	_ =	shalt  }
0x86: {  	_ =	shalt  }
0x87: {  	_ =	shalt  }
.Lfunc_end0:
.L_simem_size_0:
called_computation.3_lowered:
.L_overlay_start_0:
0x88: {  	s2 =	sld [smem:$0x3FD9]  }
0x89: {  	s3 =	sld [smem:$0x3FFE];
	_ =	sdelay $0x1  }
0x8a: {  	s1 =	srdreg.scid  }
0x8b: {  	s0 =	sand.u32 $0x1, s1  }
0x8c: {  	s17 =	sshll.u32 s0, $0xA;
	s2 =	sadd.s32 s3, s2  }
0x8d: {  	s2 =	sadd.s32 s2, s17  }
0x8e: {  	[smem:$0x3FB8] =	sst s2  }
0x8f: {  	_ = 	snop  }
0x90: {  	s2 =	sld [smem:$0x3FD0];
	(tm) =	ssettm $0x1  }
0x91: {  	s18 =	sld [smem:$0x3FFB];
	_ =	sdelay $0x3  }
0x92: {  	_ =	strace s18  }
0x93: {  	s3 =	sld [smem:$0x3FFC];
	_ =	sdelay $0x3  }
0x94: {  	_ =	strace s3  }
0x95: {  	s3 =	sld [smem:$0x3FFD];
	_ =	sdelay $0x3  }
0x96: {  	_ =	strace s3  }
0x97: {  	_ =	strace $0x8FFFFFFF  }
0x98: {  	s19 =	sld [smem:$0x3FDB];
	_ =	sdelay $0x1  }
0x99: {  	s4 =	simm.s32 $_scs_section_size  }
0x9a: {  	s5 =	simm.s32 $_size__tile_overlayer_lowered;
	s6 =	simm.s32 $_tile_overlayer_lowered  }
0x9b: {  	s22 =	simm.s32 $0x1BFF;
	s21 =	sshll.u32 s6, $0x1;
	s3 =	sadd.s32 s4, s19  }
0x9c: {  	s7 =	simm.s32 $0x0;
	s20 =	sshll.u32 s5, $0x1;
	s5 =	sadd.s32 s21, s3  }
0x9d: {  	[timem:s7], [sflag:s22] =	dma.local [hbm:s5], s20  }
0x9e: {  	_ =	swait.ge [sflag:s22], s20  }
0x9f: {  	s4 =	ssub.s32 $0x0, s20;
	[sflag:s22] =	ssyncset.done $0x0  }
0xa0: {  	[sflag:s22] =	ssyncadd.s32 s4;
	_ =	sdelay $0x1  }
0xa1: {  	s23 =	simm.s32 $0x1B8B  }
0xa2: {  	_ =	swait.ge [sflag:s23], $0x1  }
0xa3: {  	[sflag:s23] =	ssyncset.done $0x0  }
0xa4: {  	s25 =	simm.s32 $0x1B8E;
	s24 =	sld [smem:$0x3FFE];
	[sflag:s23] =	ssyncadd.s32 $0xFFFFFFFF  }
0xa5: {  	s26 =	simm.s32 $execute0_lowered;
	[smem:$0x3FD2] =	sst s25  }
0xa6: {  	s5 =	sshll.u32 s26, $0x1;
	_ =	strace $0x8000004F;
	[dreg:$0x1] =	wrdreg $0xFFFFFFFF  }
0xa7: {  	s28 =	simm.s32 $_size_execute0_lowered;
	s3 =	sadd.s32 s3, s5;
	[dreg:$0x0] =	wrdreg $0x0  }
0xa8: {  	s5 =	sshll.u32 s28, $0x1;
	[dreg:$0x2] =	wrdreg s3  }
0xa9: {  	[dreg:$0x3] =	wrdreg s5  }
0xaa: {  	[dreg:$0x4] =	wrdreg $0xC0  }
0xab: {  	_ =	task [dreg:s7], $0x5FFFF  }
0xac: {  	[dreg:$0x1] =	wrdreg $0xFFFFFFFF  }
0xad: {  	[dreg:$0x0] =	wrdreg $0x60  }
0xae: {  	[dreg:$0x2] =	wrdreg s24  }
0xaf: {  	[dreg:$0x3] =	wrdreg s2  }
0xb0: {  	[dreg:$0x4] =	wrdreg $0xFD000  }
0xb1: {  	[dreg:$0x5] =	wrdreg $0x9  }
0xb2: {  	_ =	task.clear_ibuf [dreg:s7], $0x6FFFF;
	_ =	strace $0x9000004F  }
0xb3: {  	s29 =	simm.s32 $0x9;
	_ =	strace $0x80000051  }
0xb4: {  	_ =	swait.ge [sflag:s29], $0x1  }
0xb5: {  	[sflag:s29] =	ssyncadd.s32 $0xFFFFFFFF  }
0xb6: {  	_ =	strace $0x90000051  }
0xb7: {  	_ =	sfence  }
0xb8: {  	s30 =	sld [smem:$0x0];
	_ =	sdelay $0x2  }
0xb9: {  	s31 =	sshll.u32 s1, $0xD;
	s1 =	sshrl.u32 s1, $0x2  }
0xba: {  	s3 =	sand.u32 $0x4000, s31;
	s1 =	sadd.s32 s1, s30  }
0xbb: {  	s0 =	sor.u32 s3, s0;
	s1 =	sshll.u32 s1, $0x11  }
0xbc: {  	s0 =	sor.u32 s1, s0  }
0xbd: {  	s0 =	sadd.s32 $0x8F2B, s0  }
0xbe: {  	[sflag:s0] =	ssyncadd.remote.s32 $0x1  }
0xbf: {  	_ =	sfence.sel $0xFFFF  }
0xc0: {  	[dreg:$0x0] =	wrdreg $0xFFFFFFFF;
	(pc) =	sbr.abs _section_cstart, $3  }
0xc1: {  	[dreg:$0x1] =	wrdreg $0xFFFFFFFF  }
0xc2: {  	_ =	task.clear_ibuf [dreg:s7], $0x2FFFF;
	_ =	strace $0x9FFFFFFF  }
0xc3: {  	(tm) =	ssettm $0x7FFFFFFF  }
tec
execute0_lowered:
.L_overlay_start_1:
0x0: {  	(tag) =	ssettag $0x1  }
0x1: {  	s0 =	rddreg [dreg:$0x0]  }
0x2: {  	s1 =	rddreg [dreg:$0x1]  }
0x3: {  	s2 =	rddreg [dreg:$0x2]  }
0x4: {  	s14 =	stileid.u32;
	s4 =	simm.s32 $0x0;
	s7 =	srdreg.scid  }
0x5: {  	s17 =	simm.s32 $0xD;
	s28 =	simm.s32 $0x9;
	s29 =	simm.s32 $0xA  }
0x6: {  	s30 =	simm.s32 $0xB;
	s31 =	simm.s32 $0xC;
	s3 =	smul.u32 $0x9D0, s14  }
0x7: {  	[smem:$0x7FF] =	sst s4;
	s4 =	sadd.s32 $0x101000, s0;
	s9 =	smul.u32 $0x5000, s14  }
0x8: {  	s5 =	sadd.s32 $0xF7000, s0;
	s6 =	sadd.s32 $0xED000, s0;
	s10 =	sand.u32 $0x1, s7  }
0x9: {  	s7 =	sadd.s32 $0xE3000, s0;
	s12 =	sadd.s32 $0x11F000, s0;
	s26 =	sshll.u32 s14, $0x6  }
0xa: {  	_ =	strace $0x80000050;
	s11 =	ssub.s32 $0x2, s10;
	[dreg:$0x4] =	wrdreg s12  }
0xb: {  	p0 =	seq.s32 s10, $0x1;
	s19 =	sor.u32 $0x1C0D, s26;
	s26 =	simm.s32 $0x8  }
0xc: {  	s3 =	sadd.s32 s3, s0;
	s8 =	sshrl.u32 s9, $0x3;
	s13 =	sshrl.u32 s11, $0x1  }
0xd: {  	s23 =	sadd.s32 s9, s2;
	s20 =	sadd.s32 s8, s0;
	s0 =	sadd.s32 $0x10B000, s0  }
0xe: {  	s21 =	ssub.s32 s11, s13;
	s22 =	sadd.s32 $0x11200, s3;
	[dreg:$0x5] =	wrdreg s0  }
.Ltmp0:
0xf: {  	s3 =	sadd.s32 $0x7400, s3;
	[dreg:$0x6] =	wrdreg s22;
	(pc) =	sbr.rel .LBB2_1-.Ltmp0, $4  }
0x10: {  	s13 =	sadd.s32 s1, s8;
	s1 =	simm.s32 $0x0;
	[dreg:$0x7] =	wrdreg s3  }
0x11: {  	s24 =	sadd.s32 $0x129000, s20;
	s25 =	sadd.s32 $0x115000, s20;
	s16 =	smax.u32 s21, $0x1  }
0x12: {  	s20 =	sshrl.u32 s23, $0x3;
	s21 =	simm.s32 $0x80;
	[dreg:$0x8] =	wrdreg s24  }
0x13: {  	s0 =	simm.s32 $0x7;
	[dreg:$0x9] =	wrdreg s25;
	s25 =	simm.s32 $0xBD00  }
.LBB2_11:
0x14: {  	s14 =	smul.u32 $0xAB, s22  }
0x15: {  	[spmem:s2] =	stream.indirect.scatter.add.f32 [tilespmem:s12], [sflag:s11], $0x20, s15, s21, $0xb8;
	[tilespmem:$0x14D00] =	vst v63  }
0x16: {  	s24 =	smul.u32 $0xAB, s9  }
0x17: {  	s14 =	sshrl.u32 s14, $0xA  }
0x18: {  	s11 =	sshrl.u32 s24, $0xA;
	s12 =	smul.u32 $0x6, s14  }
0x19: {  	p1 =	sgt.u32 s9, $0x99;
	s11 =	sand.u32 $0x3F, s11  }
0x1a: {  	p2 =	slt.u32 @!p1 s9, $0x3;
	s11 =	smul.u32 $0x6, s11;
	s3 =	ssub.s32 s3, s12  }
0x1b: {  	p2 =	por p2, p1;
	s3 =	sand.u32 $0xFF, s3  }
0x1c: {  	s15 =	ssub.s32 s9, s11;
	s12 =	sadd.s32 @!p2 $0x7, s3  }
0x1d: {  	s11 =	simm.s32 @!p1 $0x80;
	s14 =	sshll.u32 @!p1 s3, $0xC;
	_ =	swait.ge @!p2 [sflag:s12], $0x1000  }
0x1e: {  	s3 =	sadd.s32 @!p1 $0x1, s3;
	s9 =	sand.u32 $0xFF, s15;
	[sflag:s12] =	ssyncset.done @!p2 $0x0  }
0x1f: {  	s22 =	sadd.s32 $0x1, s9;
	[sflag:s12] =	ssyncadd.s32 @!p2 $0xFFFFF000;
	s12 =	sadd.s32 @!p1 $0x9D00, s14  }
0x20: {  	[tilespmem:s12], [sflag:s3] =	stream.indirect.gather @!p1 [hbm4b:s7+s11], $0x20, s10, s11, $0xb8;
	[tilespmem:$0x14D00] =	vst v63  }
0x21: {  	s23 =	sadd.s32 $0x80, s18;
	_ =	swait.ge [sflag:s22], $0x1000  }
0x22: {  	s24 =	sshll.u32 s9, $0xC;
	s9 =	sadd.s32 $0x7, s9;
	[sflag:s22] =	ssyncset.done $0x0  }
0x23: {  	s10 =	sadd.s32 $0x9D00, s24;
	s3 =	rddreg [dreg:$0x5];
	[sflag:s22] =	ssyncadd.s32 $0xFFFFF000  }
0x24: {  	[spmem:s2] =	stream.indirect.scatter.add.f32 [tilespmem:s10], [sflag:s9], $0x20, s23, s21, $0xb8;
	[tilespmem:$0x14D00] =	vst v63  }
.LBB2_12:
0x25: {  	_ =	swait.ge [sflag:s26], $0x1000  }
0x26: {  	[sflag:s26] =	ssyncset.done $0x0  }
0x27: {  	[sflag:s26] =	ssyncadd.s32 $0xFFFFF000  }
0x28: {  	_ =	swait.ge [sflag:s28], $0x1000  }
0x29: {  	[sflag:s28] =	ssyncset.done $0x0  }
0x2a: {  	[sflag:s28] =	ssyncadd.s32 $0xFFFFF000  }
0x2b: {  	_ =	swait.ge [sflag:s29], $0x1000  }
0x2c: {  	[sflag:s29] =	ssyncset.done $0x0  }
0x2d: {  	[sflag:s29] =	ssyncadd.s32 $0xFFFFF000  }
0x2e: {  	_ =	swait.ge [sflag:s30], $0x1000  }
0x2f: {  	[sflag:s30] =	ssyncset.done $0x0  }
0x30: {  	[sflag:s30] =	ssyncadd.s32 $0xFFFFF000  }
0x31: {  	_ =	swait.ge [sflag:s31], $0x1000  }
0x32: {  	[sflag:s31] =	ssyncset.done $0x0  }
0x33: {  	[sflag:s31] =	ssyncadd.s32 $0xFFFFF000  }
0x34: {  	_ =	swait.ge [sflag:s0], $0x1000  }
0x35: {  	[sflag:s0] =	ssyncset.done $0x0  }
0x36: {  	s1 =	sadd.s32 $0x1, s1;
	[sflag:s0] =	ssyncadd.s32 $0xFFFFF000  }
0x37: {  	s3 =	sadd.s32 s3, s8;
	p1 =	sne.s32 s1, s16;
	[bflag:$0x0] =	sbarrier.arrive $0xFFFF  }
0x38: {  	[hbm:s3], [sflag:s19] =	dma.local [spmem:s20], $0xA00  }
.Ltmp1:
0x39: {  	_ =	swait.ge [sflag:s17], $0xA00;
	(pc) =	sbr.rel @!p1 .LBB2_13-.Ltmp1, $3  }
0x3a: {  	[sflag:s17] =	ssyncset.done $0x0  }
0x3b: {  	[sflag:s17] =	ssyncadd.s32 $0xFFFFF600  }
0x3c: {  	[bflag:$0x0] =	sbarrier.arrive $0xFFFF;
	_ =	sdelay $0x1  }
.LBB2_1:
0x3d: {  	s3 =	simm.s32 $0x0;
	s9 =	rddreg [dreg:$0x6]  }
0x3e: {  	[tilespmem:s3], [sflag:$0xD] =	stream.linear.gather [hbm4b:s9+s3], $0x4E80, $0x38;
	[tilespmem:$0x14D00] =	vst v63  }
0x3f: {  	_ =	swait.ge [sflag:s17], $0x4E80  }
0x40: {  	[sflag:s17] =	ssyncset.done $0x0  }
0x41: {  	s10 =	simm.s32 $0x4E80;
	s24 =	rddreg [dreg:$0x7];
	[sflag:s17] =	ssyncadd.s32 $0xFFFFB180  }
0x42: {  	[tilespmem:s10], [sflag:$0xD] =	stream.linear.gather [hbm4b:s24+s3], $0x4E80, $0x38;
	[tilespmem:$0x14D00] =	vst v63  }
0x43: {  	_ =	swait.ge [sflag:s17], $0x4E80  }
0x44: {  	[sflag:s17] =	ssyncset.done $0x0  }
0x45: {  	[sflag:s17] =	ssyncadd.s32 $0xFFFFB180  }
0x46: {  	[spmem:s20], [sflag:s19] =	dma.local [hbm:s13], $0xA00  }
.Ltmp2:
0x47: {  	_ =	swait.ge [sflag:s17], $0xA00;
	(pc) =	sbr.rel @!p0 .LBB2_2-.Ltmp2, $4  }
0x48: {  	[sflag:s17] =	ssyncset.done $0x0  }
0x49: {  	[sflag:s17] =	ssyncadd.s32 $0xFFFFF600  }
0x4a: {  	[bflag:$0x0] =	sbarrier.arrive $0xFFFF  }
0x4b: {  	s9 =	simm.s32 $0x9D00;
	s3 =	simm.s32 $0x0  }
0x4c: {  	[tilespmem:s9], [sflag:$0x1] =	stream.indirect.gather [hbm4b:s6+s21], $0x20, s3, s21, $0xb8;
	[tilespmem:$0x14D00] =	vst v63  }
0x4d: {  	s22 =	simm.s32 $0x3  }
0x4e: {  	s18 =	simm.s32 $0xAD00;
	s23 =	smul.u32 $0xAB, s3;
	s9 =	sand.u32 $0xFF, s22  }
0x4f: {  	[tilespmem:s18], [sflag:$0x2] =	stream.indirect.gather [hbm4b:s6+s21], $0x20, s21, s21, $0xb8;
	[tilespmem:$0x14D00] =	vst v63  }
0x50: {  	s9 =	smul.u32 $0xAB, s9;
	s3 =	sshrl.u32 s23, $0xA  }
0x51: {  	s10 =	simm.s32 $0x100;
	s3 =	sand.u32 $0x3F, s3  }
0x52: {  	p1 =	por $0x0, $0x0;
	s9 =	sshrl.u32 s9, $0xA;
	s3 =	smul.u32 $0x6, s3  }
0x53: {  	s11 =	simm.s32 $0x180;
	p2 =	por @!p1 $0x1, $0x1;
	s9 =	smul.u32 $0x6, s9  }
0x54: {  	[tilespmem:s25], [sflag:$0x3] =	stream.indirect.gather [hbm4b:s6+s21], $0x20, s10, s21, $0xb8;
	[tilespmem:$0x14D00] =	vst v63  }
0x55: {  	s18 =	simm.s32 $0x4E80;
	s3 =	ssub.s32 $0x0, s3;
	s9 =	ssub.s32 $0x3, s9  }
0x56: {  	p2 =	por p2, p1;
	s15 =	sand.u32 $0xFF, s3;
	s10 =	sand.u32 $0xFF, s9  }
0x57: {  	s3 =	simm.s32 @!p1 $0x80;
	s9 =	simm.s32 $0x1;
	s12 =	sadd.s32 @!p2 $0x7, s10  }
0x58: {  	s23 =	sadd.s32 $0x1, s15;
	s24 =	sshll.u32 s15, $0xC;
	_ =	swait.ge @!p2 [sflag:s12], $0x1000  }
0x59: {  	s14 =	sshll.u32 @!p1 s10, $0xC;
	s10 =	sadd.s32 @!p1 $0x1, s10;
	[sflag:s12] =	ssyncset.done @!p2 $0x0  }
0x5a: {  	[sflag:s12] =	ssyncadd.s32 @!p2 $0xFFFFF000;
	s12 =	sadd.s32 @!p1 $0x9D00, s14;
	s14 =	simm.s32 $0x2  }
0x5b: {  	[tilespmem:s12], [sflag:s10] =	stream.indirect.gather @!p1 [hbm4b:s6+s3], $0x20, s11, s3, $0xb8;
	[tilespmem:$0x14D00] =	vst v63  }
0x5c: {  	s10 =	simm.s32 $0x200;
	s3 =	simm.s32 $0x4;
	_ =	swait.ge [sflag:s23], $0x1000  }
0x5d: {  	s11 =	sadd.s32 $0x7, s15;
	s12 =	sadd.s32 $0x9D00, s24;
	[sflag:s23] =	ssyncset.done $0x0  }
0x5e: {  	s15 =	simm.s32 $0x4E80;
	s22 =	sand.u32 $0xFF, s3;
	[sflag:s23] =	ssyncadd.s32 $0xFFFFF000  }
.LBB2_8:
0x5f: {  	s22 =	smul.u32 $0xAB, s22  }
0x60: {  	s18 =	sadd.s32 $0x80, s18;
	s23 =	smov.u32 s14;
	s14 =	sadd.s32 $0x1, s14  }
0x61: {  	[spmem:s2] =	stream.indirect.scatter.add.f32 [tilespmem:s12], [sflag:s11], $0x20, s15, s21, $0xb8;
	[tilespmem:$0x14D00] =	vst v63  }
0x62: {  	s11 =	smul.u32 $0xAB, s9;
	s12 =	sshrl.u32 s22, $0xA  }
0x63: {  	p1 =	sne.s32 s14, $0x9D;
	s12 =	smul.u32 $0x6, s12  }
0x64: {  	p2 =	sgt.u32 s9, $0x99;
	s15 =	smov.u32 s18;
	s11 =	sshrl.u32 s11, $0xA  }
0x65: {  	p3 =	slt.u32 @!p2 s9, $0x3;
	s11 =	sand.u32 $0x3F, s11;
	s3 =	ssub.s32 s3, s12  }
0x66: {  	p3 =	por p3, p2;
	s11 =	smul.u32 $0x6, s11;
	s3 =	sand.u32 $0xFF, s3  }
0x67: {  	s12 =	sadd.s32 @!p3 $0x7, s3  }
0x68: {  	s22 =	sshll.u32 @!p2 s3, $0xC;
	s3 =	sadd.s32 @!p2 $0x1, s3;
	s11 =	ssub.s32 s9, s11  }
0x69: {  	s9 =	smov.u32 s23;
	_ =	swait.ge @!p3 [sflag:s12], $0x1000;
	s11 =	sand.u32 $0xFF, s11  }
0x6a: {  	s23 =	simm.s32 @!p2 $0x80;
	[sflag:s12] =	ssyncset.done @!p3 $0x0;
	s24 =	sadd.s32 $0x1, s11  }
.Ltmp3:
0x6b: {  	[sflag:s12] =	ssyncadd.s32 @!p3 $0xFFFFF000;
	s12 =	sadd.s32 @!p2 $0x9D00, s22;
	(pc) =	sbr.rel @p1 .LBB2_8-.Ltmp3, $4  }
0x6c: {  	[tilespmem:s12], [sflag:s3] =	stream.indirect.gather @!p2 [hbm4b:s6+s23], $0x20, s10, s23, $0xb8;
	[tilespmem:$0x14D00] =	vst v63  }
0x6d: {  	s12 =	sshll.u32 s11, $0xC;
	s10 =	sadd.s32 $0x80, s10;
	_ =	swait.ge [sflag:s24], $0x1000  }
0x6e: {  	s3 =	sadd.s32 $0x3, s9;
	s11 =	sadd.s32 $0x7, s11;
	[sflag:s24] =	ssyncset.done $0x0  }
0x6f: {  	s22 =	sand.u32 $0xFF, s3;
	s12 =	sadd.s32 $0x9D00, s12;
	[sflag:s24] =	ssyncadd.s32 $0xFFFFF000  }
0x70: {  	s14 =	smul.u32 $0xAB, s22  }
0x71: {  	[spmem:s2] =	stream.indirect.scatter.add.f32 [tilespmem:s12], [sflag:s11], $0x20, s15, s21, $0xb8;
	[tilespmem:$0x14D00] =	vst v63  }
0x72: {  	s24 =	smul.u32 $0xAB, s9  }
0x73: {  	s14 =	sshrl.u32 s14, $0xA  }
0x74: {  	s11 =	sshrl.u32 s24, $0xA;
	s12 =	smul.u32 $0x6, s14  }
0x75: {  	p1 =	sgt.u32 s9, $0x99;
	s11 =	sand.u32 $0x3F, s11  }
0x76: {  	p2 =	slt.u32 @!p1 s9, $0x3;
	s11 =	smul.u32 $0x6, s11;
	s3 =	ssub.s32 s3, s12  }
0x77: {  	p2 =	por p2, p1;
	s3 =	sand.u32 $0xFF, s3  }
0x78: {  	s15 =	ssub.s32 s9, s11;
	s12 =	sadd.s32 @!p2 $0x7, s3  }
0x79: {  	s11 =	simm.s32 @!p1 $0x80;
	s14 =	sshll.u32 @!p1 s3, $0xC;
	_ =	swait.ge @!p2 [sflag:s12], $0x1000  }
0x7a: {  	s3 =	sadd.s32 @!p1 $0x1, s3;
	s9 =	sand.u32 $0xFF, s15;
	[sflag:s12] =	ssyncset.done @!p2 $0x0  }
0x7b: {  	s22 =	sadd.s32 $0x1, s9;
	[sflag:s12] =	ssyncadd.s32 @!p2 $0xFFFFF000;
	s12 =	sadd.s32 @!p1 $0x9D00, s14  }
0x7c: {  	[tilespmem:s12], [sflag:s3] =	stream.indirect.gather @!p1 [hbm4b:s6+s11], $0x20, s10, s11, $0xb8;
	[tilespmem:$0x14D00] =	vst v63  }
0x7d: {  	_ =	swait.ge [sflag:s22], $0x1000  }
0x7e: {  	s23 =	sadd.s32 $0x80, s18;
	s24 =	sshll.u32 s9, $0xC;
	[sflag:s22] =	ssyncset.done $0x0  }
0x7f: {  	s9 =	sadd.s32 $0x7, s9;
	s10 =	sadd.s32 $0x9D00, s24;
	[sflag:s22] =	ssyncadd.s32 $0xFFFFF000  }
0x80: {  	[spmem:s2] =	stream.indirect.scatter.add.f32 [tilespmem:s10], [sflag:s9], $0x20, s23, s21, $0xb8;
	[tilespmem:$0x14D00] =	vst v63  }
0x81: {  	_ =	swait.ge [sflag:s26], $0x1000  }
0x82: {  	[sflag:s26] =	ssyncset.done $0x0  }
0x83: {  	[sflag:s26] =	ssyncadd.s32 $0xFFFFF000  }
0x84: {  	_ =	swait.ge [sflag:s28], $0x1000  }
0x85: {  	[sflag:s28] =	ssyncset.done $0x0  }
0x86: {  	[sflag:s28] =	ssyncadd.s32 $0xFFFFF000  }
0x87: {  	_ =	swait.ge [sflag:s29], $0x1000  }
0x88: {  	[sflag:s29] =	ssyncset.done $0x0  }
0x89: {  	[sflag:s29] =	ssyncadd.s32 $0xFFFFF000  }
0x8a: {  	_ =	swait.ge [sflag:s30], $0x1000  }
0x8b: {  	[sflag:s30] =	ssyncset.done $0x0  }
0x8c: {  	[sflag:s30] =	ssyncadd.s32 $0xFFFFF000  }
0x8d: {  	_ =	swait.ge [sflag:s31], $0x1000  }
0x8e: {  	[sflag:s31] =	ssyncset.done $0x0  }
0x8f: {  	[sflag:s31] =	ssyncadd.s32 $0xFFFFF000  }
0x90: {  	_ =	swait.ge [sflag:s0], $0x1000  }
0x91: {  	[sflag:s0] =	ssyncset.done $0x0  }
0x92: {  	[sflag:s0] =	ssyncadd.s32 $0xFFFFF000  }
0x93: {  	s18 =	simm.s32 $0x100;
	[bflag:$0x0] =	sbarrier.arrive $0xFFFF  }
0x94: {  	s15 =	simm.s32 $0x3;
	s11 =	simm.s32 $0x0;
	s10 =	rddreg [dreg:$0x9]  }
0x95: {  	[hbm:s10], [sflag:s19] =	dma.local [spmem:s20], $0xA00  }
0x96: {  	s14 =	simm.s32 $0xAD00;
	s3 =	smul.u32 $0xAB, s11;
	_ =	swait.ge [sflag:s17], $0xA00  }
0x97: {  	s12 =	simm.s32 $0x9D00;
	p1 =	por $0x0, $0x0;
	[sflag:s17] =	ssyncset.done $0x0  }
0x98: {  	s3 =	sshrl.u32 s3, $0xA;
	s9 =	sand.u32 $0xFF, s15;
	[sflag:s17] =	ssyncadd.s32 $0xFFFFF600  }
0x99: {  	s3 =	sand.u32 $0x3F, s3;
	s9 =	smul.u32 $0xAB, s9;
	[bflag:$0x0] =	sbarrier.arrive $0xFFFF  }
0x9a: {  	[spmem:s20], [sflag:s19] =	dma.local [hbm:s13], $0xA00  }
0x9b: {  	s3 =	smul.u32 $0x6, s3;
	s9 =	sshrl.u32 s9, $0xA;
	_ =	swait.ge [sflag:s17], $0xA00  }
0x9c: {  	p2 =	por @!p1 $0x1, $0x1;
	s9 =	smul.u32 $0x6, s9;
	[sflag:s17] =	ssyncset.done $0x0  }
0x9d: {  	p2 =	por p2, p1;
	s15 =	simm.s32 $0x4E80;
	[sflag:s17] =	ssyncadd.s32 $0xFFFFF600  }
0x9e: {  	s3 =	ssub.s32 $0x0, s3;
	s9 =	ssub.s32 $0x3, s9;
	[bflag:$0x0] =	sbarrier.arrive $0xFFFF  }
0x9f: {  	[tilespmem:s12], [sflag:$0x1] =	stream.indirect.gather [hbm4b:s7+s21], $0x20, s11, s21, $0xb8;
	[tilespmem:$0x14D00] =	vst v63  }
0xa0: {  	s22 =	sand.u32 $0xFF, s3;
	s3 =	simm.s32 @!p1 $0x80;
	s10 =	sand.u32 $0xFF, s9  }
0xa1: {  	[tilespmem:s14], [sflag:$0x2] =	stream.indirect.gather [hbm4b:s7+s21], $0x20, s21, s21, $0xb8;
	[tilespmem:$0x14D00] =	vst v63  }
0xa2: {  	s23 =	sadd.s32 $0x1, s22;
	s24 =	sshll.u32 s22, $0xC;
	s12 =	sadd.s32 @!p2 $0x7, s10  }
0xa3: {  	[tilespmem:s25], [sflag:$0x3] =	stream.indirect.gather [hbm4b:s7+s21], $0x20, s18, s21, $0xb8;
	[tilespmem:$0x14D00] =	vst v63  }
0xa4: {  	s9 =	simm.s32 $0x1;
	s11 =	simm.s32 $0x180;
	_ =	swait.ge @!p2 [sflag:s12], $0x1000  }
0xa5: {  	s14 =	sshll.u32 @!p1 s10, $0xC;
	s10 =	sadd.s32 @!p1 $0x1, s10;
	[sflag:s12] =	ssyncset.done @!p2 $0x0  }
0xa6: {  	s18 =	simm.s32 $0x4E80;
	[sflag:s12] =	ssyncadd.s32 @!p2 $0xFFFFF000;
	s12 =	sadd.s32 @!p1 $0x9D00, s14  }
0xa7: {  	[tilespmem:s12], [sflag:s10] =	stream.indirect.gather @!p1 [hbm4b:s7+s3], $0x20, s11, s3, $0xb8;
	[tilespmem:$0x14D00] =	vst v63  }
0xa8: {  	s14 =	simm.s32 $0x2;
	s10 =	simm.s32 $0x200;
	_ =	swait.ge [sflag:s23], $0x1000  }
0xa9: {  	s3 =	simm.s32 $0x4;
	s11 =	sadd.s32 $0x7, s22;
	[sflag:s23] =	ssyncset.done $0x0  }
0xaa: {  	s12 =	sadd.s32 $0x9D00, s24;
	s22 =	sand.u32 $0xFF, s3;
	[sflag:s23] =	ssyncadd.s32 $0xFFFFF000  }
.LBB2_10:
0xab: {  	s22 =	smul.u32 $0xAB, s22  }
0xac: {  	s18 =	sadd.s32 $0x80, s18;
	s23 =	smov.u32 s14;
	s14 =	sadd.s32 $0x1, s14  }
0xad: {  	[spmem:s2] =	stream.indirect.scatter.add.f32 [tilespmem:s12], [sflag:s11], $0x20, s15, s21, $0xb8;
	[tilespmem:$0x14D00] =	vst v63  }
0xae: {  	s11 =	smul.u32 $0xAB, s9;
	s12 =	sshrl.u32 s22, $0xA  }
0xaf: {  	p1 =	sne.s32 s14, $0x9D;
	s12 =	smul.u32 $0x6, s12  }
0xb0: {  	p2 =	sgt.u32 s9, $0x99;
	s15 =	smov.u32 s18;
	s11 =	sshrl.u32 s11, $0xA  }
0xb1: {  	p3 =	slt.u32 @!p2 s9, $0x3;
	s11 =	sand.u32 $0x3F, s11;
	s3 =	ssub.s32 s3, s12  }
0xb2: {  	p3 =	por p3, p2;
	s11 =	smul.u32 $0x6, s11;
	s3 =	sand.u32 $0xFF, s3  }
0xb3: {  	s12 =	sadd.s32 @!p3 $0x7, s3  }
0xb4: {  	s22 =	sshll.u32 @!p2 s3, $0xC;
	s3 =	sadd.s32 @!p2 $0x1, s3;
	s11 =	ssub.s32 s9, s11  }
0xb5: {  	s9 =	smov.u32 s23;
	_ =	swait.ge @!p3 [sflag:s12], $0x1000;
	s11 =	sand.u32 $0xFF, s11  }
0xb6: {  	s23 =	simm.s32 @!p2 $0x80;
	[sflag:s12] =	ssyncset.done @!p3 $0x0;
	s24 =	sadd.s32 $0x1, s11  }
.Ltmp4:
0xb7: {  	[sflag:s12] =	ssyncadd.s32 @!p3 $0xFFFFF000;
	s12 =	sadd.s32 @!p2 $0x9D00, s22;
	(pc) =	sbr.rel @p1 .LBB2_10-.Ltmp4, $4  }
0xb8: {  	[tilespmem:s12], [sflag:s3] =	stream.indirect.gather @!p2 [hbm4b:s7+s23], $0x20, s10, s23, $0xb8;
	[tilespmem:$0x14D00] =	vst v63  }
0xb9: {  	s12 =	sshll.u32 s11, $0xC;
	s10 =	sadd.s32 $0x80, s10;
	_ =	swait.ge [sflag:s24], $0x1000  }
0xba: {  	s3 =	sadd.s32 $0x3, s9;
	s11 =	sadd.s32 $0x7, s11;
	[sflag:s24] =	ssyncset.done $0x0  }
0xbb: {  	s22 =	sand.u32 $0xFF, s3;
	s12 =	sadd.s32 $0x9D00, s12;
	[sflag:s24] =	ssyncadd.s32 $0xFFFFF000  }
.Ltmp5:
0xbc: {  	_ = 	snop;
	(pc) =	sbr.rel .LBB2_11-.Ltmp5, $1  }
0xbd: {  	_ =	sdelay $0x3  }
.LBB2_2:
0xbe: {  	[tilespmem:s9], [sflag:$0x1] =	stream.indirect.gather [hbm4b:s4+s21], $0x20, s3, s21, $0xb8;
	[tilespmem:$0x14D00] =	vst v63  }
0xbf: {  	s22 =	simm.s32 $0x3  }
0xc0: {  	s18 =	simm.s32 $0xAD00;
	s23 =	smul.u32 $0xAB, s3;
	s9 =	sand.u32 $0xFF, s22  }
0xc1: {  	[tilespmem:s18], [sflag:$0x2] =	stream.indirect.gather [hbm4b:s4+s21], $0x20, s21, s21, $0xb8;
	[tilespmem:$0x14D00] =	vst v63  }
0xc2: {  	s9 =	smul.u32 $0xAB, s9;
	s3 =	sshrl.u32 s23, $0xA  }
0xc3: {  	s10 =	simm.s32 $0x100;
	s3 =	sand.u32 $0x3F, s3  }
0xc4: {  	p1 =	por $0x0, $0x0;
	s9 =	sshrl.u32 s9, $0xA;
	s3 =	smul.u32 $0x6, s3  }
0xc5: {  	s11 =	simm.s32 $0x180;
	p2 =	por @!p1 $0x1, $0x1;
	s9 =	smul.u32 $0x6, s9  }
0xc6: {  	[tilespmem:s25], [sflag:$0x3] =	stream.indirect.gather [hbm4b:s4+s21], $0x20, s10, s21, $0xb8;
	[tilespmem:$0x14D00] =	vst v63  }
0xc7: {  	s18 =	simm.s32 $0x4E80;
	s3 =	ssub.s32 $0x0, s3;
	s9 =	ssub.s32 $0x3, s9  }
0xc8: {  	p2 =	por p2, p1;
	s15 =	sand.u32 $0xFF, s3;
	s10 =	sand.u32 $0xFF, s9  }
0xc9: {  	s3 =	simm.s32 @!p1 $0x80;
	s9 =	simm.s32 $0x1;
	s12 =	sadd.s32 @!p2 $0x7, s10  }
0xca: {  	s23 =	sadd.s32 $0x1, s15;
	s24 =	sshll.u32 s15, $0xC;
	_ =	swait.ge @!p2 [sflag:s12], $0x1000  }
0xcb: {  	s14 =	sshll.u32 @!p1 s10, $0xC;
	s10 =	sadd.s32 @!p1 $0x1, s10;
	[sflag:s12] =	ssyncset.done @!p2 $0x0  }
0xcc: {  	[sflag:s12] =	ssyncadd.s32 @!p2 $0xFFFFF000;
	s12 =	sadd.s32 @!p1 $0x9D00, s14;
	s14 =	simm.s32 $0x2  }
0xcd: {  	[tilespmem:s12], [sflag:s10] =	stream.indirect.gather @!p1 [hbm4b:s4+s3], $0x20, s11, s3, $0xb8;
	[tilespmem:$0x14D00] =	vst v63  }
0xce: {  	s10 =	simm.s32 $0x200;
	s3 =	simm.s32 $0x4;
	_ =	swait.ge [sflag:s23], $0x1000  }
0xcf: {  	s11 =	sadd.s32 $0x7, s15;
	s12 =	sadd.s32 $0x9D00, s24;
	[sflag:s23] =	ssyncset.done $0x0  }
0xd0: {  	s15 =	simm.s32 $0x4E80;
	s22 =	sand.u32 $0xFF, s3;
	[sflag:s23] =	ssyncadd.s32 $0xFFFFF000  }
.LBB2_3:
0xd1: {  	s22 =	smul.u32 $0xAB, s22  }
0xd2: {  	s18 =	sadd.s32 $0x80, s18;
	s23 =	smov.u32 s14;
	s14 =	sadd.s32 $0x1, s14  }
0xd3: {  	[spmem:s2] =	stream.indirect.scatter.add.f32 [tilespmem:s12], [sflag:s11], $0x20, s15, s21, $0xb8;
	[tilespmem:$0x14D00] =	vst v63  }
0xd4: {  	s11 =	smul.u32 $0xAB, s9;
	s12 =	sshrl.u32 s22, $0xA  }
0xd5: {  	p1 =	sne.s32 s14, $0x9D;
	s12 =	smul.u32 $0x6, s12  }
0xd6: {  	p2 =	sgt.u32 s9, $0x99;
	s15 =	smov.u32 s18;
	s11 =	sshrl.u32 s11, $0xA  }
0xd7: {  	p3 =	slt.u32 @!p2 s9, $0x3;
	s11 =	sand.u32 $0x3F, s11;
	s3 =	ssub.s32 s3, s12  }
0xd8: {  	p3 =	por p3, p2;
	s11 =	smul.u32 $0x6, s11;
	s3 =	sand.u32 $0xFF, s3  }
0xd9: {  	s12 =	sadd.s32 @!p3 $0x7, s3  }
0xda: {  	s22 =	sshll.u32 @!p2 s3, $0xC;
	s3 =	sadd.s32 @!p2 $0x1, s3;
	s11 =	ssub.s32 s9, s11  }
0xdb: {  	s9 =	smov.u32 s23;
	_ =	swait.ge @!p3 [sflag:s12], $0x1000;
	s11 =	sand.u32 $0xFF, s11  }
0xdc: {  	s23 =	simm.s32 @!p2 $0x80;
	[sflag:s12] =	ssyncset.done @!p3 $0x0;
	s24 =	sadd.s32 $0x1, s11  }
.Ltmp6:
0xdd: {  	[sflag:s12] =	ssyncadd.s32 @!p3 $0xFFFFF000;
	s12 =	sadd.s32 @!p2 $0x9D00, s22;
	(pc) =	sbr.rel @p1 .LBB2_3-.Ltmp6, $4  }
0xde: {  	[tilespmem:s12], [sflag:s3] =	stream.indirect.gather @!p2 [hbm4b:s4+s23], $0x20, s10, s23, $0xb8;
	[tilespmem:$0x14D00] =	vst v63  }
0xdf: {  	s12 =	sshll.u32 s11, $0xC;
	s10 =	sadd.s32 $0x80, s10;
	_ =	swait.ge [sflag:s24], $0x1000  }
0xe0: {  	s3 =	sadd.s32 $0x3, s9;
	s11 =	sadd.s32 $0x7, s11;
	[sflag:s24] =	ssyncset.done $0x0  }
0xe1: {  	s22 =	sand.u32 $0xFF, s3;
	s12 =	sadd.s32 $0x9D00, s12;
	[sflag:s24] =	ssyncadd.s32 $0xFFFFF000  }
0xe2: {  	s14 =	smul.u32 $0xAB, s22  }
0xe3: {  	[spmem:s2] =	stream.indirect.scatter.add.f32 [tilespmem:s12], [sflag:s11], $0x20, s15, s21, $0xb8;
	[tilespmem:$0x14D00] =	vst v63  }
0xe4: {  	s24 =	smul.u32 $0xAB, s9  }
0xe5: {  	s14 =	sshrl.u32 s14, $0xA  }
0xe6: {  	s11 =	sshrl.u32 s24, $0xA;
	s12 =	smul.u32 $0x6, s14  }
0xe7: {  	p1 =	sgt.u32 s9, $0x99;
	s11 =	sand.u32 $0x3F, s11  }
0xe8: {  	p2 =	slt.u32 @!p1 s9, $0x3;
	s11 =	smul.u32 $0x6, s11;
	s3 =	ssub.s32 s3, s12  }
0xe9: {  	p2 =	por p2, p1;
	s3 =	sand.u32 $0xFF, s3  }
0xea: {  	s15 =	ssub.s32 s9, s11;
	s12 =	sadd.s32 @!p2 $0x7, s3  }
0xeb: {  	s11 =	simm.s32 @!p1 $0x80;
	s14 =	sshll.u32 @!p1 s3, $0xC;
	_ =	swait.ge @!p2 [sflag:s12], $0x1000  }
0xec: {  	s3 =	sadd.s32 @!p1 $0x1, s3;
	s9 =	sand.u32 $0xFF, s15;
	[sflag:s12] =	ssyncset.done @!p2 $0x0  }
0xed: {  	s22 =	sadd.s32 $0x1, s9;
	[sflag:s12] =	ssyncadd.s32 @!p2 $0xFFFFF000;
	s12 =	sadd.s32 @!p1 $0x9D00, s14  }
0xee: {  	[tilespmem:s12], [sflag:s3] =	stream.indirect.gather @!p1 [hbm4b:s4+s11], $0x20, s10, s11, $0xb8;
	[tilespmem:$0x14D00] =	vst v63  }
0xef: {  	_ =	swait.ge [sflag:s22], $0x1000  }
0xf0: {  	s23 =	sadd.s32 $0x80, s18;
	s24 =	sshll.u32 s9, $0xC;
	[sflag:s22] =	ssyncset.done $0x0  }
0xf1: {  	s9 =	sadd.s32 $0x7, s9;
	s10 =	sadd.s32 $0x9D00, s24;
	[sflag:s22] =	ssyncadd.s32 $0xFFFFF000  }
0xf2: {  	[spmem:s2] =	stream.indirect.scatter.add.f32 [tilespmem:s10], [sflag:s9], $0x20, s23, s21, $0xb8;
	[tilespmem:$0x14D00] =	vst v63  }
0xf3: {  	_ =	swait.ge [sflag:s26], $0x1000  }
0xf4: {  	[sflag:s26] =	ssyncset.done $0x0  }
0xf5: {  	[sflag:s26] =	ssyncadd.s32 $0xFFFFF000  }
0xf6: {  	_ =	swait.ge [sflag:s28], $0x1000  }
0xf7: {  	[sflag:s28] =	ssyncset.done $0x0  }
0xf8: {  	[sflag:s28] =	ssyncadd.s32 $0xFFFFF000  }
0xf9: {  	_ =	swait.ge [sflag:s29], $0x1000  }
0xfa: {  	[sflag:s29] =	ssyncset.done $0x0  }
0xfb: {  	[sflag:s29] =	ssyncadd.s32 $0xFFFFF000  }
0xfc: {  	_ =	swait.ge [sflag:s30], $0x1000  }
0xfd: {  	[sflag:s30] =	ssyncset.done $0x0  }
0xfe: {  	[sflag:s30] =	ssyncadd.s32 $0xFFFFF000  }
0xff: {  	_ =	swait.ge [sflag:s31], $0x1000  }
0x100: {  	[sflag:s31] =	ssyncset.done $0x0  }
0x101: {  	[sflag:s31] =	ssyncadd.s32 $0xFFFFF000  }
0x102: {  	_ =	swait.ge [sflag:s0], $0x1000  }
0x103: {  	[sflag:s0] =	ssyncset.done $0x0  }
0x104: {  	[sflag:s0] =	ssyncadd.s32 $0xFFFFF000  }
0x105: {  	s18 =	simm.s32 $0x100;
	[bflag:$0x0] =	sbarrier.arrive $0xFFFF  }
0x106: {  	s15 =	simm.s32 $0x3;
	s11 =	simm.s32 $0x0;
	s10 =	rddreg [dreg:$0x8]  }
0x107: {  	[hbm:s10], [sflag:s19] =	dma.local [spmem:s20], $0xA00  }
0x108: {  	s14 =	simm.s32 $0xAD00;
	s3 =	smul.u32 $0xAB, s11;
	_ =	swait.ge [sflag:s17], $0xA00  }
0x109: {  	s12 =	simm.s32 $0x9D00;
	p1 =	por $0x0, $0x0;
	[sflag:s17] =	ssyncset.done $0x0  }
0x10a: {  	s3 =	sshrl.u32 s3, $0xA;
	s9 =	sand.u32 $0xFF, s15;
	[sflag:s17] =	ssyncadd.s32 $0xFFFFF600  }
0x10b: {  	s3 =	sand.u32 $0x3F, s3;
	s9 =	smul.u32 $0xAB, s9;
	[bflag:$0x0] =	sbarrier.arrive $0xFFFF  }
0x10c: {  	[spmem:s20], [sflag:s19] =	dma.local [hbm:s13], $0xA00  }
0x10d: {  	s3 =	smul.u32 $0x6, s3;
	s9 =	sshrl.u32 s9, $0xA;
	_ =	swait.ge [sflag:s17], $0xA00  }
0x10e: {  	p2 =	por @!p1 $0x1, $0x1;
	s9 =	smul.u32 $0x6, s9;
	[sflag:s17] =	ssyncset.done $0x0  }
0x10f: {  	p2 =	por p2, p1;
	s15 =	simm.s32 $0x4E80;
	[sflag:s17] =	ssyncadd.s32 $0xFFFFF600  }
0x110: {  	s3 =	ssub.s32 $0x0, s3;
	s9 =	ssub.s32 $0x3, s9;
	[bflag:$0x0] =	sbarrier.arrive $0xFFFF  }
0x111: {  	[tilespmem:s12], [sflag:$0x1] =	stream.indirect.gather [hbm4b:s5+s21], $0x20, s11, s21, $0xb8;
	[tilespmem:$0x14D00] =	vst v63  }
0x112: {  	s22 =	sand.u32 $0xFF, s3;
	s3 =	simm.s32 @!p1 $0x80;
	s10 =	sand.u32 $0xFF, s9  }
0x113: {  	[tilespmem:s14], [sflag:$0x2] =	stream.indirect.gather [hbm4b:s5+s21], $0x20, s21, s21, $0xb8;
	[tilespmem:$0x14D00] =	vst v63  }
0x114: {  	s23 =	sadd.s32 $0x1, s22;
	s24 =	sshll.u32 s22, $0xC;
	s12 =	sadd.s32 @!p2 $0x7, s10  }
0x115: {  	[tilespmem:s25], [sflag:$0x3] =	stream.indirect.gather [hbm4b:s5+s21], $0x20, s18, s21, $0xb8;
	[tilespmem:$0x14D00] =	vst v63  }
0x116: {  	s9 =	simm.s32 $0x1;
	s11 =	simm.s32 $0x180;
	_ =	swait.ge @!p2 [sflag:s12], $0x1000  }
0x117: {  	s14 =	sshll.u32 @!p1 s10, $0xC;
	s10 =	sadd.s32 @!p1 $0x1, s10;
	[sflag:s12] =	ssyncset.done @!p2 $0x0  }
0x118: {  	s18 =	simm.s32 $0x4E80;
	[sflag:s12] =	ssyncadd.s32 @!p2 $0xFFFFF000;
	s12 =	sadd.s32 @!p1 $0x9D00, s14  }
0x119: {  	[tilespmem:s12], [sflag:s10] =	stream.indirect.gather @!p1 [hbm4b:s5+s3], $0x20, s11, s3, $0xb8;
	[tilespmem:$0x14D00] =	vst v63  }
0x11a: {  	s14 =	simm.s32 $0x2;
	s10 =	simm.s32 $0x200;
	_ =	swait.ge [sflag:s23], $0x1000  }
0x11b: {  	s3 =	simm.s32 $0x4;
	s11 =	sadd.s32 $0x7, s22;
	[sflag:s23] =	ssyncset.done $0x0  }
0x11c: {  	s12 =	sadd.s32 $0x9D00, s24;
	s22 =	sand.u32 $0xFF, s3;
	[sflag:s23] =	ssyncadd.s32 $0xFFFFF000  }
.LBB2_5:
0x11d: {  	s22 =	smul.u32 $0xAB, s22  }
0x11e: {  	s18 =	sadd.s32 $0x80, s18;
	s23 =	smov.u32 s14;
	s14 =	sadd.s32 $0x1, s14  }
0x11f: {  	[spmem:s2] =	stream.indirect.scatter.add.f32 [tilespmem:s12], [sflag:s11], $0x20, s15, s21, $0xb8;
	[tilespmem:$0x14D00] =	vst v63  }
0x120: {  	s11 =	smul.u32 $0xAB, s9;
	s12 =	sshrl.u32 s22, $0xA  }
0x121: {  	p1 =	seq.s32 s14, $0x9D;
	s12 =	smul.u32 $0x6, s12  }
0x122: {  	p2 =	sgt.u32 s9, $0x99;
	s15 =	smov.u32 s18;
	s11 =	sshrl.u32 s11, $0xA  }
0x123: {  	p3 =	slt.u32 @!p2 s9, $0x3;
	s11 =	sand.u32 $0x3F, s11;
	s3 =	ssub.s32 s3, s12  }
0x124: {  	p3 =	por p3, p2;
	s11 =	smul.u32 $0x6, s11;
	s3 =	sand.u32 $0xFF, s3  }
0x125: {  	s12 =	sadd.s32 @!p3 $0x7, s3  }
0x126: {  	s22 =	sshll.u32 @!p2 s3, $0xC;
	s3 =	sadd.s32 @!p2 $0x1, s3;
	s11 =	ssub.s32 s9, s11  }
0x127: {  	s9 =	smov.u32 s23;
	_ =	swait.ge @!p3 [sflag:s12], $0x1000;
	s11 =	sand.u32 $0xFF, s11  }
0x128: {  	s23 =	simm.s32 @!p2 $0x80;
	[sflag:s12] =	ssyncset.done @!p3 $0x0;
	s24 =	sadd.s32 $0x1, s11  }
.Ltmp7:
0x129: {  	[sflag:s12] =	ssyncadd.s32 @!p3 $0xFFFFF000;
	s12 =	sadd.s32 @!p2 $0x9D00, s22;
	(pc) =	sbr.rel @!p1 .LBB2_5-.Ltmp7, $4  }
0x12a: {  	[tilespmem:s12], [sflag:s3] =	stream.indirect.gather @!p2 [hbm4b:s5+s23], $0x20, s10, s23, $0xb8;
	[tilespmem:$0x14D00] =	vst v63  }
0x12b: {  	s12 =	sshll.u32 s11, $0xC;
	s10 =	sadd.s32 $0x80, s10;
	_ =	swait.ge [sflag:s24], $0x1000  }
0x12c: {  	s3 =	sadd.s32 $0x3, s9;
	s11 =	sadd.s32 $0x7, s11;
	[sflag:s24] =	ssyncset.done $0x0  }
0x12d: {  	s22 =	sand.u32 $0xFF, s3;
	s12 =	sadd.s32 $0x9D00, s12;
	[sflag:s24] =	ssyncadd.s32 $0xFFFFF000  }
0x12e: {  	s14 =	smul.u32 $0xAB, s22  }
0x12f: {  	[spmem:s2] =	stream.indirect.scatter.add.f32 [tilespmem:s12], [sflag:s11], $0x20, s15, s21, $0xb8;
	[tilespmem:$0x14D00] =	vst v63  }
0x130: {  	s24 =	smul.u32 $0xAB, s9;
	s14 =	sshrl.u32 s14, $0xA  }
0x131: {  	s12 =	smul.u32 $0x6, s14  }
0x132: {  	p1 =	sgt.u32 s9, $0x99;
	s11 =	sshrl.u32 s24, $0xA  }
0x133: {  	p2 =	slt.u32 @!p1 s9, $0x3;
	s11 =	sand.u32 $0x3F, s11;
	s3 =	ssub.s32 s3, s12  }
0x134: {  	p2 =	por p2, p1;
	s11 =	smul.u32 $0x6, s11;
	s3 =	sand.u32 $0xFF, s3  }
0x135: {  	s12 =	sadd.s32 @!p2 $0x7, s3  }
0x136: {  	s15 =	ssub.s32 s9, s11;
	s11 =	simm.s32 @!p1 $0x80;
	_ =	swait.ge @!p2 [sflag:s12], $0x1000  }
0x137: {  	s14 =	sshll.u32 @!p1 s3, $0xC;
	s3 =	sadd.s32 @!p1 $0x1, s3;
	[sflag:s12] =	ssyncset.done @!p2 $0x0  }
0x138: {  	s9 =	sand.u32 $0xFF, s15;
	[sflag:s12] =	ssyncadd.s32 @!p2 $0xFFFFF000;
	s12 =	sadd.s32 @!p1 $0x9D00, s14  }
0x139: {  	[tilespmem:s12], [sflag:s3] =	stream.indirect.gather @!p1 [hbm4b:s5+s11], $0x20, s10, s11, $0xb8;
	[tilespmem:$0x14D00] =	vst v63  }
.Ltmp8:
0x13a: {  	s22 =	sadd.s32 $0x1, s9;
	(pc) =	sbr.rel .LBB2_12-.Ltmp8, $4  }
0x13b: {  	s23 =	sadd.s32 $0x80, s18;
	_ =	swait.ge [sflag:s22], $0x1000  }
0x13c: {  	s24 =	sshll.u32 s9, $0xC;
	s9 =	sadd.s32 $0x7, s9;
	[sflag:s22] =	ssyncset.done $0x0  }
0x13d: {  	s10 =	sadd.s32 $0x9D00, s24;
	s3 =	rddreg [dreg:$0x4];
	[sflag:s22] =	ssyncadd.s32 $0xFFFFF000  }
0x13e: {  	[spmem:s2] =	stream.indirect.scatter.add.f32 [tilespmem:s10], [sflag:s9], $0x20, s23, s21, $0xb8;
	[tilespmem:$0x14D00] =	vst v63  }
.LBB2_13:
0x13f: {  	_ =	sfence.sel $0x180000  }
0x140: {  	[bflag:$0x0] =	sbarrier.arrive $0xFFFF  }
0x141: {  	_ =	strace $0x90000050  }
0x142: {  	s0 =	stileid.u32;
	[bflag:$0x2] =	sbarrier.arrive $0xFFFF  }
0x143: {  	p0 =	sne.s32 s0, $0x0;
	s0 =	rddreg [dreg:$0x3]  }
0x144: {  	s0 =	sadd.s32 @!p0 $0x100000, s0  }
0x145: {  	[sflag:s0] =	ssyncadd.tile.s32 @!p0 $0x1;
	_ =	shalt  }
.Lfunc_end2:
_tile_overlayer_lowered:
.L_overlay_start_2:
0x146: {  	(tag) =	ssettag $0x2  }
0x147: {  	s0 =	rddreg [dreg:$0x0];
	s2 =	stileid.u32  }
0x148: {  	s1 =	rddreg [dreg:$0x1];
	p0 =	sne.s32 s2, $0x0  }
0x149: {  	s3 =	rddreg [dreg:$0x2];
	[bflag:$0x3] =	sbarrier.arrive $0xFFFF;
	s2 =	simm.s32 @!p0 $0x1C0D  }
0x14a: {  	[timem:s3], [sflag:s2] =	dma.local @!p0 [hbm:s0], s1  }
0x14b: {  	s0 =	simm.s32 @!p0 $0xD  }
0x14c: {  	_ =	swait.ge @!p0 [sflag:s0], s1  }
0x14d: {  	s1 =	ssub.s32 @!p0 $0x0, s1;
	[sflag:s0] =	ssyncset.done @!p0 $0x0  }
0x14e: {  	[sflag:s0] =	ssyncadd.s32 @!p0 s1  }
0x14f: {  	[bflag:$0x3] =	sbarrier.arrive $0xFFFF  }
0x150: {  	_ =	shalt  }

</sc_bundles>
